<compile_context>
chip_gen: v7x
topology: tpu7x:2x2x1
jax: 0.10.2.dev20260603
libtpu: 0.0.44.dev20260713+nightly
codegen_flags: <defaults>
</compile_context>

<pallas_src>
import functools

import jax
import jax.numpy as jnp
from jax import lax
from jax.experimental import pallas as pl
from jax.experimental.pallas import tpu as pltpu
from jax.experimental.pallas import tpu_sc as plsc

N = 10000
E = 320000
D = 128
TEM = 0.7
DROP = 0.01

NS = 16
CH = 112
CPT = 180
EPT = CH * CPT
EPAD = EPT * NS
SENT = N
ACC_R = 10016
RPT = 632
ORPT = 624
OREM = N - ORPT * NS
DCH = 3
DLCAP = DCH * CH
NSL = 3

_mesh = plsc.VectorSubcoreMesh(core_axis_name="c", subcore_axis_name="s")


@functools.partial(
    pl.kernel,
    out_type=[jax.ShapeDtypeStruct((N, D), jnp.float32)] * 4,
    mesh=_mesh,
    compiler_params=pltpu.CompilerParams(needs_layout_passes=False),
    scratch_types=[
        [pltpu.VMEM((CH,), jnp.int32) for _ in range(NSL)],
        [pltpu.VMEM((CH,), jnp.int32) for _ in range(NSL)],
        [pltpu.VMEM((CH,), jnp.int32) for _ in range(NSL)],
        [pltpu.VMEM((CH, D), jnp.float32) for _ in range(NSL)],
        pltpu.VMEM((DLCAP + 16,), jnp.int32),
        pltpu.VMEM((DLCAP + 16,), jnp.int32),
        pltpu.VMEM((DCH, CH), jnp.int32),
        pltpu.VMEM_SHARED((ACC_R, D), jnp.float32),
        [pltpu.SemaphoreType.DMA for _ in range(NSL)],
        [pltpu.SemaphoreType.DMA for _ in range(NSL)],
        [pltpu.SemaphoreType.DMA for _ in range(NSL)],
        [pltpu.SemaphoreType.DMA for _ in range(NSL)],
    ],
)
def _sc_msgpass(feat_u, feat_i, s_ub, d_ub, s_bu, d_bu, drop_ub, drop_bu,
                hpos_ub, hpos_bu, dump_ub, dump_bu,
                sidx, didx, kbuf, stage, dls, dld, dld2, acc,
                ssem, dsem, ksem, gsem):
    c = lax.axis_index("c")
    s = lax.axis_index("s")

    def run(feat, src, dst, drop, hpos, dump):
        base = s * EPT

        def istart(j, b):
            pltpu.async_copy(src.at[pl.ds(base + j * CH, CH)], sidx[b],
                             ssem[b])
            pltpu.async_copy(dst.at[pl.ds(base + j * CH, CH)], didx[b],
                             dsem[b])
            pltpu.async_copy(drop.at[pl.ds(base + j * CH, CH)], kbuf[b],
                             ksem[b])

        def iwait(b):
            pltpu.make_async_copy(src.at[pl.ds(0, CH)], sidx[b],
                                  ssem[b]).wait()
            pltpu.make_async_copy(dst.at[pl.ds(0, CH)], didx[b],
                                  dsem[b]).wait()
            pltpu.make_async_copy(drop.at[pl.ds(0, CH)], kbuf[b],
                                  ksem[b]).wait()

        def gstart(b):
            pltpu.async_copy(feat.at[sidx[b]], stage[b], gsem[b])

        def gwait(b):
            pltpu.make_async_copy(feat.at[sidx[b]], stage[b], gsem[b]).wait()

        def zrow(i, _):
            for g in range(D // 16):
                stage[0][i, pl.ds(g * 16, 16)] = jnp.zeros((16,), jnp.float32)
            return 0
        lax.fori_loop(0, CH, zrow, 0)

        def zdl(i, _):
            dls[pl.ds(i * 16, 16)] = jnp.zeros((16,), jnp.int32)
            dld[pl.ds(i * 16, 16)] = jnp.full((16,), SENT, jnp.int32)
            return 0
        lax.fori_loop(0, (DLCAP + 16) // 16, zdl, 0)
        for t in range(4):
            pltpu.sync_copy(stage[0], acc.at[pl.ds(s * RPT + t * CH, CH)])

        @pl.when(s < NS - 1)
        def _():
            pltpu.sync_copy(stage[0], acc.at[pl.ds(s * RPT + 448, CH)])
            pltpu.sync_copy(stage[0].at[pl.ds(0, 72)],
                            acc.at[pl.ds(s * RPT + 560, 72)])

        @pl.when(s == NS - 1)
        def _():
            pltpu.sync_copy(stage[0].at[pl.ds(0, 88)],
                            acc.at[pl.ds(s * RPT + 448, 88)])
        plsc.subcore_barrier()

        for k in range(NSL):
            istart(k, k)
        iwait(0)
        gstart(0)
        iwait(1)
        gstart(1)

        def body(k, off):
            for b in range(NSL):
                j = k * NSL + b
                nb = (b + 2) % NSL

                @pl.when(j + 2 < CPT)
                def _():
                    iwait(nb)
                    gstart(nb)

                gwait(b)
                pltpu.sync_copy(stage[b], acc.at[didx[b]], add=True)

                for g in range(CH // 16):
                    d = kbuf[b][pl.ds(g * 16, 16)]
                    m = d > 0
                    plsc.store_compressed(dls.at[pl.ds(off, 16)],
                                          sidx[b][pl.ds(g * 16, 16)], mask=m)
                    plsc.store_compressed(dld.at[pl.ds(off, 16)],
                                          didx[b][pl.ds(g * 16, 16)], mask=m)
                    off = off + jnp.sum(d)

                @pl.when(j + NSL < CPT)
                def _():
                    istart(j + NSL, b)
            return off
        lax.fori_loop(0, CPT // NSL, body, jnp.int32(0))
        plsc.subcore_barrier()

        pltpu.sync_copy(acc.at[pl.ds(s * ORPT, ORPT)],
                        hpos.at[pl.ds(s * ORPT, ORPT)])

        @pl.when(s == NS - 1)
        def _():
            pltpu.sync_copy(acc.at[pl.ds(ORPT * NS, OREM)],
                            hpos.at[pl.ds(ORPT * NS, OREM)])
        plsc.subcore_barrier()

        def dcp(i, _):
            for ic in range(DCH):
                dld2[ic, pl.ds(i * 16, 16)] = dld[pl.ds(ic * CH + i * 16, 16)]
            return 0
        lax.fori_loop(0, CH // 16, dcp, 0)
        for ic in range(DCH):
            pltpu.async_copy(feat.at[dls.at[pl.ds(ic * CH, CH)]], stage[0],
                             gsem[0]).wait()
            pltpu.sync_copy(stage[0], acc.at[dld2.at[ic]], add=True)
        plsc.subcore_barrier()

        pltpu.sync_copy(acc.at[pl.ds(s * ORPT, ORPT)],
                        dump.at[pl.ds(s * ORPT, ORPT)])

        @pl.when(s == NS - 1)
        def _():
            pltpu.sync_copy(acc.at[pl.ds(ORPT * NS, OREM)],
                            dump.at[pl.ds(ORPT * NS, OREM)])

    @pl.when(c == 0)
    def _():
        run(feat_u, s_ub, d_ub, drop_ub, hpos_ub, dump_ub)

    @pl.when(c == 1)
    def _():
        run(feat_i, s_bu, d_bu, drop_bu, hpos_bu, dump_bu)


def _loss_body(aub, dub, abu, dbu, out):
    def one(a, dmp):
        b = 2.0 * a - dmp
        num = jnp.sum(a * b, axis=1)
        na = jnp.sqrt(jnp.sum(a * a, axis=1))
        nb = jnp.sqrt(jnp.sum(b * b, axis=1))
        cos = num / (jnp.maximum(na, 1e-8) * jnp.maximum(nb, 1e-8))
        return jnp.log(jnp.sum(jnp.exp(cos / TEM)))

    out[0, 0] = one(aub[...], dub[...]) + one(abu[...], dbu[...])


_tc_loss = pl.pallas_call(
    _loss_body,
    out_shape=jax.ShapeDtypeStruct((1, 1), jnp.float32),
    out_specs=pl.BlockSpec(memory_space=pltpu.SMEM),
)


def kernel(feat_items, feat_users, edges_ub_src, edges_ub_dst,
           edges_bu_src, edges_bu_dst):
    i32 = jnp.int32
    su = edges_ub_src.astype(i32)
    du = edges_ub_dst.astype(i32)
    sb = edges_bu_src.astype(i32)
    db = edges_bu_dst.astype(i32)

    pad = EPAD - E
    zpad = jnp.zeros((pad,), i32)
    spad = jnp.full((pad,), SENT, i32)
    su_p = jnp.concatenate([su, zpad])
    du_p = jnp.concatenate([du, spad])
    sb_p = jnp.concatenate([sb, zpad])
    db_p = jnp.concatenate([db, spad])

    drop_key = jax.random.key(42)
    k_ub, k_bu = jax.random.split(drop_key)
    keep_ub = jax.random.bernoulli(k_ub, p=1.0 - DROP, shape=(E,))
    keep_bu = jax.random.bernoulli(k_bu, p=1.0 - DROP, shape=(E,))
    dz = jnp.zeros((pad,), i32)
    drop_ub = jnp.concatenate([(~keep_ub).astype(i32), dz])
    drop_bu = jnp.concatenate([(~keep_bu).astype(i32), dz])

    hpos_ub, hpos_bu, dump_ub, dump_bu = _sc_msgpass(
        feat_users, feat_items, su_p, du_p, sb_p, db_p,
        drop_ub, drop_bu)

    loss = _tc_loss(hpos_ub, dump_ub, hpos_bu, dump_bu)[0, 0]
    return hpos_ub, hpos_bu, loss

# --- scband reference (transcript-rebuilt; emitter-appended) ---
"""Pipeline reference for scband-contrast-layer-38517266710707 (READ-ONLY COPY).

The authoritative reference and input builder live on the scoring server;
editing this copy changes nothing except your own understanding.
"""

import jax, jax.numpy as jnp
import numpy as np

N_USERS = 10000
N_ITEMS = 10000
E = 320000
D = 128
TEM = 0.7
EDGE_DROP_RATE = 0.01


def _cosine_similarity(a, b, eps=1e-8):
    num = jnp.sum(a * b, axis=1)
    na = jnp.sqrt(jnp.sum(a * a, axis=1))
    nb = jnp.sqrt(jnp.sum(b * b, axis=1))
    return num / (jnp.maximum(na, eps) * jnp.maximum(nb, eps))


def _bigraph_contrast(feat_src, src_idx, dst_idx, n_dst, key):
    # g.update_all(copy_u('ft','m'), sum('m','ft')) == gather + scatter-add (segment_sum)
    msgs = jnp.take(feat_src, src_idx, axis=0)
    h_pos = jax.ops.segment_sum(msgs, dst_idx, num_segments=n_dst)
    # fuse_graph with 'drop-edge': randomly drop edges with rate EDGE_DROP_RATE
    keep = jax.random.bernoulli(key, p=1.0 - EDGE_DROP_RATE, shape=src_idx.shape)
    h_neg = jax.ops.segment_sum(msgs * keep[:, None].astype(msgs.dtype), dst_idx, num_segments=n_dst)
    pos_loss = _cosine_similarity(h_pos, h_neg)
    loss = jnp.log(jnp.sum(jnp.exp(pos_loss / TEM)))
    return h_pos, loss


def setup_inputs(seed: int = 0):
    key = jax.random.key(seed)
    k1, k2, k3, k4, k5, k6 = jax.random.split(key, 6)
    return {
        "feat_items": jax.random.normal(k1, (N_ITEMS, D), dtype=jnp.float32),
        "feat_users": jax.random.normal(k2, (N_USERS, D), dtype=jnp.float32),
        "edges_ub_src": jax.random.randint(k3, (E,), 0, N_USERS),
        "edges_ub_dst": jax.random.randint(k4, (E,), 0, N_ITEMS),
        "edges_bu_src": jax.random.randint(k5, (E,), 0, N_ITEMS),
        "edges_bu_dst": jax.random.randint(k6, (E,), 0, N_USERS),
    }


def reference(feat_items, feat_users, edges_ub_src, edges_ub_dst, edges_bu_src, edges_bu_dst):
    # Heterograph with etypes ('user','ub','item') and reverse ('item','bu','user').
    # For etype 'ub' (user->item): feat_src = feats[('item','bu','user')] = feat_users (per-user reps);
    #   dst aggregation produces item representations.
    # For etype 'bu' (item->user): feat_src = feats[('user','ub','item')] = feat_items (per-item reps);
    #   dst aggregation produces user representations.
    # (feat_dst is set but unused by the original forward: dstdata['ft'] is overwritten by update_all.)
    drop_key = jax.random.key(42)
    k_ub, k_bu = jax.random.split(drop_key)
    h_ub, loss_ub = _bigraph_contrast(feat_users, edges_ub_src, edges_ub_dst, N_ITEMS, k_ub)
    h_bu, loss_bu = _bigraph_contrast(feat_items, edges_bu_src, edges_bu_dst, N_USERS, k_bu)
    total_loss = jnp.sum(jnp.stack([loss_ub, loss_bu]))
    return (h_ub, h_bu, total_loss)

if __name__ == "__main__":
    import jax
    _d = setup_inputs()
    print(jax.jit(kernel)(*tuple(_d.values())))

</pallas_src>

<mosaic_0001>
#map = affine_map<(d0, d1) -> (0, 0)>
#map1 = affine_map<(d0, d1) -> (0)>
module attributes {stable_mosaic.version = 14 : i64} {
  func.func @_sc_msgpass(%arg0: i32, %arg1: i32, %arg2: memref<10000x128xf32, #tpu.memory_space<hbm>>, %arg3: memref<10000x128xf32, #tpu.memory_space<hbm>>, %arg4: memref<322560xi32, #tpu.memory_space<hbm>>, %arg5: memref<322560xi32, #tpu.memory_space<hbm>>, %arg6: memref<322560xi32, #tpu.memory_space<hbm>>, %arg7: memref<322560xi32, #tpu.memory_space<hbm>>, %arg8: memref<322560xi32, #tpu.memory_space<hbm>>, %arg9: memref<322560xi32, #tpu.memory_space<hbm>>, %arg10: memref<10000x128xf32, #tpu.memory_space<hbm>>, %arg11: memref<10000x128xf32, #tpu.memory_space<hbm>>, %arg12: memref<10000x128xf32, #tpu.memory_space<hbm>>, %arg13: memref<10000x128xf32, #tpu.memory_space<hbm>>, %arg14: memref<112xi32, #tpu.memory_space<vmem>>, %arg15: memref<112xi32, #tpu.memory_space<vmem>>, %arg16: memref<112xi32, #tpu.memory_space<vmem>>, %arg17: memref<112xi32, #tpu.memory_space<vmem>>, %arg18: memref<112xi32, #tpu.memory_space<vmem>>, %arg19: memref<112xi32, #tpu.memory_space<vmem>>, %arg20: memref<112xi32, #tpu.memory_space<vmem>>, %arg21: memref<112xi32, #tpu.memory_space<vmem>>, %arg22: memref<112xi32, #tpu.memory_space<vmem>>, %arg23: memref<112x128xf32, #tpu.memory_space<vmem>>, %arg24: memref<112x128xf32, #tpu.memory_space<vmem>>, %arg25: memref<112x128xf32, #tpu.memory_space<vmem>>, %arg26: memref<352xi32, #tpu.memory_space<vmem>>, %arg27: memref<352xi32, #tpu.memory_space<vmem>>, %arg28: memref<3x112xi32, #tpu.memory_space<vmem>>, %arg29: memref<10016x128xf32, #tpu.memory_space<vmem_shared>>, %arg30: memref<!tpu.dma_semaphore, #tpu.memory_space<semaphore_mem>>, %arg31: memref<!tpu.dma_semaphore, #tpu.memory_space<semaphore_mem>>, %arg32: memref<!tpu.dma_semaphore, #tpu.memory_space<semaphore_mem>>, %arg33: memref<!tpu.dma_semaphore, #tpu.memory_space<semaphore_mem>>, %arg34: memref<!tpu.dma_semaphore, #tpu.memory_space<semaphore_mem>>, %arg35: memref<!tpu.dma_semaphore, #tpu.memory_space<semaphore_mem>>, %arg36: memref<!tpu.dma_semaphore, #tpu.memory_space<semaphore_mem>>, %arg37: memref<!tpu.dma_semaphore, #tpu.memory_space<semaphore_mem>>, %arg38: memref<!tpu.dma_semaphore, #tpu.memory_space<semaphore_mem>>, %arg39: memref<!tpu.dma_semaphore, #tpu.memory_space<semaphore_mem>>, %arg40: memref<!tpu.dma_semaphore, #tpu.memory_space<semaphore_mem>>, %arg41: memref<!tpu.dma_semaphore, #tpu.memory_space<semaphore_mem>>) attributes {dimension_semantics = [#tpu.dimension_semantics<core_parallel>, #tpu.dimension_semantics<subcore_parallel>], iteration_bounds = array<i64: 2, 16>, scalar_prefetch = 0 : i64, scratch_operands = 28 : i64, tpu.core_type = #tpu.core_type<sc_vector_subcore>, window_params = [{transform_indices = #map}, {transform_indices = #map}, {transform_indices = #map1}, {transform_indices = #map1}, {transform_indices = #map1}, {transform_indices = #map1}, {transform_indices = #map1}, {transform_indices = #map1}, {transform_indices = #map}, {transform_indices = #map}, {transform_indices = #map}, {transform_indices = #map}]} {
    %eq3A = arith.constant 0 : i32
    %eq3A_0 = arith.cmpi eq, %arg0, %eq3A : i32
    %convert_element_type3A = arith.extui %eq3A_0 : i1 to i32
    %cond3A = arith.constant 0 : i32
    %cond3A_1 = arith.cmpi ne, %convert_element_type3A, %cond3A : i32
    scf.if %cond3A_1 {
      %mul3A = arith.constant 20160 : i32
      %mul3A_7 = arith.muli %arg1, %mul3A : i32
      %scan3A = arith.constant 0 : i32
      %scan3A_8 = arith.constant 0 : i32
      %scan3A_9 = arith.constant 112 : i32
      %scan3A_10 = arith.addi %scan3A_8, %scan3A_9 : i32
      %scan3A_11 = arith.constant 1 : i32
      %scan3A_12 = scf.for %scan3A_176 = %scan3A_8 to %scan3A_10 step %scan3A_11 iter_args(%scan3A_177 = %scan3A) -> (i32)  : i32 {
        %broadcast_in_dim3A = arith.constant 0.000000e+00 : f32
        %broadcast_in_dim3A_178 = vector.broadcast %broadcast_in_dim3A : f32 to vector<16xf32>
        %swap3A = arith.index_cast %scan3A_176 : i32 to index
        %swap3A_179 = arith.constant 0 : index
        %swap3A_180 = tpu.vector_load %arg23[%swap3A, %swap3A_179] {strides = array<i32>} : memref<112x128xf32, #tpu.memory_space<vmem>>, vector<16xf32>,
        tpu.vector_store %arg23[%swap3A, %swap3A_179], %broadcast_in_dim3A_178 {strides = array<i32>} : memref<112x128xf32, #tpu.memory_space<vmem>>, vector<16xf32>,
        %broadcast_in_dim3A_181 = arith.constant 0.000000e+00 : f32
        %broadcast_in_dim3A_182 = vector.broadcast %broadcast_in_dim3A_181 : f32 to vector<16xf32>
        %swap3A_183 = arith.index_cast %scan3A_176 : i32 to index
        %swap3A_184 = arith.constant 16 : index
        %swap3A_185 = tpu.vector_load %arg23[%swap3A_183, %swap3A_184] {strides = array<i32>} : memref<112x128xf32, #tpu.memory_space<vmem>>, vector<16xf32>,
        tpu.vector_store %arg23[%swap3A_183, %swap3A_184], %broadcast_in_dim3A_182 {strides = array<i32>} : memref<112x128xf32, #tpu.memory_space<vmem>>, vector<16xf32>,
        %broadcast_in_dim3A_186 = arith.constant 0.000000e+00 : f32
        %broadcast_in_dim3A_187 = vector.broadcast %broadcast_in_dim3A_186 : f32 to vector<16xf32>
        %swap3A_188 = arith.index_cast %scan3A_176 : i32 to index
        %swap3A_189 = arith.constant 32 : index
        %swap3A_190 = tpu.vector_load %arg23[%swap3A_188, %swap3A_189] {strides = array<i32>} : memref<112x128xf32, #tpu.memory_space<vmem>>, vector<16xf32>,
        tpu.vector_store %arg23[%swap3A_188, %swap3A_189], %broadcast_in_dim3A_187 {strides = array<i32>} : memref<112x128xf32, #tpu.memory_space<vmem>>, vector<16xf32>,
        %broadcast_in_dim3A_191 = arith.constant 0.000000e+00 : f32
        %broadcast_in_dim3A_192 = vector.broadcast %broadcast_in_dim3A_191 : f32 to vector<16xf32>
        %swap3A_193 = arith.index_cast %scan3A_176 : i32 to index
        %swap3A_194 = arith.constant 48 : index
        %swap3A_195 = tpu.vector_load %arg23[%swap3A_193, %swap3A_194] {strides = array<i32>} : memref<112x128xf32, #tpu.memory_space<vmem>>, vector<16xf32>,
        tpu.vector_store %arg23[%swap3A_193, %swap3A_194], %broadcast_in_dim3A_192 {strides = array<i32>} : memref<112x128xf32, #tpu.memory_space<vmem>>, vector<16xf32>,
        %broadcast_in_dim3A_196 = arith.constant 0.000000e+00 : f32
        %broadcast_in_dim3A_197 = vector.broadcast %broadcast_in_dim3A_196 : f32 to vector<16xf32>
        %swap3A_198 = arith.index_cast %scan3A_176 : i32 to index
        %swap3A_199 = arith.constant 64 : index
        %swap3A_200 = tpu.vector_load %arg23[%swap3A_198, %swap3A_199] {strides = array<i32>} : memref<112x128xf32, #tpu.memory_space<vmem>>, vector<16xf32>,
        tpu.vector_store %arg23[%swap3A_198, %swap3A_199], %broadcast_in_dim3A_197 {strides = array<i32>} : memref<112x128xf32, #tpu.memory_space<vmem>>, vector<16xf32>,
        %broadcast_in_dim3A_201 = arith.constant 0.000000e+00 : f32
        %broadcast_in_dim3A_202 = vector.broadcast %broadcast_in_dim3A_201 : f32 to vector<16xf32>
        %swap3A_203 = arith.index_cast %scan3A_176 : i32 to index
        %swap3A_204 = arith.constant 80 : index
        %swap3A_205 = tpu.vector_load %arg23[%swap3A_203, %swap3A_204] {strides = array<i32>} : memref<112x128xf32, #tpu.memory_space<vmem>>, vector<16xf32>,
        tpu.vector_store %arg23[%swap3A_203, %swap3A_204], %broadcast_in_dim3A_202 {strides = array<i32>} : memref<112x128xf32, #tpu.memory_space<vmem>>, vector<16xf32>,
        %broadcast_in_dim3A_206 = arith.constant 0.000000e+00 : f32
        %broadcast_in_dim3A_207 = vector.broadcast %broadcast_in_dim3A_206 : f32 to vector<16xf32>
        %swap3A_208 = arith.index_cast %scan3A_176 : i32 to index
        %swap3A_209 = arith.constant 96 : index
        %swap3A_210 = tpu.vector_load %arg23[%swap3A_208, %swap3A_209] {strides = array<i32>} : memref<112x128xf32, #tpu.memory_space<vmem>>, vector<16xf32>,
        tpu.vector_store %arg23[%swap3A_208, %swap3A_209], %broadcast_in_dim3A_207 {strides = array<i32>} : memref<112x128xf32, #tpu.memory_space<vmem>>, vector<16xf32>,
        %broadcast_in_dim3A_211 = arith.constant 0.000000e+00 : f32
        %broadcast_in_dim3A_212 = vector.broadcast %broadcast_in_dim3A_211 : f32 to vector<16xf32>
        %swap3A_213 = arith.index_cast %scan3A_176 : i32 to index
        %swap3A_214 = arith.constant 112 : index
        %swap3A_215 = tpu.vector_load %arg23[%swap3A_213, %swap3A_214] {strides = array<i32>} : memref<112x128xf32, #tpu.memory_space<vmem>>, vector<16xf32>,
        tpu.vector_store %arg23[%swap3A_213, %swap3A_214], %broadcast_in_dim3A_212 {strides = array<i32>} : memref<112x128xf32, #tpu.memory_space<vmem>>, vector<16xf32>,
        %scan3A_216 = arith.constant 0 : i32
        scf.yield %scan3A_216 : i32
      }
      %scan3A_13 = arith.constant 112 : i32
      %scan3A_14 = arith.constant 0 : i32
      %scan3A_15 = arith.constant 0 : i32
      %scan3A_16 = arith.constant 22 : i32
      %scan3A_17 = arith.addi %scan3A_15, %scan3A_16 : i32
      %scan3A_18 = arith.constant 1 : i32
      %scan3A_19 = scf.for %scan3A_176 = %scan3A_15 to %scan3A_17 step %scan3A_18 iter_args(%scan3A_177 = %scan3A_14) -> (i32)  : i32 {
        %broadcast_in_dim3A = arith.constant 0 : i32
        %broadcast_in_dim3A_178 = vector.broadcast %broadcast_in_dim3A : i32 to vector<16xi32>
        %mul3A_179 = arith.constant 16 : i32
        %mul3A_180 = arith.muli %scan3A_176, %mul3A_179 : i32
        %swap3A = arith.index_cast %mul3A_180 : i32 to index
        %swap3A_181 = tpu.vector_load %arg26[%swap3A] {strides = array<i32>} : memref<352xi32, #tpu.memory_space<vmem>>, vector<16xi32>,
        tpu.vector_store %arg26[%swap3A], %broadcast_in_dim3A_178 {strides = array<i32>} : memref<352xi32, #tpu.memory_space<vmem>>, vector<16xi32>,
        %broadcast_in_dim3A_182 = arith.constant 10000 : i32
        %broadcast_in_dim3A_183 = vector.broadcast %broadcast_in_dim3A_182 : i32 to vector<16xi32>
        %mul3A_184 = arith.constant 16 : i32
        %mul3A_185 = arith.muli %scan3A_176, %mul3A_184 : i32
        %swap3A_186 = arith.index_cast %mul3A_185 : i32 to index
        %swap3A_187 = tpu.vector_load %arg27[%swap3A_186] {strides = array<i32>} : memref<352xi32, #tpu.memory_space<vmem>>, vector<16xi32>,
        tpu.vector_store %arg27[%swap3A_186], %broadcast_in_dim3A_183 {strides = array<i32>} : memref<352xi32, #tpu.memory_space<vmem>>, vector<16xi32>,
        %scan3A_188 = arith.constant 0 : i32
        scf.yield %scan3A_188 : i32
      }
      %scan3A_20 = arith.constant 22 : i32
      %mul3A_21 = arith.constant 632 : i32
      %mul3A_22 = arith.muli %arg1, %mul3A_21 : i32
      %add3A = arith.constant 0 : i32
      %add3A_23 = arith.addi %mul3A_22, %add3A : i32
      "tpu.region"() ({
        %run_scoped3A_176 = tpu.sem_alloc : memref<!tpu.dma_semaphore, #tpu.memory_space<semaphore_mem>>
        %dma_start3A_177 = arith.constant 0 : i32
        %dma_start3A_178 = tpu.memref_slice %arg29[%add3A_23, %dma_start3A_177] : memref<10016x128xf32, #tpu.memory_space<vmem_shared>> -> memref<112x128xf32, #tpu.memory_space<vmem_shared>>
        %dma_start3A_179 = arith.constant 0 : i32
        %dma_start3A_180 = tpu.memref_slice %arg29[%add3A_23, %dma_start3A_179] : memref<10016x128xf32, #tpu.memory_space<vmem_shared>> -> memref<112x128xf32, #tpu.memory_space<vmem_shared>>
        tpu.enqueue_dma source(%arg23 : memref<112x128xf32, #tpu.memory_space<vmem>>) target(%dma_start3A_180 : memref<112x128xf32, #tpu.memory_space<vmem_shared>>) target_semaphore(%run_scoped3A_176 : memref<!tpu.dma_semaphore, #tpu.memory_space<semaphore_mem>>)
        %dma_wait3A_181 = arith.constant 0 : i32
        %dma_wait3A_182 = tpu.memref_slice %arg29[%add3A_23, %dma_wait3A_181] : memref<10016x128xf32, #tpu.memory_space<vmem_shared>> -> memref<112x128xf32, #tpu.memory_space<vmem_shared>>
        %dma_wait3A_183 = arith.constant 0 : i32
        %dma_wait3A_184 = tpu.memref_slice %arg29[%add3A_23, %dma_wait3A_183] : memref<10016x128xf32, #tpu.memory_space<vmem_shared>> -> memref<112x128xf32, #tpu.memory_space<vmem_shared>>
        tpu.wait_dma2 semaphore(%run_scoped3A_176 : memref<!tpu.dma_semaphore, #tpu.memory_space<semaphore_mem>>) src(%arg23 : memref<112x128xf32, #tpu.memory_space<vmem>>) dst(%dma_wait3A_184 : memref<112x128xf32, #tpu.memory_space<vmem_shared>>)
        tpu.yield
      }) : () -> ()
      %mul3A_24 = arith.constant 632 : i32
      %mul3A_25 = arith.muli %arg1, %mul3A_24 : i32
      %add3A_26 = arith.constant 112 : i32
      %add3A_27 = arith.addi %mul3A_25, %add3A_26 : i32
      "tpu.region"() ({
        %run_scoped3A_176 = tpu.sem_alloc : memref<!tpu.dma_semaphore, #tpu.memory_space<semaphore_mem>>
        %dma_start3A_177 = arith.constant 0 : i32
        %dma_start3A_178 = tpu.memref_slice %arg29[%add3A_27, %dma_start3A_177] : memref<10016x128xf32, #tpu.memory_space<vmem_shared>> -> memref<112x128xf32, #tpu.memory_space<vmem_shared>>
        %dma_start3A_179 = arith.constant 0 : i32
        %dma_start3A_180 = tpu.memref_slice %arg29[%add3A_27, %dma_start3A_179] : memref<10016x128xf32, #tpu.memory_space<vmem_shared>> -> memref<112x128xf32, #tpu.memory_space<vmem_shared>>
        tpu.enqueue_dma source(%arg23 : memref<112x128xf32, #tpu.memory_space<vmem>>) target(%dma_start3A_180 : memref<112x128xf32, #tpu.memory_space<vmem_shared>>) target_semaphore(%run_scoped3A_176 : memref<!tpu.dma_semaphore, #tpu.memory_space<semaphore_mem>>)
        %dma_wait3A_181 = arith.constant 0 : i32
        %dma_wait3A_182 = tpu.memref_slice %arg29[%add3A_27, %dma_wait3A_181] : memref<10016x128xf32, #tpu.memory_space<vmem_shared>> -> memref<112x128xf32, #tpu.memory_space<vmem_shared>>
        %dma_wait3A_183 = arith.constant 0 : i32
        %dma_wait3A_184 = tpu.memref_slice %arg29[%add3A_27, %dma_wait3A_183] : memref<10016x128xf32, #tpu.memory_space<vmem_shared>> -> memref<112x128xf32, #tpu.memory_space<vmem_shared>>
        tpu.wait_dma2 semaphore(%run_scoped3A_176 : memref<!tpu.dma_semaphore, #tpu.memory_space<semaphore_mem>>) src(%arg23 : memref<112x128xf32, #tpu.memory_space<vmem>>) dst(%dma_wait3A_184 : memref<112x128xf32, #tpu.memory_space<vmem_shared>>)
        tpu.yield
      }) : () -> ()
      %mul3A_28 = arith.constant 632 : i32
      %mul3A_29 = arith.muli %arg1, %mul3A_28 : i32
      %add3A_30 = arith.constant 224 : i32
      %add3A_31 = arith.addi %mul3A_29, %add3A_30 : i32
      "tpu.region"() ({
        %run_scoped3A_176 = tpu.sem_alloc : memref<!tpu.dma_semaphore, #tpu.memory_space<semaphore_mem>>
        %dma_start3A_177 = arith.constant 0 : i32
        %dma_start3A_178 = tpu.memref_slice %arg29[%add3A_31, %dma_start3A_177] : memref<10016x128xf32, #tpu.memory_space<vmem_shared>> -> memref<112x128xf32, #tpu.memory_space<vmem_shared>>
        %dma_start3A_179 = arith.constant 0 : i32
        %dma_start3A_180 = tpu.memref_slice %arg29[%add3A_31, %dma_start3A_179] : memref<10016x128xf32, #tpu.memory_space<vmem_shared>> -> memref<112x128xf32, #tpu.memory_space<vmem_shared>>
        tpu.enqueue_dma source(%arg23 : memref<112x128xf32, #tpu.memory_space<vmem>>) target(%dma_start3A_180 : memref<112x128xf32, #tpu.memory_space<vmem_shared>>) target_semaphore(%run_scoped3A_176 : memref<!tpu.dma_semaphore, #tpu.memory_space<semaphore_mem>>)
        %dma_wait3A_181 = arith.constant 0 : i32
        %dma_wait3A_182 = tpu.memref_slice %arg29[%add3A_31, %dma_wait3A_181] : memref<10016x128xf32, #tpu.memory_space<vmem_shared>> -> memref<112x128xf32, #tpu.memory_space<vmem_shared>>
        %dma_wait3A_183 = arith.constant 0 : i32
        %dma_wait3A_184 = tpu.memref_slice %arg29[%add3A_31, %dma_wait3A_183] : memref<10016x128xf32, #tpu.memory_space<vmem_shared>> -> memref<112x128xf32, #tpu.memory_space<vmem_shared>>
        tpu.wait_dma2 semaphore(%run_scoped3A_176 : memref<!tpu.dma_semaphore, #tpu.memory_space<semaphore_mem>>) src(%arg23 : memref<112x128xf32, #tpu.memory_space<vmem>>) dst(%dma_wait3A_184 : memref<112x128xf32, #tpu.memory_space<vmem_shared>>)
        tpu.yield
      }) : () -> ()
      %mul3A_32 = arith.constant 632 : i32
      %mul3A_33 = arith.muli %arg1, %mul3A_32 : i32
      %add3A_34 = arith.constant 336 : i32
      %add3A_35 = arith.addi %mul3A_33, %add3A_34 : i32
      "tpu.region"() ({
        %run_scoped3A_176 = tpu.sem_alloc : memref<!tpu.dma_semaphore, #tpu.memory_space<semaphore_mem>>
        %dma_start3A_177 = arith.constant 0 : i32
        %dma_start3A_178 = tpu.memref_slice %arg29[%add3A_35, %dma_start3A_177] : memref<10016x128xf32, #tpu.memory_space<vmem_shared>> -> memref<112x128xf32, #tpu.memory_space<vmem_shared>>
        %dma_start3A_179 = arith.constant 0 : i32
        %dma_start3A_180 = tpu.memref_slice %arg29[%add3A_35, %dma_start3A_179] : memref<10016x128xf32, #tpu.memory_space<vmem_shared>> -> memref<112x128xf32, #tpu.memory_space<vmem_shared>>
        tpu.enqueue_dma source(%arg23 : memref<112x128xf32, #tpu.memory_space<vmem>>) target(%dma_start3A_180 : memref<112x128xf32, #tpu.memory_space<vmem_shared>>) target_semaphore(%run_scoped3A_176 : memref<!tpu.dma_semaphore, #tpu.memory_space<semaphore_mem>>)
        %dma_wait3A_181 = arith.constant 0 : i32
        %dma_wait3A_182 = tpu.memref_slice %arg29[%add3A_35, %dma_wait3A_181] : memref<10016x128xf32, #tpu.memory_space<vmem_shared>> -> memref<112x128xf32, #tpu.memory_space<vmem_shared>>
        %dma_wait3A_183 = arith.constant 0 : i32
        %dma_wait3A_184 = tpu.memref_slice %arg29[%add3A_35, %dma_wait3A_183] : memref<10016x128xf32, #tpu.memory_space<vmem_shared>> -> memref<112x128xf32, #tpu.memory_space<vmem_shared>>
        tpu.wait_dma2 semaphore(%run_scoped3A_176 : memref<!tpu.dma_semaphore, #tpu.memory_space<semaphore_mem>>) src(%arg23 : memref<112x128xf32, #tpu.memory_space<vmem>>) dst(%dma_wait3A_184 : memref<112x128xf32, #tpu.memory_space<vmem_shared>>)
        tpu.yield
      }) : () -> ()
      %lt3A = arith.constant 15 : i32
      %lt3A_36 = arith.cmpi slt, %arg1, %lt3A : i32
      %convert_element_type3A_37 = arith.extui %lt3A_36 : i1 to i32
      %cond3A_38 = arith.constant 0 : i32
      %cond3A_39 = arith.cmpi ne, %convert_element_type3A_37, %cond3A_38 : i32
      scf.if %cond3A_39 {
        %mul3A_176 = arith.constant 632 : i32
        %mul3A_177 = arith.muli %arg1, %mul3A_176 : i32
        %add3A_178 = arith.constant 448 : i32
        %add3A_179 = arith.addi %mul3A_177, %add3A_178 : i32
        "tpu.region"() ({
          %run_scoped3A_184 = tpu.sem_alloc : memref<!tpu.dma_semaphore, #tpu.memory_space<semaphore_mem>>
          %dma_start3A_185 = arith.constant 0 : i32
          %dma_start3A_186 = tpu.memref_slice %arg29[%add3A_179, %dma_start3A_185] : memref<10016x128xf32, #tpu.memory_space<vmem_shared>> -> memref<112x128xf32, #tpu.memory_space<vmem_shared>>
          %dma_start3A_187 = arith.constant 0 : i32
          %dma_start3A_188 = tpu.memref_slice %arg29[%add3A_179, %dma_start3A_187] : memref<10016x128xf32, #tpu.memory_space<vmem_shared>> -> memref<112x128xf32, #tpu.memory_space<vmem_shared>>
          tpu.enqueue_dma source(%arg23 : memref<112x128xf32, #tpu.memory_space<vmem>>) target(%dma_start3A_188 : memref<112x128xf32, #tpu.memory_space<vmem_shared>>) target_semaphore(%run_scoped3A_184 : memref<!tpu.dma_semaphore, #tpu.memory_space<semaphore_mem>>)
          %dma_wait3A_189 = arith.constant 0 : i32
          %dma_wait3A_190 = tpu.memref_slice %arg29[%add3A_179, %dma_wait3A_189] : memref<10016x128xf32, #tpu.memory_space<vmem_shared>> -> memref<112x128xf32, #tpu.memory_space<vmem_shared>>
          %dma_wait3A_191 = arith.constant 0 : i32
          %dma_wait3A_192 = tpu.memref_slice %arg29[%add3A_179, %dma_wait3A_191] : memref<10016x128xf32, #tpu.memory_space<vmem_shared>> -> memref<112x128xf32, #tpu.memory_space<vmem_shared>>
          tpu.wait_dma2 semaphore(%run_scoped3A_184 : memref<!tpu.dma_semaphore, #tpu.memory_space<semaphore_mem>>) src(%arg23 : memref<112x128xf32, #tpu.memory_space<vmem>>) dst(%dma_wait3A_192 : memref<112x128xf32, #tpu.memory_space<vmem_shared>>)
          tpu.yield
        }) : () -> ()
        %mul3A_180 = arith.constant 632 : i32
        %mul3A_181 = arith.muli %arg1, %mul3A_180 : i32
        %add3A_182 = arith.constant 560 : i32
        %add3A_183 = arith.addi %mul3A_181, %add3A_182 : i32
        "tpu.region"() ({
          %run_scoped3A_184 = tpu.sem_alloc : memref<!tpu.dma_semaphore, #tpu.memory_space<semaphore_mem>>
          %dma_start3A_185 = arith.constant 0 : i32
          %dma_start3A_186 = arith.constant 0 : i32
          %dma_start3A_187 = tpu.memref_slice %arg23[%dma_start3A_185, %dma_start3A_186] : memref<112x128xf32, #tpu.memory_space<vmem>> -> memref<72x128xf32, #tpu.memory_space<vmem>>
          %dma_start3A_188 = arith.constant 0 : i32
          %dma_start3A_189 = tpu.memref_slice %arg29[%add3A_183, %dma_start3A_188] : memref<10016x128xf32, #tpu.memory_space<vmem_shared>> -> memref<72x128xf32, #tpu.memory_space<vmem_shared>>
          %dma_start3A_190 = arith.constant 0 : i32
          %dma_start3A_191 = tpu.memref_slice %arg29[%add3A_183, %dma_start3A_190] : memref<10016x128xf32, #tpu.memory_space<vmem_shared>> -> memref<72x128xf32, #tpu.memory_space<vmem_shared>>
          %dma_start3A_192 = arith.constant 0 : i32
          %dma_start3A_193 = arith.constant 0 : i32
          %dma_start3A_194 = tpu.memref_slice %arg23[%dma_start3A_192, %dma_start3A_193] : memref<112x128xf32, #tpu.memory_space<vmem>> -> memref<72x128xf32, #tpu.memory_space<vmem>>
          tpu.enqueue_dma source(%dma_start3A_194 : memref<72x128xf32, #tpu.memory_space<vmem>>) target(%dma_start3A_191 : memref<72x128xf32, #tpu.memory_space<vmem_shared>>) target_semaphore(%run_scoped3A_184 : memref<!tpu.dma_semaphore, #tpu.memory_space<semaphore_mem>>)
          %dma_wait3A_195 = arith.constant 0 : i32
          %dma_wait3A_196 = arith.constant 0 : i32
          %dma_wait3A_197 = tpu.memref_slice %arg23[%dma_wait3A_195, %dma_wait3A_196] : memref<112x128xf32, #tpu.memory_space<vmem>> -> memref<72x128xf32, #tpu.memory_space<vmem>>
          %dma_wait3A_198 = arith.constant 0 : i32
          %dma_wait3A_199 = tpu.memref_slice %arg29[%add3A_183, %dma_wait3A_198] : memref<10016x128xf32, #tpu.memory_space<vmem_shared>> -> memref<72x128xf32, #tpu.memory_space<vmem_shared>>
          %dma_wait3A_200 = arith.constant 0 : i32
          %dma_wait3A_201 = tpu.memref_slice %arg29[%add3A_183, %dma_wait3A_200] : memref<10016x128xf32, #tpu.memory_space<vmem_shared>> -> memref<72x128xf32, #tpu.memory_space<vmem_shared>>
          %dma_wait3A_202 = arith.constant 0 : i32
          %dma_wait3A_203 = arith.constant 0 : i32
          %dma_wait3A_204 = tpu.memref_slice %arg23[%dma_wait3A_202, %dma_wait3A_203] : memref<112x128xf32, #tpu.memory_space<vmem>> -> memref<72x128xf32, #tpu.memory_space<vmem>>
          tpu.wait_dma2 semaphore(%run_scoped3A_184 : memref<!tpu.dma_semaphore, #tpu.memory_space<semaphore_mem>>) src(%dma_wait3A_204 : memref<72x128xf32, #tpu.memory_space<vmem>>) dst(%dma_wait3A_201 : memref<72x128xf32, #tpu.memory_space<vmem_shared>>)
          tpu.yield
        }) : () -> ()
      } else {
      }
      %eq3A_40 = arith.constant 15 : i32
      %eq3A_41 = arith.cmpi eq, %arg1, %eq3A_40 : i32
      %convert_element_type3A_42 = arith.extui %eq3A_41 : i1 to i32
      %cond3A_43 = arith.constant 0 : i32
      %cond3A_44 = arith.cmpi ne, %convert_element_type3A_42, %cond3A_43 : i32
      scf.if %cond3A_44 {
        %mul3A_176 = arith.constant 632 : i32
        %mul3A_177 = arith.muli %arg1, %mul3A_176 : i32
        %add3A_178 = arith.constant 448 : i32
        %add3A_179 = arith.addi %mul3A_177, %add3A_178 : i32
        "tpu.region"() ({
          %run_scoped3A_180 = tpu.sem_alloc : memref<!tpu.dma_semaphore, #tpu.memory_space<semaphore_mem>>
          %dma_start3A_181 = arith.constant 0 : i32
          %dma_start3A_182 = arith.constant 0 : i32
          %dma_start3A_183 = tpu.memref_slice %arg23[%dma_start3A_181, %dma_start3A_182] : memref<112x128xf32, #tpu.memory_space<vmem>> -> memref<88x128xf32, #tpu.memory_space<vmem>>
          %dma_start3A_184 = arith.constant 0 : i32
          %dma_start3A_185 = tpu.memref_slice %arg29[%add3A_179, %dma_start3A_184] : memref<10016x128xf32, #tpu.memory_space<vmem_shared>> -> memref<88x128xf32, #tpu.memory_space<vmem_shared>>
          %dma_start3A_186 = arith.constant 0 : i32
          %dma_start3A_187 = tpu.memref_slice %arg29[%add3A_179, %dma_start3A_186] : memref<10016x128xf32, #tpu.memory_space<vmem_shared>> -> memref<88x128xf32, #tpu.memory_space<vmem_shared>>
          %dma_start3A_188 = arith.constant 0 : i32
          %dma_start3A_189 = arith.constant 0 : i32
          %dma_start3A_190 = tpu.memref_slice %arg23[%dma_start3A_188, %dma_start3A_189] : memref<112x128xf32, #tpu.memory_space<vmem>> -> memref<88x128xf32, #tpu.memory_space<vmem>>
          tpu.enqueue_dma source(%dma_start3A_190 : memref<88x128xf32, #tpu.memory_space<vmem>>) target(%dma_start3A_187 : memref<88x128xf32, #tpu.memory_space<vmem_shared>>) target_semaphore(%run_scoped3A_180 : memref<!tpu.dma_semaphore, #tpu.memory_space<semaphore_mem>>)
          %dma_wait3A_191 = arith.constant 0 : i32
          %dma_wait3A_192 = arith.constant 0 : i32
          %dma_wait3A_193 = tpu.memref_slice %arg23[%dma_wait3A_191, %dma_wait3A_192] : memref<112x128xf32, #tpu.memory_space<vmem>> -> memref<88x128xf32, #tpu.memory_space<vmem>>
          %dma_wait3A_194 = arith.constant 0 : i32
          %dma_wait3A_195 = tpu.memref_slice %arg29[%add3A_179, %dma_wait3A_194] : memref<10016x128xf32, #tpu.memory_space<vmem_shared>> -> memref<88x128xf32, #tpu.memory_space<vmem_shared>>
          %dma_wait3A_196 = arith.constant 0 : i32
          %dma_wait3A_197 = tpu.memref_slice %arg29[%add3A_179, %dma_wait3A_196] : memref<10016x128xf32, #tpu.memory_space<vmem_shared>> -> memref<88x128xf32, #tpu.memory_space<vmem_shared>>
          %dma_wait3A_198 = arith.constant 0 : i32
          %dma_wait3A_199 = arith.constant 0 : i32
          %dma_wait3A_200 = tpu.memref_slice %arg23[%dma_wait3A_198, %dma_wait3A_199] : memref<112x128xf32, #tpu.memory_space<vmem>> -> memref<88x128xf32, #tpu.memory_space<vmem>>
          tpu.wait_dma2 semaphore(%run_scoped3A_180 : memref<!tpu.dma_semaphore, #tpu.memory_space<semaphore_mem>>) src(%dma_wait3A_200 : memref<88x128xf32, #tpu.memory_space<vmem>>) dst(%dma_wait3A_197 : memref<88x128xf32, #tpu.memory_space<vmem_shared>>)
          tpu.yield
        }) : () -> ()
      } else {
      }
      %barrier3A = arith.constant 0 : index
      tpu.barrier barrier_id(%barrier3A)
      %add3A_45 = arith.constant 0 : i32
      %add3A_46 = arith.addi %mul3A_7, %add3A_45 : i32
      %dma_start3A = tpu.memref_slice %arg4[%add3A_46] : memref<322560xi32, #tpu.memory_space<hbm>> -> memref<112xi32, #tpu.memory_space<hbm>>
      %dma_start3A_47 = tpu.memref_slice %arg4[%add3A_46] : memref<322560xi32, #tpu.memory_space<hbm>> -> memref<112xi32, #tpu.memory_space<hbm>>
      tpu.enqueue_dma source(%dma_start3A_47 : memref<112xi32, #tpu.memory_space<hbm>>) target(%arg14 : memref<112xi32, #tpu.memory_space<vmem>>) target_semaphore(%arg30 : memref<!tpu.dma_semaphore, #tpu.memory_space<semaphore_mem>>)
      %add3A_48 = arith.constant 0 : i32
      %add3A_49 = arith.addi %mul3A_7, %add3A_48 : i32
      %dma_start3A_50 = tpu.memref_slice %arg5[%add3A_49] : memref<322560xi32, #tpu.memory_space<hbm>> -> memref<112xi32, #tpu.memory_space<hbm>>
      %dma_start3A_51 = tpu.memref_slice %arg5[%add3A_49] : memref<322560xi32, #tpu.memory_space<hbm>> -> memref<112xi32, #tpu.memory_space<hbm>>
      tpu.enqueue_dma source(%dma_start3A_51 : memref<112xi32, #tpu.memory_space<hbm>>) target(%arg17 : memref<112xi32, #tpu.memory_space<vmem>>) target_semaphore(%arg33 : memref<!tpu.dma_semaphore, #tpu.memory_space<semaphore_mem>>)
      %add3A_52 = arith.constant 0 : i32
      %add3A_53 = arith.addi %mul3A_7, %add3A_52 : i32
      %dma_start3A_54 = tpu.memref_slice %arg8[%add3A_53] : memref<322560xi32, #tpu.memory_space<hbm>> -> memref<112xi32, #tpu.memory_space<hbm>>
      %dma_start3A_55 = tpu.memref_slice %arg8[%add3A_53] : memref<322560xi32, #tpu.memory_space<hbm>> -> memref<112xi32, #tpu.memory_space<hbm>>
      tpu.enqueue_dma source(%dma_start3A_55 : memref<112xi32, #tpu.memory_space<hbm>>) target(%arg20 : memref<112xi32, #tpu.memory_space<vmem>>) target_semaphore(%arg36 : memref<!tpu.dma_semaphore, #tpu.memory_space<semaphore_mem>>)
      %add3A_56 = arith.constant 112 : i32
      %add3A_57 = arith.addi %mul3A_7, %add3A_56 : i32
      %dma_start3A_58 = tpu.memref_slice %arg4[%add3A_57] : memref<322560xi32, #tpu.memory_space<hbm>> -> memref<112xi32, #tpu.memory_space<hbm>>
      %dma_start3A_59 = tpu.memref_slice %arg4[%add3A_57] : memref<322560xi32, #tpu.memory_space<hbm>> -> memref<112xi32, #tpu.memory_space<hbm>>
      tpu.enqueue_dma source(%dma_start3A_59 : memref<112xi32, #tpu.memory_space<hbm>>) target(%arg15 : memref<112xi32, #tpu.memory_space<vmem>>) target_semaphore(%arg31 : memref<!tpu.dma_semaphore, #tpu.memory_space<semaphore_mem>>)
      %add3A_60 = arith.constant 112 : i32
      %add3A_61 = arith.addi %mul3A_7, %add3A_60 : i32
      %dma_start3A_62 = tpu.memref_slice %arg5[%add3A_61] : memref<322560xi32, #tpu.memory_space<hbm>> -> memref<112xi32, #tpu.memory_space<hbm>>
      %dma_start3A_63 = tpu.memref_slice %arg5[%add3A_61] : memref<322560xi32, #tpu.memory_space<hbm>> -> memref<112xi32, #tpu.memory_space<hbm>>
      tpu.enqueue_dma source(%dma_start3A_63 : memref<112xi32, #tpu.memory_space<hbm>>) target(%arg18 : memref<112xi32, #tpu.memory_space<vmem>>) target_semaphore(%arg34 : memref<!tpu.dma_semaphore, #tpu.memory_space<semaphore_mem>>)
      %add3A_64 = arith.constant 112 : i32
      %add3A_65 = arith.addi %mul3A_7, %add3A_64 : i32
      %dma_start3A_66 = tpu.memref_slice %arg8[%add3A_65] : memref<322560xi32, #tpu.memory_space<hbm>> -> memref<112xi32, #tpu.memory_space<hbm>>
      %dma_start3A_67 = tpu.memref_slice %arg8[%add3A_65] : memref<322560xi32, #tpu.memory_space<hbm>> -> memref<112xi32, #tpu.memory_space<hbm>>
      tpu.enqueue_dma source(%dma_start3A_67 : memref<112xi32, #tpu.memory_space<hbm>>) target(%arg21 : memref<112xi32, #tpu.memory_space<vmem>>) target_semaphore(%arg37 : memref<!tpu.dma_semaphore, #tpu.memory_space<semaphore_mem>>)
      %add3A_68 = arith.constant 224 : i32
      %add3A_69 = arith.addi %mul3A_7, %add3A_68 : i32
      %dma_start3A_70 = tpu.memref_slice %arg4[%add3A_69] : memref<322560xi32, #tpu.memory_space<hbm>> -> memref<112xi32, #tpu.memory_space<hbm>>
      %dma_start3A_71 = tpu.memref_slice %arg4[%add3A_69] : memref<322560xi32, #tpu.memory_space<hbm>> -> memref<112xi32, #tpu.memory_space<hbm>>
      tpu.enqueue_dma source(%dma_start3A_71 : memref<112xi32, #tpu.memory_space<hbm>>) target(%arg16 : memref<112xi32, #tpu.memory_space<vmem>>) target_semaphore(%arg32 : memref<!tpu.dma_semaphore, #tpu.memory_space<semaphore_mem>>)
      %add3A_72 = arith.constant 224 : i32
      %add3A_73 = arith.addi %mul3A_7, %add3A_72 : i32
      %dma_start3A_74 = tpu.memref_slice %arg5[%add3A_73] : memref<322560xi32, #tpu.memory_space<hbm>> -> memref<112xi32, #tpu.memory_space<hbm>>
      %dma_start3A_75 = tpu.memref_slice %arg5[%add3A_73] : memref<322560xi32, #tpu.memory_space<hbm>> -> memref<112xi32, #tpu.memory_space<hbm>>
      tpu.enqueue_dma source(%dma_start3A_75 : memref<112xi32, #tpu.memory_space<hbm>>) target(%arg19 : memref<112xi32, #tpu.memory_space<vmem>>) target_semaphore(%arg35 : memref<!tpu.dma_semaphore, #tpu.memory_space<semaphore_mem>>)
      %add3A_76 = arith.constant 224 : i32
      %add3A_77 = arith.addi %mul3A_7, %add3A_76 : i32
      %dma_start3A_78 = tpu.memref_slice %arg8[%add3A_77] : memref<322560xi32, #tpu.memory_space<hbm>> -> memref<112xi32, #tpu.memory_space<hbm>>
      %dma_start3A_79 = tpu.memref_slice %arg8[%add3A_77] : memref<322560xi32, #tpu.memory_space<hbm>> -> memref<112xi32, #tpu.memory_space<hbm>>
      tpu.enqueue_dma source(%dma_start3A_79 : memref<112xi32, #tpu.memory_space<hbm>>) target(%arg22 : memref<112xi32, #tpu.memory_space<vmem>>) target_semaphore(%arg38 : memref<!tpu.dma_semaphore, #tpu.memory_space<semaphore_mem>>)
      %dma_wait3A = arith.constant 0 : i32
      %dma_wait3A_80 = tpu.memref_slice %arg4[%dma_wait3A] : memref<322560xi32, #tpu.memory_space<hbm>> -> memref<112xi32, #tpu.memory_space<hbm>>
      %dma_wait3A_81 = arith.constant 0 : i32
      %dma_wait3A_82 = tpu.memref_slice %arg4[%dma_wait3A_81] : memref<322560xi32, #tpu.memory_space<hbm>> -> memref<112xi32, #tpu.memory_space<hbm>>
      tpu.wait_dma2 semaphore(%arg30 : memref<!tpu.dma_semaphore, #tpu.memory_space<semaphore_mem>>) src(%dma_wait3A_82 : memref<112xi32, #tpu.memory_space<hbm>>) dst(%arg14 : memref<112xi32, #tpu.memory_space<vmem>>)
      %dma_wait3A_83 = arith.constant 0 : i32
      %dma_wait3A_84 = tpu.memref_slice %arg5[%dma_wait3A_83] : memref<322560xi32, #tpu.memory_space<hbm>> -> memref<112xi32, #tpu.memory_space<hbm>>
      %dma_wait3A_85 = arith.constant 0 : i32
      %dma_wait3A_86 = tpu.memref_slice %arg5[%dma_wait3A_85] : memref<322560xi32, #tpu.memory_space<hbm>> -> memref<112xi32, #tpu.memory_space<hbm>>
      tpu.wait_dma2 semaphore(%arg33 : memref<!tpu.dma_semaphore, #tpu.memory_space<semaphore_mem>>) src(%dma_wait3A_86 : memref<112xi32, #tpu.memory_space<hbm>>) dst(%arg17 : memref<112xi32, #tpu.memory_space<vmem>>)
      %dma_wait3A_87 = arith.constant 0 : i32
      %dma_wait3A_88 = tpu.memref_slice %arg8[%dma_wait3A_87] : memref<322560xi32, #tpu.memory_space<hbm>> -> memref<112xi32, #tpu.memory_space<hbm>>
      %dma_wait3A_89 = arith.constant 0 : i32
      %dma_wait3A_90 = tpu.memref_slice %arg8[%dma_wait3A_89] : memref<322560xi32, #tpu.memory_space<hbm>> -> memref<112xi32, #tpu.memory_space<hbm>>
      tpu.wait_dma2 semaphore(%arg36 : memref<!tpu.dma_semaphore, #tpu.memory_space<semaphore_mem>>) src(%dma_wait3A_90 : memref<112xi32, #tpu.memory_space<hbm>>) dst(%arg20 : memref<112xi32, #tpu.memory_space<vmem>>)
      %dma_start3A_91 = arith.constant 0 : i32
      %dma_start3A_92 = arith.constant 0 : i32
      %dma_start3A_93 = tpu.memref_slice %arg2[%dma_start3A_91, %dma_start3A_92] : memref<10000x128xf32, #tpu.memory_space<hbm>> -> memref<10000x128xf32, #tpu.memory_space<hbm>>
      tpu.enqueue_indirect_dma source(%dma_start3A_93 : memref<10000x128xf32, #tpu.memory_space<hbm>>) target(%arg23 : memref<112x128xf32, #tpu.memory_space<vmem>>) offsets(%arg14 : memref<112xi32, #tpu.memory_space<vmem>>) semaphore(%arg39 : memref<!tpu.dma_semaphore, #tpu.memory_space<semaphore_mem>>)
      %dma_wait3A_94 = arith.constant 0 : i32
      %dma_wait3A_95 = tpu.memref_slice %arg4[%dma_wait3A_94] : memref<322560xi32, #tpu.memory_space<hbm>> -> memref<112xi32, #tpu.memory_space<hbm>>
      %dma_wait3A_96 = arith.constant 0 : i32
      %dma_wait3A_97 = tpu.memref_slice %arg4[%dma_wait3A_96] : memref<322560xi32, #tpu.memory_space<hbm>> -> memref<112xi32, #tpu.memory_space<hbm>>
      tpu.wait_dma2 semaphore(%arg31 : memref<!tpu.dma_semaphore, #tpu.memory_space<semaphore_mem>>) src(%dma_wait3A_97 : memref<112xi32, #tpu.memory_space<hbm>>) dst(%arg15 : memref<112xi32, #tpu.memory_space<vmem>>)
      %dma_wait3A_98 = arith.constant 0 : i32
      %dma_wait3A_99 = tpu.memref_slice %arg5[%dma_wait3A_98] : memref<322560xi32, #tpu.memory_space<hbm>> -> memref<112xi32, #tpu.memory_space<hbm>>
      %dma_wait3A_100 = arith.constant 0 : i32
      %dma_wait3A_101 = tpu.memref_slice %arg5[%dma_wait3A_100] : memref<322560xi32, #tpu.memory_space<hbm>> -> memref<112xi32, #tpu.memory_space<hbm>>
      tpu.wait_dma2 semaphore(%arg34 : memref<!tpu.dma_semaphore, #tpu.memory_space<semaphore_mem>>) src(%dma_wait3A_101 : memref<112xi32, #tpu.memory_space<hbm>>) dst(%arg18 : memref<112xi32, #tpu.memory_space<vmem>>)
      %dma_wait3A_102 = arith.constant 0 : i32
      %dma_wait3A_103 = tpu.memref_slice %arg8[%dma_wait3A_102] : memref<322560xi32, #tpu.memory_space<hbm>> -> memref<112xi32, #tpu.memory_space<hbm>>
      %dma_wait3A_104 = arith.constant 0 : i32
      %dma_wait3A_105 = tpu.memref_slice %arg8[%dma_wait3A_104] : memref<322560xi32, #tpu.memory_space<hbm>> -> memref<112xi32, #tpu.memory_space<hbm>>
      tpu.wait_dma2 semaphore(%arg37 : memref<!tpu.dma_semaphore, #tpu.memory_space<semaphore_mem>>) src(%dma_wait3A_105 : memref<112xi32, #tpu.memory_space<hbm>>) dst(%arg21 : memref<112xi32, #tpu.memory_space<vmem>>)
      %dma_start3A_106 = arith.constant 0 : i32
      %dma_start3A_107 = arith.constant 0 : i32
      %dma_start3A_108 = tpu.memref_slice %arg2[%dma_start3A_106, %dma_start3A_107] : memref<10000x128xf32, #tpu.memory_space<hbm>> -> memref<10000x128xf32, #tpu.memory_space<hbm>>
      tpu.enqueue_indirect_dma source(%dma_start3A_108 : memref<10000x128xf32, #tpu.memory_space<hbm>>) target(%arg24 : memref<112x128xf32, #tpu.memory_space<vmem>>) offsets(%arg15 : memref<112xi32, #tpu.memory_space<vmem>>) semaphore(%arg40 : memref<!tpu.dma_semaphore, #tpu.memory_space<semaphore_mem>>)
      %scan3A_109 = arith.constant 0 : i32
      %scan3A_110 = arith.constant 0 : i32
      %scan3A_111 = arith.constant 60 : i32
      %scan3A_112 = arith.addi %scan3A_110, %scan3A_111 : i32
      %scan3A_113 = arith.constant 1 : i32
      %scan3A_114 = scf.for %scan3A_176 = %scan3A_110 to %scan3A_112 step %scan3A_113 iter_args(%scan3A_177 = %scan3A_109) -> (i32)  : i32 {
        %mul3A_178 = arith.constant 3 : i32
        %mul3A_179 = arith.muli %scan3A_176, %mul3A_178 : i32
        %add3A_180 = arith.constant 0 : i32
        %add3A_181 = arith.addi %mul3A_179, %add3A_180 : i32
        %add3A_182 = arith.constant 2 : i32
        %add3A_183 = arith.addi %add3A_181, %add3A_182 : i32
        %lt3A_184 = arith.constant 180 : i32
        %lt3A_185 = arith.cmpi slt, %add3A_183, %lt3A_184 : i32
        %convert_element_type3A_186 = arith.extui %lt3A_185 : i1 to i32
        %cond3A_187 = arith.constant 0 : i32
        %cond3A_188 = arith.cmpi ne, %convert_element_type3A_186, %cond3A_187 : i32
        scf.if %cond3A_188 {
          %dma_wait3A_615 = arith.constant 0 : i32
          %dma_wait3A_616 = tpu.memref_slice %arg4[%dma_wait3A_615] : memref<322560xi32, #tpu.memory_space<hbm>> -> memref<112xi32, #tpu.memory_space<hbm>>
          %dma_wait3A_617 = arith.constant 0 : i32
          %dma_wait3A_618 = tpu.memref_slice %arg4[%dma_wait3A_617] : memref<322560xi32, #tpu.memory_space<hbm>> -> memref<112xi32, #tpu.memory_space<hbm>>
          tpu.wait_dma2 semaphore(%arg32 : memref<!tpu.dma_semaphore, #tpu.memory_space<semaphore_mem>>) src(%dma_wait3A_618 : memref<112xi32, #tpu.memory_space<hbm>>) dst(%arg16 : memref<112xi32, #tpu.memory_space<vmem>>)
          %dma_wait3A_619 = arith.constant 0 : i32
          %dma_wait3A_620 = tpu.memref_slice %arg5[%dma_wait3A_619] : memref<322560xi32, #tpu.memory_space<hbm>> -> memref<112xi32, #tpu.memory_space<hbm>>
          %dma_wait3A_621 = arith.constant 0 : i32
          %dma_wait3A_622 = tpu.memref_slice %arg5[%dma_wait3A_621] : memref<322560xi32, #tpu.memory_space<hbm>> -> memref<112xi32, #tpu.memory_space<hbm>>
          tpu.wait_dma2 semaphore(%arg35 : memref<!tpu.dma_semaphore, #tpu.memory_space<semaphore_mem>>) src(%dma_wait3A_622 : memref<112xi32, #tpu.memory_space<hbm>>) dst(%arg19 : memref<112xi32, #tpu.memory_space<vmem>>)
          %dma_wait3A_623 = arith.constant 0 : i32
          %dma_wait3A_624 = tpu.memref_slice %arg8[%dma_wait3A_623] : memref<322560xi32, #tpu.memory_space<hbm>> -> memref<112xi32, #tpu.memory_space<hbm>>
          %dma_wait3A_625 = arith.constant 0 : i32
          %dma_wait3A_626 = tpu.memref_slice %arg8[%dma_wait3A_625] : memref<322560xi32, #tpu.memory_space<hbm>> -> memref<112xi32, #tpu.memory_space<hbm>>
          tpu.wait_dma2 semaphore(%arg38 : memref<!tpu.dma_semaphore, #tpu.memory_space<semaphore_mem>>) src(%dma_wait3A_626 : memref<112xi32, #tpu.memory_space<hbm>>) dst(%arg22 : memref<112xi32, #tpu.memory_space<vmem>>)
          %dma_start3A_627 = arith.constant 0 : i32
          %dma_start3A_628 = arith.constant 0 : i32
          %dma_start3A_629 = tpu.memref_slice %arg2[%dma_start3A_627, %dma_start3A_628] : memref<10000x128xf32, #tpu.memory_space<hbm>> -> memref<10000x128xf32, #tpu.memory_space<hbm>>
          tpu.enqueue_indirect_dma source(%dma_start3A_629 : memref<10000x128xf32, #tpu.memory_space<hbm>>) target(%arg25 : memref<112x128xf32, #tpu.memory_space<vmem>>) offsets(%arg16 : memref<112xi32, #tpu.memory_space<vmem>>) semaphore(%arg41 : memref<!tpu.dma_semaphore, #tpu.memory_space<semaphore_mem>>)
        } else {
        }
        %dma_wait3A_189 = arith.constant 0 : i32
        %dma_wait3A_190 = arith.constant 0 : i32
        %dma_wait3A_191 = tpu.memref_slice %arg2[%dma_wait3A_189, %dma_wait3A_190] : memref<10000x128xf32, #tpu.memory_space<hbm>> -> memref<10000x128xf32, #tpu.memory_space<hbm>>
        tpu.wait_indirect_dma semaphore(%arg39 : memref<!tpu.dma_semaphore, #tpu.memory_space<semaphore_mem>>) src(%dma_wait3A_191 : memref<10000x128xf32, #tpu.memory_space<hbm>>) dst(%arg23 : memref<112x128xf32, #tpu.memory_space<vmem>>)
        "tpu.region"() ({
          %run_scoped3A_615 = tpu.sem_alloc : memref<!tpu.dma_semaphore, #tpu.memory_space<semaphore_mem>>
          %dma_start3A_616 = arith.constant 0 : i32
          %dma_start3A_617 = arith.constant 0 : i32
          %dma_start3A_618 = tpu.memref_slice %arg29[%dma_start3A_616, %dma_start3A_617] : memref<10016x128xf32, #tpu.memory_space<vmem_shared>> -> memref<10016x128xf32, #tpu.memory_space<vmem_shared>>
          tpu.enqueue_indirect_dma source(%arg23 : memref<112x128xf32, #tpu.memory_space<vmem>>) target(%dma_start3A_618 : memref<10016x128xf32, #tpu.memory_space<vmem_shared>>) offsets(%arg17 : memref<112xi32, #tpu.memory_space<vmem>>) semaphore(%run_scoped3A_615 : memref<!tpu.dma_semaphore, #tpu.memory_space<semaphore_mem>>) {add = true}
          %dma_wait3A_619 = arith.constant 0 : i32
          %dma_wait3A_620 = arith.constant 0 : i32
          %dma_wait3A_621 = tpu.memref_slice %arg29[%dma_wait3A_619, %dma_wait3A_620] : memref<10016x128xf32, #tpu.memory_space<vmem_shared>> -> memref<10016x128xf32, #tpu.memory_space<vmem_shared>>
          tpu.wait_indirect_dma semaphore(%run_scoped3A_615 : memref<!tpu.dma_semaphore, #tpu.memory_space<semaphore_mem>>) src(%arg23 : memref<112x128xf32, #tpu.memory_space<vmem>>) dst(%dma_wait3A_621 : memref<10016x128xf32, #tpu.memory_space<vmem_shared>>)
          tpu.yield
        }) : () -> ()
        %get3A = arith.constant 0 : index
        %get3A_192 = tpu.vector_load %arg20[%get3A] {strides = array<i32>} : memref<112xi32, #tpu.memory_space<vmem>>, vector<16xi32>,
        %gt3A = arith.constant 0 : i32
        %gt3A_193 = vector.broadcast %gt3A : i32 to vector<16xi32>
        %gt3A_194 = arith.cmpi sgt, %get3A_192, %gt3A_193 : vector<16xi32>
        %get3A_195 = arith.constant 0 : index
        %get3A_196 = tpu.vector_load %arg14[%get3A_195] {strides = array<i32>} : memref<112xi32, #tpu.memory_space<vmem>>, vector<16xi32>,
        %swap3A = arith.index_cast %scan3A_177 : i32 to index
        %swap3A_197 = tpu.vector_load %arg26[%swap3A] masked %gt3A_194 {strides = array<i32>} : memref<352xi32, #tpu.memory_space<vmem>>, vector<16xi32>, vector<16xi1>
        tpu.vector_store %arg26[%swap3A], %get3A_196 masked %gt3A_194 {strides = array<i32>} : memref<352xi32, #tpu.memory_space<vmem>>, vector<16xi32>, vector<16xi1>
        %get3A_198 = arith.constant 0 : index
        %get3A_199 = tpu.vector_load %arg17[%get3A_198] {strides = array<i32>} : memref<112xi32, #tpu.memory_space<vmem>>, vector<16xi32>,
        %swap3A_200 = arith.index_cast %scan3A_177 : i32 to index
        %swap3A_201 = tpu.vector_load %arg27[%swap3A_200] masked %gt3A_194 {strides = array<i32>} : memref<352xi32, #tpu.memory_space<vmem>>, vector<16xi32>, vector<16xi1>
        tpu.vector_store %arg27[%swap3A_200], %get3A_199 masked %gt3A_194 {strides = array<i32>} : memref<352xi32, #tpu.memory_space<vmem>>, vector<16xi32>, vector<16xi1>
        %reduce_sum3A = arith.constant true
        %reduce_sum3A_202 = vector.broadcast %reduce_sum3A : i1 to vector<16xi1>
        %reduce_sum3A_203 = tpu.scan <sum>, %get3A_192 masked %reduce_sum3A_202 : vector<16xi32>, vector<16xi1> -> vector<16xi32>
        %reduce_sum3A_204 = vector.extract %reduce_sum3A_203[15] : i32 from vector<16xi32>
        %add3A_205 = arith.addi %scan3A_177, %reduce_sum3A_204 : i32
        %get3A_206 = arith.constant 16 : index
        %get3A_207 = tpu.vector_load %arg20[%get3A_206] {strides = array<i32>} : memref<112xi32, #tpu.memory_space<vmem>>, vector<16xi32>,
        %gt3A_208 = arith.constant 0 : i32
        %gt3A_209 = vector.broadcast %gt3A_208 : i32 to vector<16xi32>
        %gt3A_210 = arith.cmpi sgt, %get3A_207, %gt3A_209 : vector<16xi32>
        %get3A_211 = arith.constant 16 : index
        %get3A_212 = tpu.vector_load %arg14[%get3A_211] {strides = array<i32>} : memref<112xi32, #tpu.memory_space<vmem>>, vector<16xi32>,
        %swap3A_213 = arith.index_cast %add3A_205 : i32 to index
        %swap3A_214 = tpu.vector_load %arg26[%swap3A_213] masked %gt3A_210 {strides = array<i32>} : memref<352xi32, #tpu.memory_space<vmem>>, vector<16xi32>, vector<16xi1>
        tpu.vector_store %arg26[%swap3A_213], %get3A_212 masked %gt3A_210 {strides = array<i32>} : memref<352xi32, #tpu.memory_space<vmem>>, vector<16xi32>, vector<16xi1>
        %get3A_215 = arith.constant 16 : index
        %get3A_216 = tpu.vector_load %arg17[%get3A_215] {strides = array<i32>} : memref<112xi32, #tpu.memory_space<vmem>>, vector<16xi32>,
        %swap3A_217 = arith.index_cast %add3A_205 : i32 to index
        %swap3A_218 = tpu.vector_load %arg27[%swap3A_217] masked %gt3A_210 {strides = array<i32>} : memref<352xi32, #tpu.memory_space<vmem>>, vector<16xi32>, vector<16xi1>
        tpu.vector_store %arg27[%swap3A_217], %get3A_216 masked %gt3A_210 {strides = array<i32>} : memref<352xi32, #tpu.memory_space<vmem>>, vector<16xi32>, vector<16xi1>
        %reduce_sum3A_219 = arith.constant true
        %reduce_sum3A_220 = vector.broadcast %reduce_sum3A_219 : i1 to vector<16xi1>
        %reduce_sum3A_221 = tpu.scan <sum>, %get3A_207 masked %reduce_sum3A_220 : vector<16xi32>, vector<16xi1> -> vector<16xi32>
        %reduce_sum3A_222 = vector.extract %reduce_sum3A_221[15] : i32 from vector<16xi32>
        %add3A_223 = arith.addi %add3A_205, %reduce_sum3A_222 : i32
        %get3A_224 = arith.constant 32 : index
        %get3A_225 = tpu.vector_load %arg20[%get3A_224] {strides = array<i32>} : memref<112xi32, #tpu.memory_space<vmem>>, vector<16xi32>,
        %gt3A_226 = arith.constant 0 : i32
        %gt3A_227 = vector.broadcast %gt3A_226 : i32 to vector<16xi32>
        %gt3A_228 = arith.cmpi sgt, %get3A_225, %gt3A_227 : vector<16xi32>
        %get3A_229 = arith.constant 32 : index
        %get3A_230 = tpu.vector_load %arg14[%get3A_229] {strides = array<i32>} : memref<112xi32, #tpu.memory_space<vmem>>, vector<16xi32>,
        %swap3A_231 = arith.index_cast %add3A_223 : i32 to index
        %swap3A_232 = tpu.vector_load %arg26[%swap3A_231] masked %gt3A_228 {strides = array<i32>} : memref<352xi32, #tpu.memory_space<vmem>>, vector<16xi32>, vector<16xi1>
        tpu.vector_store %arg26[%swap3A_231], %get3A_230 masked %gt3A_228 {strides = array<i32>} : memref<352xi32, #tpu.memory_space<vmem>>, vector<16xi32>, vector<16xi1>
        %get3A_233 = arith.constant 32 : index
        %get3A_234 = tpu.vector_load %arg17[%get3A_233] {strides = array<i32>} : memref<112xi32, #tpu.memory_space<vmem>>, vector<16xi32>,
        %swap3A_235 = arith.index_cast %add3A_223 : i32 to index
        %swap3A_236 = tpu.vector_load %arg27[%swap3A_235] masked %gt3A_228 {strides = array<i32>} : memref<352xi32, #tpu.memory_space<vmem>>, vector<16xi32>, vector<16xi1>
        tpu.vector_store %arg27[%swap3A_235], %get3A_234 masked %gt3A_228 {strides = array<i32>} : memref<352xi32, #tpu.memory_space<vmem>>, vector<16xi32>, vector<16xi1>
        %reduce_sum3A_237 = arith.constant true
        %reduce_sum3A_238 = vector.broadcast %reduce_sum3A_237 : i1 to vector<16xi1>
        %reduce_sum3A_239 = tpu.scan <sum>, %get3A_225 masked %reduce_sum3A_238 : vector<16xi32>, vector<16xi1> -> vector<16xi32>
        %reduce_sum3A_240 = vector.extract %reduce_sum3A_239[15] : i32 from vector<16xi32>
        %add3A_241 = arith.addi %add3A_223, %reduce_sum3A_240 : i32
        %get3A_242 = arith.constant 48 : index
        %get3A_243 = tpu.vector_load %arg20[%get3A_242] {strides = array<i32>} : memref<112xi32, #tpu.memory_space<vmem>>, vector<16xi32>,
        %gt3A_244 = arith.constant 0 : i32
        %gt3A_245 = vector.broadcast %gt3A_244 : i32 to vector<16xi32>
        %gt3A_246 = arith.cmpi sgt, %get3A_243, %gt3A_245 : vector<16xi32>
        %get3A_247 = arith.constant 48 : index
        %get3A_248 = tpu.vector_load %arg14[%get3A_247] {strides = array<i32>} : memref<112xi32, #tpu.memory_space<vmem>>, vector<16xi32>,
        %swap3A_249 = arith.index_cast %add3A_241 : i32 to index
        %swap3A_250 = tpu.vector_load %arg26[%swap3A_249] masked %gt3A_246 {strides = array<i32>} : memref<352xi32, #tpu.memory_space<vmem>>, vector<16xi32>, vector<16xi1>
        tpu.vector_store %arg26[%swap3A_249], %get3A_248 masked %gt3A_246 {strides = array<i32>} : memref<352xi32, #tpu.memory_space<vmem>>, vector<16xi32>, vector<16xi1>
        %get3A_251 = arith.constant 48 : index
        %get3A_252 = tpu.vector_load %arg17[%get3A_251] {strides = array<i32>} : memref<112xi32, #tpu.memory_space<vmem>>, vector<16xi32>,
        %swap3A_253 = arith.index_cast %add3A_241 : i32 to index
        %swap3A_254 = tpu.vector_load %arg27[%swap3A_253] masked %gt3A_246 {strides = array<i32>} : memref<352xi32, #tpu.memory_space<vmem>>, vector<16xi32>, vector<16xi1>
        tpu.vector_store %arg27[%swap3A_253], %get3A_252 masked %gt3A_246 {strides = array<i32>} : memref<352xi32, #tpu.memory_space<vmem>>, vector<16xi32>, vector<16xi1>
        %reduce_sum3A_255 = arith.constant true
        %reduce_sum3A_256 = vector.broadcast %reduce_sum3A_255 : i1 to vector<16xi1>
        %reduce_sum3A_257 = tpu.scan <sum>, %get3A_243 masked %reduce_sum3A_256 : vector<16xi32>, vector<16xi1> -> vector<16xi32>
        %reduce_sum3A_258 = vector.extract %reduce_sum3A_257[15] : i32 from vector<16xi32>
        %add3A_259 = arith.addi %add3A_241, %reduce_sum3A_258 : i32
        %get3A_260 = arith.constant 64 : index
        %get3A_261 = tpu.vector_load %arg20[%get3A_260] {strides = array<i32>} : memref<112xi32, #tpu.memory_space<vmem>>, vector<16xi32>,
        %gt3A_262 = arith.constant 0 : i32
        %gt3A_263 = vector.broadcast %gt3A_262 : i32 to vector<16xi32>
        %gt3A_264 = arith.cmpi sgt, %get3A_261, %gt3A_263 : vector<16xi32>
        %get3A_265 = arith.constant 64 : index
        %get3A_266 = tpu.vector_load %arg14[%get3A_265] {strides = array<i32>} : memref<112xi32, #tpu.memory_space<vmem>>, vector<16xi32>,
        %swap3A_267 = arith.index_cast %add3A_259 : i32 to index
        %swap3A_268 = tpu.vector_load %arg26[%swap3A_267] masked %gt3A_264 {strides = array<i32>} : memref<352xi32, #tpu.memory_space<vmem>>, vector<16xi32>, vector<16xi1>
        tpu.vector_store %arg26[%swap3A_267], %get3A_266 masked %gt3A_264 {strides = array<i32>} : memref<352xi32, #tpu.memory_space<vmem>>, vector<16xi32>, vector<16xi1>
        %get3A_269 = arith.constant 64 : index
        %get3A_270 = tpu.vector_load %arg17[%get3A_269] {strides = array<i32>} : memref<112xi32, #tpu.memory_space<vmem>>, vector<16xi32>,
        %swap3A_271 = arith.index_cast %add3A_259 : i32 to index
        %swap3A_272 = tpu.vector_load %arg27[%swap3A_271] masked %gt3A_264 {strides = array<i32>} : memref<352xi32, #tpu.memory_space<vmem>>, vector<16xi32>, vector<16xi1>
        tpu.vector_store %arg27[%swap3A_271], %get3A_270 masked %gt3A_264 {strides = array<i32>} : memref<352xi32, #tpu.memory_space<vmem>>, vector<16xi32>, vector<16xi1>
        %reduce_sum3A_273 = arith.constant true
        %reduce_sum3A_274 = vector.broadcast %reduce_sum3A_273 : i1 to vector<16xi1>
        %reduce_sum3A_275 = tpu.scan <sum>, %get3A_261 masked %reduce_sum3A_274 : vector<16xi32>, vector<16xi1> -> vector<16xi32>
        %reduce_sum3A_276 = vector.extract %reduce_sum3A_275[15] : i32 from vector<16xi32>
        %add3A_277 = arith.addi %add3A_259, %reduce_sum3A_276 : i32
        %get3A_278 = arith.constant 80 : index
        %get3A_279 = tpu.vector_load %arg20[%get3A_278] {strides = array<i32>} : memref<112xi32, #tpu.memory_space<vmem>>, vector<16xi32>,
        %gt3A_280 = arith.constant 0 : i32
        %gt3A_281 = vector.broadcast %gt3A_280 : i32 to vector<16xi32>
        %gt3A_282 = arith.cmpi sgt, %get3A_279, %gt3A_281 : vector<16xi32>
        %get3A_283 = arith.constant 80 : index
        %get3A_284 = tpu.vector_load %arg14[%get3A_283] {strides = array<i32>} : memref<112xi32, #tpu.memory_space<vmem>>, vector<16xi32>,
        %swap3A_285 = arith.index_cast %add3A_277 : i32 to index
        %swap3A_286 = tpu.vector_load %arg26[%swap3A_285] masked %gt3A_282 {strides = array<i32>} : memref<352xi32, #tpu.memory_space<vmem>>, vector<16xi32>, vector<16xi1>
        tpu.vector_store %arg26[%swap3A_285], %get3A_284 masked %gt3A_282 {strides = array<i32>} : memref<352xi32, #tpu.memory_space<vmem>>, vector<16xi32>, vector<16xi1>
        %get3A_287 = arith.constant 80 : index
        %get3A_288 = tpu.vector_load %arg17[%get3A_287] {strides = array<i32>} : memref<112xi32, #tpu.memory_space<vmem>>, vector<16xi32>,
        %swap3A_289 = arith.index_cast %add3A_277 : i32 to index
        %swap3A_290 = tpu.vector_load %arg27[%swap3A_289] masked %gt3A_282 {strides = array<i32>} : memref<352xi32, #tpu.memory_space<vmem>>, vector<16xi32>, vector<16xi1>
        tpu.vector_store %arg27[%swap3A_289], %get3A_288 masked %gt3A_282 {strides = array<i32>} : memref<352xi32, #tpu.memory_space<vmem>>, vector<16xi32>, vector<16xi1>
        %reduce_sum3A_291 = arith.constant true
        %reduce_sum3A_292 = vector.broadcast %reduce_sum3A_291 : i1 to vector<16xi1>
        %reduce_sum3A_293 = tpu.scan <sum>, %get3A_279 masked %reduce_sum3A_292 : vector<16xi32>, vector<16xi1> -> vector<16xi32>
        %reduce_sum3A_294 = vector.extract %reduce_sum3A_293[15] : i32 from vector<16xi32>
        %add3A_295 = arith.addi %add3A_277, %reduce_sum3A_294 : i32
        %get3A_296 = arith.constant 96 : index
        %get3A_297 = tpu.vector_load %arg20[%get3A_296] {strides = array<i32>} : memref<112xi32, #tpu.memory_space<vmem>>, vector<16xi32>,
        %gt3A_298 = arith.constant 0 : i32
        %gt3A_299 = vector.broadcast %gt3A_298 : i32 to vector<16xi32>
        %gt3A_300 = arith.cmpi sgt, %get3A_297, %gt3A_299 : vector<16xi32>
        %get3A_301 = arith.constant 96 : index
        %get3A_302 = tpu.vector_load %arg14[%get3A_301] {strides = array<i32>} : memref<112xi32, #tpu.memory_space<vmem>>, vector<16xi32>,
        %swap3A_303 = arith.index_cast %add3A_295 : i32 to index
        %swap3A_304 = tpu.vector_load %arg26[%swap3A_303] masked %gt3A_300 {strides = array<i32>} : memref<352xi32, #tpu.memory_space<vmem>>, vector<16xi32>, vector<16xi1>
        tpu.vector_store %arg26[%swap3A_303], %get3A_302 masked %gt3A_300 {strides = array<i32>} : memref<352xi32, #tpu.memory_space<vmem>>, vector<16xi32>, vector<16xi1>
        %get3A_305 = arith.constant 96 : index
        %get3A_306 = tpu.vector_load %arg17[%get3A_305] {strides = array<i32>} : memref<112xi32, #tpu.memory_space<vmem>>, vector<16xi32>,
        %swap3A_307 = arith.index_cast %add3A_295 : i32 to index
        %swap3A_308 = tpu.vector_load %arg27[%swap3A_307] masked %gt3A_300 {strides = array<i32>} : memref<352xi32, #tpu.memory_space<vmem>>, vector<16xi32>, vector<16xi1>
        tpu.vector_store %arg27[%swap3A_307], %get3A_306 masked %gt3A_300 {strides = array<i32>} : memref<352xi32, #tpu.memory_space<vmem>>, vector<16xi32>, vector<16xi1>
        %reduce_sum3A_309 = arith.constant true
        %reduce_sum3A_310 = vector.broadcast %reduce_sum3A_309 : i1 to vector<16xi1>
        %reduce_sum3A_311 = tpu.scan <sum>, %get3A_297 masked %reduce_sum3A_310 : vector<16xi32>, vector<16xi1> -> vector<16xi32>
        %reduce_sum3A_312 = vector.extract %reduce_sum3A_311[15] : i32 from vector<16xi32>
        %add3A_313 = arith.addi %add3A_295, %reduce_sum3A_312 : i32
        %add3A_314 = arith.constant 3 : i32
        %add3A_315 = arith.addi %add3A_181, %add3A_314 : i32
        %lt3A_316 = arith.constant 180 : i32
        %lt3A_317 = arith.cmpi slt, %add3A_315, %lt3A_316 : i32
        %convert_element_type3A_318 = arith.extui %lt3A_317 : i1 to i32
        %cond3A_319 = arith.constant 0 : i32
        %cond3A_320 = arith.cmpi ne, %convert_element_type3A_318, %cond3A_319 : i32
        scf.if %cond3A_320 {
          %add3A_615 = arith.constant 3 : i32
          %add3A_616 = arith.addi %add3A_181, %add3A_615 : i32
          %mul3A_617 = arith.constant 112 : i32
          %mul3A_618 = arith.muli %add3A_616, %mul3A_617 : i32
          %add3A_619 = arith.addi %mul3A_7, %mul3A_618 : i32
          %dma_start3A_620 = tpu.memref_slice %arg4[%add3A_619] : memref<322560xi32, #tpu.memory_space<hbm>> -> memref<112xi32, #tpu.memory_space<hbm>>
          %dma_start3A_621 = tpu.memref_slice %arg4[%add3A_619] : memref<322560xi32, #tpu.memory_space<hbm>> -> memref<112xi32, #tpu.memory_space<hbm>>
          tpu.enqueue_dma source(%dma_start3A_621 : memref<112xi32, #tpu.memory_space<hbm>>) target(%arg14 : memref<112xi32, #tpu.memory_space<vmem>>) target_semaphore(%arg30 : memref<!tpu.dma_semaphore, #tpu.memory_space<semaphore_mem>>)
          %mul3A_622 = arith.constant 112 : i32
          %mul3A_623 = arith.muli %add3A_616, %mul3A_622 : i32
          %add3A_624 = arith.addi %mul3A_7, %mul3A_623 : i32
          %dma_start3A_625 = tpu.memref_slice %arg5[%add3A_624] : memref<322560xi32, #tpu.memory_space<hbm>> -> memref<112xi32, #tpu.memory_space<hbm>>
          %dma_start3A_626 = tpu.memref_slice %arg5[%add3A_624] : memref<322560xi32, #tpu.memory_space<hbm>> -> memref<112xi32, #tpu.memory_space<hbm>>
          tpu.enqueue_dma source(%dma_start3A_626 : memref<112xi32, #tpu.memory_space<hbm>>) target(%arg17 : memref<112xi32, #tpu.memory_space<vmem>>) target_semaphore(%arg33 : memref<!tpu.dma_semaphore, #tpu.memory_space<semaphore_mem>>)
          %mul3A_627 = arith.constant 112 : i32
          %mul3A_628 = arith.muli %add3A_616, %mul3A_627 : i32
          %add3A_629 = arith.addi %mul3A_7, %mul3A_628 : i32
          %dma_start3A_630 = tpu.memref_slice %arg8[%add3A_629] : memref<322560xi32, #tpu.memory_space<hbm>> -> memref<112xi32, #tpu.memory_space<hbm>>
          %dma_start3A_631 = tpu.memref_slice %arg8[%add3A_629] : memref<322560xi32, #tpu.memory_space<hbm>> -> memref<112xi32, #tpu.memory_space<hbm>>
          tpu.enqueue_dma source(%dma_start3A_631 : memref<112xi32, #tpu.memory_space<hbm>>) target(%arg20 : memref<112xi32, #tpu.memory_space<vmem>>) target_semaphore(%arg36 : memref<!tpu.dma_semaphore, #tpu.memory_space<semaphore_mem>>)
        } else {
        }
        %mul3A_321 = arith.constant 3 : i32
        %mul3A_322 = arith.muli %scan3A_176, %mul3A_321 : i32
        %add3A_323 = arith.constant 1 : i32
        %add3A_324 = arith.addi %mul3A_322, %add3A_323 : i32
        %add3A_325 = arith.constant 2 : i32
        %add3A_326 = arith.addi %add3A_324, %add3A_325 : i32
        %lt3A_327 = arith.constant 180 : i32
        %lt3A_328 = arith.cmpi slt, %add3A_326, %lt3A_327 : i32
        %convert_element_type3A_329 = arith.extui %lt3A_328 : i1 to i32
        %cond3A_330 = arith.constant 0 : i32
        %cond3A_331 = arith.cmpi ne, %convert_element_type3A_329, %cond3A_330 : i32
        scf.if %cond3A_331 {
          %dma_wait3A_615 = arith.constant 0 : i32
          %dma_wait3A_616 = tpu.memref_slice %arg4[%dma_wait3A_615] : memref<322560xi32, #tpu.memory_space<hbm>> -> memref<112xi32, #tpu.memory_space<hbm>>
          %dma_wait3A_617 = arith.constant 0 : i32
          %dma_wait3A_618 = tpu.memref_slice %arg4[%dma_wait3A_617] : memref<322560xi32, #tpu.memory_space<hbm>> -> memref<112xi32, #tpu.memory_space<hbm>>
          tpu.wait_dma2 semaphore(%arg30 : memref<!tpu.dma_semaphore, #tpu.memory_space<semaphore_mem>>) src(%dma_wait3A_618 : memref<112xi32, #tpu.memory_space<hbm>>) dst(%arg14 : memref<112xi32, #tpu.memory_space<vmem>>)
          %dma_wait3A_619 = arith.constant 0 : i32
          %dma_wait3A_620 = tpu.memref_slice %arg5[%dma_wait3A_619] : memref<322560xi32, #tpu.memory_space<hbm>> -> memref<112xi32, #tpu.memory_space<hbm>>
          %dma_wait3A_621 = arith.constant 0 : i32
          %dma_wait3A_622 = tpu.memref_slice %arg5[%dma_wait3A_621] : memref<322560xi32, #tpu.memory_space<hbm>> -> memref<112xi32, #tpu.memory_space<hbm>>
          tpu.wait_dma2 semaphore(%arg33 : memref<!tpu.dma_semaphore, #tpu.memory_space<semaphore_mem>>) src(%dma_wait3A_622 : memref<112xi32, #tpu.memory_space<hbm>>) dst(%arg17 : memref<112xi32, #tpu.memory_space<vmem>>)
          %dma_wait3A_623 = arith.constant 0 : i32
          %dma_wait3A_624 = tpu.memref_slice %arg8[%dma_wait3A_623] : memref<322560xi32, #tpu.memory_space<hbm>> -> memref<112xi32, #tpu.memory_space<hbm>>
          %dma_wait3A_625 = arith.constant 0 : i32
          %dma_wait3A_626 = tpu.memref_slice %arg8[%dma_wait3A_625] : memref<322560xi32, #tpu.memory_space<hbm>> -> memref<112xi32, #tpu.memory_space<hbm>>
          tpu.wait_dma2 semaphore(%arg36 : memref<!tpu.dma_semaphore, #tpu.memory_space<semaphore_mem>>) src(%dma_wait3A_626 : memref<112xi32, #tpu.memory_space<hbm>>) dst(%arg20 : memref<112xi32, #tpu.memory_space<vmem>>)
          %dma_start3A_627 = arith.constant 0 : i32
          %dma_start3A_628 = arith.constant 0 : i32
          %dma_start3A_629 = tpu.memref_slice %arg2[%dma_start3A_627, %dma_start3A_628] : memref<10000x128xf32, #tpu.memory_space<hbm>> -> memref<10000x128xf32, #tpu.memory_space<hbm>>
          tpu.enqueue_indirect_dma source(%dma_start3A_629 : memref<10000x128xf32, #tpu.memory_space<hbm>>) target(%arg23 : memref<112x128xf32, #tpu.memory_space<vmem>>) offsets(%arg14 : memref<112xi32, #tpu.memory_space<vmem>>) semaphore(%arg39 : memref<!tpu.dma_semaphore, #tpu.memory_space<semaphore_mem>>)
        } else {
        }
        %dma_wait3A_332 = arith.constant 0 : i32
        %dma_wait3A_333 = arith.constant 0 : i32
        %dma_wait3A_334 = tpu.memref_slice %arg2[%dma_wait3A_332, %dma_wait3A_333] : memref<10000x128xf32, #tpu.memory_space<hbm>> -> memref<10000x128xf32, #tpu.memory_space<hbm>>
        tpu.wait_indirect_dma semaphore(%arg40 : memref<!tpu.dma_semaphore, #tpu.memory_space<semaphore_mem>>) src(%dma_wait3A_334 : memref<10000x128xf32, #tpu.memory_space<hbm>>) dst(%arg24 : memref<112x128xf32, #tpu.memory_space<vmem>>)
        "tpu.region"() ({
          %run_scoped3A_615 = tpu.sem_alloc : memref<!tpu.dma_semaphore, #tpu.memory_space<semaphore_mem>>
          %dma_start3A_616 = arith.constant 0 : i32
          %dma_start3A_617 = arith.constant 0 : i32
          %dma_start3A_618 = tpu.memref_slice %arg29[%dma_start3A_616, %dma_start3A_617] : memref<10016x128xf32, #tpu.memory_space<vmem_shared>> -> memref<10016x128xf32, #tpu.memory_space<vmem_shared>>
          tpu.enqueue_indirect_dma source(%arg24 : memref<112x128xf32, #tpu.memory_space<vmem>>) target(%dma_start3A_618 : memref<10016x128xf32, #tpu.memory_space<vmem_shared>>) offsets(%arg18 : memref<112xi32, #tpu.memory_space<vmem>>) semaphore(%run_scoped3A_615 : memref<!tpu.dma_semaphore, #tpu.memory_space<semaphore_mem>>) {add = true}
          %dma_wait3A_619 = arith.constant 0 : i32
          %dma_wait3A_620 = arith.constant 0 : i32
          %dma_wait3A_621 = tpu.memref_slice %arg29[%dma_wait3A_619, %dma_wait3A_620] : memref<10016x128xf32, #tpu.memory_space<vmem_shared>> -> memref<10016x128xf32, #tpu.memory_space<vmem_shared>>
          tpu.wait_indirect_dma semaphore(%run_scoped3A_615 : memref<!tpu.dma_semaphore, #tpu.memory_space<semaphore_mem>>) src(%arg24 : memref<112x128xf32, #tpu.memory_space<vmem>>) dst(%dma_wait3A_621 : memref<10016x128xf32, #tpu.memory_space<vmem_shared>>)
          tpu.yield
        }) : () -> ()
        %get3A_335 = arith.constant 0 : index
        %get3A_336 = tpu.vector_load %arg21[%get3A_335] {strides = array<i32>} : memref<112xi32, #tpu.memory_space<vmem>>, vector<16xi32>,
        %gt3A_337 = arith.constant 0 : i32
        %gt3A_338 = vector.broadcast %gt3A_337 : i32 to vector<16xi32>
        %gt3A_339 = arith.cmpi sgt, %get3A_336, %gt3A_338 : vector<16xi32>
        %get3A_340 = arith.constant 0 : index
        %get3A_341 = tpu.vector_load %arg15[%get3A_340] {strides = array<i32>} : memref<112xi32, #tpu.memory_space<vmem>>, vector<16xi32>,
        %swap3A_342 = arith.index_cast %add3A_313 : i32 to index
        %swap3A_343 = tpu.vector_load %arg26[%swap3A_342] masked %gt3A_339 {strides = array<i32>} : memref<352xi32, #tpu.memory_space<vmem>>, vector<16xi32>, vector<16xi1>
        tpu.vector_store %arg26[%swap3A_342], %get3A_341 masked %gt3A_339 {strides = array<i32>} : memref<352xi32, #tpu.memory_space<vmem>>, vector<16xi32>, vector<16xi1>
        %get3A_344 = arith.constant 0 : index
        %get3A_345 = tpu.vector_load %arg18[%get3A_344] {strides = array<i32>} : memref<112xi32, #tpu.memory_space<vmem>>, vector<16xi32>,
        %swap3A_346 = arith.index_cast %add3A_313 : i32 to index
        %swap3A_347 = tpu.vector_load %arg27[%swap3A_346] masked %gt3A_339 {strides = array<i32>} : memref<352xi32, #tpu.memory_space<vmem>>, vector<16xi32>, vector<16xi1>
        tpu.vector_store %arg27[%swap3A_346], %get3A_345 masked %gt3A_339 {strides = array<i32>} : memref<352xi32, #tpu.memory_space<vmem>>, vector<16xi32>, vector<16xi1>
        %reduce_sum3A_348 = arith.constant true
        %reduce_sum3A_349 = vector.broadcast %reduce_sum3A_348 : i1 to vector<16xi1>
        %reduce_sum3A_350 = tpu.scan <sum>, %get3A_336 masked %reduce_sum3A_349 : vector<16xi32>, vector<16xi1> -> vector<16xi32>
        %reduce_sum3A_351 = vector.extract %reduce_sum3A_350[15] : i32 from vector<16xi32>
        %add3A_352 = arith.addi %add3A_313, %reduce_sum3A_351 : i32
        %get3A_353 = arith.constant 16 : index
        %get3A_354 = tpu.vector_load %arg21[%get3A_353] {strides = array<i32>} : memref<112xi32, #tpu.memory_space<vmem>>, vector<16xi32>,
        %gt3A_355 = arith.constant 0 : i32
        %gt3A_356 = vector.broadcast %gt3A_355 : i32 to vector<16xi32>
        %gt3A_357 = arith.cmpi sgt, %get3A_354, %gt3A_356 : vector<16xi32>
        %get3A_358 = arith.constant 16 : index
        %get3A_359 = tpu.vector_load %arg15[%get3A_358] {strides = array<i32>} : memref<112xi32, #tpu.memory_space<vmem>>, vector<16xi32>,
        %swap3A_360 = arith.index_cast %add3A_352 : i32 to index
        %swap3A_361 = tpu.vector_load %arg26[%swap3A_360] masked %gt3A_357 {strides = array<i32>} : memref<352xi32, #tpu.memory_space<vmem>>, vector<16xi32>, vector<16xi1>
        tpu.vector_store %arg26[%swap3A_360], %get3A_359 masked %gt3A_357 {strides = array<i32>} : memref<352xi32, #tpu.memory_space<vmem>>, vector<16xi32>, vector<16xi1>
        %get3A_362 = arith.constant 16 : index
        %get3A_363 = tpu.vector_load %arg18[%get3A_362] {strides = array<i32>} : memref<112xi32, #tpu.memory_space<vmem>>, vector<16xi32>,
        %swap3A_364 = arith.index_cast %add3A_352 : i32 to index
        %swap3A_365 = tpu.vector_load %arg27[%swap3A_364] masked %gt3A_357 {strides = array<i32>} : memref<352xi32, #tpu.memory_space<vmem>>, vector<16xi32>, vector<16xi1>
        tpu.vector_store %arg27[%swap3A_364], %get3A_363 masked %gt3A_357 {strides = array<i32>} : memref<352xi32, #tpu.memory_space<vmem>>, vector<16xi32>, vector<16xi1>
        %reduce_sum3A_366 = arith.constant true
        %reduce_sum3A_367 = vector.broadcast %reduce_sum3A_366 : i1 to vector<16xi1>
        %reduce_sum3A_368 = tpu.scan <sum>, %get3A_354 masked %reduce_sum3A_367 : vector<16xi32>, vector<16xi1> -> vector<16xi32>
        %reduce_sum3A_369 = vector.extract %reduce_sum3A_368[15] : i32 from vector<16xi32>
        %add3A_370 = arith.addi %add3A_352, %reduce_sum3A_369 : i32
        %get3A_371 = arith.constant 32 : index
        %get3A_372 = tpu.vector_load %arg21[%get3A_371] {strides = array<i32>} : memref<112xi32, #tpu.memory_space<vmem>>, vector<16xi32>,
        %gt3A_373 = arith.constant 0 : i32
        %gt3A_374 = vector.broadcast %gt3A_373 : i32 to vector<16xi32>
        %gt3A_375 = arith.cmpi sgt, %get3A_372, %gt3A_374 : vector<16xi32>
        %get3A_376 = arith.constant 32 : index
        %get3A_377 = tpu.vector_load %arg15[%get3A_376] {strides = array<i32>} : memref<112xi32, #tpu.memory_space<vmem>>, vector<16xi32>,
        %swap3A_378 = arith.index_cast %add3A_370 : i32 to index
        %swap3A_379 = tpu.vector_load %arg26[%swap3A_378] masked %gt3A_375 {strides = array<i32>} : memref<352xi32, #tpu.memory_space<vmem>>, vector<16xi32>, vector<16xi1>
        tpu.vector_store %arg26[%swap3A_378], %get3A_377 masked %gt3A_375 {strides = array<i32>} : memref<352xi32, #tpu.memory_space<vmem>>, vector<16xi32>, vector<16xi1>
        %get3A_380 = arith.constant 32 : index
        %get3A_381 = tpu.vector_load %arg18[%get3A_380] {strides = array<i32>} : memref<112xi32, #tpu.memory_space<vmem>>, vector<16xi32>,
        %swap3A_382 = arith.index_cast %add3A_370 : i32 to index
        %swap3A_383 = tpu.vector_load %arg27[%swap3A_382] masked %gt3A_375 {strides = array<i32>} : memref<352xi32, #tpu.memory_space<vmem>>, vector<16xi32>, vector<16xi1>
        tpu.vector_store %arg27[%swap3A_382], %get3A_381 masked %gt3A_375 {strides = array<i32>} : memref<352xi32, #tpu.memory_space<vmem>>, vector<16xi32>, vector<16xi1>
        %reduce_sum3A_384 = arith.constant true
        %reduce_sum3A_385 = vector.broadcast %reduce_sum3A_384 : i1 to vector<16xi1>
        %reduce_sum3A_386 = tpu.scan <sum>, %get3A_372 masked %reduce_sum3A_385 : vector<16xi32>, vector<16xi1> -> vector<16xi32>
        %reduce_sum3A_387 = vector.extract %reduce_sum3A_386[15] : i32 from vector<16xi32>
        %add3A_388 = arith.addi %add3A_370, %reduce_sum3A_387 : i32
        %get3A_389 = arith.constant 48 : index
        %get3A_390 = tpu.vector_load %arg21[%get3A_389] {strides = array<i32>} : memref<112xi32, #tpu.memory_space<vmem>>, vector<16xi32>,
        %gt3A_391 = arith.constant 0 : i32
        %gt3A_392 = vector.broadcast %gt3A_391 : i32 to vector<16xi32>
        %gt3A_393 = arith.cmpi sgt, %get3A_390, %gt3A_392 : vector<16xi32>
        %get3A_394 = arith.constant 48 : index
        %get3A_395 = tpu.vector_load %arg15[%get3A_394] {strides = array<i32>} : memref<112xi32, #tpu.memory_space<vmem>>, vector<16xi32>,
        %swap3A_396 = arith.index_cast %add3A_388 : i32 to index
        %swap3A_397 = tpu.vector_load %arg26[%swap3A_396] masked %gt3A_393 {strides = array<i32>} : memref<352xi32, #tpu.memory_space<vmem>>, vector<16xi32>, vector<16xi1>
        tpu.vector_store %arg26[%swap3A_396], %get3A_395 masked %gt3A_393 {strides = array<i32>} : memref<352xi32, #tpu.memory_space<vmem>>, vector<16xi32>, vector<16xi1>
        %get3A_398 = arith.constant 48 : index
        %get3A_399 = tpu.vector_load %arg18[%get3A_398] {strides = array<i32>} : memref<112xi32, #tpu.memory_space<vmem>>, vector<16xi32>,
        %swap3A_400 = arith.index_cast %add3A_388 : i32 to index
        %swap3A_401 = tpu.vector_load %arg27[%swap3A_400] masked %gt3A_393 {strides = array<i32>} : memref<352xi32, #tpu.memory_space<vmem>>, vector<16xi32>, vector<16xi1>
        tpu.vector_store %arg27[%swap3A_400], %get3A_399 masked %gt3A_393 {strides = array<i32>} : memref<352xi32, #tpu.memory_space<vmem>>, vector<16xi32>, vector<16xi1>
        %reduce_sum3A_402 = arith.constant true
        %reduce_sum3A_403 = vector.broadcast %reduce_sum3A_402 : i1 to vector<16xi1>
        %reduce_sum3A_404 = tpu.scan <sum>, %get3A_390 masked %reduce_sum3A_403 : vector<16xi32>, vector<16xi1> -> vector<16xi32>
        %reduce_sum3A_405 = vector.extract %reduce_sum3A_404[15] : i32 from vector<16xi32>
        %add3A_406 = arith.addi %add3A_388, %reduce_sum3A_405 : i32
        %get3A_407 = arith.constant 64 : index
        %get3A_408 = tpu.vector_load %arg21[%get3A_407] {strides = array<i32>} : memref<112xi32, #tpu.memory_space<vmem>>, vector<16xi32>,
        %gt3A_409 = arith.constant 0 : i32
        %gt3A_410 = vector.broadcast %gt3A_409 : i32 to vector<16xi32>
        %gt3A_411 = arith.cmpi sgt, %get3A_408, %gt3A_410 : vector<16xi32>
        %get3A_412 = arith.constant 64 : index
        %get3A_413 = tpu.vector_load %arg15[%get3A_412] {strides = array<i32>} : memref<112xi32, #tpu.memory_space<vmem>>, vector<16xi32>,
        %swap3A_414 = arith.index_cast %add3A_406 : i32 to index
        %swap3A_415 = tpu.vector_load %arg26[%swap3A_414] masked %gt3A_411 {strides = array<i32>} : memref<352xi32, #tpu.memory_space<vmem>>, vector<16xi32>, vector<16xi1>
        tpu.vector_store %arg26[%swap3A_414], %get3A_413 masked %gt3A_411 {strides = array<i32>} : memref<352xi32, #tpu.memory_space<vmem>>, vector<16xi32>, vector<16xi1>
        %get3A_416 = arith.constant 64 : index
        %get3A_417 = tpu.vector_load %arg18[%get3A_416] {strides = array<i32>} : memref<112xi32, #tpu.memory_space<vmem>>, vector<16xi32>,
        %swap3A_418 = arith.index_cast %add3A_406 : i32 to index
        %swap3A_419 = tpu.vector_load %arg27[%swap3A_418] masked %gt3A_411 {strides = array<i32>} : memref<352xi32, #tpu.memory_space<vmem>>, vector<16xi32>, vector<16xi1>
        tpu.vector_store %arg27[%swap3A_418], %get3A_417 masked %gt3A_411 {strides = array<i32>} : memref<352xi32, #tpu.memory_space<vmem>>, vector<16xi32>, vector<16xi1>
        %reduce_sum3A_420 = arith.constant true
        %reduce_sum3A_421 = vector.broadcast %reduce_sum3A_420 : i1 to vector<16xi1>
        %reduce_sum3A_422 = tpu.scan <sum>, %get3A_408 masked %reduce_sum3A_421 : vector<16xi32>, vector<16xi1> -> vector<16xi32>
        %reduce_sum3A_423 = vector.extract %reduce_sum3A_422[15] : i32 from vector<16xi32>
        %add3A_424 = arith.addi %add3A_406, %reduce_sum3A_423 : i32
        %get3A_425 = arith.constant 80 : index
        %get3A_426 = tpu.vector_load %arg21[%get3A_425] {strides = array<i32>} : memref<112xi32, #tpu.memory_space<vmem>>, vector<16xi32>,
        %gt3A_427 = arith.constant 0 : i32
        %gt3A_428 = vector.broadcast %gt3A_427 : i32 to vector<16xi32>
        %gt3A_429 = arith.cmpi sgt, %get3A_426, %gt3A_428 : vector<16xi32>
        %get3A_430 = arith.constant 80 : index
        %get3A_431 = tpu.vector_load %arg15[%get3A_430] {strides = array<i32>} : memref<112xi32, #tpu.memory_space<vmem>>, vector<16xi32>,
        %swap3A_432 = arith.index_cast %add3A_424 : i32 to index
        %swap3A_433 = tpu.vector_load %arg26[%swap3A_432] masked %gt3A_429 {strides = array<i32>} : memref<352xi32, #tpu.memory_space<vmem>>, vector<16xi32>, vector<16xi1>
        tpu.vector_store %arg26[%swap3A_432], %get3A_431 masked %gt3A_429 {strides = array<i32>} : memref<352xi32, #tpu.memory_space<vmem>>, vector<16xi32>, vector<16xi1>
        %get3A_434 = arith.constant 80 : index
        %get3A_435 = tpu.vector_load %arg18[%get3A_434] {strides = array<i32>} : memref<112xi32, #tpu.memory_space<vmem>>, vector<16xi32>,
        %swap3A_436 = arith.index_cast %add3A_424 : i32 to index
        %swap3A_437 = tpu.vector_load %arg27[%swap3A_436] masked %gt3A_429 {strides = array<i32>} : memref<352xi32, #tpu.memory_space<vmem>>, vector<16xi32>, vector<16xi1>
        tpu.vector_store %arg27[%swap3A_436], %get3A_435 masked %gt3A_429 {strides = array<i32>} : memref<352xi32, #tpu.memory_space<vmem>>, vector<16xi32>, vector<16xi1>
        %reduce_sum3A_438 = arith.constant true
        %reduce_sum3A_439 = vector.broadcast %reduce_sum3A_438 : i1 to vector<16xi1>
        %reduce_sum3A_440 = tpu.scan <sum>, %get3A_426 masked %reduce_sum3A_439 : vector<16xi32>, vector<16xi1> -> vector<16xi32>
        %reduce_sum3A_441 = vector.extract %reduce_sum3A_440[15] : i32 from vector<16xi32>
        %add3A_442 = arith.addi %add3A_424, %reduce_sum3A_441 : i32
        %get3A_443 = arith.constant 96 : index
        %get3A_444 = tpu.vector_load %arg21[%get3A_443] {strides = array<i32>} : memref<112xi32, #tpu.memory_space<vmem>>, vector<16xi32>,
        %gt3A_445 = arith.constant 0 : i32
        %gt3A_446 = vector.broadcast %gt3A_445 : i32 to vector<16xi32>
        %gt3A_447 = arith.cmpi sgt, %get3A_444, %gt3A_446 : vector<16xi32>
        %get3A_448 = arith.constant 96 : index
        %get3A_449 = tpu.vector_load %arg15[%get3A_448] {strides = array<i32>} : memref<112xi32, #tpu.memory_space<vmem>>, vector<16xi32>,
        %swap3A_450 = arith.index_cast %add3A_442 : i32 to index
        %swap3A_451 = tpu.vector_load %arg26[%swap3A_450] masked %gt3A_447 {strides = array<i32>} : memref<352xi32, #tpu.memory_space<vmem>>, vector<16xi32>, vector<16xi1>
        tpu.vector_store %arg26[%swap3A_450], %get3A_449 masked %gt3A_447 {strides = array<i32>} : memref<352xi32, #tpu.memory_space<vmem>>, vector<16xi32>, vector<16xi1>
        %get3A_452 = arith.constant 96 : index
        %get3A_453 = tpu.vector_load %arg18[%get3A_452] {strides = array<i32>} : memref<112xi32, #tpu.memory_space<vmem>>, vector<16xi32>,
        %swap3A_454 = arith.index_cast %add3A_442 : i32 to index
        %swap3A_455 = tpu.vector_load %arg27[%swap3A_454] masked %gt3A_447 {strides = array<i32>} : memref<352xi32, #tpu.memory_space<vmem>>, vector<16xi32>, vector<16xi1>
        tpu.vector_store %arg27[%swap3A_454], %get3A_453 masked %gt3A_447 {strides = array<i32>} : memref<352xi32, #tpu.memory_space<vmem>>, vector<16xi32>, vector<16xi1>
        %reduce_sum3A_456 = arith.constant true
        %reduce_sum3A_457 = vector.broadcast %reduce_sum3A_456 : i1 to vector<16xi1>
        %reduce_sum3A_458 = tpu.scan <sum>, %get3A_444 masked %reduce_sum3A_457 : vector<16xi32>, vector<16xi1> -> vector<16xi32>
        %reduce_sum3A_459 = vector.extract %reduce_sum3A_458[15] : i32 from vector<16xi32>
        %add3A_460 = arith.addi %add3A_442, %reduce_sum3A_459 : i32
        %add3A_461 = arith.constant 3 : i32
        %add3A_462 = arith.addi %add3A_324, %add3A_461 : i32
        %lt3A_463 = arith.constant 180 : i32
        %lt3A_464 = arith.cmpi slt, %add3A_462, %lt3A_463 : i32
        %convert_element_type3A_465 = arith.extui %lt3A_464 : i1 to i32
        %cond3A_466 = arith.constant 0 : i32
        %cond3A_467 = arith.cmpi ne, %convert_element_type3A_465, %cond3A_466 : i32
        scf.if %cond3A_467 {
          %add3A_615 = arith.constant 3 : i32
          %add3A_616 = arith.addi %add3A_324, %add3A_615 : i32
          %mul3A_617 = arith.constant 112 : i32
          %mul3A_618 = arith.muli %add3A_616, %mul3A_617 : i32
          %add3A_619 = arith.addi %mul3A_7, %mul3A_618 : i32
          %dma_start3A_620 = tpu.memref_slice %arg4[%add3A_619] : memref<322560xi32, #tpu.memory_space<hbm>> -> memref<112xi32, #tpu.memory_space<hbm>>
          %dma_start3A_621 = tpu.memref_slice %arg4[%add3A_619] : memref<322560xi32, #tpu.memory_space<hbm>> -> memref<112xi32, #tpu.memory_space<hbm>>
          tpu.enqueue_dma source(%dma_start3A_621 : memref<112xi32, #tpu.memory_space<hbm>>) target(%arg15 : memref<112xi32, #tpu.memory_space<vmem>>) target_semaphore(%arg31 : memref<!tpu.dma_semaphore, #tpu.memory_space<semaphore_mem>>)
          %mul3A_622 = arith.constant 112 : i32
          %mul3A_623 = arith.muli %add3A_616, %mul3A_622 : i32
          %add3A_624 = arith.addi %mul3A_7, %mul3A_623 : i32
          %dma_start3A_625 = tpu.memref_slice %arg5[%add3A_624] : memref<322560xi32, #tpu.memory_space<hbm>> -> memref<112xi32, #tpu.memory_space<hbm>>
          %dma_start3A_626 = tpu.memref_slice %arg5[%add3A_624] : memref<322560xi32, #tpu.memory_space<hbm>> -> memref<112xi32, #tpu.memory_space<hbm>>
          tpu.enqueue_dma source(%dma_start3A_626 : memref<112xi32, #tpu.memory_space<hbm>>) target(%arg18 : memref<112xi32, #tpu.memory_space<vmem>>) target_semaphore(%arg34 : memref<!tpu.dma_semaphore, #tpu.memory_space<semaphore_mem>>)
          %mul3A_627 = arith.constant 112 : i32
          %mul3A_628 = arith.muli %add3A_616, %mul3A_627 : i32
          %add3A_629 = arith.addi %mul3A_7, %mul3A_628 : i32
          %dma_start3A_630 = tpu.memref_slice %arg8[%add3A_629] : memref<322560xi32, #tpu.memory_space<hbm>> -> memref<112xi32, #tpu.memory_space<hbm>>
          %dma_start3A_631 = tpu.memref_slice %arg8[%add3A_629] : memref<322560xi32, #tpu.memory_space<hbm>> -> memref<112xi32, #tpu.memory_space<hbm>>
          tpu.enqueue_dma source(%dma_start3A_631 : memref<112xi32, #tpu.memory_space<hbm>>) target(%arg21 : memref<112xi32, #tpu.memory_space<vmem>>) target_semaphore(%arg37 : memref<!tpu.dma_semaphore, #tpu.memory_space<semaphore_mem>>)
        } else {
        }
        %mul3A_468 = arith.constant 3 : i32
        %mul3A_469 = arith.muli %scan3A_176, %mul3A_468 : i32
        %add3A_470 = arith.constant 2 : i32
        %add3A_471 = arith.addi %mul3A_469, %add3A_470 : i32
        %add3A_472 = arith.constant 2 : i32
        %add3A_473 = arith.addi %add3A_471, %add3A_472 : i32
        %lt3A_474 = arith.constant 180 : i32
        %lt3A_475 = arith.cmpi slt, %add3A_473, %lt3A_474 : i32
        %convert_element_type3A_476 = arith.extui %lt3A_475 : i1 to i32
        %cond3A_477 = arith.constant 0 : i32
        %cond3A_478 = arith.cmpi ne, %convert_element_type3A_476, %cond3A_477 : i32
        scf.if %cond3A_478 {
          %dma_wait3A_615 = arith.constant 0 : i32
          %dma_wait3A_616 = tpu.memref_slice %arg4[%dma_wait3A_615] : memref<322560xi32, #tpu.memory_space<hbm>> -> memref<112xi32, #tpu.memory_space<hbm>>
          %dma_wait3A_617 = arith.constant 0 : i32
          %dma_wait3A_618 = tpu.memref_slice %arg4[%dma_wait3A_617] : memref<322560xi32, #tpu.memory_space<hbm>> -> memref<112xi32, #tpu.memory_space<hbm>>
          tpu.wait_dma2 semaphore(%arg31 : memref<!tpu.dma_semaphore, #tpu.memory_space<semaphore_mem>>) src(%dma_wait3A_618 : memref<112xi32, #tpu.memory_space<hbm>>) dst(%arg15 : memref<112xi32, #tpu.memory_space<vmem>>)
          %dma_wait3A_619 = arith.constant 0 : i32
          %dma_wait3A_620 = tpu.memref_slice %arg5[%dma_wait3A_619] : memref<322560xi32, #tpu.memory_space<hbm>> -> memref<112xi32, #tpu.memory_space<hbm>>
          %dma_wait3A_621 = arith.constant 0 : i32
          %dma_wait3A_622 = tpu.memref_slice %arg5[%dma_wait3A_621] : memref<322560xi32, #tpu.memory_space<hbm>> -> memref<112xi32, #tpu.memory_space<hbm>>
          tpu.wait_dma2 semaphore(%arg34 : memref<!tpu.dma_semaphore, #tpu.memory_space<semaphore_mem>>) src(%dma_wait3A_622 : memref<112xi32, #tpu.memory_space<hbm>>) dst(%arg18 : memref<112xi32, #tpu.memory_space<vmem>>)
          %dma_wait3A_623 = arith.constant 0 : i32
          %dma_wait3A_624 = tpu.memref_slice %arg8[%dma_wait3A_623] : memref<322560xi32, #tpu.memory_space<hbm>> -> memref<112xi32, #tpu.memory_space<hbm>>
          %dma_wait3A_625 = arith.constant 0 : i32
          %dma_wait3A_626 = tpu.memref_slice %arg8[%dma_wait3A_625] : memref<322560xi32, #tpu.memory_space<hbm>> -> memref<112xi32, #tpu.memory_space<hbm>>
          tpu.wait_dma2 semaphore(%arg37 : memref<!tpu.dma_semaphore, #tpu.memory_space<semaphore_mem>>) src(%dma_wait3A_626 : memref<112xi32, #tpu.memory_space<hbm>>) dst(%arg21 : memref<112xi32, #tpu.memory_space<vmem>>)
          %dma_start3A_627 = arith.constant 0 : i32
          %dma_start3A_628 = arith.constant 0 : i32
          %dma_start3A_629 = tpu.memref_slice %arg2[%dma_start3A_627, %dma_start3A_628] : memref<10000x128xf32, #tpu.memory_space<hbm>> -> memref<10000x128xf32, #tpu.memory_space<hbm>>
          tpu.enqueue_indirect_dma source(%dma_start3A_629 : memref<10000x128xf32, #tpu.memory_space<hbm>>) target(%arg24 : memref<112x128xf32, #tpu.memory_space<vmem>>) offsets(%arg15 : memref<112xi32, #tpu.memory_space<vmem>>) semaphore(%arg40 : memref<!tpu.dma_semaphore, #tpu.memory_space<semaphore_mem>>)
        } else {
        }
        %dma_wait3A_479 = arith.constant 0 : i32
        %dma_wait3A_480 = arith.constant 0 : i32
        %dma_wait3A_481 = tpu.memref_slice %arg2[%dma_wait3A_479, %dma_wait3A_480] : memref<10000x128xf32, #tpu.memory_space<hbm>> -> memref<10000x128xf32, #tpu.memory_space<hbm>>
        tpu.wait_indirect_dma semaphore(%arg41 : memref<!tpu.dma_semaphore, #tpu.memory_space<semaphore_mem>>) src(%dma_wait3A_481 : memref<10000x128xf32, #tpu.memory_space<hbm>>) dst(%arg25 : memref<112x128xf32, #tpu.memory_space<vmem>>)
        "tpu.region"() ({
          %run_scoped3A_615 = tpu.sem_alloc : memref<!tpu.dma_semaphore, #tpu.memory_space<semaphore_mem>>
          %dma_start3A_616 = arith.constant 0 : i32
          %dma_start3A_617 = arith.constant 0 : i32
          %dma_start3A_618 = tpu.memref_slice %arg29[%dma_start3A_616, %dma_start3A_617] : memref<10016x128xf32, #tpu.memory_space<vmem_shared>> -> memref<10016x128xf32, #tpu.memory_space<vmem_shared>>
          tpu.enqueue_indirect_dma source(%arg25 : memref<112x128xf32, #tpu.memory_space<vmem>>) target(%dma_start3A_618 : memref<10016x128xf32, #tpu.memory_space<vmem_shared>>) offsets(%arg19 : memref<112xi32, #tpu.memory_space<vmem>>) semaphore(%run_scoped3A_615 : memref<!tpu.dma_semaphore, #tpu.memory_space<semaphore_mem>>) {add = true}
          %dma_wait3A_619 = arith.constant 0 : i32
          %dma_wait3A_620 = arith.constant 0 : i32
          %dma_wait3A_621 = tpu.memref_slice %arg29[%dma_wait3A_619, %dma_wait3A_620] : memref<10016x128xf32, #tpu.memory_space<vmem_shared>> -> memref<10016x128xf32, #tpu.memory_space<vmem_shared>>
          tpu.wait_indirect_dma semaphore(%run_scoped3A_615 : memref<!tpu.dma_semaphore, #tpu.memory_space<semaphore_mem>>) src(%arg25 : memref<112x128xf32, #tpu.memory_space<vmem>>) dst(%dma_wait3A_621 : memref<10016x128xf32, #tpu.memory_space<vmem_shared>>)
          tpu.yield
        }) : () -> ()
        %get3A_482 = arith.constant 0 : index
        %get3A_483 = tpu.vector_load %arg22[%get3A_482] {strides = array<i32>} : memref<112xi32, #tpu.memory_space<vmem>>, vector<16xi32>,
        %gt3A_484 = arith.constant 0 : i32
        %gt3A_485 = vector.broadcast %gt3A_484 : i32 to vector<16xi32>
        %gt3A_486 = arith.cmpi sgt, %get3A_483, %gt3A_485 : vector<16xi32>
        %get3A_487 = arith.constant 0 : index
        %get3A_488 = tpu.vector_load %arg16[%get3A_487] {strides = array<i32>} : memref<112xi32, #tpu.memory_space<vmem>>, vector<16xi32>,
        %swap3A_489 = arith.index_cast %add3A_460 : i32 to index
        %swap3A_490 = tpu.vector_load %arg26[%swap3A_489] masked %gt3A_486 {strides = array<i32>} : memref<352xi32, #tpu.memory_space<vmem>>, vector<16xi32>, vector<16xi1>
        tpu.vector_store %arg26[%swap3A_489], %get3A_488 masked %gt3A_486 {strides = array<i32>} : memref<352xi32, #tpu.memory_space<vmem>>, vector<16xi32>, vector<16xi1>
        %get3A_491 = arith.constant 0 : index
        %get3A_492 = tpu.vector_load %arg19[%get3A_491] {strides = array<i32>} : memref<112xi32, #tpu.memory_space<vmem>>, vector<16xi32>,
        %swap3A_493 = arith.index_cast %add3A_460 : i32 to index
        %swap3A_494 = tpu.vector_load %arg27[%swap3A_493] masked %gt3A_486 {strides = array<i32>} : memref<352xi32, #tpu.memory_space<vmem>>, vector<16xi32>, vector<16xi1>
        tpu.vector_store %arg27[%swap3A_493], %get3A_492 masked %gt3A_486 {strides = array<i32>} : memref<352xi32, #tpu.memory_space<vmem>>, vector<16xi32>, vector<16xi1>
        %reduce_sum3A_495 = arith.constant true
        %reduce_sum3A_496 = vector.broadcast %reduce_sum3A_495 : i1 to vector<16xi1>
        %reduce_sum3A_497 = tpu.scan <sum>, %get3A_483 masked %reduce_sum3A_496 : vector<16xi32>, vector<16xi1> -> vector<16xi32>
        %reduce_sum3A_498 = vector.extract %reduce_sum3A_497[15] : i32 from vector<16xi32>
        %add3A_499 = arith.addi %add3A_460, %reduce_sum3A_498 : i32
        %get3A_500 = arith.constant 16 : index
        %get3A_501 = tpu.vector_load %arg22[%get3A_500] {strides = array<i32>} : memref<112xi32, #tpu.memory_space<vmem>>, vector<16xi32>,
        %gt3A_502 = arith.constant 0 : i32
        %gt3A_503 = vector.broadcast %gt3A_502 : i32 to vector<16xi32>
        %gt3A_504 = arith.cmpi sgt, %get3A_501, %gt3A_503 : vector<16xi32>
        %get3A_505 = arith.constant 16 : index
        %get3A_506 = tpu.vector_load %arg16[%get3A_505] {strides = array<i32>} : memref<112xi32, #tpu.memory_space<vmem>>, vector<16xi32>,
        %swap3A_507 = arith.index_cast %add3A_499 : i32 to index
        %swap3A_508 = tpu.vector_load %arg26[%swap3A_507] masked %gt3A_504 {strides = array<i32>} : memref<352xi32, #tpu.memory_space<vmem>>, vector<16xi32>, vector<16xi1>
        tpu.vector_store %arg26[%swap3A_507], %get3A_506 masked %gt3A_504 {strides = array<i32>} : memref<352xi32, #tpu.memory_space<vmem>>, vector<16xi32>, vector<16xi1>
        %get3A_509 = arith.constant 16 : index
        %get3A_510 = tpu.vector_load %arg19[%get3A_509] {strides = array<i32>} : memref<112xi32, #tpu.memory_space<vmem>>, vector<16xi32>,
        %swap3A_511 = arith.index_cast %add3A_499 : i32 to index
        %swap3A_512 = tpu.vector_load %arg27[%swap3A_511] masked %gt3A_504 {strides = array<i32>} : memref<352xi32, #tpu.memory_space<vmem>>, vector<16xi32>, vector<16xi1>
        tpu.vector_store %arg27[%swap3A_511], %get3A_510 masked %gt3A_504 {strides = array<i32>} : memref<352xi32, #tpu.memory_space<vmem>>, vector<16xi32>, vector<16xi1>
        %reduce_sum3A_513 = arith.constant true
        %reduce_sum3A_514 = vector.broadcast %reduce_sum3A_513 : i1 to vector<16xi1>
        %reduce_sum3A_515 = tpu.scan <sum>, %get3A_501 masked %reduce_sum3A_514 : vector<16xi32>, vector<16xi1> -> vector<16xi32>
        %reduce_sum3A_516 = vector.extract %reduce_sum3A_515[15] : i32 from vector<16xi32>
        %add3A_517 = arith.addi %add3A_499, %reduce_sum3A_516 : i32
        %get3A_518 = arith.constant 32 : index
        %get3A_519 = tpu.vector_load %arg22[%get3A_518] {strides = array<i32>} : memref<112xi32, #tpu.memory_space<vmem>>, vector<16xi32>,
        %gt3A_520 = arith.constant 0 : i32
        %gt3A_521 = vector.broadcast %gt3A_520 : i32 to vector<16xi32>
        %gt3A_522 = arith.cmpi sgt, %get3A_519, %gt3A_521 : vector<16xi32>
        %get3A_523 = arith.constant 32 : index
        %get3A_524 = tpu.vector_load %arg16[%get3A_523] {strides = array<i32>} : memref<112xi32, #tpu.memory_space<vmem>>, vector<16xi32>,
        %swap3A_525 = arith.index_cast %add3A_517 : i32 to index
        %swap3A_526 = tpu.vector_load %arg26[%swap3A_525] masked %gt3A_522 {strides = array<i32>} : memref<352xi32, #tpu.memory_space<vmem>>, vector<16xi32>, vector<16xi1>
        tpu.vector_store %arg26[%swap3A_525], %get3A_524 masked %gt3A_522 {strides = array<i32>} : memref<352xi32, #tpu.memory_space<vmem>>, vector<16xi32>, vector<16xi1>
        %get3A_527 = arith.constant 32 : index
        %get3A_528 = tpu.vector_load %arg19[%get3A_527] {strides = array<i32>} : memref<112xi32, #tpu.memory_space<vmem>>, vector<16xi32>,
        %swap3A_529 = arith.index_cast %add3A_517 : i32 to index
        %swap3A_530 = tpu.vector_load %arg27[%swap3A_529] masked %gt3A_522 {strides = array<i32>} : memref<352xi32, #tpu.memory_space<vmem>>, vector<16xi32>, vector<16xi1>
        tpu.vector_store %arg27[%swap3A_529], %get3A_528 masked %gt3A_522 {strides = array<i32>} : memref<352xi32, #tpu.memory_space<vmem>>, vector<16xi32>, vector<16xi1>
        %reduce_sum3A_531 = arith.constant true
        %reduce_sum3A_532 = vector.broadcast %reduce_sum3A_531 : i1 to vector<16xi1>
        %reduce_sum3A_533 = tpu.scan <sum>, %get3A_519 masked %reduce_sum3A_532 : vector<16xi32>, vector<16xi1> -> vector<16xi32>
        %reduce_sum3A_534 = vector.extract %reduce_sum3A_533[15] : i32 from vector<16xi32>
        %add3A_535 = arith.addi %add3A_517, %reduce_sum3A_534 : i32
        %get3A_536 = arith.constant 48 : index
        %get3A_537 = tpu.vector_load %arg22[%get3A_536] {strides = array<i32>} : memref<112xi32, #tpu.memory_space<vmem>>, vector<16xi32>,
        %gt3A_538 = arith.constant 0 : i32
        %gt3A_539 = vector.broadcast %gt3A_538 : i32 to vector<16xi32>
        %gt3A_540 = arith.cmpi sgt, %get3A_537, %gt3A_539 : vector<16xi32>
        %get3A_541 = arith.constant 48 : index
        %get3A_542 = tpu.vector_load %arg16[%get3A_541] {strides = array<i32>} : memref<112xi32, #tpu.memory_space<vmem>>, vector<16xi32>,
        %swap3A_543 = arith.index_cast %add3A_535 : i32 to index
        %swap3A_544 = tpu.vector_load %arg26[%swap3A_543] masked %gt3A_540 {strides = array<i32>} : memref<352xi32, #tpu.memory_space<vmem>>, vector<16xi32>, vector<16xi1>
        tpu.vector_store %arg26[%swap3A_543], %get3A_542 masked %gt3A_540 {strides = array<i32>} : memref<352xi32, #tpu.memory_space<vmem>>, vector<16xi32>, vector<16xi1>
        %get3A_545 = arith.constant 48 : index
        %get3A_546 = tpu.vector_load %arg19[%get3A_545] {strides = array<i32>} : memref<112xi32, #tpu.memory_space<vmem>>, vector<16xi32>,
        %swap3A_547 = arith.index_cast %add3A_535 : i32 to index
        %swap3A_548 = tpu.vector_load %arg27[%swap3A_547] masked %gt3A_540 {strides = array<i32>} : memref<352xi32, #tpu.memory_space<vmem>>, vector<16xi32>, vector<16xi1>
        tpu.vector_store %arg27[%swap3A_547], %get3A_546 masked %gt3A_540 {strides = array<i32>} : memref<352xi32, #tpu.memory_space<vmem>>, vector<16xi32>, vector<16xi1>
        %reduce_sum3A_549 = arith.constant true
        %reduce_sum3A_550 = vector.broadcast %reduce_sum3A_549 : i1 to vector<16xi1>
        %reduce_sum3A_551 = tpu.scan <sum>, %get3A_537 masked %reduce_sum3A_550 : vector<16xi32>, vector<16xi1> -> vector<16xi32>
        %reduce_sum3A_552 = vector.extract %reduce_sum3A_551[15] : i32 from vector<16xi32>
        %add3A_553 = arith.addi %add3A_535, %reduce_sum3A_552 : i32
        %get3A_554 = arith.constant 64 : index
        %get3A_555 = tpu.vector_load %arg22[%get3A_554] {strides = array<i32>} : memref<112xi32, #tpu.memory_space<vmem>>, vector<16xi32>,
        %gt3A_556 = arith.constant 0 : i32
        %gt3A_557 = vector.broadcast %gt3A_556 : i32 to vector<16xi32>
        %gt3A_558 = arith.cmpi sgt, %get3A_555, %gt3A_557 : vector<16xi32>
        %get3A_559 = arith.constant 64 : index
        %get3A_560 = tpu.vector_load %arg16[%get3A_559] {strides = array<i32>} : memref<112xi32, #tpu.memory_space<vmem>>, vector<16xi32>,
        %swap3A_561 = arith.index_cast %add3A_553 : i32 to index
        %swap3A_562 = tpu.vector_load %arg26[%swap3A_561] masked %gt3A_558 {strides = array<i32>} : memref<352xi32, #tpu.memory_space<vmem>>, vector<16xi32>, vector<16xi1>
        tpu.vector_store %arg26[%swap3A_561], %get3A_560 masked %gt3A_558 {strides = array<i32>} : memref<352xi32, #tpu.memory_space<vmem>>, vector<16xi32>, vector<16xi1>
        %get3A_563 = arith.constant 64 : index
        %get3A_564 = tpu.vector_load %arg19[%get3A_563] {strides = array<i32>} : memref<112xi32, #tpu.memory_space<vmem>>, vector<16xi32>,
        %swap3A_565 = arith.index_cast %add3A_553 : i32 to index
        %swap3A_566 = tpu.vector_load %arg27[%swap3A_565] masked %gt3A_558 {strides = array<i32>} : memref<352xi32, #tpu.memory_space<vmem>>, vector<16xi32>, vector<16xi1>
        tpu.vector_store %arg27[%swap3A_565], %get3A_564 masked %gt3A_558 {strides = array<i32>} : memref<352xi32, #tpu.memory_space<vmem>>, vector<16xi32>, vector<16xi1>
        %reduce_sum3A_567 = arith.constant true
        %reduce_sum3A_568 = vector.broadcast %reduce_sum3A_567 : i1 to vector<16xi1>
        %reduce_sum3A_569 = tpu.scan <sum>, %get3A_555 masked %reduce_sum3A_568 : vector<16xi32>, vector<16xi1> -> vector<16xi32>
        %reduce_sum3A_570 = vector.extract %reduce_sum3A_569[15] : i32 from vector<16xi32>
        %add3A_571 = arith.addi %add3A_553, %reduce_sum3A_570 : i32
        %get3A_572 = arith.constant 80 : index
        %get3A_573 = tpu.vector_load %arg22[%get3A_572] {strides = array<i32>} : memref<112xi32, #tpu.memory_space<vmem>>, vector<16xi32>,
        %gt3A_574 = arith.constant 0 : i32
        %gt3A_575 = vector.broadcast %gt3A_574 : i32 to vector<16xi32>
        %gt3A_576 = arith.cmpi sgt, %get3A_573, %gt3A_575 : vector<16xi32>
        %get3A_577 = arith.constant 80 : index
        %get3A_578 = tpu.vector_load %arg16[%get3A_577] {strides = array<i32>} : memref<112xi32, #tpu.memory_space<vmem>>, vector<16xi32>,
        %swap3A_579 = arith.index_cast %add3A_571 : i32 to index
        %swap3A_580 = tpu.vector_load %arg26[%swap3A_579] masked %gt3A_576 {strides = array<i32>} : memref<352xi32, #tpu.memory_space<vmem>>, vector<16xi32>, vector<16xi1>
        tpu.vector_store %arg26[%swap3A_579], %get3A_578 masked %gt3A_576 {strides = array<i32>} : memref<352xi32, #tpu.memory_space<vmem>>, vector<16xi32>, vector<16xi1>
        %get3A_581 = arith.constant 80 : index
        %get3A_582 = tpu.vector_load %arg19[%get3A_581] {strides = array<i32>} : memref<112xi32, #tpu.memory_space<vmem>>, vector<16xi32>,
        %swap3A_583 = arith.index_cast %add3A_571 : i32 to index
        %swap3A_584 = tpu.vector_load %arg27[%swap3A_583] masked %gt3A_576 {strides = array<i32>} : memref<352xi32, #tpu.memory_space<vmem>>, vector<16xi32>, vector<16xi1>
        tpu.vector_store %arg27[%swap3A_583], %get3A_582 masked %gt3A_576 {strides = array<i32>} : memref<352xi32, #tpu.memory_space<vmem>>, vector<16xi32>, vector<16xi1>
        %reduce_sum3A_585 = arith.constant true
        %reduce_sum3A_586 = vector.broadcast %reduce_sum3A_585 : i1 to vector<16xi1>
        %reduce_sum3A_587 = tpu.scan <sum>, %get3A_573 masked %reduce_sum3A_586 : vector<16xi32>, vector<16xi1> -> vector<16xi32>
        %reduce_sum3A_588 = vector.extract %reduce_sum3A_587[15] : i32 from vector<16xi32>
        %add3A_589 = arith.addi %add3A_571, %reduce_sum3A_588 : i32
        %get3A_590 = arith.constant 96 : index
        %get3A_591 = tpu.vector_load %arg22[%get3A_590] {strides = array<i32>} : memref<112xi32, #tpu.memory_space<vmem>>, vector<16xi32>,
        %gt3A_592 = arith.constant 0 : i32
        %gt3A_593 = vector.broadcast %gt3A_592 : i32 to vector<16xi32>
        %gt3A_594 = arith.cmpi sgt, %get3A_591, %gt3A_593 : vector<16xi32>
        %get3A_595 = arith.constant 96 : index
        %get3A_596 = tpu.vector_load %arg16[%get3A_595] {strides = array<i32>} : memref<112xi32, #tpu.memory_space<vmem>>, vector<16xi32>,
        %swap3A_597 = arith.index_cast %add3A_589 : i32 to index
        %swap3A_598 = tpu.vector_load %arg26[%swap3A_597] masked %gt3A_594 {strides = array<i32>} : memref<352xi32, #tpu.memory_space<vmem>>, vector<16xi32>, vector<16xi1>
        tpu.vector_store %arg26[%swap3A_597], %get3A_596 masked %gt3A_594 {strides = array<i32>} : memref<352xi32, #tpu.memory_space<vmem>>, vector<16xi32>, vector<16xi1>
        %get3A_599 = arith.constant 96 : index
        %get3A_600 = tpu.vector_load %arg19[%get3A_599] {strides = array<i32>} : memref<112xi32, #tpu.memory_space<vmem>>, vector<16xi32>,
        %swap3A_601 = arith.index_cast %add3A_589 : i32 to index
        %swap3A_602 = tpu.vector_load %arg27[%swap3A_601] masked %gt3A_594 {strides = array<i32>} : memref<352xi32, #tpu.memory_space<vmem>>, vector<16xi32>, vector<16xi1>
        tpu.vector_store %arg27[%swap3A_601], %get3A_600 masked %gt3A_594 {strides = array<i32>} : memref<352xi32, #tpu.memory_space<vmem>>, vector<16xi32>, vector<16xi1>
        %reduce_sum3A_603 = arith.constant true
        %reduce_sum3A_604 = vector.broadcast %reduce_sum3A_603 : i1 to vector<16xi1>
        %reduce_sum3A_605 = tpu.scan <sum>, %get3A_591 masked %reduce_sum3A_604 : vector<16xi32>, vector<16xi1> -> vector<16xi32>
        %reduce_sum3A_606 = vector.extract %reduce_sum3A_605[15] : i32 from vector<16xi32>
        %add3A_607 = arith.addi %add3A_589, %reduce_sum3A_606 : i32
        %add3A_608 = arith.constant 3 : i32
        %add3A_609 = arith.addi %add3A_471, %add3A_608 : i32
        %lt3A_610 = arith.constant 180 : i32
        %lt3A_611 = arith.cmpi slt, %add3A_609, %lt3A_610 : i32
        %convert_element_type3A_612 = arith.extui %lt3A_611 : i1 to i32
        %cond3A_613 = arith.constant 0 : i32
        %cond3A_614 = arith.cmpi ne, %convert_element_type3A_612, %cond3A_613 : i32
        scf.if %cond3A_614 {
          %add3A_615 = arith.constant 3 : i32
          %add3A_616 = arith.addi %add3A_471, %add3A_615 : i32
          %mul3A_617 = arith.constant 112 : i32
          %mul3A_618 = arith.muli %add3A_616, %mul3A_617 : i32
          %add3A_619 = arith.addi %mul3A_7, %mul3A_618 : i32
          %dma_start3A_620 = tpu.memref_slice %arg4[%add3A_619] : memref<322560xi32, #tpu.memory_space<hbm>> -> memref<112xi32, #tpu.memory_space<hbm>>
          %dma_start3A_621 = tpu.memref_slice %arg4[%add3A_619] : memref<322560xi32, #tpu.memory_space<hbm>> -> memref<112xi32, #tpu.memory_space<hbm>>
          tpu.enqueue_dma source(%dma_start3A_621 : memref<112xi32, #tpu.memory_space<hbm>>) target(%arg16 : memref<112xi32, #tpu.memory_space<vmem>>) target_semaphore(%arg32 : memref<!tpu.dma_semaphore, #tpu.memory_space<semaphore_mem>>)
          %mul3A_622 = arith.constant 112 : i32
          %mul3A_623 = arith.muli %add3A_616, %mul3A_622 : i32
          %add3A_624 = arith.addi %mul3A_7, %mul3A_623 : i32
          %dma_start3A_625 = tpu.memref_slice %arg5[%add3A_624] : memref<322560xi32, #tpu.memory_space<hbm>> -> memref<112xi32, #tpu.memory_space<hbm>>
          %dma_start3A_626 = tpu.memref_slice %arg5[%add3A_624] : memref<322560xi32, #tpu.memory_space<hbm>> -> memref<112xi32, #tpu.memory_space<hbm>>
          tpu.enqueue_dma source(%dma_start3A_626 : memref<112xi32, #tpu.memory_space<hbm>>) target(%arg19 : memref<112xi32, #tpu.memory_space<vmem>>) target_semaphore(%arg35 : memref<!tpu.dma_semaphore, #tpu.memory_space<semaphore_mem>>)
          %mul3A_627 = arith.constant 112 : i32
          %mul3A_628 = arith.muli %add3A_616, %mul3A_627 : i32
          %add3A_629 = arith.addi %mul3A_7, %mul3A_628 : i32
          %dma_start3A_630 = tpu.memref_slice %arg8[%add3A_629] : memref<322560xi32, #tpu.memory_space<hbm>> -> memref<112xi32, #tpu.memory_space<hbm>>
          %dma_start3A_631 = tpu.memref_slice %arg8[%add3A_629] : memref<322560xi32, #tpu.memory_space<hbm>> -> memref<112xi32, #tpu.memory_space<hbm>>
          tpu.enqueue_dma source(%dma_start3A_631 : memref<112xi32, #tpu.memory_space<hbm>>) target(%arg22 : memref<112xi32, #tpu.memory_space<vmem>>) target_semaphore(%arg38 : memref<!tpu.dma_semaphore, #tpu.memory_space<semaphore_mem>>)
        } else {
        }
        scf.yield %add3A_607 : i32
      }
      %scan3A_115 = arith.constant 60 : i32
      %barrier3A_116 = arith.constant 0 : index
      tpu.barrier barrier_id(%barrier3A_116)
      %mul3A_117 = arith.constant 624 : i32
      %mul3A_118 = arith.muli %arg1, %mul3A_117 : i32
      %mul3A_119 = arith.constant 624 : i32
      %mul3A_120 = arith.muli %arg1, %mul3A_119 : i32
      "tpu.region"() ({
        %run_scoped3A_176 = tpu.sem_alloc : memref<!tpu.dma_semaphore, #tpu.memory_space<semaphore_mem>>
        %dma_start3A_177 = arith.constant 0 : i32
        %dma_start3A_178 = tpu.memref_slice %arg10[%mul3A_120, %dma_start3A_177] : memref<10000x128xf32, #tpu.memory_space<hbm>> -> memref<624x128xf32, #tpu.memory_space<hbm>>
        %dma_start3A_179 = arith.constant 0 : i32
        %dma_start3A_180 = tpu.memref_slice %arg29[%mul3A_118, %dma_start3A_179] : memref<10016x128xf32, #tpu.memory_space<vmem_shared>> -> memref<624x128xf32, #tpu.memory_space<vmem_shared>>
        tpu.enqueue_dma source(%dma_start3A_180 : memref<624x128xf32, #tpu.memory_space<vmem_shared>>) target(%dma_start3A_178 : memref<624x128xf32, #tpu.memory_space<hbm>>) target_semaphore(%run_scoped3A_176 : memref<!tpu.dma_semaphore, #tpu.memory_space<semaphore_mem>>)
        %dma_wait3A_181 = arith.constant 0 : i32
        %dma_wait3A_182 = tpu.memref_slice %arg10[%mul3A_120, %dma_wait3A_181] : memref<10000x128xf32, #tpu.memory_space<hbm>> -> memref<624x128xf32, #tpu.memory_space<hbm>>
        %dma_wait3A_183 = arith.constant 0 : i32
        %dma_wait3A_184 = tpu.memref_slice %arg29[%mul3A_118, %dma_wait3A_183] : memref<10016x128xf32, #tpu.memory_space<vmem_shared>> -> memref<624x128xf32, #tpu.memory_space<vmem_shared>>
        tpu.wait_dma2 semaphore(%run_scoped3A_176 : memref<!tpu.dma_semaphore, #tpu.memory_space<semaphore_mem>>) src(%dma_wait3A_184 : memref<624x128xf32, #tpu.memory_space<vmem_shared>>) dst(%dma_wait3A_182 : memref<624x128xf32, #tpu.memory_space<hbm>>)
        tpu.yield
      }) : () -> ()
      %eq3A_121 = arith.constant 15 : i32
      %eq3A_122 = arith.cmpi eq, %arg1, %eq3A_121 : i32
      %convert_element_type3A_123 = arith.extui %eq3A_122 : i1 to i32
      %cond3A_124 = arith.constant 0 : i32
      %cond3A_125 = arith.cmpi ne, %convert_element_type3A_123, %cond3A_124 : i32
      scf.if %cond3A_125 {
        "tpu.region"() ({
          %run_scoped3A_176 = tpu.sem_alloc : memref<!tpu.dma_semaphore, #tpu.memory_space<semaphore_mem>>
          %dma_start3A_177 = arith.constant 9984 : i32
          %dma_start3A_178 = arith.constant 0 : i32
          %dma_start3A_179 = tpu.memref_slice %arg10[%dma_start3A_177, %dma_start3A_178] : memref<10000x128xf32, #tpu.memory_space<hbm>> -> memref<16x128xf32, #tpu.memory_space<hbm>>
          %dma_start3A_180 = arith.constant 9984 : i32
          %dma_start3A_181 = arith.constant 0 : i32
          %dma_start3A_182 = tpu.memref_slice %arg29[%dma_start3A_180, %dma_start3A_181] : memref<10016x128xf32, #tpu.memory_space<vmem_shared>> -> memref<16x128xf32, #tpu.memory_space<vmem_shared>>
          tpu.enqueue_dma source(%dma_start3A_182 : memref<16x128xf32, #tpu.memory_space<vmem_shared>>) target(%dma_start3A_179 : memref<16x128xf32, #tpu.memory_space<hbm>>) target_semaphore(%run_scoped3A_176 : memref<!tpu.dma_semaphore, #tpu.memory_space<semaphore_mem>>)
          %dma_wait3A_183 = arith.constant 9984 : i32
          %dma_wait3A_184 = arith.constant 0 : i32
          %dma_wait3A_185 = tpu.memref_slice %arg10[%dma_wait3A_183, %dma_wait3A_184] : memref<10000x128xf32, #tpu.memory_space<hbm>> -> memref<16x128xf32, #tpu.memory_space<hbm>>
          %dma_wait3A_186 = arith.constant 9984 : i32
          %dma_wait3A_187 = arith.constant 0 : i32
          %dma_wait3A_188 = tpu.memref_slice %arg29[%dma_wait3A_186, %dma_wait3A_187] : memref<10016x128xf32, #tpu.memory_space<vmem_shared>> -> memref<16x128xf32, #tpu.memory_space<vmem_shared>>
          tpu.wait_dma2 semaphore(%run_scoped3A_176 : memref<!tpu.dma_semaphore, #tpu.memory_space<semaphore_mem>>) src(%dma_wait3A_188 : memref<16x128xf32, #tpu.memory_space<vmem_shared>>) dst(%dma_wait3A_185 : memref<16x128xf32, #tpu.memory_space<hbm>>)
          tpu.yield
        }) : () -> ()
      } else {
      }
      %barrier3A_126 = arith.constant 0 : index
      tpu.barrier barrier_id(%barrier3A_126)
      %scan3A_127 = arith.constant 0 : i32
      %scan3A_128 = arith.constant 0 : i32
      %scan3A_129 = arith.constant 7 : i32
      %scan3A_130 = arith.addi %scan3A_128, %scan3A_129 : i32
      %scan3A_131 = arith.constant 1 : i32
      %scan3A_132 = scf.for %scan3A_176 = %scan3A_128 to %scan3A_130 step %scan3A_131 iter_args(%scan3A_177 = %scan3A_127) -> (i32)  : i32 {
        %mul3A_178 = arith.constant 16 : i32
        %mul3A_179 = arith.muli %scan3A_176, %mul3A_178 : i32
        %add3A_180 = arith.constant 0 : i32
        %add3A_181 = arith.addi %add3A_180, %mul3A_179 : i32
        %get3A = arith.index_cast %add3A_181 : i32 to index
        %get3A_182 = tpu.vector_load %arg27[%get3A] {strides = array<i32>} : memref<352xi32, #tpu.memory_space<vmem>>, vector<16xi32>,
        %mul3A_183 = arith.constant 16 : i32
        %mul3A_184 = arith.muli %scan3A_176, %mul3A_183 : i32
        %swap3A = arith.constant 0 : i32
        %swap3A_185 = arith.index_cast %swap3A : i32 to index
        %swap3A_186 = arith.index_cast %mul3A_184 : i32 to index
        %swap3A_187 = tpu.vector_load %arg28[%swap3A_185, %swap3A_186] {strides = array<i32>} : memref<3x112xi32, #tpu.memory_space<vmem>>, vector<16xi32>,
        tpu.vector_store %arg28[%swap3A_185, %swap3A_186], %get3A_182 {strides = array<i32>} : memref<3x112xi32, #tpu.memory_space<vmem>>, vector<16xi32>,
        %mul3A_188 = arith.constant 16 : i32
        %mul3A_189 = arith.muli %scan3A_176, %mul3A_188 : i32
        %add3A_190 = arith.constant 112 : i32
        %add3A_191 = arith.addi %add3A_190, %mul3A_189 : i32
        %get3A_192 = arith.index_cast %add3A_191 : i32 to index
        %get3A_193 = tpu.vector_load %arg27[%get3A_192] {strides = array<i32>} : memref<352xi32, #tpu.memory_space<vmem>>, vector<16xi32>,
        %mul3A_194 = arith.constant 16 : i32
        %mul3A_195 = arith.muli %scan3A_176, %mul3A_194 : i32
        %swap3A_196 = arith.constant 1 : i32
        %swap3A_197 = arith.index_cast %swap3A_196 : i32 to index
        %swap3A_198 = arith.index_cast %mul3A_195 : i32 to index
        %swap3A_199 = tpu.vector_load %arg28[%swap3A_197, %swap3A_198] {strides = array<i32>} : memref<3x112xi32, #tpu.memory_space<vmem>>, vector<16xi32>,
        tpu.vector_store %arg28[%swap3A_197, %swap3A_198], %get3A_193 {strides = array<i32>} : memref<3x112xi32, #tpu.memory_space<vmem>>, vector<16xi32>,
        %mul3A_200 = arith.constant 16 : i32
        %mul3A_201 = arith.muli %scan3A_176, %mul3A_200 : i32
        %add3A_202 = arith.constant 224 : i32
        %add3A_203 = arith.addi %add3A_202, %mul3A_201 : i32
        %get3A_204 = arith.index_cast %add3A_203 : i32 to index
        %get3A_205 = tpu.vector_load %arg27[%get3A_204] {strides = array<i32>} : memref<352xi32, #tpu.memory_space<vmem>>, vector<16xi32>,
        %mul3A_206 = arith.constant 16 : i32
        %mul3A_207 = arith.muli %scan3A_176, %mul3A_206 : i32
        %swap3A_208 = arith.constant 2 : i32
        %swap3A_209 = arith.index_cast %swap3A_208 : i32 to index
        %swap3A_210 = arith.index_cast %mul3A_207 : i32 to index
        %swap3A_211 = tpu.vector_load %arg28[%swap3A_209, %swap3A_210] {strides = array<i32>} : memref<3x112xi32, #tpu.memory_space<vmem>>, vector<16xi32>,
        tpu.vector_store %arg28[%swap3A_209, %swap3A_210], %get3A_205 {strides = array<i32>} : memref<3x112xi32, #tpu.memory_space<vmem>>, vector<16xi32>,
        %scan3A_212 = arith.constant 0 : i32
        scf.yield %scan3A_212 : i32
      }
      %scan3A_133 = arith.constant 7 : i32
      %dma_start3A_134 = arith.constant 0 : i32
      %dma_start3A_135 = tpu.memref_slice %arg26[%dma_start3A_134] : memref<352xi32, #tpu.memory_space<vmem>> -> memref<112xi32, #tpu.memory_space<vmem>>
      %dma_start3A_136 = arith.constant 0 : i32
      %dma_start3A_137 = arith.constant 0 : i32
      %dma_start3A_138 = tpu.memref_slice %arg2[%dma_start3A_136, %dma_start3A_137] : memref<10000x128xf32, #tpu.memory_space<hbm>> -> memref<10000x128xf32, #tpu.memory_space<hbm>>
      tpu.enqueue_indirect_dma source(%dma_start3A_138 : memref<10000x128xf32, #tpu.memory_space<hbm>>) target(%arg23 : memref<112x128xf32, #tpu.memory_space<vmem>>) offsets(%dma_start3A_135 : memref<112xi32, #tpu.memory_space<vmem>>) semaphore(%arg39 : memref<!tpu.dma_semaphore, #tpu.memory_space<semaphore_mem>>)
      %dma_wait3A_139 = arith.constant 0 : i32
      %dma_wait3A_140 = tpu.memref_slice %arg26[%dma_wait3A_139] : memref<352xi32, #tpu.memory_space<vmem>> -> memref<112xi32, #tpu.memory_space<vmem>>
      %dma_wait3A_141 = arith.constant 0 : i32
      %dma_wait3A_142 = arith.constant 0 : i32
      %dma_wait3A_143 = tpu.memref_slice %arg2[%dma_wait3A_141, %dma_wait3A_142] : memref<10000x128xf32, #tpu.memory_space<hbm>> -> memref<10000x128xf32, #tpu.memory_space<hbm>>
      tpu.wait_indirect_dma semaphore(%arg39 : memref<!tpu.dma_semaphore, #tpu.memory_space<semaphore_mem>>) src(%dma_wait3A_143 : memref<10000x128xf32, #tpu.memory_space<hbm>>) dst(%arg23 : memref<112x128xf32, #tpu.memory_space<vmem>>)
      %run_scoped3A = arith.constant 0 : i32
      "tpu.region"() ({
        %run_scoped3A_176 = tpu.sem_alloc : memref<!tpu.dma_semaphore, #tpu.memory_space<semaphore_mem>>
        %dma_start3A_177 = arith.constant 0 : i32
        %dma_start3A_178 = tpu.memref_slice %arg28[%run_scoped3A, %dma_start3A_177] : memref<3x112xi32, #tpu.memory_space<vmem>> -> memref<1x112xi32, #tpu.memory_space<vmem>>
        %dma_start3A_179 = tpu.memref_squeeze %dma_start3A_178 : memref<1x112xi32, #tpu.memory_space<vmem>> -> memref<112xi32, #tpu.memory_space<vmem>>
        %dma_start3A_180 = arith.constant 0 : i32
        %dma_start3A_181 = arith.constant 0 : i32
        %dma_start3A_182 = tpu.memref_slice %arg29[%dma_start3A_180, %dma_start3A_181] : memref<10016x128xf32, #tpu.memory_space<vmem_shared>> -> memref<10016x128xf32, #tpu.memory_space<vmem_shared>>
        tpu.enqueue_indirect_dma source(%arg23 : memref<112x128xf32, #tpu.memory_space<vmem>>) target(%dma_start3A_182 : memref<10016x128xf32, #tpu.memory_space<vmem_shared>>) offsets(%dma_start3A_179 : memref<112xi32, #tpu.memory_space<vmem>>) semaphore(%run_scoped3A_176 : memref<!tpu.dma_semaphore, #tpu.memory_space<semaphore_mem>>) {add = true}
        %dma_wait3A_183 = arith.constant 0 : i32
        %dma_wait3A_184 = tpu.memref_slice %arg28[%run_scoped3A, %dma_wait3A_183] : memref<3x112xi32, #tpu.memory_space<vmem>> -> memref<1x112xi32, #tpu.memory_space<vmem>>
        %dma_wait3A_185 = tpu.memref_squeeze %dma_wait3A_184 : memref<1x112xi32, #tpu.memory_space<vmem>> -> memref<112xi32, #tpu.memory_space<vmem>>
        %dma_wait3A_186 = arith.constant 0 : i32
        %dma_wait3A_187 = arith.constant 0 : i32
        %dma_wait3A_188 = tpu.memref_slice %arg29[%dma_wait3A_186, %dma_wait3A_187] : memref<10016x128xf32, #tpu.memory_space<vmem_shared>> -> memref<10016x128xf32, #tpu.memory_space<vmem_shared>>
        tpu.wait_indirect_dma semaphore(%run_scoped3A_176 : memref<!tpu.dma_semaphore, #tpu.memory_space<semaphore_mem>>) src(%arg23 : memref<112x128xf32, #tpu.memory_space<vmem>>) dst(%dma_wait3A_188 : memref<10016x128xf32, #tpu.memory_space<vmem_shared>>)
        tpu.yield
      }) : () -> ()
      %dma_start3A_144 = arith.constant 112 : i32
      %dma_start3A_145 = tpu.memref_slice %arg26[%dma_start3A_144] : memref<352xi32, #tpu.memory_space<vmem>> -> memref<112xi32, #tpu.memory_space<vmem>>
      %dma_start3A_146 = arith.constant 0 : i32
      %dma_start3A_147 = arith.constant 0 : i32
      %dma_start3A_148 = tpu.memref_slice %arg2[%dma_start3A_146, %dma_start3A_147] : memref<10000x128xf32, #tpu.memory_space<hbm>> -> memref<10000x128xf32, #tpu.memory_space<hbm>>
      tpu.enqueue_indirect_dma source(%dma_start3A_148 : memref<10000x128xf32, #tpu.memory_space<hbm>>) target(%arg23 : memref<112x128xf32, #tpu.memory_space<vmem>>) offsets(%dma_start3A_145 : memref<112xi32, #tpu.memory_space<vmem>>) semaphore(%arg39 : memref<!tpu.dma_semaphore, #tpu.memory_space<semaphore_mem>>)
      %dma_wait3A_149 = arith.constant 112 : i32
      %dma_wait3A_150 = tpu.memref_slice %arg26[%dma_wait3A_149] : memref<352xi32, #tpu.memory_space<vmem>> -> memref<112xi32, #tpu.memory_space<vmem>>
      %dma_wait3A_151 = arith.constant 0 : i32
      %dma_wait3A_152 = arith.constant 0 : i32
      %dma_wait3A_153 = tpu.memref_slice %arg2[%dma_wait3A_151, %dma_wait3A_152] : memref<10000x128xf32, #tpu.memory_space<hbm>> -> memref<10000x128xf32, #tpu.memory_space<hbm>>
      tpu.wait_indirect_dma semaphore(%arg39 : memref<!tpu.dma_semaphore, #tpu.memory_space<semaphore_mem>>) src(%dma_wait3A_153 : memref<10000x128xf32, #tpu.memory_space<hbm>>) dst(%arg23 : memref<112x128xf32, #tpu.memory_space<vmem>>)
      %run_scoped3A_154 = arith.constant 1 : i32
      "tpu.region"() ({
        %run_scoped3A_176 = tpu.sem_alloc : memref<!tpu.dma_semaphore, #tpu.memory_space<semaphore_mem>>
        %dma_start3A_177 = arith.constant 0 : i32
        %dma_start3A_178 = tpu.memref_slice %arg28[%run_scoped3A_154, %dma_start3A_177] : memref<3x112xi32, #tpu.memory_space<vmem>> -> memref<1x112xi32, #tpu.memory_space<vmem>>
        %dma_start3A_179 = tpu.memref_squeeze %dma_start3A_178 : memref<1x112xi32, #tpu.memory_space<vmem>> -> memref<112xi32, #tpu.memory_space<vmem>>
        %dma_start3A_180 = arith.constant 0 : i32
        %dma_start3A_181 = arith.constant 0 : i32
        %dma_start3A_182 = tpu.memref_slice %arg29[%dma_start3A_180, %dma_start3A_181] : memref<10016x128xf32, #tpu.memory_space<vmem_shared>> -> memref<10016x128xf32, #tpu.memory_space<vmem_shared>>
        tpu.enqueue_indirect_dma source(%arg23 : memref<112x128xf32, #tpu.memory_space<vmem>>) target(%dma_start3A_182 : memref<10016x128xf32, #tpu.memory_space<vmem_shared>>) offsets(%dma_start3A_179 : memref<112xi32, #tpu.memory_space<vmem>>) semaphore(%run_scoped3A_176 : memref<!tpu.dma_semaphore, #tpu.memory_space<semaphore_mem>>) {add = true}
        %dma_wait3A_183 = arith.constant 0 : i32
        %dma_wait3A_184 = tpu.memref_slice %arg28[%run_scoped3A_154, %dma_wait3A_183] : memref<3x112xi32, #tpu.memory_space<vmem>> -> memref<1x112xi32, #tpu.memory_space<vmem>>
        %dma_wait3A_185 = tpu.memref_squeeze %dma_wait3A_184 : memref<1x112xi32, #tpu.memory_space<vmem>> -> memref<112xi32, #tpu.memory_space<vmem>>
        %dma_wait3A_186 = arith.constant 0 : i32
        %dma_wait3A_187 = arith.constant 0 : i32
        %dma_wait3A_188 = tpu.memref_slice %arg29[%dma_wait3A_186, %dma_wait3A_187] : memref<10016x128xf32, #tpu.memory_space<vmem_shared>> -> memref<10016x128xf32, #tpu.memory_space<vmem_shared>>
        tpu.wait_indirect_dma semaphore(%run_scoped3A_176 : memref<!tpu.dma_semaphore, #tpu.memory_space<semaphore_mem>>) src(%arg23 : memref<112x128xf32, #tpu.memory_space<vmem>>) dst(%dma_wait3A_188 : memref<10016x128xf32, #tpu.memory_space<vmem_shared>>)
        tpu.yield
      }) : () -> ()
      %dma_start3A_155 = arith.constant 224 : i32
      %dma_start3A_156 = tpu.memref_slice %arg26[%dma_start3A_155] : memref<352xi32, #tpu.memory_space<vmem>> -> memref<112xi32, #tpu.memory_space<vmem>>
      %dma_start3A_157 = arith.constant 0 : i32
      %dma_start3A_158 = arith.constant 0 : i32
      %dma_start3A_159 = tpu.memref_slice %arg2[%dma_start3A_157, %dma_start3A_158] : memref<10000x128xf32, #tpu.memory_space<hbm>> -> memref<10000x128xf32, #tpu.memory_space<hbm>>
      tpu.enqueue_indirect_dma source(%dma_start3A_159 : memref<10000x128xf32, #tpu.memory_space<hbm>>) target(%arg23 : memref<112x128xf32, #tpu.memory_space<vmem>>) offsets(%dma_start3A_156 : memref<112xi32, #tpu.memory_space<vmem>>) semaphore(%arg39 : memref<!tpu.dma_semaphore, #tpu.memory_space<semaphore_mem>>)
      %dma_wait3A_160 = arith.constant 224 : i32
      %dma_wait3A_161 = tpu.memref_slice %arg26[%dma_wait3A_160] : memref<352xi32, #tpu.memory_space<vmem>> -> memref<112xi32, #tpu.memory_space<vmem>>
      %dma_wait3A_162 = arith.constant 0 : i32
      %dma_wait3A_163 = arith.constant 0 : i32
      %dma_wait3A_164 = tpu.memref_slice %arg2[%dma_wait3A_162, %dma_wait3A_163] : memref<10000x128xf32, #tpu.memory_space<hbm>> -> memref<10000x128xf32, #tpu.memory_space<hbm>>
      tpu.wait_indirect_dma semaphore(%arg39 : memref<!tpu.dma_semaphore, #tpu.memory_space<semaphore_mem>>) src(%dma_wait3A_164 : memref<10000x128xf32, #tpu.memory_space<hbm>>) dst(%arg23 : memref<112x128xf32, #tpu.memory_space<vmem>>)
      %run_scoped3A_165 = arith.constant 2 : i32
      "tpu.region"() ({
        %run_scoped3A_176 = tpu.sem_alloc : memref<!tpu.dma_semaphore, #tpu.memory_space<semaphore_mem>>
        %dma_start3A_177 = arith.constant 0 : i32
        %dma_start3A_178 = tpu.memref_slice %arg28[%run_scoped3A_165, %dma_start3A_177] : memref<3x112xi32, #tpu.memory_space<vmem>> -> memref<1x112xi32, #tpu.memory_space<vmem>>
        %dma_start3A_179 = tpu.memref_squeeze %dma_start3A_178 : memref<1x112xi32, #tpu.memory_space<vmem>> -> memref<112xi32, #tpu.memory_space<vmem>>
        %dma_start3A_180 = arith.constant 0 : i32
        %dma_start3A_181 = arith.constant 0 : i32
        %dma_start3A_182 = tpu.memref_slice %arg29[%dma_start3A_180, %dma_start3A_181] : memref<10016x128xf32, #tpu.memory_space<vmem_shared>> -> memref<10016x128xf32, #tpu.memory_space<vmem_shared>>
        tpu.enqueue_indirect_dma source(%arg23 : memref<112x128xf32, #tpu.memory_space<vmem>>) target(%dma_start3A_182 : memref<10016x128xf32, #tpu.memory_space<vmem_shared>>) offsets(%dma_start3A_179 : memref<112xi32, #tpu.memory_space<vmem>>) semaphore(%run_scoped3A_176 : memref<!tpu.dma_semaphore, #tpu.memory_space<semaphore_mem>>) {add = true}
        %dma_wait3A_183 = arith.constant 0 : i32
        %dma_wait3A_184 = tpu.memref_slice %arg28[%run_scoped3A_165, %dma_wait3A_183] : memref<3x112xi32, #tpu.memory_space<vmem>> -> memref<1x112xi32, #tpu.memory_space<vmem>>
        %dma_wait3A_185 = tpu.memref_squeeze %dma_wait3A_184 : memref<1x112xi32, #tpu.memory_space<vmem>> -> memref<112xi32, #tpu.memory_space<vmem>>
        %dma_wait3A_186 = arith.constant 0 : i32
        %dma_wait3A_187 = arith.constant 0 : i32
        %dma_wait3A_188 = tpu.memref_slice %arg29[%dma_wait3A_186, %dma_wait3A_187] : memref<10016x128xf32, #tpu.memory_space<vmem_shared>> -> memref<10016x128xf32, #tpu.memory_space<vmem_shared>>
        tpu.wait_indirect_dma semaphore(%run_scoped3A_176 : memref<!tpu.dma_semaphore, #tpu.memory_space<semaphore_mem>>) src(%arg23 : memref<112x128xf32, #tpu.memory_space<vmem>>) dst(%dma_wait3A_188 : memref<10016x128xf32, #tpu.memory_space<vmem_shared>>)
        tpu.yield
      }) : () -> ()
      %barrier3A_166 = arith.constant 0 : index
      tpu.barrier barrier_id(%barrier3A_166)
      %mul3A_167 = arith.constant 624 : i32
      %mul3A_168 = arith.muli %arg1, %mul3A_167 : i32
      %mul3A_169 = arith.constant 624 : i32
      %mul3A_170 = arith.muli %arg1, %mul3A_169 : i32
      "tpu.region"() ({
        %run_scoped3A_176 = tpu.sem_alloc : memref<!tpu.dma_semaphore, #tpu.memory_space<semaphore_mem>>
        %dma_start3A_177 = arith.constant 0 : i32
        %dma_start3A_178 = tpu.memref_slice %arg12[%mul3A_170, %dma_start3A_177] : memref<10000x128xf32, #tpu.memory_space<hbm>> -> memref<624x128xf32, #tpu.memory_space<hbm>>
        %dma_start3A_179 = arith.constant 0 : i32
        %dma_start3A_180 = tpu.memref_slice %arg29[%mul3A_168, %dma_start3A_179] : memref<10016x128xf32, #tpu.memory_space<vmem_shared>> -> memref<624x128xf32, #tpu.memory_space<vmem_shared>>
        tpu.enqueue_dma source(%dma_start3A_180 : memref<624x128xf32, #tpu.memory_space<vmem_shared>>) target(%dma_start3A_178 : memref<624x128xf32, #tpu.memory_space<hbm>>) target_semaphore(%run_scoped3A_176 : memref<!tpu.dma_semaphore, #tpu.memory_space<semaphore_mem>>)
        %dma_wait3A_181 = arith.constant 0 : i32
        %dma_wait3A_182 = tpu.memref_slice %arg12[%mul3A_170, %dma_wait3A_181] : memref<10000x128xf32, #tpu.memory_space<hbm>> -> memref<624x128xf32, #tpu.memory_space<hbm>>
        %dma_wait3A_183 = arith.constant 0 : i32
        %dma_wait3A_184 = tpu.memref_slice %arg29[%mul3A_168, %dma_wait3A_183] : memref<10016x128xf32, #tpu.memory_space<vmem_shared>> -> memref<624x128xf32, #tpu.memory_space<vmem_shared>>
        tpu.wait_dma2 semaphore(%run_scoped3A_176 : memref<!tpu.dma_semaphore, #tpu.memory_space<semaphore_mem>>) src(%dma_wait3A_184 : memref<624x128xf32, #tpu.memory_space<vmem_shared>>) dst(%dma_wait3A_182 : memref<624x128xf32, #tpu.memory_space<hbm>>)
        tpu.yield
      }) : () -> ()
      %eq3A_171 = arith.constant 15 : i32
      %eq3A_172 = arith.cmpi eq, %arg1, %eq3A_171 : i32
      %convert_element_type3A_173 = arith.extui %eq3A_172 : i1 to i32
      %cond3A_174 = arith.constant 0 : i32
      %cond3A_175 = arith.cmpi ne, %convert_element_type3A_173, %cond3A_174 : i32
      scf.if %cond3A_175 {
        "tpu.region"() ({
          %run_scoped3A_176 = tpu.sem_alloc : memref<!tpu.dma_semaphore, #tpu.memory_space<semaphore_mem>>
          %dma_start3A_177 = arith.constant 9984 : i32
          %dma_start3A_178 = arith.constant 0 : i32
          %dma_start3A_179 = tpu.memref_slice %arg12[%dma_start3A_177, %dma_start3A_178] : memref<10000x128xf32, #tpu.memory_space<hbm>> -> memref<16x128xf32, #tpu.memory_space<hbm>>
          %dma_start3A_180 = arith.constant 9984 : i32
          %dma_start3A_181 = arith.constant 0 : i32
          %dma_start3A_182 = tpu.memref_slice %arg29[%dma_start3A_180, %dma_start3A_181] : memref<10016x128xf32, #tpu.memory_space<vmem_shared>> -> memref<16x128xf32, #tpu.memory_space<vmem_shared>>
          tpu.enqueue_dma source(%dma_start3A_182 : memref<16x128xf32, #tpu.memory_space<vmem_shared>>) target(%dma_start3A_179 : memref<16x128xf32, #tpu.memory_space<hbm>>) target_semaphore(%run_scoped3A_176 : memref<!tpu.dma_semaphore, #tpu.memory_space<semaphore_mem>>)
          %dma_wait3A_183 = arith.constant 9984 : i32
          %dma_wait3A_184 = arith.constant 0 : i32
          %dma_wait3A_185 = tpu.memref_slice %arg12[%dma_wait3A_183, %dma_wait3A_184] : memref<10000x128xf32, #tpu.memory_space<hbm>> -> memref<16x128xf32, #tpu.memory_space<hbm>>
          %dma_wait3A_186 = arith.constant 9984 : i32
          %dma_wait3A_187 = arith.constant 0 : i32
          %dma_wait3A_188 = tpu.memref_slice %arg29[%dma_wait3A_186, %dma_wait3A_187] : memref<10016x128xf32, #tpu.memory_space<vmem_shared>> -> memref<16x128xf32, #tpu.memory_space<vmem_shared>>
          tpu.wait_dma2 semaphore(%run_scoped3A_176 : memref<!tpu.dma_semaphore, #tpu.memory_space<semaphore_mem>>) src(%dma_wait3A_188 : memref<16x128xf32, #tpu.memory_space<vmem_shared>>) dst(%dma_wait3A_185 : memref<16x128xf32, #tpu.memory_space<hbm>>)
          tpu.yield
        }) : () -> ()
      } else {
      }
    } else {
    }
    %eq3A_2 = arith.constant 1 : i32
    %eq3A_3 = arith.cmpi eq, %arg0, %eq3A_2 : i32
    %convert_element_type3A_4 = arith.extui %eq3A_3 : i1 to i32
    %cond3A_5 = arith.constant 0 : i32
    %cond3A_6 = arith.cmpi ne, %convert_element_type3A_4, %cond3A_5 : i32
    scf.if %cond3A_6 {
      %mul3A = arith.constant 20160 : i32
      %mul3A_7 = arith.muli %arg1, %mul3A : i32
      %scan3A = arith.constant 0 : i32
      %scan3A_8 = arith.constant 0 : i32
      %scan3A_9 = arith.constant 112 : i32
      %scan3A_10 = arith.addi %scan3A_8, %scan3A_9 : i32
      %scan3A_11 = arith.constant 1 : i32
      %scan3A_12 = scf.for %scan3A_176 = %scan3A_8 to %scan3A_10 step %scan3A_11 iter_args(%scan3A_177 = %scan3A) -> (i32)  : i32 {
        %broadcast_in_dim3A = arith.constant 0.000000e+00 : f32
        %broadcast_in_dim3A_178 = vector.broadcast %broadcast_in_dim3A : f32 to vector<16xf32>
        %swap3A = arith.index_cast %scan3A_176 : i32 to index
        %swap3A_179 = arith.constant 0 : index
        %swap3A_180 = tpu.vector_load %arg23[%swap3A, %swap3A_179] {strides = array<i32>} : memref<112x128xf32, #tpu.memory_space<vmem>>, vector<16xf32>,
        tpu.vector_store %arg23[%swap3A, %swap3A_179], %broadcast_in_dim3A_178 {strides = array<i32>} : memref<112x128xf32, #tpu.memory_space<vmem>>, vector<16xf32>,
        %broadcast_in_dim3A_181 = arith.constant 0.000000e+00 : f32
        %broadcast_in_dim3A_182 = vector.broadcast %broadcast_in_dim3A_181 : f32 to vector<16xf32>
        %swap3A_183 = arith.index_cast %scan3A_176 : i32 to index
        %swap3A_184 = arith.constant 16 : index
        %swap3A_185 = tpu.vector_load %arg23[%swap3A_183, %swap3A_184] {strides = array<i32>} : memref<112x128xf32, #tpu.memory_space<vmem>>, vector<16xf32>,
        tpu.vector_store %arg23[%swap3A_183, %swap3A_184], %broadcast_in_dim3A_182 {strides = array<i32>} : memref<112x128xf32, #tpu.memory_space<vmem>>, vector<16xf32>,
        %broadcast_in_dim3A_186 = arith.constant 0.000000e+00 : f32
        %broadcast_in_dim3A_187 = vector.broadcast %broadcast_in_dim3A_186 : f32 to vector<16xf32>
        %swap3A_188 = arith.index_cast %scan3A_176 : i32 to index
        %swap3A_189 = arith.constant 32 : index
        %swap3A_190 = tpu.vector_load %arg23[%swap3A_188, %swap3A_189] {strides = array<i32>} : memref<112x128xf32, #tpu.memory_space<vmem>>, vector<16xf32>,
        tpu.vector_store %arg23[%swap3A_188, %swap3A_189], %broadcast_in_dim3A_187 {strides = array<i32>} : memref<112x128xf32, #tpu.memory_space<vmem>>, vector<16xf32>,
        %broadcast_in_dim3A_191 = arith.constant 0.000000e+00 : f32
        %broadcast_in_dim3A_192 = vector.broadcast %broadcast_in_dim3A_191 : f32 to vector<16xf32>
        %swap3A_193 = arith.index_cast %scan3A_176 : i32 to index
        %swap3A_194 = arith.constant 48 : index
        %swap3A_195 = tpu.vector_load %arg23[%swap3A_193, %swap3A_194] {strides = array<i32>} : memref<112x128xf32, #tpu.memory_space<vmem>>, vector<16xf32>,
        tpu.vector_store %arg23[%swap3A_193, %swap3A_194], %broadcast_in_dim3A_192 {strides = array<i32>} : memref<112x128xf32, #tpu.memory_space<vmem>>, vector<16xf32>,
        %broadcast_in_dim3A_196 = arith.constant 0.000000e+00 : f32
        %broadcast_in_dim3A_197 = vector.broadcast %broadcast_in_dim3A_196 : f32 to vector<16xf32>
        %swap3A_198 = arith.index_cast %scan3A_176 : i32 to index
        %swap3A_199 = arith.constant 64 : index
        %swap3A_200 = tpu.vector_load %arg23[%swap3A_198, %swap3A_199] {strides = array<i32>} : memref<112x128xf32, #tpu.memory_space<vmem>>, vector<16xf32>,
        tpu.vector_store %arg23[%swap3A_198, %swap3A_199], %broadcast_in_dim3A_197 {strides = array<i32>} : memref<112x128xf32, #tpu.memory_space<vmem>>, vector<16xf32>,
        %broadcast_in_dim3A_201 = arith.constant 0.000000e+00 : f32
        %broadcast_in_dim3A_202 = vector.broadcast %broadcast_in_dim3A_201 : f32 to vector<16xf32>
        %swap3A_203 = arith.index_cast %scan3A_176 : i32 to index
        %swap3A_204 = arith.constant 80 : index
        %swap3A_205 = tpu.vector_load %arg23[%swap3A_203, %swap3A_204] {strides = array<i32>} : memref<112x128xf32, #tpu.memory_space<vmem>>, vector<16xf32>,
        tpu.vector_store %arg23[%swap3A_203, %swap3A_204], %broadcast_in_dim3A_202 {strides = array<i32>} : memref<112x128xf32, #tpu.memory_space<vmem>>, vector<16xf32>,
        %broadcast_in_dim3A_206 = arith.constant 0.000000e+00 : f32
        %broadcast_in_dim3A_207 = vector.broadcast %broadcast_in_dim3A_206 : f32 to vector<16xf32>
        %swap3A_208 = arith.index_cast %scan3A_176 : i32 to index
        %swap3A_209 = arith.constant 96 : index
        %swap3A_210 = tpu.vector_load %arg23[%swap3A_208, %swap3A_209] {strides = array<i32>} : memref<112x128xf32, #tpu.memory_space<vmem>>, vector<16xf32>,
        tpu.vector_store %arg23[%swap3A_208, %swap3A_209], %broadcast_in_dim3A_207 {strides = array<i32>} : memref<112x128xf32, #tpu.memory_space<vmem>>, vector<16xf32>,
        %broadcast_in_dim3A_211 = arith.constant 0.000000e+00 : f32
        %broadcast_in_dim3A_212 = vector.broadcast %broadcast_in_dim3A_211 : f32 to vector<16xf32>
        %swap3A_213 = arith.index_cast %scan3A_176 : i32 to index
        %swap3A_214 = arith.constant 112 : index
        %swap3A_215 = tpu.vector_load %arg23[%swap3A_213, %swap3A_214] {strides = array<i32>} : memref<112x128xf32, #tpu.memory_space<vmem>>, vector<16xf32>,
        tpu.vector_store %arg23[%swap3A_213, %swap3A_214], %broadcast_in_dim3A_212 {strides = array<i32>} : memref<112x128xf32, #tpu.memory_space<vmem>>, vector<16xf32>,
        %scan3A_216 = arith.constant 0 : i32
        scf.yield %scan3A_216 : i32
      }
      %scan3A_13 = arith.constant 112 : i32
      %scan3A_14 = arith.constant 0 : i32
      %scan3A_15 = arith.constant 0 : i32
      %scan3A_16 = arith.constant 22 : i32
      %scan3A_17 = arith.addi %scan3A_15, %scan3A_16 : i32
      %scan3A_18 = arith.constant 1 : i32
      %scan3A_19 = scf.for %scan3A_176 = %scan3A_15 to %scan3A_17 step %scan3A_18 iter_args(%scan3A_177 = %scan3A_14) -> (i32)  : i32 {
        %broadcast_in_dim3A = arith.constant 0 : i32
        %broadcast_in_dim3A_178 = vector.broadcast %broadcast_in_dim3A : i32 to vector<16xi32>
        %mul3A_179 = arith.constant 16 : i32
        %mul3A_180 = arith.muli %scan3A_176, %mul3A_179 : i32
        %swap3A = arith.index_cast %mul3A_180 : i32 to index
        %swap3A_181 = tpu.vector_load %arg26[%swap3A] {strides = array<i32>} : memref<352xi32, #tpu.memory_space<vmem>>, vector<16xi32>,
        tpu.vector_store %arg26[%swap3A], %broadcast_in_dim3A_178 {strides = array<i32>} : memref<352xi32, #tpu.memory_space<vmem>>, vector<16xi32>,
        %broadcast_in_dim3A_182 = arith.constant 10000 : i32
        %broadcast_in_dim3A_183 = vector.broadcast %broadcast_in_dim3A_182 : i32 to vector<16xi32>
        %mul3A_184 = arith.constant 16 : i32
        %mul3A_185 = arith.muli %scan3A_176, %mul3A_184 : i32
        %swap3A_186 = arith.index_cast %mul3A_185 : i32 to index
        %swap3A_187 = tpu.vector_load %arg27[%swap3A_186] {strides = array<i32>} : memref<352xi32, #tpu.memory_space<vmem>>, vector<16xi32>,
        tpu.vector_store %arg27[%swap3A_186], %broadcast_in_dim3A_183 {strides = array<i32>} : memref<352xi32, #tpu.memory_space<vmem>>, vector<16xi32>,
        %scan3A_188 = arith.constant 0 : i32
        scf.yield %scan3A_188 : i32
      }
      %scan3A_20 = arith.constant 22 : i32
      %mul3A_21 = arith.constant 632 : i32
      %mul3A_22 = arith.muli %arg1, %mul3A_21 : i32
      %add3A = arith.constant 0 : i32
      %add3A_23 = arith.addi %mul3A_22, %add3A : i32
      "tpu.region"() ({
        %run_scoped3A_176 = tpu.sem_alloc : memref<!tpu.dma_semaphore, #tpu.memory_space<semaphore_mem>>
        %dma_start3A_177 = arith.constant 0 : i32
        %dma_start3A_178 = tpu.memref_slice %arg29[%add3A_23, %dma_start3A_177] : memref<10016x128xf32, #tpu.memory_space<vmem_shared>> -> memref<112x128xf32, #tpu.memory_space<vmem_shared>>
        %dma_start3A_179 = arith.constant 0 : i32
        %dma_start3A_180 = tpu.memref_slice %arg29[%add3A_23, %dma_start3A_179] : memref<10016x128xf32, #tpu.memory_space<vmem_shared>> -> memref<112x128xf32, #tpu.memory_space<vmem_shared>>
        tpu.enqueue_dma source(%arg23 : memref<112x128xf32, #tpu.memory_space<vmem>>) target(%dma_start3A_180 : memref<112x128xf32, #tpu.memory_space<vmem_shared>>) target_semaphore(%run_scoped3A_176 : memref<!tpu.dma_semaphore, #tpu.memory_space<semaphore_mem>>)
        %dma_wait3A_181 = arith.constant 0 : i32
        %dma_wait3A_182 = tpu.memref_slice %arg29[%add3A_23, %dma_wait3A_181] : memref<10016x128xf32, #tpu.memory_space<vmem_shared>> -> memref<112x128xf32, #tpu.memory_space<vmem_shared>>
        %dma_wait3A_183 = arith.constant 0 : i32
        %dma_wait3A_184 = tpu.memref_slice %arg29[%add3A_23, %dma_wait3A_183] : memref<10016x128xf32, #tpu.memory_space<vmem_shared>> -> memref<112x128xf32, #tpu.memory_space<vmem_shared>>
        tpu.wait_dma2 semaphore(%run_scoped3A_176 : memref<!tpu.dma_semaphore, #tpu.memory_space<semaphore_mem>>) src(%arg23 : memref<112x128xf32, #tpu.memory_space<vmem>>) dst(%dma_wait3A_184 : memref<112x128xf32, #tpu.memory_space<vmem_shared>>)
        tpu.yield
      }) : () -> ()
      %mul3A_24 = arith.constant 632 : i32
      %mul3A_25 = arith.muli %arg1, %mul3A_24 : i32
      %add3A_26 = arith.constant 112 : i32
      %add3A_27 = arith.addi %mul3A_25, %add3A_26 : i32
      "tpu.region"() ({
        %run_scoped3A_176 = tpu.sem_alloc : memref<!tpu.dma_semaphore, #tpu.memory_space<semaphore_mem>>
        %dma_start3A_177 = arith.constant 0 : i32
        %dma_start3A_178 = tpu.memref_slice %arg29[%add3A_27, %dma_start3A_177] : memref<10016x128xf32, #tpu.memory_space<vmem_shared>> -> memref<112x128xf32, #tpu.memory_space<vmem_shared>>
        %dma_start3A_179 = arith.constant 0 : i32
        %dma_start3A_180 = tpu.memref_slice %arg29[%add3A_27, %dma_start3A_179] : memref<10016x128xf32, #tpu.memory_space<vmem_shared>> -> memref<112x128xf32, #tpu.memory_space<vmem_shared>>
        tpu.enqueue_dma source(%arg23 : memref<112x128xf32, #tpu.memory_space<vmem>>) target(%dma_start3A_180 : memref<112x128xf32, #tpu.memory_space<vmem_shared>>) target_semaphore(%run_scoped3A_176 : memref<!tpu.dma_semaphore, #tpu.memory_space<semaphore_mem>>)
        %dma_wait3A_181 = arith.constant 0 : i32
        %dma_wait3A_182 = tpu.memref_slice %arg29[%add3A_27, %dma_wait3A_181] : memref<10016x128xf32, #tpu.memory_space<vmem_shared>> -> memref<112x128xf32, #tpu.memory_space<vmem_shared>>
        %dma_wait3A_183 = arith.constant 0 : i32
        %dma_wait3A_184 = tpu.memref_slice %arg29[%add3A_27, %dma_wait3A_183] : memref<10016x128xf32, #tpu.memory_space<vmem_shared>> -> memref<112x128xf32, #tpu.memory_space<vmem_shared>>
        tpu.wait_dma2 semaphore(%run_scoped3A_176 : memref<!tpu.dma_semaphore, #tpu.memory_space<semaphore_mem>>) src(%arg23 : memref<112x128xf32, #tpu.memory_space<vmem>>) dst(%dma_wait3A_184 : memref<112x128xf32, #tpu.memory_space<vmem_shared>>)
        tpu.yield
      }) : () -> ()
      %mul3A_28 = arith.constant 632 : i32
      %mul3A_29 = arith.muli %arg1, %mul3A_28 : i32
      %add3A_30 = arith.constant 224 : i32
      %add3A_31 = arith.addi %mul3A_29, %add3A_30 : i32
      "tpu.region"() ({
        %run_scoped3A_176 = tpu.sem_alloc : memref<!tpu.dma_semaphore, #tpu.memory_space<semaphore_mem>>
        %dma_start3A_177 = arith.constant 0 : i32
        %dma_start3A_178 = tpu.memref_slice %arg29[%add3A_31, %dma_start3A_177] : memref<10016x128xf32, #tpu.memory_space<vmem_shared>> -> memref<112x128xf32, #tpu.memory_space<vmem_shared>>
        %dma_start3A_179 = arith.constant 0 : i32
        %dma_start3A_180 = tpu.memref_slice %arg29[%add3A_31, %dma_start3A_179] : memref<10016x128xf32, #tpu.memory_space<vmem_shared>> -> memref<112x128xf32, #tpu.memory_space<vmem_shared>>
        tpu.enqueue_dma source(%arg23 : memref<112x128xf32, #tpu.memory_space<vmem>>) target(%dma_start3A_180 : memref<112x128xf32, #tpu.memory_space<vmem_shared>>) target_semaphore(%run_scoped3A_176 : memref<!tpu.dma_semaphore, #tpu.memory_space<semaphore_mem>>)
        %dma_wait3A_181 = arith.constant 0 : i32
        %dma_wait3A_182 = tpu.memref_slice %arg29[%add3A_31, %dma_wait3A_181] : memref<10016x128xf32, #tpu.memory_space<vmem_shared>> -> memref<112x128xf32, #tpu.memory_space<vmem_shared>>
        %dma_wait3A_183 = arith.constant 0 : i32
        %dma_wait3A_184 = tpu.memref_slice %arg29[%add3A_31, %dma_wait3A_183] : memref<10016x128xf32, #tpu.memory_space<vmem_shared>> -> memref<112x128xf32, #tpu.memory_space<vmem_shared>>
        tpu.wait_dma2 semaphore(%run_scoped3A_176 : memref<!tpu.dma_semaphore, #tpu.memory_space<semaphore_mem>>) src(%arg23 : memref<112x128xf32, #tpu.memory_space<vmem>>) dst(%dma_wait3A_184 : memref<112x128xf32, #tpu.memory_space<vmem_shared>>)
        tpu.yield
      }) : () -> ()
      %mul3A_32 = arith.constant 632 : i32
      %mul3A_33 = arith.muli %arg1, %mul3A_32 : i32
      %add3A_34 = arith.constant 336 : i32
      %add3A_35 = arith.addi %mul3A_33, %add3A_34 : i32
      "tpu.region"() ({
        %run_scoped3A_176 = tpu.sem_alloc : memref<!tpu.dma_semaphore, #tpu.memory_space<semaphore_mem>>
        %dma_start3A_177 = arith.constant 0 : i32
        %dma_start3A_178 = tpu.memref_slice %arg29[%add3A_35, %dma_start3A_177] : memref<10016x128xf32, #tpu.memory_space<vmem_shared>> -> memref<112x128xf32, #tpu.memory_space<vmem_shared>>
        %dma_start3A_179 = arith.constant 0 : i32
        %dma_start3A_180 = tpu.memref_slice %arg29[%add3A_35, %dma_start3A_179] : memref<10016x128xf32, #tpu.memory_space<vmem_shared>> -> memref<112x128xf32, #tpu.memory_space<vmem_shared>>
        tpu.enqueue_dma source(%arg23 : memref<112x128xf32, #tpu.memory_space<vmem>>) target(%dma_start3A_180 : memref<112x128xf32, #tpu.memory_space<vmem_shared>>) target_semaphore(%run_scoped3A_176 : memref<!tpu.dma_semaphore, #tpu.memory_space<semaphore_mem>>)
        %dma_wait3A_181 = arith.constant 0 : i32
        %dma_wait3A_182 = tpu.memref_slice %arg29[%add3A_35, %dma_wait3A_181] : memref<10016x128xf32, #tpu.memory_space<vmem_shared>> -> memref<112x128xf32, #tpu.memory_space<vmem_shared>>
        %dma_wait3A_183 = arith.constant 0 : i32
        %dma_wait3A_184 = tpu.memref_slice %arg29[%add3A_35, %dma_wait3A_183] : memref<10016x128xf32, #tpu.memory_space<vmem_shared>> -> memref<112x128xf32, #tpu.memory_space<vmem_shared>>
        tpu.wait_dma2 semaphore(%run_scoped3A_176 : memref<!tpu.dma_semaphore, #tpu.memory_space<semaphore_mem>>) src(%arg23 : memref<112x128xf32, #tpu.memory_space<vmem>>) dst(%dma_wait3A_184 : memref<112x128xf32, #tpu.memory_space<vmem_shared>>)
        tpu.yield
      }) : () -> ()
      %lt3A = arith.constant 15 : i32
      %lt3A_36 = arith.cmpi slt, %arg1, %lt3A : i32
      %convert_element_type3A_37 = arith.extui %lt3A_36 : i1 to i32
      %cond3A_38 = arith.constant 0 : i32
      %cond3A_39 = arith.cmpi ne, %convert_element_type3A_37, %cond3A_38 : i32
      scf.if %cond3A_39 {
        %mul3A_176 = arith.constant 632 : i32
        %mul3A_177 = arith.muli %arg1, %mul3A_176 : i32
        %add3A_178 = arith.constant 448 : i32
        %add3A_179 = arith.addi %mul3A_177, %add3A_178 : i32
        "tpu.region"() ({
          %run_scoped3A_184 = tpu.sem_alloc : memref<!tpu.dma_semaphore, #tpu.memory_space<semaphore_mem>>
          %dma_start3A_185 = arith.constant 0 : i32
          %dma_start3A_186 = tpu.memref_slice %arg29[%add3A_179, %dma_start3A_185] : memref<10016x128xf32, #tpu.memory_space<vmem_shared>> -> memref<112x128xf32, #tpu.memory_space<vmem_shared>>
          %dma_start3A_187 = arith.constant 0 : i32
          %dma_start3A_188 = tpu.memref_slice %arg29[%add3A_179, %dma_start3A_187] : memref<10016x128xf32, #tpu.memory_space<vmem_shared>> -> memref<112x128xf32, #tpu.memory_space<vmem_shared>>
          tpu.enqueue_dma source(%arg23 : memref<112x128xf32, #tpu.memory_space<vmem>>) target(%dma_start3A_188 : memref<112x128xf32, #tpu.memory_space<vmem_shared>>) target_semaphore(%run_scoped3A_184 : memref<!tpu.dma_semaphore, #tpu.memory_space<semaphore_mem>>)
          %dma_wait3A_189 = arith.constant 0 : i32
          %dma_wait3A_190 = tpu.memref_slice %arg29[%add3A_179, %dma_wait3A_189] : memref<10016x128xf32, #tpu.memory_space<vmem_shared>> -> memref<112x128xf32, #tpu.memory_space<vmem_shared>>
          %dma_wait3A_191 = arith.constant 0 : i32
          %dma_wait3A_192 = tpu.memref_slice %arg29[%add3A_179, %dma_wait3A_191] : memref<10016x128xf32, #tpu.memory_space<vmem_shared>> -> memref<112x128xf32, #tpu.memory_space<vmem_shared>>
          tpu.wait_dma2 semaphore(%run_scoped3A_184 : memref<!tpu.dma_semaphore, #tpu.memory_space<semaphore_mem>>) src(%arg23 : memref<112x128xf32, #tpu.memory_space<vmem>>) dst(%dma_wait3A_192 : memref<112x128xf32, #tpu.memory_space<vmem_shared>>)
          tpu.yield
        }) : () -> ()
        %mul3A_180 = arith.constant 632 : i32
        %mul3A_181 = arith.muli %arg1, %mul3A_180 : i32
        %add3A_182 = arith.constant 560 : i32
        %add3A_183 = arith.addi %mul3A_181, %add3A_182 : i32
        "tpu.region"() ({
          %run_scoped3A_184 = tpu.sem_alloc : memref<!tpu.dma_semaphore, #tpu.memory_space<semaphore_mem>>
          %dma_start3A_185 = arith.constant 0 : i32
          %dma_start3A_186 = arith.constant 0 : i32
          %dma_start3A_187 = tpu.memref_slice %arg23[%dma_start3A_185, %dma_start3A_186] : memref<112x128xf32, #tpu.memory_space<vmem>> -> memref<72x128xf32, #tpu.memory_space<vmem>>
          %dma_start3A_188 = arith.constant 0 : i32
          %dma_start3A_189 = tpu.memref_slice %arg29[%add3A_183, %dma_start3A_188] : memref<10016x128xf32, #tpu.memory_space<vmem_shared>> -> memref<72x128xf32, #tpu.memory_space<vmem_shared>>
          %dma_start3A_190 = arith.constant 0 : i32
          %dma_start3A_191 = tpu.memref_slice %arg29[%add3A_183, %dma_start3A_190] : memref<10016x128xf32, #tpu.memory_space<vmem_shared>> -> memref<72x128xf32, #tpu.memory_space<vmem_shared>>
          %dma_start3A_192 = arith.constant 0 : i32
          %dma_start3A_193 = arith.constant 0 : i32
          %dma_start3A_194 = tpu.memref_slice %arg23[%dma_start3A_192, %dma_start3A_193] : memref<112x128xf32, #tpu.memory_space<vmem>> -> memref<72x128xf32, #tpu.memory_space<vmem>>
          tpu.enqueue_dma source(%dma_start3A_194 : memref<72x128xf32, #tpu.memory_space<vmem>>) target(%dma_start3A_191 : memref<72x128xf32, #tpu.memory_space<vmem_shared>>) target_semaphore(%run_scoped3A_184 : memref<!tpu.dma_semaphore, #tpu.memory_space<semaphore_mem>>)
          %dma_wait3A_195 = arith.constant 0 : i32
          %dma_wait3A_196 = arith.constant 0 : i32
          %dma_wait3A_197 = tpu.memref_slice %arg23[%dma_wait3A_195, %dma_wait3A_196] : memref<112x128xf32, #tpu.memory_space<vmem>> -> memref<72x128xf32, #tpu.memory_space<vmem>>
          %dma_wait3A_198 = arith.constant 0 : i32
          %dma_wait3A_199 = tpu.memref_slice %arg29[%add3A_183, %dma_wait3A_198] : memref<10016x128xf32, #tpu.memory_space<vmem_shared>> -> memref<72x128xf32, #tpu.memory_space<vmem_shared>>
          %dma_wait3A_200 = arith.constant 0 : i32
          %dma_wait3A_201 = tpu.memref_slice %arg29[%add3A_183, %dma_wait3A_200] : memref<10016x128xf32, #tpu.memory_space<vmem_shared>> -> memref<72x128xf32, #tpu.memory_space<vmem_shared>>
          %dma_wait3A_202 = arith.constant 0 : i32
          %dma_wait3A_203 = arith.constant 0 : i32
          %dma_wait3A_204 = tpu.memref_slice %arg23[%dma_wait3A_202, %dma_wait3A_203] : memref<112x128xf32, #tpu.memory_space<vmem>> -> memref<72x128xf32, #tpu.memory_space<vmem>>
          tpu.wait_dma2 semaphore(%run_scoped3A_184 : memref<!tpu.dma_semaphore, #tpu.memory_space<semaphore_mem>>) src(%dma_wait3A_204 : memref<72x128xf32, #tpu.memory_space<vmem>>) dst(%dma_wait3A_201 : memref<72x128xf32, #tpu.memory_space<vmem_shared>>)
          tpu.yield
        }) : () -> ()
      } else {
      }
      %eq3A_40 = arith.constant 15 : i32
      %eq3A_41 = arith.cmpi eq, %arg1, %eq3A_40 : i32
      %convert_element_type3A_42 = arith.extui %eq3A_41 : i1 to i32
      %cond3A_43 = arith.constant 0 : i32
      %cond3A_44 = arith.cmpi ne, %convert_element_type3A_42, %cond3A_43 : i32
      scf.if %cond3A_44 {
        %mul3A_176 = arith.constant 632 : i32
        %mul3A_177 = arith.muli %arg1, %mul3A_176 : i32
        %add3A_178 = arith.constant 448 : i32
        %add3A_179 = arith.addi %mul3A_177, %add3A_178 : i32
        "tpu.region"() ({
          %run_scoped3A_180 = tpu.sem_alloc : memref<!tpu.dma_semaphore, #tpu.memory_space<semaphore_mem>>
          %dma_start3A_181 = arith.constant 0 : i32
          %dma_start3A_182 = arith.constant 0 : i32
          %dma_start3A_183 = tpu.memref_slice %arg23[%dma_start3A_181, %dma_start3A_182] : memref<112x128xf32, #tpu.memory_space<vmem>> -> memref<88x128xf32, #tpu.memory_space<vmem>>
          %dma_start3A_184 = arith.constant 0 : i32
          %dma_start3A_185 = tpu.memref_slice %arg29[%add3A_179, %dma_start3A_184] : memref<10016x128xf32, #tpu.memory_space<vmem_shared>> -> memref<88x128xf32, #tpu.memory_space<vmem_shared>>
          %dma_start3A_186 = arith.constant 0 : i32
          %dma_start3A_187 = tpu.memref_slice %arg29[%add3A_179, %dma_start3A_186] : memref<10016x128xf32, #tpu.memory_space<vmem_shared>> -> memref<88x128xf32, #tpu.memory_space<vmem_shared>>
          %dma_start3A_188 = arith.constant 0 : i32
          %dma_start3A_189 = arith.constant 0 : i32
          %dma_start3A_190 = tpu.memref_slice %arg23[%dma_start3A_188, %dma_start3A_189] : memref<112x128xf32, #tpu.memory_space<vmem>> -> memref<88x128xf32, #tpu.memory_space<vmem>>
          tpu.enqueue_dma source(%dma_start3A_190 : memref<88x128xf32, #tpu.memory_space<vmem>>) target(%dma_start3A_187 : memref<88x128xf32, #tpu.memory_space<vmem_shared>>) target_semaphore(%run_scoped3A_180 : memref<!tpu.dma_semaphore, #tpu.memory_space<semaphore_mem>>)
          %dma_wait3A_191 = arith.constant 0 : i32
          %dma_wait3A_192 = arith.constant 0 : i32
          %dma_wait3A_193 = tpu.memref_slice %arg23[%dma_wait3A_191, %dma_wait3A_192] : memref<112x128xf32, #tpu.memory_space<vmem>> -> memref<88x128xf32, #tpu.memory_space<vmem>>
          %dma_wait3A_194 = arith.constant 0 : i32
          %dma_wait3A_195 = tpu.memref_slice %arg29[%add3A_179, %dma_wait3A_194] : memref<10016x128xf32, #tpu.memory_space<vmem_shared>> -> memref<88x128xf32, #tpu.memory_space<vmem_shared>>
          %dma_wait3A_196 = arith.constant 0 : i32
          %dma_wait3A_197 = tpu.memref_slice %arg29[%add3A_179, %dma_wait3A_196] : memref<10016x128xf32, #tpu.memory_space<vmem_shared>> -> memref<88x128xf32, #tpu.memory_space<vmem_shared>>
          %dma_wait3A_198 = arith.constant 0 : i32
          %dma_wait3A_199 = arith.constant 0 : i32
          %dma_wait3A_200 = tpu.memref_slice %arg23[%dma_wait3A_198, %dma_wait3A_199] : memref<112x128xf32, #tpu.memory_space<vmem>> -> memref<88x128xf32, #tpu.memory_space<vmem>>
          tpu.wait_dma2 semaphore(%run_scoped3A_180 : memref<!tpu.dma_semaphore, #tpu.memory_space<semaphore_mem>>) src(%dma_wait3A_200 : memref<88x128xf32, #tpu.memory_space<vmem>>) dst(%dma_wait3A_197 : memref<88x128xf32, #tpu.memory_space<vmem_shared>>)
          tpu.yield
        }) : () -> ()
      } else {
      }
      %barrier3A = arith.constant 0 : index
      tpu.barrier barrier_id(%barrier3A)
      %add3A_45 = arith.constant 0 : i32
      %add3A_46 = arith.addi %mul3A_7, %add3A_45 : i32
      %dma_start3A = tpu.memref_slice %arg6[%add3A_46] : memref<322560xi32, #tpu.memory_space<hbm>> -> memref<112xi32, #tpu.memory_space<hbm>>
      %dma_start3A_47 = tpu.memref_slice %arg6[%add3A_46] : memref<322560xi32, #tpu.memory_space<hbm>> -> memref<112xi32, #tpu.memory_space<hbm>>
      tpu.enqueue_dma source(%dma_start3A_47 : memref<112xi32, #tpu.memory_space<hbm>>) target(%arg14 : memref<112xi32, #tpu.memory_space<vmem>>) target_semaphore(%arg30 : memref<!tpu.dma_semaphore, #tpu.memory_space<semaphore_mem>>)
      %add3A_48 = arith.constant 0 : i32
      %add3A_49 = arith.addi %mul3A_7, %add3A_48 : i32
      %dma_start3A_50 = tpu.memref_slice %arg7[%add3A_49] : memref<322560xi32, #tpu.memory_space<hbm>> -> memref<112xi32, #tpu.memory_space<hbm>>
      %dma_start3A_51 = tpu.memref_slice %arg7[%add3A_49] : memref<322560xi32, #tpu.memory_space<hbm>> -> memref<112xi32, #tpu.memory_space<hbm>>
      tpu.enqueue_dma source(%dma_start3A_51 : memref<112xi32, #tpu.memory_space<hbm>>) target(%arg17 : memref<112xi32, #tpu.memory_space<vmem>>) target_semaphore(%arg33 : memref<!tpu.dma_semaphore, #tpu.memory_space<semaphore_mem>>)
      %add3A_52 = arith.constant 0 : i32
      %add3A_53 = arith.addi %mul3A_7, %add3A_52 : i32
      %dma_start3A_54 = tpu.memref_slice %arg9[%add3A_53] : memref<322560xi32, #tpu.memory_space<hbm>> -> memref<112xi32, #tpu.memory_space<hbm>>
      %dma_start3A_55 = tpu.memref_slice %arg9[%add3A_53] : memref<322560xi32, #tpu.memory_space<hbm>> -> memref<112xi32, #tpu.memory_space<hbm>>
      tpu.enqueue_dma source(%dma_start3A_55 : memref<112xi32, #tpu.memory_space<hbm>>) target(%arg20 : memref<112xi32, #tpu.memory_space<vmem>>) target_semaphore(%arg36 : memref<!tpu.dma_semaphore, #tpu.memory_space<semaphore_mem>>)
      %add3A_56 = arith.constant 112 : i32
      %add3A_57 = arith.addi %mul3A_7, %add3A_56 : i32
      %dma_start3A_58 = tpu.memref_slice %arg6[%add3A_57] : memref<322560xi32, #tpu.memory_space<hbm>> -> memref<112xi32, #tpu.memory_space<hbm>>
      %dma_start3A_59 = tpu.memref_slice %arg6[%add3A_57] : memref<322560xi32, #tpu.memory_space<hbm>> -> memref<112xi32, #tpu.memory_space<hbm>>
      tpu.enqueue_dma source(%dma_start3A_59 : memref<112xi32, #tpu.memory_space<hbm>>) target(%arg15 : memref<112xi32, #tpu.memory_space<vmem>>) target_semaphore(%arg31 : memref<!tpu.dma_semaphore, #tpu.memory_space<semaphore_mem>>)
      %add3A_60 = arith.constant 112 : i32
      %add3A_61 = arith.addi %mul3A_7, %add3A_60 : i32
      %dma_start3A_62 = tpu.memref_slice %arg7[%add3A_61] : memref<322560xi32, #tpu.memory_space<hbm>> -> memref<112xi32, #tpu.memory_space<hbm>>
      %dma_start3A_63 = tpu.memref_slice %arg7[%add3A_61] : memref<322560xi32, #tpu.memory_space<hbm>> -> memref<112xi32, #tpu.memory_space<hbm>>
      tpu.enqueue_dma source(%dma_start3A_63 : memref<112xi32, #tpu.memory_space<hbm>>) target(%arg18 : memref<112xi32, #tpu.memory_space<vmem>>) target_semaphore(%arg34 : memref<!tpu.dma_semaphore, #tpu.memory_space<semaphore_mem>>)
      %add3A_64 = arith.constant 112 : i32
      %add3A_65 = arith.addi %mul3A_7, %add3A_64 : i32
      %dma_start3A_66 = tpu.memref_slice %arg9[%add3A_65] : memref<322560xi32, #tpu.memory_space<hbm>> -> memref<112xi32, #tpu.memory_space<hbm>>
      %dma_start3A_67 = tpu.memref_slice %arg9[%add3A_65] : memref<322560xi32, #tpu.memory_space<hbm>> -> memref<112xi32, #tpu.memory_space<hbm>>
      tpu.enqueue_dma source(%dma_start3A_67 : memref<112xi32, #tpu.memory_space<hbm>>) target(%arg21 : memref<112xi32, #tpu.memory_space<vmem>>) target_semaphore(%arg37 : memref<!tpu.dma_semaphore, #tpu.memory_space<semaphore_mem>>)
      %add3A_68 = arith.constant 224 : i32
      %add3A_69 = arith.addi %mul3A_7, %add3A_68 : i32
      %dma_start3A_70 = tpu.memref_slice %arg6[%add3A_69] : memref<322560xi32, #tpu.memory_space<hbm>> -> memref<112xi32, #tpu.memory_space<hbm>>
      %dma_start3A_71 = tpu.memref_slice %arg6[%add3A_69] : memref<322560xi32, #tpu.memory_space<hbm>> -> memref<112xi32, #tpu.memory_space<hbm>>
      tpu.enqueue_dma source(%dma_start3A_71 : memref<112xi32, #tpu.memory_space<hbm>>) target(%arg16 : memref<112xi32, #tpu.memory_space<vmem>>) target_semaphore(%arg32 : memref<!tpu.dma_semaphore, #tpu.memory_space<semaphore_mem>>)
      %add3A_72 = arith.constant 224 : i32
      %add3A_73 = arith.addi %mul3A_7, %add3A_72 : i32
      %dma_start3A_74 = tpu.memref_slice %arg7[%add3A_73] : memref<322560xi32, #tpu.memory_space<hbm>> -> memref<112xi32, #tpu.memory_space<hbm>>
      %dma_start3A_75 = tpu.memref_slice %arg7[%add3A_73] : memref<322560xi32, #tpu.memory_space<hbm>> -> memref<112xi32, #tpu.memory_space<hbm>>
      tpu.enqueue_dma source(%dma_start3A_75 : memref<112xi32, #tpu.memory_space<hbm>>) target(%arg19 : memref<112xi32, #tpu.memory_space<vmem>>) target_semaphore(%arg35 : memref<!tpu.dma_semaphore, #tpu.memory_space<semaphore_mem>>)
      %add3A_76 = arith.constant 224 : i32
      %add3A_77 = arith.addi %mul3A_7, %add3A_76 : i32
      %dma_start3A_78 = tpu.memref_slice %arg9[%add3A_77] : memref<322560xi32, #tpu.memory_space<hbm>> -> memref<112xi32, #tpu.memory_space<hbm>>
      %dma_start3A_79 = tpu.memref_slice %arg9[%add3A_77] : memref<322560xi32, #tpu.memory_space<hbm>> -> memref<112xi32, #tpu.memory_space<hbm>>
      tpu.enqueue_dma source(%dma_start3A_79 : memref<112xi32, #tpu.memory_space<hbm>>) target(%arg22 : memref<112xi32, #tpu.memory_space<vmem>>) target_semaphore(%arg38 : memref<!tpu.dma_semaphore, #tpu.memory_space<semaphore_mem>>)
      %dma_wait3A = arith.constant 0 : i32
      %dma_wait3A_80 = tpu.memref_slice %arg6[%dma_wait3A] : memref<322560xi32, #tpu.memory_space<hbm>> -> memref<112xi32, #tpu.memory_space<hbm>>
      %dma_wait3A_81 = arith.constant 0 : i32
      %dma_wait3A_82 = tpu.memref_slice %arg6[%dma_wait3A_81] : memref<322560xi32, #tpu.memory_space<hbm>> -> memref<112xi32, #tpu.memory_space<hbm>>
      tpu.wait_dma2 semaphore(%arg30 : memref<!tpu.dma_semaphore, #tpu.memory_space<semaphore_mem>>) src(%dma_wait3A_82 : memref<112xi32, #tpu.memory_space<hbm>>) dst(%arg14 : memref<112xi32, #tpu.memory_space<vmem>>)
      %dma_wait3A_83 = arith.constant 0 : i32
      %dma_wait3A_84 = tpu.memref_slice %arg7[%dma_wait3A_83] : memref<322560xi32, #tpu.memory_space<hbm>> -> memref<112xi32, #tpu.memory_space<hbm>>
      %dma_wait3A_85 = arith.constant 0 : i32
      %dma_wait3A_86 = tpu.memref_slice %arg7[%dma_wait3A_85] : memref<322560xi32, #tpu.memory_space<hbm>> -> memref<112xi32, #tpu.memory_space<hbm>>
      tpu.wait_dma2 semaphore(%arg33 : memref<!tpu.dma_semaphore, #tpu.memory_space<semaphore_mem>>) src(%dma_wait3A_86 : memref<112xi32, #tpu.memory_space<hbm>>) dst(%arg17 : memref<112xi32, #tpu.memory_space<vmem>>)
      %dma_wait3A_87 = arith.constant 0 : i32
      %dma_wait3A_88 = tpu.memref_slice %arg9[%dma_wait3A_87] : memref<322560xi32, #tpu.memory_space<hbm>> -> memref<112xi32, #tpu.memory_space<hbm>>
      %dma_wait3A_89 = arith.constant 0 : i32
      %dma_wait3A_90 = tpu.memref_slice %arg9[%dma_wait3A_89] : memref<322560xi32, #tpu.memory_space<hbm>> -> memref<112xi32, #tpu.memory_space<hbm>>
      tpu.wait_dma2 semaphore(%arg36 : memref<!tpu.dma_semaphore, #tpu.memory_space<semaphore_mem>>) src(%dma_wait3A_90 : memref<112xi32, #tpu.memory_space<hbm>>) dst(%arg20 : memref<112xi32, #tpu.memory_space<vmem>>)
      %dma_start3A_91 = arith.constant 0 : i32
      %dma_start3A_92 = arith.constant 0 : i32
      %dma_start3A_93 = tpu.memref_slice %arg3[%dma_start3A_91, %dma_start3A_92] : memref<10000x128xf32, #tpu.memory_space<hbm>> -> memref<10000x128xf32, #tpu.memory_space<hbm>>
      tpu.enqueue_indirect_dma source(%dma_start3A_93 : memref<10000x128xf32, #tpu.memory_space<hbm>>) target(%arg23 : memref<112x128xf32, #tpu.memory_space<vmem>>) offsets(%arg14 : memref<112xi32, #tpu.memory_space<vmem>>) semaphore(%arg39 : memref<!tpu.dma_semaphore, #tpu.memory_space<semaphore_mem>>)
      %dma_wait3A_94 = arith.constant 0 : i32
      %dma_wait3A_95 = tpu.memref_slice %arg6[%dma_wait3A_94] : memref<322560xi32, #tpu.memory_space<hbm>> -> memref<112xi32, #tpu.memory_space<hbm>>
      %dma_wait3A_96 = arith.constant 0 : i32
      %dma_wait3A_97 = tpu.memref_slice %arg6[%dma_wait3A_96] : memref<322560xi32, #tpu.memory_space<hbm>> -> memref<112xi32, #tpu.memory_space<hbm>>
      tpu.wait_dma2 semaphore(%arg31 : memref<!tpu.dma_semaphore, #tpu.memory_space<semaphore_mem>>) src(%dma_wait3A_97 : memref<112xi32, #tpu.memory_space<hbm>>) dst(%arg15 : memref<112xi32, #tpu.memory_space<vmem>>)
      %dma_wait3A_98 = arith.constant 0 : i32
      %dma_wait3A_99 = tpu.memref_slice %arg7[%dma_wait3A_98] : memref<322560xi32, #tpu.memory_space<hbm>> -> memref<112xi32, #tpu.memory_space<hbm>>
      %dma_wait3A_100 = arith.constant 0 : i32
      %dma_wait3A_101 = tpu.memref_slice %arg7[%dma_wait3A_100] : memref<322560xi32, #tpu.memory_space<hbm>> -> memref<112xi32, #tpu.memory_space<hbm>>
      tpu.wait_dma2 semaphore(%arg34 : memref<!tpu.dma_semaphore, #tpu.memory_space<semaphore_mem>>) src(%dma_wait3A_101 : memref<112xi32, #tpu.memory_space<hbm>>) dst(%arg18 : memref<112xi32, #tpu.memory_space<vmem>>)
      %dma_wait3A_102 = arith.constant 0 : i32
      %dma_wait3A_103 = tpu.memref_slice %arg9[%dma_wait3A_102] : memref<322560xi32, #tpu.memory_space<hbm>> -> memref<112xi32, #tpu.memory_space<hbm>>
      %dma_wait3A_104 = arith.constant 0 : i32
      %dma_wait3A_105 = tpu.memref_slice %arg9[%dma_wait3A_104] : memref<322560xi32, #tpu.memory_space<hbm>> -> memref<112xi32, #tpu.memory_space<hbm>>
      tpu.wait_dma2 semaphore(%arg37 : memref<!tpu.dma_semaphore, #tpu.memory_space<semaphore_mem>>) src(%dma_wait3A_105 : memref<112xi32, #tpu.memory_space<hbm>>) dst(%arg21 : memref<112xi32, #tpu.memory_space<vmem>>)
      %dma_start3A_106 = arith.constant 0 : i32
      %dma_start3A_107 = arith.constant 0 : i32
      %dma_start3A_108 = tpu.memref_slice %arg3[%dma_start3A_106, %dma_start3A_107] : memref<10000x128xf32, #tpu.memory_space<hbm>> -> memref<10000x128xf32, #tpu.memory_space<hbm>>
      tpu.enqueue_indirect_dma source(%dma_start3A_108 : memref<10000x128xf32, #tpu.memory_space<hbm>>) target(%arg24 : memref<112x128xf32, #tpu.memory_space<vmem>>) offsets(%arg15 : memref<112xi32, #tpu.memory_space<vmem>>) semaphore(%arg40 : memref<!tpu.dma_semaphore, #tpu.memory_space<semaphore_mem>>)
      %scan3A_109 = arith.constant 0 : i32
      %scan3A_110 = arith.constant 0 : i32
      %scan3A_111 = arith.constant 60 : i32
      %scan3A_112 = arith.addi %scan3A_110, %scan3A_111 : i32
      %scan3A_113 = arith.constant 1 : i32
      %scan3A_114 = scf.for %scan3A_176 = %scan3A_110 to %scan3A_112 step %scan3A_113 iter_args(%scan3A_177 = %scan3A_109) -> (i32)  : i32 {
        %mul3A_178 = arith.constant 3 : i32
        %mul3A_179 = arith.muli %scan3A_176, %mul3A_178 : i32
        %add3A_180 = arith.constant 0 : i32
        %add3A_181 = arith.addi %mul3A_179, %add3A_180 : i32
        %add3A_182 = arith.constant 2 : i32
        %add3A_183 = arith.addi %add3A_181, %add3A_182 : i32
        %lt3A_184 = arith.constant 180 : i32
        %lt3A_185 = arith.cmpi slt, %add3A_183, %lt3A_184 : i32
        %convert_element_type3A_186 = arith.extui %lt3A_185 : i1 to i32
        %cond3A_187 = arith.constant 0 : i32
        %cond3A_188 = arith.cmpi ne, %convert_element_type3A_186, %cond3A_187 : i32
        scf.if %cond3A_188 {
          %dma_wait3A_615 = arith.constant 0 : i32
          %dma_wait3A_616 = tpu.memref_slice %arg6[%dma_wait3A_615] : memref<322560xi32, #tpu.memory_space<hbm>> -> memref<112xi32, #tpu.memory_space<hbm>>
          %dma_wait3A_617 = arith.constant 0 : i32
          %dma_wait3A_618 = tpu.memref_slice %arg6[%dma_wait3A_617] : memref<322560xi32, #tpu.memory_space<hbm>> -> memref<112xi32, #tpu.memory_space<hbm>>
          tpu.wait_dma2 semaphore(%arg32 : memref<!tpu.dma_semaphore, #tpu.memory_space<semaphore_mem>>) src(%dma_wait3A_618 : memref<112xi32, #tpu.memory_space<hbm>>) dst(%arg16 : memref<112xi32, #tpu.memory_space<vmem>>)
          %dma_wait3A_619 = arith.constant 0 : i32
          %dma_wait3A_620 = tpu.memref_slice %arg7[%dma_wait3A_619] : memref<322560xi32, #tpu.memory_space<hbm>> -> memref<112xi32, #tpu.memory_space<hbm>>
          %dma_wait3A_621 = arith.constant 0 : i32
          %dma_wait3A_622 = tpu.memref_slice %arg7[%dma_wait3A_621] : memref<322560xi32, #tpu.memory_space<hbm>> -> memref<112xi32, #tpu.memory_space<hbm>>
          tpu.wait_dma2 semaphore(%arg35 : memref<!tpu.dma_semaphore, #tpu.memory_space<semaphore_mem>>) src(%dma_wait3A_622 : memref<112xi32, #tpu.memory_space<hbm>>) dst(%arg19 : memref<112xi32, #tpu.memory_space<vmem>>)
          %dma_wait3A_623 = arith.constant 0 : i32
          %dma_wait3A_624 = tpu.memref_slice %arg9[%dma_wait3A_623] : memref<322560xi32, #tpu.memory_space<hbm>> -> memref<112xi32, #tpu.memory_space<hbm>>
          %dma_wait3A_625 = arith.constant 0 : i32
          %dma_wait3A_626 = tpu.memref_slice %arg9[%dma_wait3A_625] : memref<322560xi32, #tpu.memory_space<hbm>> -> memref<112xi32, #tpu.memory_space<hbm>>
          tpu.wait_dma2 semaphore(%arg38 : memref<!tpu.dma_semaphore, #tpu.memory_space<semaphore_mem>>) src(%dma_wait3A_626 : memref<112xi32, #tpu.memory_space<hbm>>) dst(%arg22 : memref<112xi32, #tpu.memory_space<vmem>>)
          %dma_start3A_627 = arith.constant 0 : i32
          %dma_start3A_628 = arith.constant 0 : i32
          %dma_start3A_629 = tpu.memref_slice %arg3[%dma_start3A_627, %dma_start3A_628] : memref<10000x128xf32, #tpu.memory_space<hbm>> -> memref<10000x128xf32, #tpu.memory_space<hbm>>
          tpu.enqueue_indirect_dma source(%dma_start3A_629 : memref<10000x128xf32, #tpu.memory_space<hbm>>) target(%arg25 : memref<112x128xf32, #tpu.memory_space<vmem>>) offsets(%arg16 : memref<112xi32, #tpu.memory_space<vmem>>) semaphore(%arg41 : memref<!tpu.dma_semaphore, #tpu.memory_space<semaphore_mem>>)
        } else {
        }
        %dma_wait3A_189 = arith.constant 0 : i32
        %dma_wait3A_190 = arith.constant 0 : i32
        %dma_wait3A_191 = tpu.memref_slice %arg3[%dma_wait3A_189, %dma_wait3A_190] : memref<10000x128xf32, #tpu.memory_space<hbm>> -> memref<10000x128xf32, #tpu.memory_space<hbm>>
        tpu.wait_indirect_dma semaphore(%arg39 : memref<!tpu.dma_semaphore, #tpu.memory_space<semaphore_mem>>) src(%dma_wait3A_191 : memref<10000x128xf32, #tpu.memory_space<hbm>>) dst(%arg23 : memref<112x128xf32, #tpu.memory_space<vmem>>)
        "tpu.region"() ({
          %run_scoped3A_615 = tpu.sem_alloc : memref<!tpu.dma_semaphore, #tpu.memory_space<semaphore_mem>>
          %dma_start3A_616 = arith.constant 0 : i32
          %dma_start3A_617 = arith.constant 0 : i32
          %dma_start3A_618 = tpu.memref_slice %arg29[%dma_start3A_616, %dma_start3A_617] : memref<10016x128xf32, #tpu.memory_space<vmem_shared>> -> memref<10016x128xf32, #tpu.memory_space<vmem_shared>>
          tpu.enqueue_indirect_dma source(%arg23 : memref<112x128xf32, #tpu.memory_space<vmem>>) target(%dma_start3A_618 : memref<10016x128xf32, #tpu.memory_space<vmem_shared>>) offsets(%arg17 : memref<112xi32, #tpu.memory_space<vmem>>) semaphore(%run_scoped3A_615 : memref<!tpu.dma_semaphore, #tpu.memory_space<semaphore_mem>>) {add = true}
          %dma_wait3A_619 = arith.constant 0 : i32
          %dma_wait3A_620 = arith.constant 0 : i32
          %dma_wait3A_621 = tpu.memref_slice %arg29[%dma_wait3A_619, %dma_wait3A_620] : memref<10016x128xf32, #tpu.memory_space<vmem_shared>> -> memref<10016x128xf32, #tpu.memory_space<vmem_shared>>
          tpu.wait_indirect_dma semaphore(%run_scoped3A_615 : memref<!tpu.dma_semaphore, #tpu.memory_space<semaphore_mem>>) src(%arg23 : memref<112x128xf32, #tpu.memory_space<vmem>>) dst(%dma_wait3A_621 : memref<10016x128xf32, #tpu.memory_space<vmem_shared>>)
          tpu.yield
        }) : () -> ()
        %get3A = arith.constant 0 : index
        %get3A_192 = tpu.vector_load %arg20[%get3A] {strides = array<i32>} : memref<112xi32, #tpu.memory_space<vmem>>, vector<16xi32>,
        %gt3A = arith.constant 0 : i32
        %gt3A_193 = vector.broadcast %gt3A : i32 to vector<16xi32>
        %gt3A_194 = arith.cmpi sgt, %get3A_192, %gt3A_193 : vector<16xi32>
        %get3A_195 = arith.constant 0 : index
        %get3A_196 = tpu.vector_load %arg14[%get3A_195] {strides = array<i32>} : memref<112xi32, #tpu.memory_space<vmem>>, vector<16xi32>,
        %swap3A = arith.index_cast %scan3A_177 : i32 to index
        %swap3A_197 = tpu.vector_load %arg26[%swap3A] masked %gt3A_194 {strides = array<i32>} : memref<352xi32, #tpu.memory_space<vmem>>, vector<16xi32>, vector<16xi1>
        tpu.vector_store %arg26[%swap3A], %get3A_196 masked %gt3A_194 {strides = array<i32>} : memref<352xi32, #tpu.memory_space<vmem>>, vector<16xi32>, vector<16xi1>
        %get3A_198 = arith.constant 0 : index
        %get3A_199 = tpu.vector_load %arg17[%get3A_198] {strides = array<i32>} : memref<112xi32, #tpu.memory_space<vmem>>, vector<16xi32>,
        %swap3A_200 = arith.index_cast %scan3A_177 : i32 to index
        %swap3A_201 = tpu.vector_load %arg27[%swap3A_200] masked %gt3A_194 {strides = array<i32>} : memref<352xi32, #tpu.memory_space<vmem>>, vector<16xi32>, vector<16xi1>
        tpu.vector_store %arg27[%swap3A_200], %get3A_199 masked %gt3A_194 {strides = array<i32>} : memref<352xi32, #tpu.memory_space<vmem>>, vector<16xi32>, vector<16xi1>
        %reduce_sum3A = arith.constant true
        %reduce_sum3A_202 = vector.broadcast %reduce_sum3A : i1 to vector<16xi1>
        %reduce_sum3A_203 = tpu.scan <sum>, %get3A_192 masked %reduce_sum3A_202 : vector<16xi32>, vector<16xi1> -> vector<16xi32>
        %reduce_sum3A_204 = vector.extract %reduce_sum3A_203[15] : i32 from vector<16xi32>
        %add3A_205 = arith.addi %scan3A_177, %reduce_sum3A_204 : i32
        %get3A_206 = arith.constant 16 : index
        %get3A_207 = tpu.vector_load %arg20[%get3A_206] {strides = array<i32>} : memref<112xi32, #tpu.memory_space<vmem>>, vector<16xi32>,
        %gt3A_208 = arith.constant 0 : i32
        %gt3A_209 = vector.broadcast %gt3A_208 : i32 to vector<16xi32>
        %gt3A_210 = arith.cmpi sgt, %get3A_207, %gt3A_209 : vector<16xi32>
        %get3A_211 = arith.constant 16 : index
        %get3A_212 = tpu.vector_load %arg14[%get3A_211] {strides = array<i32>} : memref<112xi32, #tpu.memory_space<vmem>>, vector<16xi32>,
        %swap3A_213 = arith.index_cast %add3A_205 : i32 to index
        %swap3A_214 = tpu.vector_load %arg26[%swap3A_213] masked %gt3A_210 {strides = array<i32>} : memref<352xi32, #tpu.memory_space<vmem>>, vector<16xi32>, vector<16xi1>
        tpu.vector_store %arg26[%swap3A_213], %get3A_212 masked %gt3A_210 {strides = array<i32>} : memref<352xi32, #tpu.memory_space<vmem>>, vector<16xi32>, vector<16xi1>
        %get3A_215 = arith.constant 16 : index
        %get3A_216 = tpu.vector_load %arg17[%get3A_215] {strides = array<i32>} : memref<112xi32, #tpu.memory_space<vmem>>, vector<16xi32>,
        %swap3A_217 = arith.index_cast %add3A_205 : i32 to index
        %swap3A_218 = tpu.vector_load %arg27[%swap3A_217] masked %gt3A_210 {strides = array<i32>} : memref<352xi32, #tpu.memory_space<vmem>>, vector<16xi32>, vector<16xi1>
        tpu.vector_store %arg27[%swap3A_217], %get3A_216 masked %gt3A_210 {strides = array<i32>} : memref<352xi32, #tpu.memory_space<vmem>>, vector<16xi32>, vector<16xi1>
        %reduce_sum3A_219 = arith.constant true
        %reduce_sum3A_220 = vector.broadcast %reduce_sum3A_219 : i1 to vector<16xi1>
        %reduce_sum3A_221 = tpu.scan <sum>, %get3A_207 masked %reduce_sum3A_220 : vector<16xi32>, vector<16xi1> -> vector<16xi32>
        %reduce_sum3A_222 = vector.extract %reduce_sum3A_221[15] : i32 from vector<16xi32>
        %add3A_223 = arith.addi %add3A_205, %reduce_sum3A_222 : i32
        %get3A_224 = arith.constant 32 : index
        %get3A_225 = tpu.vector_load %arg20[%get3A_224] {strides = array<i32>} : memref<112xi32, #tpu.memory_space<vmem>>, vector<16xi32>,
        %gt3A_226 = arith.constant 0 : i32
        %gt3A_227 = vector.broadcast %gt3A_226 : i32 to vector<16xi32>
        %gt3A_228 = arith.cmpi sgt, %get3A_225, %gt3A_227 : vector<16xi32>
        %get3A_229 = arith.constant 32 : index
        %get3A_230 = tpu.vector_load %arg14[%get3A_229] {strides = array<i32>} : memref<112xi32, #tpu.memory_space<vmem>>, vector<16xi32>,
        %swap3A_231 = arith.index_cast %add3A_223 : i32 to index
        %swap3A_232 = tpu.vector_load %arg26[%swap3A_231] masked %gt3A_228 {strides = array<i32>} : memref<352xi32, #tpu.memory_space<vmem>>, vector<16xi32>, vector<16xi1>
        tpu.vector_store %arg26[%swap3A_231], %get3A_230 masked %gt3A_228 {strides = array<i32>} : memref<352xi32, #tpu.memory_space<vmem>>, vector<16xi32>, vector<16xi1>
        %get3A_233 = arith.constant 32 : index
        %get3A_234 = tpu.vector_load %arg17[%get3A_233] {strides = array<i32>} : memref<112xi32, #tpu.memory_space<vmem>>, vector<16xi32>,
        %swap3A_235 = arith.index_cast %add3A_223 : i32 to index
        %swap3A_236 = tpu.vector_load %arg27[%swap3A_235] masked %gt3A_228 {strides = array<i32>} : memref<352xi32, #tpu.memory_space<vmem>>, vector<16xi32>, vector<16xi1>
        tpu.vector_store %arg27[%swap3A_235], %get3A_234 masked %gt3A_228 {strides = array<i32>} : memref<352xi32, #tpu.memory_space<vmem>>, vector<16xi32>, vector<16xi1>
        %reduce_sum3A_237 = arith.constant true
        %reduce_sum3A_238 = vector.broadcast %reduce_sum3A_237 : i1 to vector<16xi1>
        %reduce_sum3A_239 = tpu.scan <sum>, %get3A_225 masked %reduce_sum3A_238 : vector<16xi32>, vector<16xi1> -> vector<16xi32>
        %reduce_sum3A_240 = vector.extract %reduce_sum3A_239[15] : i32 from vector<16xi32>
        %add3A_241 = arith.addi %add3A_223, %reduce_sum3A_240 : i32
        %get3A_242 = arith.constant 48 : index
        %get3A_243 = tpu.vector_load %arg20[%get3A_242] {strides = array<i32>} : memref<112xi32, #tpu.memory_space<vmem>>, vector<16xi32>,
        %gt3A_244 = arith.constant 0 : i32
        %gt3A_245 = vector.broadcast %gt3A_244 : i32 to vector<16xi32>
        %gt3A_246 = arith.cmpi sgt, %get3A_243, %gt3A_245 : vector<16xi32>
        %get3A_247 = arith.constant 48 : index
        %get3A_248 = tpu.vector_load %arg14[%get3A_247] {strides = array<i32>} : memref<112xi32, #tpu.memory_space<vmem>>, vector<16xi32>,
        %swap3A_249 = arith.index_cast %add3A_241 : i32 to index
        %swap3A_250 = tpu.vector_load %arg26[%swap3A_249] masked %gt3A_246 {strides = array<i32>} : memref<352xi32, #tpu.memory_space<vmem>>, vector<16xi32>, vector<16xi1>
        tpu.vector_store %arg26[%swap3A_249], %get3A_248 masked %gt3A_246 {strides = array<i32>} : memref<352xi32, #tpu.memory_space<vmem>>, vector<16xi32>, vector<16xi1>
        %get3A_251 = arith.constant 48 : index
        %get3A_252 = tpu.vector_load %arg17[%get3A_251] {strides = array<i32>} : memref<112xi32, #tpu.memory_space<vmem>>, vector<16xi32>,
        %swap3A_253 = arith.index_cast %add3A_241 : i32 to index
        %swap3A_254 = tpu.vector_load %arg27[%swap3A_253] masked %gt3A_246 {strides = array<i32>} : memref<352xi32, #tpu.memory_space<vmem>>, vector<16xi32>, vector<16xi1>
        tpu.vector_store %arg27[%swap3A_253], %get3A_252 masked %gt3A_246 {strides = array<i32>} : memref<352xi32, #tpu.memory_space<vmem>>, vector<16xi32>, vector<16xi1>
        %reduce_sum3A_255 = arith.constant true
        %reduce_sum3A_256 = vector.broadcast %reduce_sum3A_255 : i1 to vector<16xi1>
        %reduce_sum3A_257 = tpu.scan <sum>, %get3A_243 masked %reduce_sum3A_256 : vector<16xi32>, vector<16xi1> -> vector<16xi32>
        %reduce_sum3A_258 = vector.extract %reduce_sum3A_257[15] : i32 from vector<16xi32>
        %add3A_259 = arith.addi %add3A_241, %reduce_sum3A_258 : i32
        %get3A_260 = arith.constant 64 : index
        %get3A_261 = tpu.vector_load %arg20[%get3A_260] {strides = array<i32>} : memref<112xi32, #tpu.memory_space<vmem>>, vector<16xi32>,
        %gt3A_262 = arith.constant 0 : i32
        %gt3A_263 = vector.broadcast %gt3A_262 : i32 to vector<16xi32>
        %gt3A_264 = arith.cmpi sgt, %get3A_261, %gt3A_263 : vector<16xi32>
        %get3A_265 = arith.constant 64 : index
        %get3A_266 = tpu.vector_load %arg14[%get3A_265] {strides = array<i32>} : memref<112xi32, #tpu.memory_space<vmem>>, vector<16xi32>,
        %swap3A_267 = arith.index_cast %add3A_259 : i32 to index
        %swap3A_268 = tpu.vector_load %arg26[%swap3A_267] masked %gt3A_264 {strides = array<i32>} : memref<352xi32, #tpu.memory_space<vmem>>, vector<16xi32>, vector<16xi1>
        tpu.vector_store %arg26[%swap3A_267], %get3A_266 masked %gt3A_264 {strides = array<i32>} : memref<352xi32, #tpu.memory_space<vmem>>, vector<16xi32>, vector<16xi1>
        %get3A_269 = arith.constant 64 : index
        %get3A_270 = tpu.vector_load %arg17[%get3A_269] {strides = array<i32>} : memref<112xi32, #tpu.memory_space<vmem>>, vector<16xi32>,
        %swap3A_271 = arith.index_cast %add3A_259 : i32 to index
        %swap3A_272 = tpu.vector_load %arg27[%swap3A_271] masked %gt3A_264 {strides = array<i32>} : memref<352xi32, #tpu.memory_space<vmem>>, vector<16xi32>, vector<16xi1>
        tpu.vector_store %arg27[%swap3A_271], %get3A_270 masked %gt3A_264 {strides = array<i32>} : memref<352xi32, #tpu.memory_space<vmem>>, vector<16xi32>, vector<16xi1>
        %reduce_sum3A_273 = arith.constant true
        %reduce_sum3A_274 = vector.broadcast %reduce_sum3A_273 : i1 to vector<16xi1>
        %reduce_sum3A_275 = tpu.scan <sum>, %get3A_261 masked %reduce_sum3A_274 : vector<16xi32>, vector<16xi1> -> vector<16xi32>
        %reduce_sum3A_276 = vector.extract %reduce_sum3A_275[15] : i32 from vector<16xi32>
        %add3A_277 = arith.addi %add3A_259, %reduce_sum3A_276 : i32
        %get3A_278 = arith.constant 80 : index
        %get3A_279 = tpu.vector_load %arg20[%get3A_278] {strides = array<i32>} : memref<112xi32, #tpu.memory_space<vmem>>, vector<16xi32>,
        %gt3A_280 = arith.constant 0 : i32
        %gt3A_281 = vector.broadcast %gt3A_280 : i32 to vector<16xi32>
        %gt3A_282 = arith.cmpi sgt, %get3A_279, %gt3A_281 : vector<16xi32>
        %get3A_283 = arith.constant 80 : index
        %get3A_284 = tpu.vector_load %arg14[%get3A_283] {strides = array<i32>} : memref<112xi32, #tpu.memory_space<vmem>>, vector<16xi32>,
        %swap3A_285 = arith.index_cast %add3A_277 : i32 to index
        %swap3A_286 = tpu.vector_load %arg26[%swap3A_285] masked %gt3A_282 {strides = array<i32>} : memref<352xi32, #tpu.memory_space<vmem>>, vector<16xi32>, vector<16xi1>
        tpu.vector_store %arg26[%swap3A_285], %get3A_284 masked %gt3A_282 {strides = array<i32>} : memref<352xi32, #tpu.memory_space<vmem>>, vector<16xi32>, vector<16xi1>
        %get3A_287 = arith.constant 80 : index
        %get3A_288 = tpu.vector_load %arg17[%get3A_287] {strides = array<i32>} : memref<112xi32, #tpu.memory_space<vmem>>, vector<16xi32>,
        %swap3A_289 = arith.index_cast %add3A_277 : i32 to index
        %swap3A_290 = tpu.vector_load %arg27[%swap3A_289] masked %gt3A_282 {strides = array<i32>} : memref<352xi32, #tpu.memory_space<vmem>>, vector<16xi32>, vector<16xi1>
        tpu.vector_store %arg27[%swap3A_289], %get3A_288 masked %gt3A_282 {strides = array<i32>} : memref<352xi32, #tpu.memory_space<vmem>>, vector<16xi32>, vector<16xi1>
        %reduce_sum3A_291 = arith.constant true
        %reduce_sum3A_292 = vector.broadcast %reduce_sum3A_291 : i1 to vector<16xi1>
        %reduce_sum3A_293 = tpu.scan <sum>, %get3A_279 masked %reduce_sum3A_292 : vector<16xi32>, vector<16xi1> -> vector<16xi32>
        %reduce_sum3A_294 = vector.extract %reduce_sum3A_293[15] : i32 from vector<16xi32>
        %add3A_295 = arith.addi %add3A_277, %reduce_sum3A_294 : i32
        %get3A_296 = arith.constant 96 : index
        %get3A_297 = tpu.vector_load %arg20[%get3A_296] {strides = array<i32>} : memref<112xi32, #tpu.memory_space<vmem>>, vector<16xi32>,
        %gt3A_298 = arith.constant 0 : i32
        %gt3A_299 = vector.broadcast %gt3A_298 : i32 to vector<16xi32>
        %gt3A_300 = arith.cmpi sgt, %get3A_297, %gt3A_299 : vector<16xi32>
        %get3A_301 = arith.constant 96 : index
        %get3A_302 = tpu.vector_load %arg14[%get3A_301] {strides = array<i32>} : memref<112xi32, #tpu.memory_space<vmem>>, vector<16xi32>,
        %swap3A_303 = arith.index_cast %add3A_295 : i32 to index
        %swap3A_304 = tpu.vector_load %arg26[%swap3A_303] masked %gt3A_300 {strides = array<i32>} : memref<352xi32, #tpu.memory_space<vmem>>, vector<16xi32>, vector<16xi1>
        tpu.vector_store %arg26[%swap3A_303], %get3A_302 masked %gt3A_300 {strides = array<i32>} : memref<352xi32, #tpu.memory_space<vmem>>, vector<16xi32>, vector<16xi1>
        %get3A_305 = arith.constant 96 : index
        %get3A_306 = tpu.vector_load %arg17[%get3A_305] {strides = array<i32>} : memref<112xi32, #tpu.memory_space<vmem>>, vector<16xi32>,
        %swap3A_307 = arith.index_cast %add3A_295 : i32 to index
        %swap3A_308 = tpu.vector_load %arg27[%swap3A_307] masked %gt3A_300 {strides = array<i32>} : memref<352xi32, #tpu.memory_space<vmem>>, vector<16xi32>, vector<16xi1>
        tpu.vector_store %arg27[%swap3A_307], %get3A_306 masked %gt3A_300 {strides = array<i32>} : memref<352xi32, #tpu.memory_space<vmem>>, vector<16xi32>, vector<16xi1>
        %reduce_sum3A_309 = arith.constant true
        %reduce_sum3A_310 = vector.broadcast %reduce_sum3A_309 : i1 to vector<16xi1>
        %reduce_sum3A_311 = tpu.scan <sum>, %get3A_297 masked %reduce_sum3A_310 : vector<16xi32>, vector<16xi1> -> vector<16xi32>
        %reduce_sum3A_312 = vector.extract %reduce_sum3A_311[15] : i32 from vector<16xi32>
        %add3A_313 = arith.addi %add3A_295, %reduce_sum3A_312 : i32
        %add3A_314 = arith.constant 3 : i32
        %add3A_315 = arith.addi %add3A_181, %add3A_314 : i32
        %lt3A_316 = arith.constant 180 : i32
        %lt3A_317 = arith.cmpi slt, %add3A_315, %lt3A_316 : i32
        %convert_element_type3A_318 = arith.extui %lt3A_317 : i1 to i32
        %cond3A_319 = arith.constant 0 : i32
        %cond3A_320 = arith.cmpi ne, %convert_element_type3A_318, %cond3A_319 : i32
        scf.if %cond3A_320 {
          %add3A_615 = arith.constant 3 : i32
          %add3A_616 = arith.addi %add3A_181, %add3A_615 : i32
          %mul3A_617 = arith.constant 112 : i32
          %mul3A_618 = arith.muli %add3A_616, %mul3A_617 : i32
          %add3A_619 = arith.addi %mul3A_7, %mul3A_618 : i32
          %dma_start3A_620 = tpu.memref_slice %arg6[%add3A_619] : memref<322560xi32, #tpu.memory_space<hbm>> -> memref<112xi32, #tpu.memory_space<hbm>>
          %dma_start3A_621 = tpu.memref_slice %arg6[%add3A_619] : memref<322560xi32, #tpu.memory_space<hbm>> -> memref<112xi32, #tpu.memory_space<hbm>>
          tpu.enqueue_dma source(%dma_start3A_621 : memref<112xi32, #tpu.memory_space<hbm>>) target(%arg14 : memref<112xi32, #tpu.memory_space<vmem>>) target_semaphore(%arg30 : memref<!tpu.dma_semaphore, #tpu.memory_space<semaphore_mem>>)
          %mul3A_622 = arith.constant 112 : i32
          %mul3A_623 = arith.muli %add3A_616, %mul3A_622 : i32
          %add3A_624 = arith.addi %mul3A_7, %mul3A_623 : i32
          %dma_start3A_625 = tpu.memref_slice %arg7[%add3A_624] : memref<322560xi32, #tpu.memory_space<hbm>> -> memref<112xi32, #tpu.memory_space<hbm>>
          %dma_start3A_626 = tpu.memref_slice %arg7[%add3A_624] : memref<322560xi32, #tpu.memory_space<hbm>> -> memref<112xi32, #tpu.memory_space<hbm>>
          tpu.enqueue_dma source(%dma_start3A_626 : memref<112xi32, #tpu.memory_space<hbm>>) target(%arg17 : memref<112xi32, #tpu.memory_space<vmem>>) target_semaphore(%arg33 : memref<!tpu.dma_semaphore, #tpu.memory_space<semaphore_mem>>)
          %mul3A_627 = arith.constant 112 : i32
          %mul3A_628 = arith.muli %add3A_616, %mul3A_627 : i32
          %add3A_629 = arith.addi %mul3A_7, %mul3A_628 : i32
          %dma_start3A_630 = tpu.memref_slice %arg9[%add3A_629] : memref<322560xi32, #tpu.memory_space<hbm>> -> memref<112xi32, #tpu.memory_space<hbm>>
          %dma_start3A_631 = tpu.memref_slice %arg9[%add3A_629] : memref<322560xi32, #tpu.memory_space<hbm>> -> memref<112xi32, #tpu.memory_space<hbm>>
          tpu.enqueue_dma source(%dma_start3A_631 : memref<112xi32, #tpu.memory_space<hbm>>) target(%arg20 : memref<112xi32, #tpu.memory_space<vmem>>) target_semaphore(%arg36 : memref<!tpu.dma_semaphore, #tpu.memory_space<semaphore_mem>>)
        } else {
        }
        %mul3A_321 = arith.constant 3 : i32
        %mul3A_322 = arith.muli %scan3A_176, %mul3A_321 : i32
        %add3A_323 = arith.constant 1 : i32
        %add3A_324 = arith.addi %mul3A_322, %add3A_323 : i32
        %add3A_325 = arith.constant 2 : i32
        %add3A_326 = arith.addi %add3A_324, %add3A_325 : i32
        %lt3A_327 = arith.constant 180 : i32
        %lt3A_328 = arith.cmpi slt, %add3A_326, %lt3A_327 : i32
        %convert_element_type3A_329 = arith.extui %lt3A_328 : i1 to i32
        %cond3A_330 = arith.constant 0 : i32
        %cond3A_331 = arith.cmpi ne, %convert_element_type3A_329, %cond3A_330 : i32
        scf.if %cond3A_331 {
          %dma_wait3A_615 = arith.constant 0 : i32
          %dma_wait3A_616 = tpu.memref_slice %arg6[%dma_wait3A_615] : memref<322560xi32, #tpu.memory_space<hbm>> -> memref<112xi32, #tpu.memory_space<hbm>>
          %dma_wait3A_617 = arith.constant 0 : i32
          %dma_wait3A_618 = tpu.memref_slice %arg6[%dma_wait3A_617] : memref<322560xi32, #tpu.memory_space<hbm>> -> memref<112xi32, #tpu.memory_space<hbm>>
          tpu.wait_dma2 semaphore(%arg30 : memref<!tpu.dma_semaphore, #tpu.memory_space<semaphore_mem>>) src(%dma_wait3A_618 : memref<112xi32, #tpu.memory_space<hbm>>) dst(%arg14 : memref<112xi32, #tpu.memory_space<vmem>>)
          %dma_wait3A_619 = arith.constant 0 : i32
          %dma_wait3A_620 = tpu.memref_slice %arg7[%dma_wait3A_619] : memref<322560xi32, #tpu.memory_space<hbm>> -> memref<112xi32, #tpu.memory_space<hbm>>
          %dma_wait3A_621 = arith.constant 0 : i32
          %dma_wait3A_622 = tpu.memref_slice %arg7[%dma_wait3A_621] : memref<322560xi32, #tpu.memory_space<hbm>> -> memref<112xi32, #tpu.memory_space<hbm>>
          tpu.wait_dma2 semaphore(%arg33 : memref<!tpu.dma_semaphore, #tpu.memory_space<semaphore_mem>>) src(%dma_wait3A_622 : memref<112xi32, #tpu.memory_space<hbm>>) dst(%arg17 : memref<112xi32, #tpu.memory_space<vmem>>)
          %dma_wait3A_623 = arith.constant 0 : i32
          %dma_wait3A_624 = tpu.memref_slice %arg9[%dma_wait3A_623] : memref<322560xi32, #tpu.memory_space<hbm>> -> memref<112xi32, #tpu.memory_space<hbm>>
          %dma_wait3A_625 = arith.constant 0 : i32
          %dma_wait3A_626 = tpu.memref_slice %arg9[%dma_wait3A_625] : memref<322560xi32, #tpu.memory_space<hbm>> -> memref<112xi32, #tpu.memory_space<hbm>>
          tpu.wait_dma2 semaphore(%arg36 : memref<!tpu.dma_semaphore, #tpu.memory_space<semaphore_mem>>) src(%dma_wait3A_626 : memref<112xi32, #tpu.memory_space<hbm>>) dst(%arg20 : memref<112xi32, #tpu.memory_space<vmem>>)
          %dma_start3A_627 = arith.constant 0 : i32
          %dma_start3A_628 = arith.constant 0 : i32
          %dma_start3A_629 = tpu.memref_slice %arg3[%dma_start3A_627, %dma_start3A_628] : memref<10000x128xf32, #tpu.memory_space<hbm>> -> memref<10000x128xf32, #tpu.memory_space<hbm>>
          tpu.enqueue_indirect_dma source(%dma_start3A_629 : memref<10000x128xf32, #tpu.memory_space<hbm>>) target(%arg23 : memref<112x128xf32, #tpu.memory_space<vmem>>) offsets(%arg14 : memref<112xi32, #tpu.memory_space<vmem>>) semaphore(%arg39 : memref<!tpu.dma_semaphore, #tpu.memory_space<semaphore_mem>>)
        } else {
        }
        %dma_wait3A_332 = arith.constant 0 : i32
        %dma_wait3A_333 = arith.constant 0 : i32
        %dma_wait3A_334 = tpu.memref_slice %arg3[%dma_wait3A_332, %dma_wait3A_333] : memref<10000x128xf32, #tpu.memory_space<hbm>> -> memref<10000x128xf32, #tpu.memory_space<hbm>>
        tpu.wait_indirect_dma semaphore(%arg40 : memref<!tpu.dma_semaphore, #tpu.memory_space<semaphore_mem>>) src(%dma_wait3A_334 : memref<10000x128xf32, #tpu.memory_space<hbm>>) dst(%arg24 : memref<112x128xf32, #tpu.memory_space<vmem>>)
        "tpu.region"() ({
          %run_scoped3A_615 = tpu.sem_alloc : memref<!tpu.dma_semaphore, #tpu.memory_space<semaphore_mem>>
          %dma_start3A_616 = arith.constant 0 : i32
          %dma_start3A_617 = arith.constant 0 : i32
          %dma_start3A_618 = tpu.memref_slice %arg29[%dma_start3A_616, %dma_start3A_617] : memref<10016x128xf32, #tpu.memory_space<vmem_shared>> -> memref<10016x128xf32, #tpu.memory_space<vmem_shared>>
          tpu.enqueue_indirect_dma source(%arg24 : memref<112x128xf32, #tpu.memory_space<vmem>>) target(%dma_start3A_618 : memref<10016x128xf32, #tpu.memory_space<vmem_shared>>) offsets(%arg18 : memref<112xi32, #tpu.memory_space<vmem>>) semaphore(%run_scoped3A_615 : memref<!tpu.dma_semaphore, #tpu.memory_space<semaphore_mem>>) {add = true}
          %dma_wait3A_619 = arith.constant 0 : i32
          %dma_wait3A_620 = arith.constant 0 : i32
          %dma_wait3A_621 = tpu.memref_slice %arg29[%dma_wait3A_619, %dma_wait3A_620] : memref<10016x128xf32, #tpu.memory_space<vmem_shared>> -> memref<10016x128xf32, #tpu.memory_space<vmem_shared>>
          tpu.wait_indirect_dma semaphore(%run_scoped3A_615 : memref<!tpu.dma_semaphore, #tpu.memory_space<semaphore_mem>>) src(%arg24 : memref<112x128xf32, #tpu.memory_space<vmem>>) dst(%dma_wait3A_621 : memref<10016x128xf32, #tpu.memory_space<vmem_shared>>)
          tpu.yield
        }) : () -> ()
        %get3A_335 = arith.constant 0 : index
        %get3A_336 = tpu.vector_load %arg21[%get3A_335] {strides = array<i32>} : memref<112xi32, #tpu.memory_space<vmem>>, vector<16xi32>,
        %gt3A_337 = arith.constant 0 : i32
        %gt3A_338 = vector.broadcast %gt3A_337 : i32 to vector<16xi32>
        %gt3A_339 = arith.cmpi sgt, %get3A_336, %gt3A_338 : vector<16xi32>
        %get3A_340 = arith.constant 0 : index
        %get3A_341 = tpu.vector_load %arg15[%get3A_340] {strides = array<i32>} : memref<112xi32, #tpu.memory_space<vmem>>, vector<16xi32>,
        %swap3A_342 = arith.index_cast %add3A_313 : i32 to index
        %swap3A_343 = tpu.vector_load %arg26[%swap3A_342] masked %gt3A_339 {strides = array<i32>} : memref<352xi32, #tpu.memory_space<vmem>>, vector<16xi32>, vector<16xi1>
        tpu.vector_store %arg26[%swap3A_342], %get3A_341 masked %gt3A_339 {strides = array<i32>} : memref<352xi32, #tpu.memory_space<vmem>>, vector<16xi32>, vector<16xi1>
        %get3A_344 = arith.constant 0 : index
        %get3A_345 = tpu.vector_load %arg18[%get3A_344] {strides = array<i32>} : memref<112xi32, #tpu.memory_space<vmem>>, vector<16xi32>,
        %swap3A_346 = arith.index_cast %add3A_313 : i32 to index
        %swap3A_347 = tpu.vector_load %arg27[%swap3A_346] masked %gt3A_339 {strides = array<i32>} : memref<352xi32, #tpu.memory_space<vmem>>, vector<16xi32>, vector<16xi1>
        tpu.vector_store %arg27[%swap3A_346], %get3A_345 masked %gt3A_339 {strides = array<i32>} : memref<352xi32, #tpu.memory_space<vmem>>, vector<16xi32>, vector<16xi1>
        %reduce_sum3A_348 = arith.constant true
        %reduce_sum3A_349 = vector.broadcast %reduce_sum3A_348 : i1 to vector<16xi1>
        %reduce_sum3A_350 = tpu.scan <sum>, %get3A_336 masked %reduce_sum3A_349 : vector<16xi32>, vector<16xi1> -> vector<16xi32>
        %reduce_sum3A_351 = vector.extract %reduce_sum3A_350[15] : i32 from vector<16xi32>
        %add3A_352 = arith.addi %add3A_313, %reduce_sum3A_351 : i32
        %get3A_353 = arith.constant 16 : index
        %get3A_354 = tpu.vector_load %arg21[%get3A_353] {strides = array<i32>} : memref<112xi32, #tpu.memory_space<vmem>>, vector<16xi32>,
        %gt3A_355 = arith.constant 0 : i32
        %gt3A_356 = vector.broadcast %gt3A_355 : i32 to vector<16xi32>
        %gt3A_357 = arith.cmpi sgt, %get3A_354, %gt3A_356 : vector<16xi32>
        %get3A_358 = arith.constant 16 : index
        %get3A_359 = tpu.vector_load %arg15[%get3A_358] {strides = array<i32>} : memref<112xi32, #tpu.memory_space<vmem>>, vector<16xi32>,
        %swap3A_360 = arith.index_cast %add3A_352 : i32 to index
        %swap3A_361 = tpu.vector_load %arg26[%swap3A_360] masked %gt3A_357 {strides = array<i32>} : memref<352xi32, #tpu.memory_space<vmem>>, vector<16xi32>, vector<16xi1>
        tpu.vector_store %arg26[%swap3A_360], %get3A_359 masked %gt3A_357 {strides = array<i32>} : memref<352xi32, #tpu.memory_space<vmem>>, vector<16xi32>, vector<16xi1>
        %get3A_362 = arith.constant 16 : index
        %get3A_363 = tpu.vector_load %arg18[%get3A_362] {strides = array<i32>} : memref<112xi32, #tpu.memory_space<vmem>>, vector<16xi32>,
        %swap3A_364 = arith.index_cast %add3A_352 : i32 to index
        %swap3A_365 = tpu.vector_load %arg27[%swap3A_364] masked %gt3A_357 {strides = array<i32>} : memref<352xi32, #tpu.memory_space<vmem>>, vector<16xi32>, vector<16xi1>
        tpu.vector_store %arg27[%swap3A_364], %get3A_363 masked %gt3A_357 {strides = array<i32>} : memref<352xi32, #tpu.memory_space<vmem>>, vector<16xi32>, vector<16xi1>
        %reduce_sum3A_366 = arith.constant true
        %reduce_sum3A_367 = vector.broadcast %reduce_sum3A_366 : i1 to vector<16xi1>
        %reduce_sum3A_368 = tpu.scan <sum>, %get3A_354 masked %reduce_sum3A_367 : vector<16xi32>, vector<16xi1> -> vector<16xi32>
        %reduce_sum3A_369 = vector.extract %reduce_sum3A_368[15] : i32 from vector<16xi32>
        %add3A_370 = arith.addi %add3A_352, %reduce_sum3A_369 : i32
        %get3A_371 = arith.constant 32 : index
        %get3A_372 = tpu.vector_load %arg21[%get3A_371] {strides = array<i32>} : memref<112xi32, #tpu.memory_space<vmem>>, vector<16xi32>,
        %gt3A_373 = arith.constant 0 : i32
        %gt3A_374 = vector.broadcast %gt3A_373 : i32 to vector<16xi32>
        %gt3A_375 = arith.cmpi sgt, %get3A_372, %gt3A_374 : vector<16xi32>
        %get3A_376 = arith.constant 32 : index
        %get3A_377 = tpu.vector_load %arg15[%get3A_376] {strides = array<i32>} : memref<112xi32, #tpu.memory_space<vmem>>, vector<16xi32>,
        %swap3A_378 = arith.index_cast %add3A_370 : i32 to index
        %swap3A_379 = tpu.vector_load %arg26[%swap3A_378] masked %gt3A_375 {strides = array<i32>} : memref<352xi32, #tpu.memory_space<vmem>>, vector<16xi32>, vector<16xi1>
        tpu.vector_store %arg26[%swap3A_378], %get3A_377 masked %gt3A_375 {strides = array<i32>} : memref<352xi32, #tpu.memory_space<vmem>>, vector<16xi32>, vector<16xi1>
        %get3A_380 = arith.constant 32 : index
        %get3A_381 = tpu.vector_load %arg18[%get3A_380] {strides = array<i32>} : memref<112xi32, #tpu.memory_space<vmem>>, vector<16xi32>,
        %swap3A_382 = arith.index_cast %add3A_370 : i32 to index
        %swap3A_383 = tpu.vector_load %arg27[%swap3A_382] masked %gt3A_375 {strides = array<i32>} : memref<352xi32, #tpu.memory_space<vmem>>, vector<16xi32>, vector<16xi1>
        tpu.vector_store %arg27[%swap3A_382], %get3A_381 masked %gt3A_375 {strides = array<i32>} : memref<352xi32, #tpu.memory_space<vmem>>, vector<16xi32>, vector<16xi1>
        %reduce_sum3A_384 = arith.constant true
        %reduce_sum3A_385 = vector.broadcast %reduce_sum3A_384 : i1 to vector<16xi1>
        %reduce_sum3A_386 = tpu.scan <sum>, %get3A_372 masked %reduce_sum3A_385 : vector<16xi32>, vector<16xi1> -> vector<16xi32>
        %reduce_sum3A_387 = vector.extract %reduce_sum3A_386[15] : i32 from vector<16xi32>
        %add3A_388 = arith.addi %add3A_370, %reduce_sum3A_387 : i32
        %get3A_389 = arith.constant 48 : index
        %get3A_390 = tpu.vector_load %arg21[%get3A_389] {strides = array<i32>} : memref<112xi32, #tpu.memory_space<vmem>>, vector<16xi32>,
        %gt3A_391 = arith.constant 0 : i32
        %gt3A_392 = vector.broadcast %gt3A_391 : i32 to vector<16xi32>
        %gt3A_393 = arith.cmpi sgt, %get3A_390, %gt3A_392 : vector<16xi32>
        %get3A_394 = arith.constant 48 : index
        %get3A_395 = tpu.vector_load %arg15[%get3A_394] {strides = array<i32>} : memref<112xi32, #tpu.memory_space<vmem>>, vector<16xi32>,
        %swap3A_396 = arith.index_cast %add3A_388 : i32 to index
        %swap3A_397 = tpu.vector_load %arg26[%swap3A_396] masked %gt3A_393 {strides = array<i32>} : memref<352xi32, #tpu.memory_space<vmem>>, vector<16xi32>, vector<16xi1>
        tpu.vector_store %arg26[%swap3A_396], %get3A_395 masked %gt3A_393 {strides = array<i32>} : memref<352xi32, #tpu.memory_space<vmem>>, vector<16xi32>, vector<16xi1>
        %get3A_398 = arith.constant 48 : index
        %get3A_399 = tpu.vector_load %arg18[%get3A_398] {strides = array<i32>} : memref<112xi32, #tpu.memory_space<vmem>>, vector<16xi32>,
        %swap3A_400 = arith.index_cast %add3A_388 : i32 to index
        %swap3A_401 = tpu.vector_load %arg27[%swap3A_400] masked %gt3A_393 {strides = array<i32>} : memref<352xi32, #tpu.memory_space<vmem>>, vector<16xi32>, vector<16xi1>
        tpu.vector_store %arg27[%swap3A_400], %get3A_399 masked %gt3A_393 {strides = array<i32>} : memref<352xi32, #tpu.memory_space<vmem>>, vector<16xi32>, vector<16xi1>
        %reduce_sum3A_402 = arith.constant true
        %reduce_sum3A_403 = vector.broadcast %reduce_sum3A_402 : i1 to vector<16xi1>
        %reduce_sum3A_404 = tpu.scan <sum>, %get3A_390 masked %reduce_sum3A_403 : vector<16xi32>, vector<16xi1> -> vector<16xi32>
        %reduce_sum3A_405 = vector.extract %reduce_sum3A_404[15] : i32 from vector<16xi32>
        %add3A_406 = arith.addi %add3A_388, %reduce_sum3A_405 : i32
        %get3A_407 = arith.constant 64 : index
        %get3A_408 = tpu.vector_load %arg21[%get3A_407] {strides = array<i32>} : memref<112xi32, #tpu.memory_space<vmem>>, vector<16xi32>,
        %gt3A_409 = arith.constant 0 : i32
        %gt3A_410 = vector.broadcast %gt3A_409 : i32 to vector<16xi32>
        %gt3A_411 = arith.cmpi sgt, %get3A_408, %gt3A_410 : vector<16xi32>
        %get3A_412 = arith.constant 64 : index
        %get3A_413 = tpu.vector_load %arg15[%get3A_412] {strides = array<i32>} : memref<112xi32, #tpu.memory_space<vmem>>, vector<16xi32>,
        %swap3A_414 = arith.index_cast %add3A_406 : i32 to index
        %swap3A_415 = tpu.vector_load %arg26[%swap3A_414] masked %gt3A_411 {strides = array<i32>} : memref<352xi32, #tpu.memory_space<vmem>>, vector<16xi32>, vector<16xi1>
        tpu.vector_store %arg26[%swap3A_414], %get3A_413 masked %gt3A_411 {strides = array<i32>} : memref<352xi32, #tpu.memory_space<vmem>>, vector<16xi32>, vector<16xi1>
        %get3A_416 = arith.constant 64 : index
        %get3A_417 = tpu.vector_load %arg18[%get3A_416] {strides = array<i32>} : memref<112xi32, #tpu.memory_space<vmem>>, vector<16xi32>,
        %swap3A_418 = arith.index_cast %add3A_406 : i32 to index
        %swap3A_419 = tpu.vector_load %arg27[%swap3A_418] masked %gt3A_411 {strides = array<i32>} : memref<352xi32, #tpu.memory_space<vmem>>, vector<16xi32>, vector<16xi1>
        tpu.vector_store %arg27[%swap3A_418], %get3A_417 masked %gt3A_411 {strides = array<i32>} : memref<352xi32, #tpu.memory_space<vmem>>, vector<16xi32>, vector<16xi1>
        %reduce_sum3A_420 = arith.constant true
        %reduce_sum3A_421 = vector.broadcast %reduce_sum3A_420 : i1 to vector<16xi1>
        %reduce_sum3A_422 = tpu.scan <sum>, %get3A_408 masked %reduce_sum3A_421 : vector<16xi32>, vector<16xi1> -> vector<16xi32>
        %reduce_sum3A_423 = vector.extract %reduce_sum3A_422[15] : i32 from vector<16xi32>
        %add3A_424 = arith.addi %add3A_406, %reduce_sum3A_423 : i32
        %get3A_425 = arith.constant 80 : index
        %get3A_426 = tpu.vector_load %arg21[%get3A_425] {strides = array<i32>} : memref<112xi32, #tpu.memory_space<vmem>>, vector<16xi32>,
        %gt3A_427 = arith.constant 0 : i32
        %gt3A_428 = vector.broadcast %gt3A_427 : i32 to vector<16xi32>
        %gt3A_429 = arith.cmpi sgt, %get3A_426, %gt3A_428 : vector<16xi32>
        %get3A_430 = arith.constant 80 : index
        %get3A_431 = tpu.vector_load %arg15[%get3A_430] {strides = array<i32>} : memref<112xi32, #tpu.memory_space<vmem>>, vector<16xi32>,
        %swap3A_432 = arith.index_cast %add3A_424 : i32 to index
        %swap3A_433 = tpu.vector_load %arg26[%swap3A_432] masked %gt3A_429 {strides = array<i32>} : memref<352xi32, #tpu.memory_space<vmem>>, vector<16xi32>, vector<16xi1>
        tpu.vector_store %arg26[%swap3A_432], %get3A_431 masked %gt3A_429 {strides = array<i32>} : memref<352xi32, #tpu.memory_space<vmem>>, vector<16xi32>, vector<16xi1>
        %get3A_434 = arith.constant 80 : index
        %get3A_435 = tpu.vector_load %arg18[%get3A_434] {strides = array<i32>} : memref<112xi32, #tpu.memory_space<vmem>>, vector<16xi32>,
        %swap3A_436 = arith.index_cast %add3A_424 : i32 to index
        %swap3A_437 = tpu.vector_load %arg27[%swap3A_436] masked %gt3A_429 {strides = array<i32>} : memref<352xi32, #tpu.memory_space<vmem>>, vector<16xi32>, vector<16xi1>
        tpu.vector_store %arg27[%swap3A_436], %get3A_435 masked %gt3A_429 {strides = array<i32>} : memref<352xi32, #tpu.memory_space<vmem>>, vector<16xi32>, vector<16xi1>
        %reduce_sum3A_438 = arith.constant true
        %reduce_sum3A_439 = vector.broadcast %reduce_sum3A_438 : i1 to vector<16xi1>
        %reduce_sum3A_440 = tpu.scan <sum>, %get3A_426 masked %reduce_sum3A_439 : vector<16xi32>, vector<16xi1> -> vector<16xi32>
        %reduce_sum3A_441 = vector.extract %reduce_sum3A_440[15] : i32 from vector<16xi32>
        %add3A_442 = arith.addi %add3A_424, %reduce_sum3A_441 : i32
        %get3A_443 = arith.constant 96 : index
        %get3A_444 = tpu.vector_load %arg21[%get3A_443] {strides = array<i32>} : memref<112xi32, #tpu.memory_space<vmem>>, vector<16xi32>,
        %gt3A_445 = arith.constant 0 : i32
        %gt3A_446 = vector.broadcast %gt3A_445 : i32 to vector<16xi32>
        %gt3A_447 = arith.cmpi sgt, %get3A_444, %gt3A_446 : vector<16xi32>
        %get3A_448 = arith.constant 96 : index
        %get3A_449 = tpu.vector_load %arg15[%get3A_448] {strides = array<i32>} : memref<112xi32, #tpu.memory_space<vmem>>, vector<16xi32>,
        %swap3A_450 = arith.index_cast %add3A_442 : i32 to index
        %swap3A_451 = tpu.vector_load %arg26[%swap3A_450] masked %gt3A_447 {strides = array<i32>} : memref<352xi32, #tpu.memory_space<vmem>>, vector<16xi32>, vector<16xi1>
        tpu.vector_store %arg26[%swap3A_450], %get3A_449 masked %gt3A_447 {strides = array<i32>} : memref<352xi32, #tpu.memory_space<vmem>>, vector<16xi32>, vector<16xi1>
        %get3A_452 = arith.constant 96 : index
        %get3A_453 = tpu.vector_load %arg18[%get3A_452] {strides = array<i32>} : memref<112xi32, #tpu.memory_space<vmem>>, vector<16xi32>,
        %swap3A_454 = arith.index_cast %add3A_442 : i32 to index
        %swap3A_455 = tpu.vector_load %arg27[%swap3A_454] masked %gt3A_447 {strides = array<i32>} : memref<352xi32, #tpu.memory_space<vmem>>, vector<16xi32>, vector<16xi1>
        tpu.vector_store %arg27[%swap3A_454], %get3A_453 masked %gt3A_447 {strides = array<i32>} : memref<352xi32, #tpu.memory_space<vmem>>, vector<16xi32>, vector<16xi1>
        %reduce_sum3A_456 = arith.constant true
        %reduce_sum3A_457 = vector.broadcast %reduce_sum3A_456 : i1 to vector<16xi1>
        %reduce_sum3A_458 = tpu.scan <sum>, %get3A_444 masked %reduce_sum3A_457 : vector<16xi32>, vector<16xi1> -> vector<16xi32>
        %reduce_sum3A_459 = vector.extract %reduce_sum3A_458[15] : i32 from vector<16xi32>
        %add3A_460 = arith.addi %add3A_442, %reduce_sum3A_459 : i32
        %add3A_461 = arith.constant 3 : i32
        %add3A_462 = arith.addi %add3A_324, %add3A_461 : i32
        %lt3A_463 = arith.constant 180 : i32
        %lt3A_464 = arith.cmpi slt, %add3A_462, %lt3A_463 : i32
        %convert_element_type3A_465 = arith.extui %lt3A_464 : i1 to i32
        %cond3A_466 = arith.constant 0 : i32
        %cond3A_467 = arith.cmpi ne, %convert_element_type3A_465, %cond3A_466 : i32
        scf.if %cond3A_467 {
          %add3A_615 = arith.constant 3 : i32
          %add3A_616 = arith.addi %add3A_324, %add3A_615 : i32
          %mul3A_617 = arith.constant 112 : i32
          %mul3A_618 = arith.muli %add3A_616, %mul3A_617 : i32
          %add3A_619 = arith.addi %mul3A_7, %mul3A_618 : i32
          %dma_start3A_620 = tpu.memref_slice %arg6[%add3A_619] : memref<322560xi32, #tpu.memory_space<hbm>> -> memref<112xi32, #tpu.memory_space<hbm>>
          %dma_start3A_621 = tpu.memref_slice %arg6[%add3A_619] : memref<322560xi32, #tpu.memory_space<hbm>> -> memref<112xi32, #tpu.memory_space<hbm>>
          tpu.enqueue_dma source(%dma_start3A_621 : memref<112xi32, #tpu.memory_space<hbm>>) target(%arg15 : memref<112xi32, #tpu.memory_space<vmem>>) target_semaphore(%arg31 : memref<!tpu.dma_semaphore, #tpu.memory_space<semaphore_mem>>)
          %mul3A_622 = arith.constant 112 : i32
          %mul3A_623 = arith.muli %add3A_616, %mul3A_622 : i32
          %add3A_624 = arith.addi %mul3A_7, %mul3A_623 : i32
          %dma_start3A_625 = tpu.memref_slice %arg7[%add3A_624] : memref<322560xi32, #tpu.memory_space<hbm>> -> memref<112xi32, #tpu.memory_space<hbm>>
          %dma_start3A_626 = tpu.memref_slice %arg7[%add3A_624] : memref<322560xi32, #tpu.memory_space<hbm>> -> memref<112xi32, #tpu.memory_space<hbm>>
          tpu.enqueue_dma source(%dma_start3A_626 : memref<112xi32, #tpu.memory_space<hbm>>) target(%arg18 : memref<112xi32, #tpu.memory_space<vmem>>) target_semaphore(%arg34 : memref<!tpu.dma_semaphore, #tpu.memory_space<semaphore_mem>>)
          %mul3A_627 = arith.constant 112 : i32
          %mul3A_628 = arith.muli %add3A_616, %mul3A_627 : i32
          %add3A_629 = arith.addi %mul3A_7, %mul3A_628 : i32
          %dma_start3A_630 = tpu.memref_slice %arg9[%add3A_629] : memref<322560xi32, #tpu.memory_space<hbm>> -> memref<112xi32, #tpu.memory_space<hbm>>
          %dma_start3A_631 = tpu.memref_slice %arg9[%add3A_629] : memref<322560xi32, #tpu.memory_space<hbm>> -> memref<112xi32, #tpu.memory_space<hbm>>
          tpu.enqueue_dma source(%dma_start3A_631 : memref<112xi32, #tpu.memory_space<hbm>>) target(%arg21 : memref<112xi32, #tpu.memory_space<vmem>>) target_semaphore(%arg37 : memref<!tpu.dma_semaphore, #tpu.memory_space<semaphore_mem>>)
        } else {
        }
        %mul3A_468 = arith.constant 3 : i32
        %mul3A_469 = arith.muli %scan3A_176, %mul3A_468 : i32
        %add3A_470 = arith.constant 2 : i32
        %add3A_471 = arith.addi %mul3A_469, %add3A_470 : i32
        %add3A_472 = arith.constant 2 : i32
        %add3A_473 = arith.addi %add3A_471, %add3A_472 : i32
        %lt3A_474 = arith.constant 180 : i32
        %lt3A_475 = arith.cmpi slt, %add3A_473, %lt3A_474 : i32
        %convert_element_type3A_476 = arith.extui %lt3A_475 : i1 to i32
        %cond3A_477 = arith.constant 0 : i32
        %cond3A_478 = arith.cmpi ne, %convert_element_type3A_476, %cond3A_477 : i32
        scf.if %cond3A_478 {
          %dma_wait3A_615 = arith.constant 0 : i32
          %dma_wait3A_616 = tpu.memref_slice %arg6[%dma_wait3A_615] : memref<322560xi32, #tpu.memory_space<hbm>> -> memref<112xi32, #tpu.memory_space<hbm>>
          %dma_wait3A_617 = arith.constant 0 : i32
          %dma_wait3A_618 = tpu.memref_slice %arg6[%dma_wait3A_617] : memref<322560xi32, #tpu.memory_space<hbm>> -> memref<112xi32, #tpu.memory_space<hbm>>
          tpu.wait_dma2 semaphore(%arg31 : memref<!tpu.dma_semaphore, #tpu.memory_space<semaphore_mem>>) src(%dma_wait3A_618 : memref<112xi32, #tpu.memory_space<hbm>>) dst(%arg15 : memref<112xi32, #tpu.memory_space<vmem>>)
          %dma_wait3A_619 = arith.constant 0 : i32
          %dma_wait3A_620 = tpu.memref_slice %arg7[%dma_wait3A_619] : memref<322560xi32, #tpu.memory_space<hbm>> -> memref<112xi32, #tpu.memory_space<hbm>>
          %dma_wait3A_621 = arith.constant 0 : i32
          %dma_wait3A_622 = tpu.memref_slice %arg7[%dma_wait3A_621] : memref<322560xi32, #tpu.memory_space<hbm>> -> memref<112xi32, #tpu.memory_space<hbm>>
          tpu.wait_dma2 semaphore(%arg34 : memref<!tpu.dma_semaphore, #tpu.memory_space<semaphore_mem>>) src(%dma_wait3A_622 : memref<112xi32, #tpu.memory_space<hbm>>) dst(%arg18 : memref<112xi32, #tpu.memory_space<vmem>>)
          %dma_wait3A_623 = arith.constant 0 : i32
          %dma_wait3A_624 = tpu.memref_slice %arg9[%dma_wait3A_623] : memref<322560xi32, #tpu.memory_space<hbm>> -> memref<112xi32, #tpu.memory_space<hbm>>
          %dma_wait3A_625 = arith.constant 0 : i32
          %dma_wait3A_626 = tpu.memref_slice %arg9[%dma_wait3A_625] : memref<322560xi32, #tpu.memory_space<hbm>> -> memref<112xi32, #tpu.memory_space<hbm>>
          tpu.wait_dma2 semaphore(%arg37 : memref<!tpu.dma_semaphore, #tpu.memory_space<semaphore_mem>>) src(%dma_wait3A_626 : memref<112xi32, #tpu.memory_space<hbm>>) dst(%arg21 : memref<112xi32, #tpu.memory_space<vmem>>)
          %dma_start3A_627 = arith.constant 0 : i32
          %dma_start3A_628 = arith.constant 0 : i32
          %dma_start3A_629 = tpu.memref_slice %arg3[%dma_start3A_627, %dma_start3A_628] : memref<10000x128xf32, #tpu.memory_space<hbm>> -> memref<10000x128xf32, #tpu.memory_space<hbm>>
          tpu.enqueue_indirect_dma source(%dma_start3A_629 : memref<10000x128xf32, #tpu.memory_space<hbm>>) target(%arg24 : memref<112x128xf32, #tpu.memory_space<vmem>>) offsets(%arg15 : memref<112xi32, #tpu.memory_space<vmem>>) semaphore(%arg40 : memref<!tpu.dma_semaphore, #tpu.memory_space<semaphore_mem>>)
        } else {
        }
        %dma_wait3A_479 = arith.constant 0 : i32
        %dma_wait3A_480 = arith.constant 0 : i32
        %dma_wait3A_481 = tpu.memref_slice %arg3[%dma_wait3A_479, %dma_wait3A_480] : memref<10000x128xf32, #tpu.memory_space<hbm>> -> memref<10000x128xf32, #tpu.memory_space<hbm>>
        tpu.wait_indirect_dma semaphore(%arg41 : memref<!tpu.dma_semaphore, #tpu.memory_space<semaphore_mem>>) src(%dma_wait3A_481 : memref<10000x128xf32, #tpu.memory_space<hbm>>) dst(%arg25 : memref<112x128xf32, #tpu.memory_space<vmem>>)
        "tpu.region"() ({
          %run_scoped3A_615 = tpu.sem_alloc : memref<!tpu.dma_semaphore, #tpu.memory_space<semaphore_mem>>
          %dma_start3A_616 = arith.constant 0 : i32
          %dma_start3A_617 = arith.constant 0 : i32
          %dma_start3A_618 = tpu.memref_slice %arg29[%dma_start3A_616, %dma_start3A_617] : memref<10016x128xf32, #tpu.memory_space<vmem_shared>> -> memref<10016x128xf32, #tpu.memory_space<vmem_shared>>
          tpu.enqueue_indirect_dma source(%arg25 : memref<112x128xf32, #tpu.memory_space<vmem>>) target(%dma_start3A_618 : memref<10016x128xf32, #tpu.memory_space<vmem_shared>>) offsets(%arg19 : memref<112xi32, #tpu.memory_space<vmem>>) semaphore(%run_scoped3A_615 : memref<!tpu.dma_semaphore, #tpu.memory_space<semaphore_mem>>) {add = true}
          %dma_wait3A_619 = arith.constant 0 : i32
          %dma_wait3A_620 = arith.constant 0 : i32
          %dma_wait3A_621 = tpu.memref_slice %arg29[%dma_wait3A_619, %dma_wait3A_620] : memref<10016x128xf32, #tpu.memory_space<vmem_shared>> -> memref<10016x128xf32, #tpu.memory_space<vmem_shared>>
          tpu.wait_indirect_dma semaphore(%run_scoped3A_615 : memref<!tpu.dma_semaphore, #tpu.memory_space<semaphore_mem>>) src(%arg25 : memref<112x128xf32, #tpu.memory_space<vmem>>) dst(%dma_wait3A_621 : memref<10016x128xf32, #tpu.memory_space<vmem_shared>>)
          tpu.yield
        }) : () -> ()
        %get3A_482 = arith.constant 0 : index
        %get3A_483 = tpu.vector_load %arg22[%get3A_482] {strides = array<i32>} : memref<112xi32, #tpu.memory_space<vmem>>, vector<16xi32>,
        %gt3A_484 = arith.constant 0 : i32
        %gt3A_485 = vector.broadcast %gt3A_484 : i32 to vector<16xi32>
        %gt3A_486 = arith.cmpi sgt, %get3A_483, %gt3A_485 : vector<16xi32>
        %get3A_487 = arith.constant 0 : index
        %get3A_488 = tpu.vector_load %arg16[%get3A_487] {strides = array<i32>} : memref<112xi32, #tpu.memory_space<vmem>>, vector<16xi32>,
        %swap3A_489 = arith.index_cast %add3A_460 : i32 to index
        %swap3A_490 = tpu.vector_load %arg26[%swap3A_489] masked %gt3A_486 {strides = array<i32>} : memref<352xi32, #tpu.memory_space<vmem>>, vector<16xi32>, vector<16xi1>
        tpu.vector_store %arg26[%swap3A_489], %get3A_488 masked %gt3A_486 {strides = array<i32>} : memref<352xi32, #tpu.memory_space<vmem>>, vector<16xi32>, vector<16xi1>
        %get3A_491 = arith.constant 0 : index
        %get3A_492 = tpu.vector_load %arg19[%get3A_491] {strides = array<i32>} : memref<112xi32, #tpu.memory_space<vmem>>, vector<16xi32>,
        %swap3A_493 = arith.index_cast %add3A_460 : i32 to index
        %swap3A_494 = tpu.vector_load %arg27[%swap3A_493] masked %gt3A_486 {strides = array<i32>} : memref<352xi32, #tpu.memory_space<vmem>>, vector<16xi32>, vector<16xi1>
        tpu.vector_store %arg27[%swap3A_493], %get3A_492 masked %gt3A_486 {strides = array<i32>} : memref<352xi32, #tpu.memory_space<vmem>>, vector<16xi32>, vector<16xi1>
        %reduce_sum3A_495 = arith.constant true
        %reduce_sum3A_496 = vector.broadcast %reduce_sum3A_495 : i1 to vector<16xi1>
        %reduce_sum3A_497 = tpu.scan <sum>, %get3A_483 masked %reduce_sum3A_496 : vector<16xi32>, vector<16xi1> -> vector<16xi32>
        %reduce_sum3A_498 = vector.extract %reduce_sum3A_497[15] : i32 from vector<16xi32>
        %add3A_499 = arith.addi %add3A_460, %reduce_sum3A_498 : i32
        %get3A_500 = arith.constant 16 : index
        %get3A_501 = tpu.vector_load %arg22[%get3A_500] {strides = array<i32>} : memref<112xi32, #tpu.memory_space<vmem>>, vector<16xi32>,
        %gt3A_502 = arith.constant 0 : i32
        %gt3A_503 = vector.broadcast %gt3A_502 : i32 to vector<16xi32>
        %gt3A_504 = arith.cmpi sgt, %get3A_501, %gt3A_503 : vector<16xi32>
        %get3A_505 = arith.constant 16 : index
        %get3A_506 = tpu.vector_load %arg16[%get3A_505] {strides = array<i32>} : memref<112xi32, #tpu.memory_space<vmem>>, vector<16xi32>,
        %swap3A_507 = arith.index_cast %add3A_499 : i32 to index
        %swap3A_508 = tpu.vector_load %arg26[%swap3A_507] masked %gt3A_504 {strides = array<i32>} : memref<352xi32, #tpu.memory_space<vmem>>, vector<16xi32>, vector<16xi1>
        tpu.vector_store %arg26[%swap3A_507], %get3A_506 masked %gt3A_504 {strides = array<i32>} : memref<352xi32, #tpu.memory_space<vmem>>, vector<16xi32>, vector<16xi1>
        %get3A_509 = arith.constant 16 : index
        %get3A_510 = tpu.vector_load %arg19[%get3A_509] {strides = array<i32>} : memref<112xi32, #tpu.memory_space<vmem>>, vector<16xi32>,
        %swap3A_511 = arith.index_cast %add3A_499 : i32 to index
        %swap3A_512 = tpu.vector_load %arg27[%swap3A_511] masked %gt3A_504 {strides = array<i32>} : memref<352xi32, #tpu.memory_space<vmem>>, vector<16xi32>, vector<16xi1>
        tpu.vector_store %arg27[%swap3A_511], %get3A_510 masked %gt3A_504 {strides = array<i32>} : memref<352xi32, #tpu.memory_space<vmem>>, vector<16xi32>, vector<16xi1>
        %reduce_sum3A_513 = arith.constant true
        %reduce_sum3A_514 = vector.broadcast %reduce_sum3A_513 : i1 to vector<16xi1>
        %reduce_sum3A_515 = tpu.scan <sum>, %get3A_501 masked %reduce_sum3A_514 : vector<16xi32>, vector<16xi1> -> vector<16xi32>
        %reduce_sum3A_516 = vector.extract %reduce_sum3A_515[15] : i32 from vector<16xi32>
        %add3A_517 = arith.addi %add3A_499, %reduce_sum3A_516 : i32
        %get3A_518 = arith.constant 32 : index
        %get3A_519 = tpu.vector_load %arg22[%get3A_518] {strides = array<i32>} : memref<112xi32, #tpu.memory_space<vmem>>, vector<16xi32>,
        %gt3A_520 = arith.constant 0 : i32
        %gt3A_521 = vector.broadcast %gt3A_520 : i32 to vector<16xi32>
        %gt3A_522 = arith.cmpi sgt, %get3A_519, %gt3A_521 : vector<16xi32>
        %get3A_523 = arith.constant 32 : index
        %get3A_524 = tpu.vector_load %arg16[%get3A_523] {strides = array<i32>} : memref<112xi32, #tpu.memory_space<vmem>>, vector<16xi32>,
        %swap3A_525 = arith.index_cast %add3A_517 : i32 to index
        %swap3A_526 = tpu.vector_load %arg26[%swap3A_525] masked %gt3A_522 {strides = array<i32>} : memref<352xi32, #tpu.memory_space<vmem>>, vector<16xi32>, vector<16xi1>
        tpu.vector_store %arg26[%swap3A_525], %get3A_524 masked %gt3A_522 {strides = array<i32>} : memref<352xi32, #tpu.memory_space<vmem>>, vector<16xi32>, vector<16xi1>
        %get3A_527 = arith.constant 32 : index
        %get3A_528 = tpu.vector_load %arg19[%get3A_527] {strides = array<i32>} : memref<112xi32, #tpu.memory_space<vmem>>, vector<16xi32>,
        %swap3A_529 = arith.index_cast %add3A_517 : i32 to index
        %swap3A_530 = tpu.vector_load %arg27[%swap3A_529] masked %gt3A_522 {strides = array<i32>} : memref<352xi32, #tpu.memory_space<vmem>>, vector<16xi32>, vector<16xi1>
        tpu.vector_store %arg27[%swap3A_529], %get3A_528 masked %gt3A_522 {strides = array<i32>} : memref<352xi32, #tpu.memory_space<vmem>>, vector<16xi32>, vector<16xi1>
        %reduce_sum3A_531 = arith.constant true
        %reduce_sum3A_532 = vector.broadcast %reduce_sum3A_531 : i1 to vector<16xi1>
        %reduce_sum3A_533 = tpu.scan <sum>, %get3A_519 masked %reduce_sum3A_532 : vector<16xi32>, vector<16xi1> -> vector<16xi32>
        %reduce_sum3A_534 = vector.extract %reduce_sum3A_533[15] : i32 from vector<16xi32>
        %add3A_535 = arith.addi %add3A_517, %reduce_sum3A_534 : i32
        %get3A_536 = arith.constant 48 : index
        %get3A_537 = tpu.vector_load %arg22[%get3A_536] {strides = array<i32>} : memref<112xi32, #tpu.memory_space<vmem>>, vector<16xi32>,
        %gt3A_538 = arith.constant 0 : i32
        %gt3A_539 = vector.broadcast %gt3A_538 : i32 to vector<16xi32>
        %gt3A_540 = arith.cmpi sgt, %get3A_537, %gt3A_539 : vector<16xi32>
        %get3A_541 = arith.constant 48 : index
        %get3A_542 = tpu.vector_load %arg16[%get3A_541] {strides = array<i32>} : memref<112xi32, #tpu.memory_space<vmem>>, vector<16xi32>,
        %swap3A_543 = arith.index_cast %add3A_535 : i32 to index
        %swap3A_544 = tpu.vector_load %arg26[%swap3A_543] masked %gt3A_540 {strides = array<i32>} : memref<352xi32, #tpu.memory_space<vmem>>, vector<16xi32>, vector<16xi1>
        tpu.vector_store %arg26[%swap3A_543], %get3A_542 masked %gt3A_540 {strides = array<i32>} : memref<352xi32, #tpu.memory_space<vmem>>, vector<16xi32>, vector<16xi1>
        %get3A_545 = arith.constant 48 : index
        %get3A_546 = tpu.vector_load %arg19[%get3A_545] {strides = array<i32>} : memref<112xi32, #tpu.memory_space<vmem>>, vector<16xi32>,
        %swap3A_547 = arith.index_cast %add3A_535 : i32 to index
        %swap3A_548 = tpu.vector_load %arg27[%swap3A_547] masked %gt3A_540 {strides = array<i32>} : memref<352xi32, #tpu.memory_space<vmem>>, vector<16xi32>, vector<16xi1>
        tpu.vector_store %arg27[%swap3A_547], %get3A_546 masked %gt3A_540 {strides = array<i32>} : memref<352xi32, #tpu.memory_space<vmem>>, vector<16xi32>, vector<16xi1>
        %reduce_sum3A_549 = arith.constant true
        %reduce_sum3A_550 = vector.broadcast %reduce_sum3A_549 : i1 to vector<16xi1>
        %reduce_sum3A_551 = tpu.scan <sum>, %get3A_537 masked %reduce_sum3A_550 : vector<16xi32>, vector<16xi1> -> vector<16xi32>
        %reduce_sum3A_552 = vector.extract %reduce_sum3A_551[15] : i32 from vector<16xi32>
        %add3A_553 = arith.addi %add3A_535, %reduce_sum3A_552 : i32
        %get3A_554 = arith.constant 64 : index
        %get3A_555 = tpu.vector_load %arg22[%get3A_554] {strides = array<i32>} : memref<112xi32, #tpu.memory_space<vmem>>, vector<16xi32>,
        %gt3A_556 = arith.constant 0 : i32
        %gt3A_557 = vector.broadcast %gt3A_556 : i32 to vector<16xi32>
        %gt3A_558 = arith.cmpi sgt, %get3A_555, %gt3A_557 : vector<16xi32>
        %get3A_559 = arith.constant 64 : index
        %get3A_560 = tpu.vector_load %arg16[%get3A_559] {strides = array<i32>} : memref<112xi32, #tpu.memory_space<vmem>>, vector<16xi32>,
        %swap3A_561 = arith.index_cast %add3A_553 : i32 to index
        %swap3A_562 = tpu.vector_load %arg26[%swap3A_561] masked %gt3A_558 {strides = array<i32>} : memref<352xi32, #tpu.memory_space<vmem>>, vector<16xi32>, vector<16xi1>
        tpu.vector_store %arg26[%swap3A_561], %get3A_560 masked %gt3A_558 {strides = array<i32>} : memref<352xi32, #tpu.memory_space<vmem>>, vector<16xi32>, vector<16xi1>
        %get3A_563 = arith.constant 64 : index
        %get3A_564 = tpu.vector_load %arg19[%get3A_563] {strides = array<i32>} : memref<112xi32, #tpu.memory_space<vmem>>, vector<16xi32>,
        %swap3A_565 = arith.index_cast %add3A_553 : i32 to index
        %swap3A_566 = tpu.vector_load %arg27[%swap3A_565] masked %gt3A_558 {strides = array<i32>} : memref<352xi32, #tpu.memory_space<vmem>>, vector<16xi32>, vector<16xi1>
        tpu.vector_store %arg27[%swap3A_565], %get3A_564 masked %gt3A_558 {strides = array<i32>} : memref<352xi32, #tpu.memory_space<vmem>>, vector<16xi32>, vector<16xi1>
        %reduce_sum3A_567 = arith.constant true
        %reduce_sum3A_568 = vector.broadcast %reduce_sum3A_567 : i1 to vector<16xi1>
        %reduce_sum3A_569 = tpu.scan <sum>, %get3A_555 masked %reduce_sum3A_568 : vector<16xi32>, vector<16xi1> -> vector<16xi32>
        %reduce_sum3A_570 = vector.extract %reduce_sum3A_569[15] : i32 from vector<16xi32>
        %add3A_571 = arith.addi %add3A_553, %reduce_sum3A_570 : i32
        %get3A_572 = arith.constant 80 : index
        %get3A_573 = tpu.vector_load %arg22[%get3A_572] {strides = array<i32>} : memref<112xi32, #tpu.memory_space<vmem>>, vector<16xi32>,
        %gt3A_574 = arith.constant 0 : i32
        %gt3A_575 = vector.broadcast %gt3A_574 : i32 to vector<16xi32>
        %gt3A_576 = arith.cmpi sgt, %get3A_573, %gt3A_575 : vector<16xi32>
        %get3A_577 = arith.constant 80 : index
        %get3A_578 = tpu.vector_load %arg16[%get3A_577] {strides = array<i32>} : memref<112xi32, #tpu.memory_space<vmem>>, vector<16xi32>,
        %swap3A_579 = arith.index_cast %add3A_571 : i32 to index
        %swap3A_580 = tpu.vector_load %arg26[%swap3A_579] masked %gt3A_576 {strides = array<i32>} : memref<352xi32, #tpu.memory_space<vmem>>, vector<16xi32>, vector<16xi1>
        tpu.vector_store %arg26[%swap3A_579], %get3A_578 masked %gt3A_576 {strides = array<i32>} : memref<352xi32, #tpu.memory_space<vmem>>, vector<16xi32>, vector<16xi1>
        %get3A_581 = arith.constant 80 : index
        %get3A_582 = tpu.vector_load %arg19[%get3A_581] {strides = array<i32>} : memref<112xi32, #tpu.memory_space<vmem>>, vector<16xi32>,
        %swap3A_583 = arith.index_cast %add3A_571 : i32 to index
        %swap3A_584 = tpu.vector_load %arg27[%swap3A_583] masked %gt3A_576 {strides = array<i32>} : memref<352xi32, #tpu.memory_space<vmem>>, vector<16xi32>, vector<16xi1>
        tpu.vector_store %arg27[%swap3A_583], %get3A_582 masked %gt3A_576 {strides = array<i32>} : memref<352xi32, #tpu.memory_space<vmem>>, vector<16xi32>, vector<16xi1>
        %reduce_sum3A_585 = arith.constant true
        %reduce_sum3A_586 = vector.broadcast %reduce_sum3A_585 : i1 to vector<16xi1>
        %reduce_sum3A_587 = tpu.scan <sum>, %get3A_573 masked %reduce_sum3A_586 : vector<16xi32>, vector<16xi1> -> vector<16xi32>
        %reduce_sum3A_588 = vector.extract %reduce_sum3A_587[15] : i32 from vector<16xi32>
        %add3A_589 = arith.addi %add3A_571, %reduce_sum3A_588 : i32
        %get3A_590 = arith.constant 96 : index
        %get3A_591 = tpu.vector_load %arg22[%get3A_590] {strides = array<i32>} : memref<112xi32, #tpu.memory_space<vmem>>, vector<16xi32>,
        %gt3A_592 = arith.constant 0 : i32
        %gt3A_593 = vector.broadcast %gt3A_592 : i32 to vector<16xi32>
        %gt3A_594 = arith.cmpi sgt, %get3A_591, %gt3A_593 : vector<16xi32>
        %get3A_595 = arith.constant 96 : index
        %get3A_596 = tpu.vector_load %arg16[%get3A_595] {strides = array<i32>} : memref<112xi32, #tpu.memory_space<vmem>>, vector<16xi32>,
        %swap3A_597 = arith.index_cast %add3A_589 : i32 to index
        %swap3A_598 = tpu.vector_load %arg26[%swap3A_597] masked %gt3A_594 {strides = array<i32>} : memref<352xi32, #tpu.memory_space<vmem>>, vector<16xi32>, vector<16xi1>
        tpu.vector_store %arg26[%swap3A_597], %get3A_596 masked %gt3A_594 {strides = array<i32>} : memref<352xi32, #tpu.memory_space<vmem>>, vector<16xi32>, vector<16xi1>
        %get3A_599 = arith.constant 96 : index
        %get3A_600 = tpu.vector_load %arg19[%get3A_599] {strides = array<i32>} : memref<112xi32, #tpu.memory_space<vmem>>, vector<16xi32>,
        %swap3A_601 = arith.index_cast %add3A_589 : i32 to index
        %swap3A_602 = tpu.vector_load %arg27[%swap3A_601] masked %gt3A_594 {strides = array<i32>} : memref<352xi32, #tpu.memory_space<vmem>>, vector<16xi32>, vector<16xi1>
        tpu.vector_store %arg27[%swap3A_601], %get3A_600 masked %gt3A_594 {strides = array<i32>} : memref<352xi32, #tpu.memory_space<vmem>>, vector<16xi32>, vector<16xi1>
        %reduce_sum3A_603 = arith.constant true
        %reduce_sum3A_604 = vector.broadcast %reduce_sum3A_603 : i1 to vector<16xi1>
        %reduce_sum3A_605 = tpu.scan <sum>, %get3A_591 masked %reduce_sum3A_604 : vector<16xi32>, vector<16xi1> -> vector<16xi32>
        %reduce_sum3A_606 = vector.extract %reduce_sum3A_605[15] : i32 from vector<16xi32>
        %add3A_607 = arith.addi %add3A_589, %reduce_sum3A_606 : i32
        %add3A_608 = arith.constant 3 : i32
        %add3A_609 = arith.addi %add3A_471, %add3A_608 : i32
        %lt3A_610 = arith.constant 180 : i32
        %lt3A_611 = arith.cmpi slt, %add3A_609, %lt3A_610 : i32
        %convert_element_type3A_612 = arith.extui %lt3A_611 : i1 to i32
        %cond3A_613 = arith.constant 0 : i32
        %cond3A_614 = arith.cmpi ne, %convert_element_type3A_612, %cond3A_613 : i32
        scf.if %cond3A_614 {
          %add3A_615 = arith.constant 3 : i32
          %add3A_616 = arith.addi %add3A_471, %add3A_615 : i32
          %mul3A_617 = arith.constant 112 : i32
          %mul3A_618 = arith.muli %add3A_616, %mul3A_617 : i32
          %add3A_619 = arith.addi %mul3A_7, %mul3A_618 : i32
          %dma_start3A_620 = tpu.memref_slice %arg6[%add3A_619] : memref<322560xi32, #tpu.memory_space<hbm>> -> memref<112xi32, #tpu.memory_space<hbm>>
          %dma_start3A_621 = tpu.memref_slice %arg6[%add3A_619] : memref<322560xi32, #tpu.memory_space<hbm>> -> memref<112xi32, #tpu.memory_space<hbm>>
          tpu.enqueue_dma source(%dma_start3A_621 : memref<112xi32, #tpu.memory_space<hbm>>) target(%arg16 : memref<112xi32, #tpu.memory_space<vmem>>) target_semaphore(%arg32 : memref<!tpu.dma_semaphore, #tpu.memory_space<semaphore_mem>>)
          %mul3A_622 = arith.constant 112 : i32
          %mul3A_623 = arith.muli %add3A_616, %mul3A_622 : i32
          %add3A_624 = arith.addi %mul3A_7, %mul3A_623 : i32
          %dma_start3A_625 = tpu.memref_slice %arg7[%add3A_624] : memref<322560xi32, #tpu.memory_space<hbm>> -> memref<112xi32, #tpu.memory_space<hbm>>
          %dma_start3A_626 = tpu.memref_slice %arg7[%add3A_624] : memref<322560xi32, #tpu.memory_space<hbm>> -> memref<112xi32, #tpu.memory_space<hbm>>
          tpu.enqueue_dma source(%dma_start3A_626 : memref<112xi32, #tpu.memory_space<hbm>>) target(%arg19 : memref<112xi32, #tpu.memory_space<vmem>>) target_semaphore(%arg35 : memref<!tpu.dma_semaphore, #tpu.memory_space<semaphore_mem>>)
          %mul3A_627 = arith.constant 112 : i32
          %mul3A_628 = arith.muli %add3A_616, %mul3A_627 : i32
          %add3A_629 = arith.addi %mul3A_7, %mul3A_628 : i32
          %dma_start3A_630 = tpu.memref_slice %arg9[%add3A_629] : memref<322560xi32, #tpu.memory_space<hbm>> -> memref<112xi32, #tpu.memory_space<hbm>>
          %dma_start3A_631 = tpu.memref_slice %arg9[%add3A_629] : memref<322560xi32, #tpu.memory_space<hbm>> -> memref<112xi32, #tpu.memory_space<hbm>>
          tpu.enqueue_dma source(%dma_start3A_631 : memref<112xi32, #tpu.memory_space<hbm>>) target(%arg22 : memref<112xi32, #tpu.memory_space<vmem>>) target_semaphore(%arg38 : memref<!tpu.dma_semaphore, #tpu.memory_space<semaphore_mem>>)
        } else {
        }
        scf.yield %add3A_607 : i32
      }
      %scan3A_115 = arith.constant 60 : i32
      %barrier3A_116 = arith.constant 0 : index
      tpu.barrier barrier_id(%barrier3A_116)
      %mul3A_117 = arith.constant 624 : i32
      %mul3A_118 = arith.muli %arg1, %mul3A_117 : i32
      %mul3A_119 = arith.constant 624 : i32
      %mul3A_120 = arith.muli %arg1, %mul3A_119 : i32
      "tpu.region"() ({
        %run_scoped3A_176 = tpu.sem_alloc : memref<!tpu.dma_semaphore, #tpu.memory_space<semaphore_mem>>
        %dma_start3A_177 = arith.constant 0 : i32
        %dma_start3A_178 = tpu.memref_slice %arg11[%mul3A_120, %dma_start3A_177] : memref<10000x128xf32, #tpu.memory_space<hbm>> -> memref<624x128xf32, #tpu.memory_space<hbm>>
        %dma_start3A_179 = arith.constant 0 : i32
        %dma_start3A_180 = tpu.memref_slice %arg29[%mul3A_118, %dma_start3A_179] : memref<10016x128xf32, #tpu.memory_space<vmem_shared>> -> memref<624x128xf32, #tpu.memory_space<vmem_shared>>
        tpu.enqueue_dma source(%dma_start3A_180 : memref<624x128xf32, #tpu.memory_space<vmem_shared>>) target(%dma_start3A_178 : memref<624x128xf32, #tpu.memory_space<hbm>>) target_semaphore(%run_scoped3A_176 : memref<!tpu.dma_semaphore, #tpu.memory_space<semaphore_mem>>)
        %dma_wait3A_181 = arith.constant 0 : i32
        %dma_wait3A_182 = tpu.memref_slice %arg11[%mul3A_120, %dma_wait3A_181] : memref<10000x128xf32, #tpu.memory_space<hbm>> -> memref<624x128xf32, #tpu.memory_space<hbm>>
        %dma_wait3A_183 = arith.constant 0 : i32
        %dma_wait3A_184 = tpu.memref_slice %arg29[%mul3A_118, %dma_wait3A_183] : memref<10016x128xf32, #tpu.memory_space<vmem_shared>> -> memref<624x128xf32, #tpu.memory_space<vmem_shared>>
        tpu.wait_dma2 semaphore(%run_scoped3A_176 : memref<!tpu.dma_semaphore, #tpu.memory_space<semaphore_mem>>) src(%dma_wait3A_184 : memref<624x128xf32, #tpu.memory_space<vmem_shared>>) dst(%dma_wait3A_182 : memref<624x128xf32, #tpu.memory_space<hbm>>)
        tpu.yield
      }) : () -> ()
      %eq3A_121 = arith.constant 15 : i32
      %eq3A_122 = arith.cmpi eq, %arg1, %eq3A_121 : i32
      %convert_element_type3A_123 = arith.extui %eq3A_122 : i1 to i32
      %cond3A_124 = arith.constant 0 : i32
      %cond3A_125 = arith.cmpi ne, %convert_element_type3A_123, %cond3A_124 : i32
      scf.if %cond3A_125 {
        "tpu.region"() ({
          %run_scoped3A_176 = tpu.sem_alloc : memref<!tpu.dma_semaphore, #tpu.memory_space<semaphore_mem>>
          %dma_start3A_177 = arith.constant 9984 : i32
          %dma_start3A_178 = arith.constant 0 : i32
          %dma_start3A_179 = tpu.memref_slice %arg11[%dma_start3A_177, %dma_start3A_178] : memref<10000x128xf32, #tpu.memory_space<hbm>> -> memref<16x128xf32, #tpu.memory_space<hbm>>
          %dma_start3A_180 = arith.constant 9984 : i32
          %dma_start3A_181 = arith.constant 0 : i32
          %dma_start3A_182 = tpu.memref_slice %arg29[%dma_start3A_180, %dma_start3A_181] : memref<10016x128xf32, #tpu.memory_space<vmem_shared>> -> memref<16x128xf32, #tpu.memory_space<vmem_shared>>
          tpu.enqueue_dma source(%dma_start3A_182 : memref<16x128xf32, #tpu.memory_space<vmem_shared>>) target(%dma_start3A_179 : memref<16x128xf32, #tpu.memory_space<hbm>>) target_semaphore(%run_scoped3A_176 : memref<!tpu.dma_semaphore, #tpu.memory_space<semaphore_mem>>)
          %dma_wait3A_183 = arith.constant 9984 : i32
          %dma_wait3A_184 = arith.constant 0 : i32
          %dma_wait3A_185 = tpu.memref_slice %arg11[%dma_wait3A_183, %dma_wait3A_184] : memref<10000x128xf32, #tpu.memory_space<hbm>> -> memref<16x128xf32, #tpu.memory_space<hbm>>
          %dma_wait3A_186 = arith.constant 9984 : i32
          %dma_wait3A_187 = arith.constant 0 : i32
          %dma_wait3A_188 = tpu.memref_slice %arg29[%dma_wait3A_186, %dma_wait3A_187] : memref<10016x128xf32, #tpu.memory_space<vmem_shared>> -> memref<16x128xf32, #tpu.memory_space<vmem_shared>>
          tpu.wait_dma2 semaphore(%run_scoped3A_176 : memref<!tpu.dma_semaphore, #tpu.memory_space<semaphore_mem>>) src(%dma_wait3A_188 : memref<16x128xf32, #tpu.memory_space<vmem_shared>>) dst(%dma_wait3A_185 : memref<16x128xf32, #tpu.memory_space<hbm>>)
          tpu.yield
        }) : () -> ()
      } else {
      }
      %barrier3A_126 = arith.constant 0 : index
      tpu.barrier barrier_id(%barrier3A_126)
      %scan3A_127 = arith.constant 0 : i32
      %scan3A_128 = arith.constant 0 : i32
      %scan3A_129 = arith.constant 7 : i32
      %scan3A_130 = arith.addi %scan3A_128, %scan3A_129 : i32
      %scan3A_131 = arith.constant 1 : i32
      %scan3A_132 = scf.for %scan3A_176 = %scan3A_128 to %scan3A_130 step %scan3A_131 iter_args(%scan3A_177 = %scan3A_127) -> (i32)  : i32 {
        %mul3A_178 = arith.constant 16 : i32
        %mul3A_179 = arith.muli %scan3A_176, %mul3A_178 : i32
        %add3A_180 = arith.constant 0 : i32
        %add3A_181 = arith.addi %add3A_180, %mul3A_179 : i32
        %get3A = arith.index_cast %add3A_181 : i32 to index
        %get3A_182 = tpu.vector_load %arg27[%get3A] {strides = array<i32>} : memref<352xi32, #tpu.memory_space<vmem>>, vector<16xi32>,
        %mul3A_183 = arith.constant 16 : i32
        %mul3A_184 = arith.muli %scan3A_176, %mul3A_183 : i32
        %swap3A = arith.constant 0 : i32
        %swap3A_185 = arith.index_cast %swap3A : i32 to index
        %swap3A_186 = arith.index_cast %mul3A_184 : i32 to index
        %swap3A_187 = tpu.vector_load %arg28[%swap3A_185, %swap3A_186] {strides = array<i32>} : memref<3x112xi32, #tpu.memory_space<vmem>>, vector<16xi32>,
        tpu.vector_store %arg28[%swap3A_185, %swap3A_186], %get3A_182 {strides = array<i32>} : memref<3x112xi32, #tpu.memory_space<vmem>>, vector<16xi32>,
        %mul3A_188 = arith.constant 16 : i32
        %mul3A_189 = arith.muli %scan3A_176, %mul3A_188 : i32
        %add3A_190 = arith.constant 112 : i32
        %add3A_191 = arith.addi %add3A_190, %mul3A_189 : i32
        %get3A_192 = arith.index_cast %add3A_191 : i32 to index
        %get3A_193 = tpu.vector_load %arg27[%get3A_192] {strides = array<i32>} : memref<352xi32, #tpu.memory_space<vmem>>, vector<16xi32>,
        %mul3A_194 = arith.constant 16 : i32
        %mul3A_195 = arith.muli %scan3A_176, %mul3A_194 : i32
        %swap3A_196 = arith.constant 1 : i32
        %swap3A_197 = arith.index_cast %swap3A_196 : i32 to index
        %swap3A_198 = arith.index_cast %mul3A_195 : i32 to index
        %swap3A_199 = tpu.vector_load %arg28[%swap3A_197, %swap3A_198] {strides = array<i32>} : memref<3x112xi32, #tpu.memory_space<vmem>>, vector<16xi32>,
        tpu.vector_store %arg28[%swap3A_197, %swap3A_198], %get3A_193 {strides = array<i32>} : memref<3x112xi32, #tpu.memory_space<vmem>>, vector<16xi32>,
        %mul3A_200 = arith.constant 16 : i32
        %mul3A_201 = arith.muli %scan3A_176, %mul3A_200 : i32
        %add3A_202 = arith.constant 224 : i32
        %add3A_203 = arith.addi %add3A_202, %mul3A_201 : i32
        %get3A_204 = arith.index_cast %add3A_203 : i32 to index
        %get3A_205 = tpu.vector_load %arg27[%get3A_204] {strides = array<i32>} : memref<352xi32, #tpu.memory_space<vmem>>, vector<16xi32>,
        %mul3A_206 = arith.constant 16 : i32
        %mul3A_207 = arith.muli %scan3A_176, %mul3A_206 : i32
        %swap3A_208 = arith.constant 2 : i32
        %swap3A_209 = arith.index_cast %swap3A_208 : i32 to index
        %swap3A_210 = arith.index_cast %mul3A_207 : i32 to index
        %swap3A_211 = tpu.vector_load %arg28[%swap3A_209, %swap3A_210] {strides = array<i32>} : memref<3x112xi32, #tpu.memory_space<vmem>>, vector<16xi32>,
        tpu.vector_store %arg28[%swap3A_209, %swap3A_210], %get3A_205 {strides = array<i32>} : memref<3x112xi32, #tpu.memory_space<vmem>>, vector<16xi32>,
        %scan3A_212 = arith.constant 0 : i32
        scf.yield %scan3A_212 : i32
      }
      %scan3A_133 = arith.constant 7 : i32
      %dma_start3A_134 = arith.constant 0 : i32
      %dma_start3A_135 = tpu.memref_slice %arg26[%dma_start3A_134] : memref<352xi32, #tpu.memory_space<vmem>> -> memref<112xi32, #tpu.memory_space<vmem>>
      %dma_start3A_136 = arith.constant 0 : i32
      %dma_start3A_137 = arith.constant 0 : i32
      %dma_start3A_138 = tpu.memref_slice %arg3[%dma_start3A_136, %dma_start3A_137] : memref<10000x128xf32, #tpu.memory_space<hbm>> -> memref<10000x128xf32, #tpu.memory_space<hbm>>
      tpu.enqueue_indirect_dma source(%dma_start3A_138 : memref<10000x128xf32, #tpu.memory_space<hbm>>) target(%arg23 : memref<112x128xf32, #tpu.memory_space<vmem>>) offsets(%dma_start3A_135 : memref<112xi32, #tpu.memory_space<vmem>>) semaphore(%arg39 : memref<!tpu.dma_semaphore, #tpu.memory_space<semaphore_mem>>)
      %dma_wait3A_139 = arith.constant 0 : i32
      %dma_wait3A_140 = tpu.memref_slice %arg26[%dma_wait3A_139] : memref<352xi32, #tpu.memory_space<vmem>> -> memref<112xi32, #tpu.memory_space<vmem>>
      %dma_wait3A_141 = arith.constant 0 : i32
      %dma_wait3A_142 = arith.constant 0 : i32
      %dma_wait3A_143 = tpu.memref_slice %arg3[%dma_wait3A_141, %dma_wait3A_142] : memref<10000x128xf32, #tpu.memory_space<hbm>> -> memref<10000x128xf32, #tpu.memory_space<hbm>>
      tpu.wait_indirect_dma semaphore(%arg39 : memref<!tpu.dma_semaphore, #tpu.memory_space<semaphore_mem>>) src(%dma_wait3A_143 : memref<10000x128xf32, #tpu.memory_space<hbm>>) dst(%arg23 : memref<112x128xf32, #tpu.memory_space<vmem>>)
      %run_scoped3A = arith.constant 0 : i32
      "tpu.region"() ({
        %run_scoped3A_176 = tpu.sem_alloc : memref<!tpu.dma_semaphore, #tpu.memory_space<semaphore_mem>>
        %dma_start3A_177 = arith.constant 0 : i32
        %dma_start3A_178 = tpu.memref_slice %arg28[%run_scoped3A, %dma_start3A_177] : memref<3x112xi32, #tpu.memory_space<vmem>> -> memref<1x112xi32, #tpu.memory_space<vmem>>
        %dma_start3A_179 = tpu.memref_squeeze %dma_start3A_178 : memref<1x112xi32, #tpu.memory_space<vmem>> -> memref<112xi32, #tpu.memory_space<vmem>>
        %dma_start3A_180 = arith.constant 0 : i32
        %dma_start3A_181 = arith.constant 0 : i32
        %dma_start3A_182 = tpu.memref_slice %arg29[%dma_start3A_180, %dma_start3A_181] : memref<10016x128xf32, #tpu.memory_space<vmem_shared>> -> memref<10016x128xf32, #tpu.memory_space<vmem_shared>>
        tpu.enqueue_indirect_dma source(%arg23 : memref<112x128xf32, #tpu.memory_space<vmem>>) target(%dma_start3A_182 : memref<10016x128xf32, #tpu.memory_space<vmem_shared>>) offsets(%dma_start3A_179 : memref<112xi32, #tpu.memory_space<vmem>>) semaphore(%run_scoped3A_176 : memref<!tpu.dma_semaphore, #tpu.memory_space<semaphore_mem>>) {add = true}
        %dma_wait3A_183 = arith.constant 0 : i32
        %dma_wait3A_184 = tpu.memref_slice %arg28[%run_scoped3A, %dma_wait3A_183] : memref<3x112xi32, #tpu.memory_space<vmem>> -> memref<1x112xi32, #tpu.memory_space<vmem>>
        %dma_wait3A_185 = tpu.memref_squeeze %dma_wait3A_184 : memref<1x112xi32, #tpu.memory_space<vmem>> -> memref<112xi32, #tpu.memory_space<vmem>>
        %dma_wait3A_186 = arith.constant 0 : i32
        %dma_wait3A_187 = arith.constant 0 : i32
        %dma_wait3A_188 = tpu.memref_slice %arg29[%dma_wait3A_186, %dma_wait3A_187] : memref<10016x128xf32, #tpu.memory_space<vmem_shared>> -> memref<10016x128xf32, #tpu.memory_space<vmem_shared>>
        tpu.wait_indirect_dma semaphore(%run_scoped3A_176 : memref<!tpu.dma_semaphore, #tpu.memory_space<semaphore_mem>>) src(%arg23 : memref<112x128xf32, #tpu.memory_space<vmem>>) dst(%dma_wait3A_188 : memref<10016x128xf32, #tpu.memory_space<vmem_shared>>)
        tpu.yield
      }) : () -> ()
      %dma_start3A_144 = arith.constant 112 : i32
      %dma_start3A_145 = tpu.memref_slice %arg26[%dma_start3A_144] : memref<352xi32, #tpu.memory_space<vmem>> -> memref<112xi32, #tpu.memory_space<vmem>>
      %dma_start3A_146 = arith.constant 0 : i32
      %dma_start3A_147 = arith.constant 0 : i32
      %dma_start3A_148 = tpu.memref_slice %arg3[%dma_start3A_146, %dma_start3A_147] : memref<10000x128xf32, #tpu.memory_space<hbm>> -> memref<10000x128xf32, #tpu.memory_space<hbm>>
      tpu.enqueue_indirect_dma source(%dma_start3A_148 : memref<10000x128xf32, #tpu.memory_space<hbm>>) target(%arg23 : memref<112x128xf32, #tpu.memory_space<vmem>>) offsets(%dma_start3A_145 : memref<112xi32, #tpu.memory_space<vmem>>) semaphore(%arg39 : memref<!tpu.dma_semaphore, #tpu.memory_space<semaphore_mem>>)
      %dma_wait3A_149 = arith.constant 112 : i32
      %dma_wait3A_150 = tpu.memref_slice %arg26[%dma_wait3A_149] : memref<352xi32, #tpu.memory_space<vmem>> -> memref<112xi32, #tpu.memory_space<vmem>>
      %dma_wait3A_151 = arith.constant 0 : i32
      %dma_wait3A_152 = arith.constant 0 : i32
      %dma_wait3A_153 = tpu.memref_slice %arg3[%dma_wait3A_151, %dma_wait3A_152] : memref<10000x128xf32, #tpu.memory_space<hbm>> -> memref<10000x128xf32, #tpu.memory_space<hbm>>
      tpu.wait_indirect_dma semaphore(%arg39 : memref<!tpu.dma_semaphore, #tpu.memory_space<semaphore_mem>>) src(%dma_wait3A_153 : memref<10000x128xf32, #tpu.memory_space<hbm>>) dst(%arg23 : memref<112x128xf32, #tpu.memory_space<vmem>>)
      %run_scoped3A_154 = arith.constant 1 : i32
      "tpu.region"() ({
        %run_scoped3A_176 = tpu.sem_alloc : memref<!tpu.dma_semaphore, #tpu.memory_space<semaphore_mem>>
        %dma_start3A_177 = arith.constant 0 : i32
        %dma_start3A_178 = tpu.memref_slice %arg28[%run_scoped3A_154, %dma_start3A_177] : memref<3x112xi32, #tpu.memory_space<vmem>> -> memref<1x112xi32, #tpu.memory_space<vmem>>
        %dma_start3A_179 = tpu.memref_squeeze %dma_start3A_178 : memref<1x112xi32, #tpu.memory_space<vmem>> -> memref<112xi32, #tpu.memory_space<vmem>>
        %dma_start3A_180 = arith.constant 0 : i32
        %dma_start3A_181 = arith.constant 0 : i32
        %dma_start3A_182 = tpu.memref_slice %arg29[%dma_start3A_180, %dma_start3A_181] : memref<10016x128xf32, #tpu.memory_space<vmem_shared>> -> memref<10016x128xf32, #tpu.memory_space<vmem_shared>>
        tpu.enqueue_indirect_dma source(%arg23 : memref<112x128xf32, #tpu.memory_space<vmem>>) target(%dma_start3A_182 : memref<10016x128xf32, #tpu.memory_space<vmem_shared>>) offsets(%dma_start3A_179 : memref<112xi32, #tpu.memory_space<vmem>>) semaphore(%run_scoped3A_176 : memref<!tpu.dma_semaphore, #tpu.memory_space<semaphore_mem>>) {add = true}
        %dma_wait3A_183 = arith.constant 0 : i32
        %dma_wait3A_184 = tpu.memref_slice %arg28[%run_scoped3A_154, %dma_wait3A_183] : memref<3x112xi32, #tpu.memory_space<vmem>> -> memref<1x112xi32, #tpu.memory_space<vmem>>
        %dma_wait3A_185 = tpu.memref_squeeze %dma_wait3A_184 : memref<1x112xi32, #tpu.memory_space<vmem>> -> memref<112xi32, #tpu.memory_space<vmem>>
        %dma_wait3A_186 = arith.constant 0 : i32
        %dma_wait3A_187 = arith.constant 0 : i32
        %dma_wait3A_188 = tpu.memref_slice %arg29[%dma_wait3A_186, %dma_wait3A_187] : memref<10016x128xf32, #tpu.memory_space<vmem_shared>> -> memref<10016x128xf32, #tpu.memory_space<vmem_shared>>
        tpu.wait_indirect_dma semaphore(%run_scoped3A_176 : memref<!tpu.dma_semaphore, #tpu.memory_space<semaphore_mem>>) src(%arg23 : memref<112x128xf32, #tpu.memory_space<vmem>>) dst(%dma_wait3A_188 : memref<10016x128xf32, #tpu.memory_space<vmem_shared>>)
        tpu.yield
      }) : () -> ()
      %dma_start3A_155 = arith.constant 224 : i32
      %dma_start3A_156 = tpu.memref_slice %arg26[%dma_start3A_155] : memref<352xi32, #tpu.memory_space<vmem>> -> memref<112xi32, #tpu.memory_space<vmem>>
      %dma_start3A_157 = arith.constant 0 : i32
      %dma_start3A_158 = arith.constant 0 : i32
      %dma_start3A_159 = tpu.memref_slice %arg3[%dma_start3A_157, %dma_start3A_158] : memref<10000x128xf32, #tpu.memory_space<hbm>> -> memref<10000x128xf32, #tpu.memory_space<hbm>>
      tpu.enqueue_indirect_dma source(%dma_start3A_159 : memref<10000x128xf32, #tpu.memory_space<hbm>>) target(%arg23 : memref<112x128xf32, #tpu.memory_space<vmem>>) offsets(%dma_start3A_156 : memref<112xi32, #tpu.memory_space<vmem>>) semaphore(%arg39 : memref<!tpu.dma_semaphore, #tpu.memory_space<semaphore_mem>>)
      %dma_wait3A_160 = arith.constant 224 : i32
      %dma_wait3A_161 = tpu.memref_slice %arg26[%dma_wait3A_160] : memref<352xi32, #tpu.memory_space<vmem>> -> memref<112xi32, #tpu.memory_space<vmem>>
      %dma_wait3A_162 = arith.constant 0 : i32
      %dma_wait3A_163 = arith.constant 0 : i32
      %dma_wait3A_164 = tpu.memref_slice %arg3[%dma_wait3A_162, %dma_wait3A_163] : memref<10000x128xf32, #tpu.memory_space<hbm>> -> memref<10000x128xf32, #tpu.memory_space<hbm>>
      tpu.wait_indirect_dma semaphore(%arg39 : memref<!tpu.dma_semaphore, #tpu.memory_space<semaphore_mem>>) src(%dma_wait3A_164 : memref<10000x128xf32, #tpu.memory_space<hbm>>) dst(%arg23 : memref<112x128xf32, #tpu.memory_space<vmem>>)
      %run_scoped3A_165 = arith.constant 2 : i32
      "tpu.region"() ({
        %run_scoped3A_176 = tpu.sem_alloc : memref<!tpu.dma_semaphore, #tpu.memory_space<semaphore_mem>>
        %dma_start3A_177 = arith.constant 0 : i32
        %dma_start3A_178 = tpu.memref_slice %arg28[%run_scoped3A_165, %dma_start3A_177] : memref<3x112xi32, #tpu.memory_space<vmem>> -> memref<1x112xi32, #tpu.memory_space<vmem>>
        %dma_start3A_179 = tpu.memref_squeeze %dma_start3A_178 : memref<1x112xi32, #tpu.memory_space<vmem>> -> memref<112xi32, #tpu.memory_space<vmem>>
        %dma_start3A_180 = arith.constant 0 : i32
        %dma_start3A_181 = arith.constant 0 : i32
        %dma_start3A_182 = tpu.memref_slice %arg29[%dma_start3A_180, %dma_start3A_181] : memref<10016x128xf32, #tpu.memory_space<vmem_shared>> -> memref<10016x128xf32, #tpu.memory_space<vmem_shared>>
        tpu.enqueue_indirect_dma source(%arg23 : memref<112x128xf32, #tpu.memory_space<vmem>>) target(%dma_start3A_182 : memref<10016x128xf32, #tpu.memory_space<vmem_shared>>) offsets(%dma_start3A_179 : memref<112xi32, #tpu.memory_space<vmem>>) semaphore(%run_scoped3A_176 : memref<!tpu.dma_semaphore, #tpu.memory_space<semaphore_mem>>) {add = true}
        %dma_wait3A_183 = arith.constant 0 : i32
        %dma_wait3A_184 = tpu.memref_slice %arg28[%run_scoped3A_165, %dma_wait3A_183] : memref<3x112xi32, #tpu.memory_space<vmem>> -> memref<1x112xi32, #tpu.memory_space<vmem>>
        %dma_wait3A_185 = tpu.memref_squeeze %dma_wait3A_184 : memref<1x112xi32, #tpu.memory_space<vmem>> -> memref<112xi32, #tpu.memory_space<vmem>>
        %dma_wait3A_186 = arith.constant 0 : i32
        %dma_wait3A_187 = arith.constant 0 : i32
        %dma_wait3A_188 = tpu.memref_slice %arg29[%dma_wait3A_186, %dma_wait3A_187] : memref<10016x128xf32, #tpu.memory_space<vmem_shared>> -> memref<10016x128xf32, #tpu.memory_space<vmem_shared>>
        tpu.wait_indirect_dma semaphore(%run_scoped3A_176 : memref<!tpu.dma_semaphore, #tpu.memory_space<semaphore_mem>>) src(%arg23 : memref<112x128xf32, #tpu.memory_space<vmem>>) dst(%dma_wait3A_188 : memref<10016x128xf32, #tpu.memory_space<vmem_shared>>)
        tpu.yield
      }) : () -> ()
      %barrier3A_166 = arith.constant 0 : index
      tpu.barrier barrier_id(%barrier3A_166)
      %mul3A_167 = arith.constant 624 : i32
      %mul3A_168 = arith.muli %arg1, %mul3A_167 : i32
      %mul3A_169 = arith.constant 624 : i32
      %mul3A_170 = arith.muli %arg1, %mul3A_169 : i32
      "tpu.region"() ({
        %run_scoped3A_176 = tpu.sem_alloc : memref<!tpu.dma_semaphore, #tpu.memory_space<semaphore_mem>>
        %dma_start3A_177 = arith.constant 0 : i32
        %dma_start3A_178 = tpu.memref_slice %arg13[%mul3A_170, %dma_start3A_177] : memref<10000x128xf32, #tpu.memory_space<hbm>> -> memref<624x128xf32, #tpu.memory_space<hbm>>
        %dma_start3A_179 = arith.constant 0 : i32
        %dma_start3A_180 = tpu.memref_slice %arg29[%mul3A_168, %dma_start3A_179] : memref<10016x128xf32, #tpu.memory_space<vmem_shared>> -> memref<624x128xf32, #tpu.memory_space<vmem_shared>>
        tpu.enqueue_dma source(%dma_start3A_180 : memref<624x128xf32, #tpu.memory_space<vmem_shared>>) target(%dma_start3A_178 : memref<624x128xf32, #tpu.memory_space<hbm>>) target_semaphore(%run_scoped3A_176 : memref<!tpu.dma_semaphore, #tpu.memory_space<semaphore_mem>>)
        %dma_wait3A_181 = arith.constant 0 : i32
        %dma_wait3A_182 = tpu.memref_slice %arg13[%mul3A_170, %dma_wait3A_181] : memref<10000x128xf32, #tpu.memory_space<hbm>> -> memref<624x128xf32, #tpu.memory_space<hbm>>
        %dma_wait3A_183 = arith.constant 0 : i32
        %dma_wait3A_184 = tpu.memref_slice %arg29[%mul3A_168, %dma_wait3A_183] : memref<10016x128xf32, #tpu.memory_space<vmem_shared>> -> memref<624x128xf32, #tpu.memory_space<vmem_shared>>
        tpu.wait_dma2 semaphore(%run_scoped3A_176 : memref<!tpu.dma_semaphore, #tpu.memory_space<semaphore_mem>>) src(%dma_wait3A_184 : memref<624x128xf32, #tpu.memory_space<vmem_shared>>) dst(%dma_wait3A_182 : memref<624x128xf32, #tpu.memory_space<hbm>>)
        tpu.yield
      }) : () -> ()
      %eq3A_171 = arith.constant 15 : i32
      %eq3A_172 = arith.cmpi eq, %arg1, %eq3A_171 : i32
      %convert_element_type3A_173 = arith.extui %eq3A_172 : i1 to i32
      %cond3A_174 = arith.constant 0 : i32
      %cond3A_175 = arith.cmpi ne, %convert_element_type3A_173, %cond3A_174 : i32
      scf.if %cond3A_175 {
        "tpu.region"() ({
          %run_scoped3A_176 = tpu.sem_alloc : memref<!tpu.dma_semaphore, #tpu.memory_space<semaphore_mem>>
          %dma_start3A_177 = arith.constant 9984 : i32
          %dma_start3A_178 = arith.constant 0 : i32
          %dma_start3A_179 = tpu.memref_slice %arg13[%dma_start3A_177, %dma_start3A_178] : memref<10000x128xf32, #tpu.memory_space<hbm>> -> memref<16x128xf32, #tpu.memory_space<hbm>>
          %dma_start3A_180 = arith.constant 9984 : i32
          %dma_start3A_181 = arith.constant 0 : i32
          %dma_start3A_182 = tpu.memref_slice %arg29[%dma_start3A_180, %dma_start3A_181] : memref<10016x128xf32, #tpu.memory_space<vmem_shared>> -> memref<16x128xf32, #tpu.memory_space<vmem_shared>>
          tpu.enqueue_dma source(%dma_start3A_182 : memref<16x128xf32, #tpu.memory_space<vmem_shared>>) target(%dma_start3A_179 : memref<16x128xf32, #tpu.memory_space<hbm>>) target_semaphore(%run_scoped3A_176 : memref<!tpu.dma_semaphore, #tpu.memory_space<semaphore_mem>>)
          %dma_wait3A_183 = arith.constant 9984 : i32
          %dma_wait3A_184 = arith.constant 0 : i32
          %dma_wait3A_185 = tpu.memref_slice %arg13[%dma_wait3A_183, %dma_wait3A_184] : memref<10000x128xf32, #tpu.memory_space<hbm>> -> memref<16x128xf32, #tpu.memory_space<hbm>>
          %dma_wait3A_186 = arith.constant 9984 : i32
          %dma_wait3A_187 = arith.constant 0 : i32
          %dma_wait3A_188 = tpu.memref_slice %arg29[%dma_wait3A_186, %dma_wait3A_187] : memref<10016x128xf32, #tpu.memory_space<vmem_shared>> -> memref<16x128xf32, #tpu.memory_space<vmem_shared>>
          tpu.wait_dma2 semaphore(%run_scoped3A_176 : memref<!tpu.dma_semaphore, #tpu.memory_space<semaphore_mem>>) src(%dma_wait3A_188 : memref<16x128xf32, #tpu.memory_space<vmem_shared>>) dst(%dma_wait3A_185 : memref<16x128xf32, #tpu.memory_space<hbm>>)
          tpu.yield
        }) : () -> ()
      } else {
      }
    } else {
    }
    return
  }
}

module attributes {stable_mosaic.version = 14 : i64} {
  func.func @_loss_body(%arg0: memref<10000x128xf32, #tpu.memory_space<vmem>>, %arg1: memref<10000x128xf32, #tpu.memory_space<vmem>>, %arg2: memref<10000x128xf32, #tpu.memory_space<vmem>>, %arg3: memref<10000x128xf32, #tpu.memory_space<vmem>>, %arg4: memref<1x1xf32, #tpu.memory_space<smem>>) attributes {dimension_semantics = [], scalar_prefetch = 0 : i64, scratch_operands = 0 : i64, tpu.core_type = #tpu.core_type<tc>} {
    %get3A = arith.constant 0 : index
    %get3A_0 = arith.constant 0 : index
    %get3A_1 = vector.load %arg0[%get3A, %get3A_0] : memref<10000x128xf32, #tpu.memory_space<vmem>>, vector<10000x128xf32>
    %get3A_2 = arith.constant 0 : index
    %get3A_3 = arith.constant 0 : index
    %get3A_4 = vector.load %arg1[%get3A_2, %get3A_3] : memref<10000x128xf32, #tpu.memory_space<vmem>>, vector<10000x128xf32>
    %mul3A = arith.constant 2.000000e+00 : f32
    %mul3A_5 = vector.broadcast %mul3A : f32 to vector<10000x128xf32>
    %mul3A_6 = arith.mulf %mul3A_5, %get3A_1 : vector<10000x128xf32>
    %sub3A = arith.subf %mul3A_6, %get3A_4 : vector<10000x128xf32>
    %mul3A_7 = arith.mulf %get3A_1, %sub3A : vector<10000x128xf32>
    %reduce_sum3A = arith.constant dense<0.000000e+00> : vector<10000xf32>
    %reduce_sum3A_8 = vector.multi_reduction <add>, %mul3A_7, %reduce_sum3A [1] : vector<10000x128xf32> to vector<10000xf32>
    %mul3A_9 = arith.mulf %get3A_1, %get3A_1 : vector<10000x128xf32>
    %reduce_sum3A_10 = arith.constant dense<0.000000e+00> : vector<10000xf32>
    %reduce_sum3A_11 = vector.multi_reduction <add>, %mul3A_9, %reduce_sum3A_10 [1] : vector<10000x128xf32> to vector<10000xf32>
    %sqrt3A = math.sqrt %reduce_sum3A_11 : vector<10000xf32>
    %mul3A_12 = arith.mulf %sub3A, %sub3A : vector<10000x128xf32>
    %reduce_sum3A_13 = arith.constant dense<0.000000e+00> : vector<10000xf32>
    %reduce_sum3A_14 = vector.multi_reduction <add>, %mul3A_12, %reduce_sum3A_13 [1] : vector<10000x128xf32> to vector<10000xf32>
    %sqrt3A_15 = math.sqrt %reduce_sum3A_14 : vector<10000xf32>
    %max3A = arith.constant 9.99999993E-9 : f32
    %max3A_16 = vector.broadcast %max3A : f32 to vector<10000xf32>
    %max3A_17 = arith.maximumf %sqrt3A, %max3A_16 : vector<10000xf32>
    %max3A_18 = arith.constant 9.99999993E-9 : f32
    %max3A_19 = vector.broadcast %max3A_18 : f32 to vector<10000xf32>
    %max3A_20 = arith.maximumf %sqrt3A_15, %max3A_19 : vector<10000xf32>
    %mul3A_21 = arith.mulf %max3A_17, %max3A_20 : vector<10000xf32>
    %div3A = arith.divf %reduce_sum3A_8, %mul3A_21 : vector<10000xf32>
    %div3A_22 = arith.constant 0.699999988 : f32
    %div3A_23 = vector.broadcast %div3A_22 : f32 to vector<10000xf32>
    %div3A_24 = arith.divf %div3A, %div3A_23 : vector<10000xf32>
    %exp3A = math.exp %div3A_24 : vector<10000xf32>
    %reduce_sum3A_25 = vector.shape_cast %exp3A : vector<10000xf32> to vector<1x10000xf32>
    %reduce_sum3A_26 = arith.constant dense<0.000000e+00> : vector<1xf32>
    %reduce_sum3A_27 = vector.multi_reduction <add>, %reduce_sum3A_25, %reduce_sum3A_26 [1] : vector<1x10000xf32> to vector<1xf32>
    %reduce_sum3A_28 = vector.shape_cast %reduce_sum3A_27 : vector<1xf32> to vector<1x1xf32>
    %reduce_sum3A_29 = vector.extract %reduce_sum3A_28[0, 0] : f32 from vector<1x1xf32>
    %log3A = math.log %reduce_sum3A_29 : f32
    %get3A_30 = arith.constant 0 : index
    %get3A_31 = arith.constant 0 : index
    %get3A_32 = vector.load %arg2[%get3A_30, %get3A_31] : memref<10000x128xf32, #tpu.memory_space<vmem>>, vector<10000x128xf32>
    %get3A_33 = arith.constant 0 : index
    %get3A_34 = arith.constant 0 : index
    %get3A_35 = vector.load %arg3[%get3A_33, %get3A_34] : memref<10000x128xf32, #tpu.memory_space<vmem>>, vector<10000x128xf32>
    %mul3A_36 = arith.constant 2.000000e+00 : f32
    %mul3A_37 = vector.broadcast %mul3A_36 : f32 to vector<10000x128xf32>
    %mul3A_38 = arith.mulf %mul3A_37, %get3A_32 : vector<10000x128xf32>
    %sub3A_39 = arith.subf %mul3A_38, %get3A_35 : vector<10000x128xf32>
    %mul3A_40 = arith.mulf %get3A_32, %sub3A_39 : vector<10000x128xf32>
    %reduce_sum3A_41 = arith.constant dense<0.000000e+00> : vector<10000xf32>
    %reduce_sum3A_42 = vector.multi_reduction <add>, %mul3A_40, %reduce_sum3A_41 [1] : vector<10000x128xf32> to vector<10000xf32>
    %mul3A_43 = arith.mulf %get3A_32, %get3A_32 : vector<10000x128xf32>
    %reduce_sum3A_44 = arith.constant dense<0.000000e+00> : vector<10000xf32>
    %reduce_sum3A_45 = vector.multi_reduction <add>, %mul3A_43, %reduce_sum3A_44 [1] : vector<10000x128xf32> to vector<10000xf32>
    %sqrt3A_46 = math.sqrt %reduce_sum3A_45 : vector<10000xf32>
    %mul3A_47 = arith.mulf %sub3A_39, %sub3A_39 : vector<10000x128xf32>
    %reduce_sum3A_48 = arith.constant dense<0.000000e+00> : vector<10000xf32>
    %reduce_sum3A_49 = vector.multi_reduction <add>, %mul3A_47, %reduce_sum3A_48 [1] : vector<10000x128xf32> to vector<10000xf32>
    %sqrt3A_50 = math.sqrt %reduce_sum3A_49 : vector<10000xf32>
    %max3A_51 = arith.constant 9.99999993E-9 : f32
    %max3A_52 = vector.broadcast %max3A_51 : f32 to vector<10000xf32>
    %max3A_53 = arith.maximumf %sqrt3A_46, %max3A_52 : vector<10000xf32>
    %max3A_54 = arith.constant 9.99999993E-9 : f32
    %max3A_55 = vector.broadcast %max3A_54 : f32 to vector<10000xf32>
    %max3A_56 = arith.maximumf %sqrt3A_50, %max3A_55 : vector<10000xf32>
    %mul3A_57 = arith.mulf %max3A_53, %max3A_56 : vector<10000xf32>
    %div3A_58 = arith.divf %reduce_sum3A_42, %mul3A_57 : vector<10000xf32>
    %div3A_59 = arith.constant 0.699999988 : f32
    %div3A_60 = vector.broadcast %div3A_59 : f32 to vector<10000xf32>
    %div3A_61 = arith.divf %div3A_58, %div3A_60 : vector<10000xf32>
    %exp3A_62 = math.exp %div3A_61 : vector<10000xf32>
    %reduce_sum3A_63 = vector.shape_cast %exp3A_62 : vector<10000xf32> to vector<1x10000xf32>
    %reduce_sum3A_64 = arith.constant dense<0.000000e+00> : vector<1xf32>
    %reduce_sum3A_65 = vector.multi_reduction <add>, %reduce_sum3A_63, %reduce_sum3A_64 [1] : vector<1x10000xf32> to vector<1xf32>
    %reduce_sum3A_66 = vector.shape_cast %reduce_sum3A_65 : vector<1xf32> to vector<1x1xf32>
    %reduce_sum3A_67 = vector.extract %reduce_sum3A_66[0, 0] : f32 from vector<1x1xf32>
    %log3A_68 = math.log %reduce_sum3A_67 : f32
    %add3A = arith.addf %log3A, %log3A_68 : f32
    %swap3A = arith.constant 0 : index
    %swap3A_69 = arith.constant 0 : index
    %swap3A_70 = memref.load %arg4[%swap3A, %swap3A_69] : memref<1x1xf32, #tpu.memory_space<smem>>
    memref.store %add3A, %arg4[%swap3A, %swap3A_69] : memref<1x1xf32, #tpu.memory_space<smem>>
    return
  }
}

</mosaic_0001>

<sc_bundles>
// kernel: kernel.4.cloned.1.call-start
scs
__scs_entry_jumppad:
0x0: {  	(pc) =	sbr.rel $0x88, $3  }
0x1: {  	(tag) =	ssettag $0x0;
	lr =	simm.s32 $0x1  }
0x2: {  	[smem:$0x3F9B] =	sst lr;
	_ =	strace $0xD0000000  }
0x3: {  	_ = 	snop  }
0x4: {  	_ = 	snop  }
0x5: {  	_ = 	snop  }
0x6: {  	_ = 	snop  }
0x7: {  	_ = 	snop  }
__scs_overlays_trampoline_lowered:
0x8: {  	[smem:$0x3FAA] =	sst s0  }
0x9: {  	[smem:$0x3FAB] =	sst s1  }
0xa: {  	[smem:$0x3FAC] =	sst s2  }
0xb: {  	[smem:$0x3FAD] =	sst s3  }
0xc: {  	[smem:$0x3FAE] =	sst s4  }
0xd: {  	[smem:$0x3FAF] =	sst s5  }
0xe: {  	[smem:$0x3FB0] =	sst s6  }
0xf: {  	[smem:$0x3FB1] =	sst s7  }
0x10: {  	[smem:$0x3FB2] =	sst s8  }
0x11: {  	[smem:$0x3FB3] =	sst s9;
	s0 =	simm.s32 @!p0 $0x0  }
0x12: {  	s1 =	sld [smem:$0x3F99];
	s0 =	simm.s32 @p0 $0x1  }
0x13: {  	[smem:$0x3FB4] =	sst s0;
	s0 =	simm.s32 @!p1 $0x0  }
0x14: {  	s2 =	sld [smem:$0x3F98];
	s0 =	simm.s32 @p1 $0x1  }
0x15: {  	[smem:$0x3FB5] =	sst s0;
	s0 =	simm.s32 @!p2 $0x0  }
0x16: {  	s3 =	sld [smem:$0x3FDB];
	s0 =	simm.s32 @p2 $0x1  }
0x17: {  	s4 =	simm.s32 $0x1BF5;
	[smem:$0x3FB7] =	sst s0  }
0x18: {  	s0 =	sld [smem:$0x3F9A];
	_ =	swait.ge [sflag:s4], $0x0  }
0x19: {  	s7 =	sld [smem:$0x3F9B]  }
0x1a: {  	s8 =	sadd.s32 $0xFFFFE003, lr  }
0x1b: {  	s9 =	sadd.s32 $0xFFFFFEF7, lr;
	s5 =	simm.s32 $0xFFFFFFFF;
	p2 =	slt.u32 s8, $0xFFFFF086  }
0x1c: {  	p1 =	slt.u32 s9, $0xF7A;
	s5 =	simm.s32 @!p2 $0x0  }
0x1d: {  	s5 =	simm.s32 @p1 $0x1;
	p0 =	seq.s32 s7, s2  }
0x1e: {  	s7 =	smul.u32 @!p0 $0xF7A, s2;
	p2 =	seq.s32 @!p0 s5, $0x0  }
0x1f: {  	s9 =	smul.u32 $0xF7A, s1;
	s8 =	simm.s32 @!p0 $0x1BF5;
	p2 =	por !p2, p0  }
0x20: {  	[sflag:s8] =	ssyncset.s32 @!p0 $0xFFFFF086;
	s6 =	sadd.s32 @!p0 s3, s7;
	s7 =	simm.s32 @!p0 $0x108  }
0x21: {  	s3 =	sadd.s32 s3, s9;
	s6 =	sadd.s32 @!p0 $0x88, s6;
	s7 =	simm.s32 @p2 $0x1082  }
0x22: {  	[simem:s7], [sflag:s8] =	dma.local @!p0 [hbm:s6], $0xF7A  }
0x23: {  	s9 =	sor.u32 $0xD0000000, s2;
	s6 =	simm.s32 $0x108;
	_ =	swait.ge @!p0 [sflag:s8], $0x0  }
0x24: {  	s3 =	sadd.s32 $0x88, s3;
	s6 =	simm.s32 @!p1 $0x1082;
	[sflag:s4] =	ssyncset.s32 $0xFFFFF086  }
0x25: {  	[simem:s6], [sflag:s4] =	dma.local [hbm:s3], $0xF7A  }
0x26: {  	[smem:$0x3F9B] =	sst s1;
	(tag) =	ssettag s2;
	_ =	strace s9  }
0x27: {  	s1 =	sld [smem:$0x3FAB]  }
0x28: {  	s2 =	sld [smem:$0x3FAC]  }
0x29: {  	s4 =	sld [smem:$0x3FAE]  }
0x2a: {  	p0 =	seq.s32 s5, $0x0;
	s5 =	sld [smem:$0x3FAF]  }
0x2b: {  	s6 =	sld [smem:$0x3FB0]  }
0x2c: {  	s7 =	sld [smem:$0x3FB1]  }
0x2d: {  	s3 =	simm.s32 $0x108;
	s8 =	sld [smem:$0x3FB2]  }
0x2e: {  	s3 =	simm.s32 @!p0 $0x1082;
	s9 =	sld [smem:$0x3FB3]  }
0x2f: {  	lr =	sadd.s32 s0, s3;
	s0 =	sld [smem:$0x3FAA]  }
0x30: {  	s3 =	sld [smem:$0x3FAD]  }
0x31: {  	[smem:$0x3FB6] =	sst s10  }
0x32: {  	s10 =	sld [smem:$0x3FB4];
	_ =	sdelay $0x3  }
0x33: {  	p0 =	seq.s32 s10, $0x1;
	s10 =	sld [smem:$0x3FB6];
	_ =	sdelay $0x3  }
0x34: {  	[smem:$0x3FB6] =	sst s10  }
0x35: {  	s10 =	sld [smem:$0x3FB5];
	_ =	sdelay $0x3  }
0x36: {  	p1 =	seq.s32 s10, $0x1;
	s10 =	sld [smem:$0x3FB6];
	_ =	sdelay $0x3  }
0x37: {  	[smem:$0x3FB6] =	sst s10  }
0x38: {  	s10 =	sld [smem:$0x3FB7]  }
0x39: {  	_ = 	snop;
	(pc) =	sbr.ind lr, $3  }
0x3a: {  	_ = 	snop  }
0x3b: {  	_ = 	snop  }
0x3c: {  	p2 =	seq.s32 s10, $0x1;
	s10 =	sld [smem:$0x3FB6]  }
0x3d: {  	_ =	shalt  }
0x3e: {  	_ =	shalt  }
0x3f: {  	_ =	shalt  }
0x40: {  	_ =	shalt  }
0x41: {  	_ =	shalt  }
0x42: {  	_ =	shalt  }
0x43: {  	_ =	shalt  }
0x44: {  	_ =	shalt  }
0x45: {  	_ =	shalt  }
0x46: {  	_ =	shalt  }
0x47: {  	_ =	shalt  }
0x48: {  	_ =	shalt  }
0x49: {  	_ =	shalt  }
0x4a: {  	_ =	shalt  }
0x4b: {  	_ =	shalt  }
0x4c: {  	_ =	shalt  }
0x4d: {  	_ =	shalt  }
0x4e: {  	_ =	shalt  }
0x4f: {  	_ =	shalt  }
0x50: {  	_ =	shalt  }
0x51: {  	_ =	shalt  }
0x52: {  	_ =	shalt  }
0x53: {  	_ =	shalt  }
0x54: {  	_ =	shalt  }
0x55: {  	_ =	shalt  }
0x56: {  	_ =	shalt  }
0x57: {  	_ =	shalt  }
0x58: {  	_ =	shalt  }
0x59: {  	_ =	shalt  }
0x5a: {  	_ =	shalt  }
0x5b: {  	_ =	shalt  }
0x5c: {  	_ =	shalt  }
0x5d: {  	_ =	shalt  }
0x5e: {  	_ =	shalt  }
0x5f: {  	_ =	shalt  }
0x60: {  	_ =	shalt  }
0x61: {  	_ =	shalt  }
0x62: {  	_ =	shalt  }
0x63: {  	_ =	shalt  }
0x64: {  	_ =	shalt  }
0x65: {  	_ =	shalt  }
0x66: {  	_ =	shalt  }
0x67: {  	_ =	shalt  }
0x68: {  	_ =	shalt  }
0x69: {  	_ =	shalt  }
0x6a: {  	_ =	shalt  }
0x6b: {  	_ =	shalt  }
0x6c: {  	_ =	shalt  }
0x6d: {  	_ =	shalt  }
0x6e: {  	_ =	shalt  }
0x6f: {  	_ =	shalt  }
0x70: {  	_ =	shalt  }
0x71: {  	_ =	shalt  }
0x72: {  	_ =	shalt  }
0x73: {  	_ =	shalt  }
0x74: {  	_ =	shalt  }
0x75: {  	_ =	shalt  }
0x76: {  	_ =	shalt  }
0x77: {  	_ =	shalt  }
0x78: {  	_ =	shalt  }
0x79: {  	_ =	shalt  }
0x7a: {  	_ =	shalt  }
0x7b: {  	_ =	shalt  }
0x7c: {  	_ =	shalt  }
0x7d: {  	_ =	shalt  }
0x7e: {  	_ =	shalt  }
0x7f: {  	_ =	shalt  }
0x80: {  	_ =	shalt  }
0x81: {  	_ =	shalt  }
0x82: {  	_ =	shalt  }
0x83: {  	_ =	shalt  }
0x84: {  	_ =	shalt  }
0x85: {  	_ =	shalt  }
0x86: {  	_ =	shalt  }
0x87: {  	_ =	shalt  }
.Lfunc_end0:
.L_simem_size_0:
called_computation_lowered:
.L_overlay_start_0:
0x88: {  	s2 =	sld [smem:$0x3FD9]  }
0x89: {  	s3 =	sld [smem:$0x3FFE];
	_ =	sdelay $0x1  }
0x8a: {  	s1 =	srdreg.scid  }
0x8b: {  	s0 =	sand.u32 $0x1, s1  }
0x8c: {  	s14 =	sshll.u32 s0, $0xA;
	s2 =	sadd.s32 s3, s2  }
0x8d: {  	s2 =	sadd.s32 s2, s14  }
0x8e: {  	[smem:$0x3FC2] =	sst s2  }
0x8f: {  	_ = 	snop  }
0x90: {  	s2 =	sld [smem:$0x3FD0];
	_ =	sdelay $0x1  }
0x91: {  	s15 =	sld [smem:$0x3FC9]  }
0x92: {  	s5 =	simm.s32 $0xA;
	s6 =	simm.s32 $0x10;
	s4 =	sld [smem:$0x3FC8]  }
0x93: {  	[smem:s6], [sflag:s5] =	dma.local [hbm:s2], $0x1  }
0x94: {  	_ =	swait.eq [sflag:s5], $0x1  }
0x95: {  	[sflag:s5] =	ssyncset.done $0x0  }
0x96: {  	s16 =	sld [smem:$0x10];
	[sflag:s5] =	ssyncadd.s32 $0xFFFFFFFF  }
0x97: {  	s17 =	sld [smem:$0x11];
	(tm) =	ssettm $0x1  }
0x98: {  	s18 =	sld [smem:$0x3FFB];
	_ =	sdelay $0x3  }
0x99: {  	_ =	strace s18  }
0x9a: {  	s6 =	sld [smem:$0x3FFC];
	_ =	sdelay $0x3  }
0x9b: {  	_ =	strace s6  }
0x9c: {  	s6 =	sld [smem:$0x3FFD];
	_ =	sdelay $0x3  }
0x9d: {  	_ =	strace s6  }
0x9e: {  	_ =	strace $0x8FFFFFFF  }
0x9f: {  	s19 =	sld [smem:$0x3FDB];
	_ =	sdelay $0x1  }
0xa0: {  	s7 =	simm.s32 $_scs_section_size  }
0xa1: {  	s8 =	simm.s32 $_size__tile_overlayer_lowered;
	s9 =	simm.s32 $_tile_overlayer_lowered  }
0xa2: {  	s22 =	simm.s32 $0x1BFF;
	s21 =	sshll.u32 s9, $0x1;
	s6 =	sadd.s32 s7, s19  }
0xa3: {  	s10 =	simm.s32 $0x0;
	s20 =	sshll.u32 s8, $0x1;
	s8 =	sadd.s32 s21, s6  }
0xa4: {  	[timem:s10], [sflag:s22] =	dma.local [hbm:s8], s20  }
0xa5: {  	_ =	swait.ge [sflag:s22], s20  }
0xa6: {  	s7 =	ssub.s32 $0x0, s20;
	[sflag:s22] =	ssyncset.done $0x0  }
0xa7: {  	[sflag:s22] =	ssyncadd.s32 s7;
	_ =	sdelay $0x1  }
0xa8: {  	s23 =	simm.s32 $0x1B8B  }
0xa9: {  	_ =	swait.ge [sflag:s23], $0x1  }
0xaa: {  	[sflag:s23] =	ssyncset.done $0x0  }
0xab: {  	s25 =	simm.s32 $0x1B8E;
	s24 =	sld [smem:$0x3FFE];
	[sflag:s23] =	ssyncadd.s32 $0xFFFFFFFF  }
0xac: {  	s26 =	simm.s32 $execute0_lowered;
	[smem:$0x3FD2] =	sst s25  }
0xad: {  	s8 =	sshll.u32 s26, $0x1;
	_ =	strace $0x80000046;
	[dreg:$0x1] =	wrdreg $0xFFFFFFFF  }
0xae: {  	s28 =	simm.s32 $_size_execute0_lowered;
	s6 =	sadd.s32 s6, s8;
	[dreg:$0x0] =	wrdreg $0x0  }
0xaf: {  	s8 =	sshll.u32 s28, $0x1;
	[dreg:$0x2] =	wrdreg s6  }
0xb0: {  	[dreg:$0x3] =	wrdreg s8  }
0xb1: {  	[dreg:$0x4] =	wrdreg $0xC0  }
0xb2: {  	_ =	task [dreg:s10], $0x5FFFF  }
0xb3: {  	[dreg:$0x1] =	wrdreg $0xFFFFFFFF  }
0xb4: {  	[dreg:$0x0] =	wrdreg $0x60  }
0xb5: {  	[dreg:$0x2] =	wrdreg s4  }
0xb6: {  	[dreg:$0x3] =	wrdreg s15  }
0xb7: {  	[dreg:$0x4] =	wrdreg s24  }
0xb8: {  	[dreg:$0x5] =	wrdreg s16  }
0xb9: {  	[dreg:$0x6] =	wrdreg s17  }
0xba: {  	[dreg:$0x7] =	wrdreg $0xB1800  }
0xbb: {  	[dreg:$0x8] =	wrdreg $0x9  }
0xbc: {  	_ =	task.clear_ibuf [dreg:s10], $0x9FFFF;
	_ =	strace $0x90000046  }
0xbd: {  	s29 =	simm.s32 $0x9;
	_ =	strace $0x80000048  }
0xbe: {  	_ =	swait.ge [sflag:s29], $0x1  }
0xbf: {  	[sflag:s29] =	ssyncadd.s32 $0xFFFFFFFF  }
0xc0: {  	_ =	strace $0x90000048  }
0xc1: {  	_ =	sfence  }
0xc2: {  	s30 =	sld [smem:$0x0];
	_ =	sdelay $0x2  }
0xc3: {  	s31 =	sshll.u32 s1, $0xD;
	s1 =	sshrl.u32 s1, $0x2  }
0xc4: {  	s3 =	sand.u32 $0x4000, s31;
	s1 =	sadd.s32 s1, s30  }
0xc5: {  	s0 =	sor.u32 s3, s0;
	s1 =	sshll.u32 s1, $0x11  }
0xc6: {  	s0 =	sor.u32 s1, s0  }
0xc7: {  	s0 =	sadd.s32 $0x8F2B, s0  }
0xc8: {  	[sflag:s0] =	ssyncadd.remote.s32 $0x1  }
0xc9: {  	_ =	sfence.sel $0xFFFF  }
0xca: {  	[dreg:$0x0] =	wrdreg $0xFFFFFFFF;
	(pc) =	sbr.abs _section_cstart, $3  }
0xcb: {  	[dreg:$0x1] =	wrdreg $0xFFFFFFFF  }
0xcc: {  	_ =	task.clear_ibuf [dreg:s10], $0x2FFFF;
	_ =	strace $0x9FFFFFFF  }
0xcd: {  	(tm) =	ssettm $0x7FFFFFFF  }
tec
execute0_lowered:
.L_overlay_start_1:
0x0: {  	(tag) =	ssettag $0x1  }
0x1: {  	s1 =	rddreg [dreg:$0x1];
	s14 =	stileid.u32  }
0x2: {  	s3 =	rddreg [dreg:$0x2];
	s9 =	smul.u32 $0x4EC0, s14  }
0x3: {  	s2 =	simm.s32 $0x0;
	s28 =	rddreg [dreg:$0x5]  }
0x4: {  	[smem:$0x7FF] =	sst s2;
	s4 =	sadd.s32 $0x15C00, s3;
	s9 =	sshrl.u32 s9, $0x3  }
0x5: {  	s6 =	sadd.s32 $0x29800, s3;
	s7 =	sadd.s32 $0x1FA00, s3;
	s24 =	sadd.s32 s4, s9  }
0x6: {  	s11 =	sadd.s32 $0xBE00, s3;
	s26 =	sadd.s32 s6, s9;
	[dreg:$0x7] =	wrdreg s24  }
0x7: {  	s10 =	sadd.s32 $0x33600, s3;
	s0 =	sadd.s32 s11, s9;
	[dreg:$0x8] =	wrdreg s26  }
0x8: {  	s13 =	sadd.s32 $0x2000, s3;
	s19 =	sadd.s32 s7, s9;
	[dreg:$0x9] =	wrdreg s0  }
0x9: {  	s25 =	sadd.s32 $0xE, s9;
	s20 =	sadd.s32 s10, s9;
	[dreg:$0xe] =	wrdreg s19  }
0xa: {  	s18 =	sadd.s32 $0x1C, s9;
	s9 =	sadd.s32 s13, s9;
	[dreg:$0xf] =	wrdreg s20  }
0xb: {  	s15 =	sadd.s32 s4, s25;
	[dreg:$0x10] =	wrdreg s9  }
0xc: {  	s16 =	sadd.s32 s6, s25;
	[dreg:$0xa] =	wrdreg s15  }
0xd: {  	s5 =	srdreg.scid;
	s17 =	sadd.s32 s11, s25;
	[dreg:$0xb] =	wrdreg s16  }
0xe: {  	s5 =	sand.u32 $0x1, s5;
	s21 =	sadd.s32 s7, s25;
	[dreg:$0xc] =	wrdreg s17  }
0xf: {  	s8 =	ssub.s32 $0x2, s5;
	s22 =	sadd.s32 s10, s25;
	[dreg:$0x11] =	wrdreg s21  }
0x10: {  	p0 =	seq.s32 s5, $0x1;
	s5 =	sadd.s32 s13, s25;
	[dreg:$0x12] =	wrdreg s22  }
0x11: {  	s23 =	sadd.s32 s6, s18;
	[dreg:$0x13] =	wrdreg s5  }
0x12: {  	s25 =	sadd.s32 s11, s18;
	[dreg:$0x14] =	wrdreg s23  }
0x13: {  	s26 =	sadd.s32 s7, s18;
	[dreg:$0x15] =	wrdreg s25  }
0x14: {  	s12 =	sshrl.u32 s8, $0x1;
	s0 =	sadd.s32 s10, s18;
	[dreg:$0x16] =	wrdreg s26  }
0x15: {  	s8 =	ssub.s32 s8, s12;
	s12 =	sadd.s32 s13, s18;
	[dreg:$0x17] =	wrdreg s0  }
0x16: {  	s24 =	smul.u32 $0x9D8, s14;
	[dreg:$0x18] =	wrdreg s12  }
0x17: {  	s15 =	sadd.s32 s4, s18;
	s16 =	rddreg [dreg:$0x4];
	s18 =	smul.u32 $0x4E000, s14  }
0x18: {  	s21 =	sadd.s32 $0x3D400, s3;
	s3 =	sadd.s32 $0x64600, s3;
	[dreg:$0xd] =	wrdreg s15  }
0x19: {  	s22 =	sadd.s32 s24, s11;
	s15 =	rddreg [dreg:$0x3];
	s23 =	sadd.s32 s24, s6  }
0x1a: {  	s25 =	sadd.s32 s24, s4;
	s26 =	sadd.s32 s24, s13;
	s4 =	sadd.s32 $0x27000, s16  }
0x1b: {  	s29 =	sadd.s32 s24, s10;
	_ =	strace $0x80000047;
	[smem:$0x7F3] =	sst s4  }
0x1c: {  	s30 =	sadd.s32 s24, s7;
	s24 =	smul.u32 $0x2700, s14;
	[dreg:$0x19] =	wrdreg s21  }
0x1d: {  	s20 =	sshrl.u32 s18, $0x2;
	s11 =	sadd.s32 $0x27000, s15;
	[dreg:$0x1a] =	wrdreg s3  }
0x1e: {  	s6 =	sadd.s32 s20, s28;
	[dreg:$0x1e] =	wrdreg s11  }
0x1f: {  	s0 =	sadd.s32 s15, s24;
	[dreg:$0x1c] =	wrdreg s6  }
0x20: {  	s31 =	simm.s32 $0xB;
	s12 =	sadd.s32 s16, s24;
	[dreg:$0x1d] =	wrdreg s0  }
0x21: {  	s17 =	smul.u32 $0x4F000, s14;
	s13 =	sadd.s32 s21, s24;
	[dreg:$0x1f] =	wrdreg s12  }
0x22: {  	p1 =	seq.s32 s14, $0xF;
	s3 =	sadd.s32 s3, s24;
	[smem:$0x7F4] =	sst s13  }
0x23: {  	s19 =	sshrl.u32 s17, $0x2;
	s15 =	smax.u32 s8, $0x1;
	[smem:$0x7F5] =	sst s3  }
0x24: {  	p2 =	sne.s32 s14, $0xF;
	s5 =	sadd.s32 s19, s28;
	[smem:$0x7F6] =	sst s15  }
0x25: {  	s9 =	simm.s32 $0x100;
	s21 =	sadd.s32 $0x136400, s28;
	[dreg:$0x1b] =	wrdreg s5  }
0x26: {  	s10 =	simm.s32 $0x280;
	s24 =	sadd.s32 $0x138000, s28;
	[smem:$0x7FC] =	sst s21  }
0x27: {  	s4 =	simm.s32 $0xA;
	s16 =	sadd.s32 $0x3800, s5;
	[smem:$0x7FD] =	sst s24  }
0x28: {  	s17 =	sadd.s32 $0x7000, s5;
	s18 =	sadd.s32 $0xA800, s5;
	[smem:$0x7F7] =	sst s16  }
.Ltmp0:
0x29: {  	s19 =	sadd.s32 $0xE000, s5;
	[smem:$0x7F8] =	sst s17;
	(pc) =	sbr.rel .LBB2_1-.Ltmp0, $4  }
0x2a: {  	s20 =	sadd.s32 $0x11800, s5;
	s21 =	simm.s32 $0xD;
	[smem:$0x7F9] =	sst s18  }
0x2b: {  	s5 =	simm.s32 $0x70;
	s15 =	simm.s32 $0x3;
	[smem:$0x7FA] =	sst s19  }
0x2c: {  	s24 =	simm.s32 $0xC;
	s0 =	simm.s32 $0x0;
	[smem:$0x7FB] =	sst s20  }
0x2d: {  	v0 =	vimm.f32 $0.0e+00;
	v1 =	vimm.s32 $0x0;
	v2 =	vimm.s32 $0x2710;
	s16 =	simm.s32 $0x6;
	s17 =	simm.s32 $0x9;
	s18 =	simm.s32 $0x7480  }
.LBB2_12:
0x2e: {  	s6 =	sld [smem:$0x7FD];
	_ =	sdelay $0x2  }
0x2f: {  	s3 =	sadd.s32 $0x27000, s3;
	s6 =	sshrl.u32 s6, $0x3  }
0x30: {  	[hbm:s3], [sflag:s7] =	dma.local [spmem:s6], $0x100  }
0x31: {  	_ =	swait.ge [sflag:s21], $0x100  }
0x32: {  	[sflag:s21] =	ssyncset.done $0x0  }
0x33: {  	[sflag:s21] =	ssyncadd.s32 $0xFFFFFF00  }
.LBB2_13:
0x34: {  	s3 =	sld [smem:$0x7F6];
	_ =	sdelay $0x1  }
0x35: {  	s0 =	sadd.s32 $0x1, s0  }
0x36: {  	p3 =	sne.s32 s0, s3  }
.Ltmp1:
0x37: {  	_ = 	snop;
	(pc) =	sbr.rel @!p3 .LBB2_14-.Ltmp1, $1  }
0x38: {  	_ =	sdelay $0x3  }
.LBB2_1:
.Ltmp2:
0x39: {  	s3 =	sld [smem:$0x7FD];
	(pc) =	sbr.rel @!p0 .LBB2_2-.Ltmp2, $3  }
0x3a: {  	_ =	sdelay $0x1  }
0x3b: {  	[smem:$0x7F2] =	sst s0;
	s3 =	sshrl.u32 @!p2 s3, $0x3  }
0x3c: {  	s7 =	sadd.s32 $0x200, s2;
	[smem:$0x7F1] =	sst s3;
	s3 =	sshra.s32 s2, $0x2  }
.LBB2_7:
0x3d: {  	p3 =	sne.s32 s7, $0xDE00;
	[tilespmem:s3+$0x4F0] =	vst v0  }
0x3e: {  	[tilespmem:s3+$0x480] =	vst v0  }
0x3f: {  	[tilespmem:s3+$0x490] =	vst v0  }
.Ltmp3:
0x40: {  	[tilespmem:s3+$0x4A0] =	vst v0;
	(pc) =	sbr.rel @p3 .LBB2_7-.Ltmp3, $4  }
0x41: {  	[tilespmem:s3+$0x4B0] =	vst v0  }
0x42: {  	[tilespmem:s3+$0x4C0] =	vst v0  }
0x43: {  	[tilespmem:s3+$0x4D0] =	vst v0  }
0x44: {  	[tilespmem:s3+$0x4E0] =	vst v0;
	s3 =	sshra.s32 s7, $0x2;
	s7 =	sadd.s32 $0x200, s7  }
0x45: {  	[tilespmem:s3+$0x4F0] =	vst v0  }
0x46: {  	[tilespmem:s3+$0x480] =	vst v0  }
0x47: {  	[tilespmem:s3+$0x490] =	vst v0  }
0x48: {  	[tilespmem:s3+$0x4A0] =	vst v0  }
0x49: {  	[tilespmem:s3+$0x4B0] =	vst v0  }
0x4a: {  	[tilespmem:s3+$0x4C0] =	vst v0  }
0x4b: {  	[tilespmem:s3+$0x4D0] =	vst v0  }
0x4c: {  	[tilespmem:s3+$0x4E0] =	vst v0  }
0x4d: {  	[tilespmem:$0xAC80] =	vst v1  }
0x4e: {  	[tilespmem:$0xAE00] =	vst v2  }
0x4f: {  	[tilespmem:$0xAC90] =	vst v1  }
0x50: {  	[tilespmem:$0xAE10] =	vst v2  }
0x51: {  	[tilespmem:$0xACA0] =	vst v1  }
0x52: {  	[tilespmem:$0xAE20] =	vst v2  }
0x53: {  	[tilespmem:$0xACB0] =	vst v1  }
0x54: {  	[tilespmem:$0xAE30] =	vst v2  }
0x55: {  	[tilespmem:$0xACC0] =	vst v1  }
0x56: {  	[tilespmem:$0xAE40] =	vst v2  }
0x57: {  	[tilespmem:$0xACD0] =	vst v1  }
0x58: {  	[tilespmem:$0xAE50] =	vst v2  }
0x59: {  	[tilespmem:$0xACE0] =	vst v1  }
0x5a: {  	[tilespmem:$0xAE60] =	vst v2  }
0x5b: {  	[tilespmem:$0xACF0] =	vst v1  }
0x5c: {  	[tilespmem:$0xAE70] =	vst v2  }
0x5d: {  	[tilespmem:$0xAD00] =	vst v1  }
0x5e: {  	[tilespmem:$0xAE80] =	vst v2  }
0x5f: {  	[tilespmem:$0xAD10] =	vst v1  }
0x60: {  	[tilespmem:$0xAE90] =	vst v2  }
0x61: {  	[tilespmem:$0xAD20] =	vst v1  }
0x62: {  	[tilespmem:$0xAEA0] =	vst v2  }
0x63: {  	[tilespmem:$0xAD30] =	vst v1  }
0x64: {  	[tilespmem:$0xAEB0] =	vst v2  }
0x65: {  	[tilespmem:$0xAD40] =	vst v1  }
0x66: {  	[tilespmem:$0xAEC0] =	vst v2  }
0x67: {  	[tilespmem:$0xAD50] =	vst v1  }
0x68: {  	[tilespmem:$0xAED0] =	vst v2  }
0x69: {  	[tilespmem:$0xAD60] =	vst v1  }
0x6a: {  	[tilespmem:$0xAEE0] =	vst v2  }
0x6b: {  	[tilespmem:$0xAD70] =	vst v1  }
0x6c: {  	[tilespmem:$0xAEF0] =	vst v2  }
0x6d: {  	[tilespmem:$0xAD80] =	vst v1  }
0x6e: {  	[tilespmem:$0xAF00] =	vst v2  }
0x6f: {  	[tilespmem:$0xAD90] =	vst v1  }
0x70: {  	[tilespmem:$0xAF10] =	vst v2  }
0x71: {  	[tilespmem:$0xADA0] =	vst v1  }
0x72: {  	[tilespmem:$0xAF20] =	vst v2  }
0x73: {  	[tilespmem:$0xADB0] =	vst v1  }
0x74: {  	[tilespmem:$0xAF30] =	vst v2  }
0x75: {  	[tilespmem:$0xADC0] =	vst v1  }
0x76: {  	[tilespmem:$0xAF40] =	vst v2  }
0x77: {  	[tilespmem:$0xADD0] =	vst v1  }
0x78: {  	s20 =	rddreg [dreg:$0x1b];
	s11 =	simm.s32 $0x480;
	[tilespmem:$0xAF50] =	vst v2  }
0x79: {  	[spmem:s20] =	stream.linear.scatter [tilespmem:s11], [sflag:$0xD], $0x3800, $0x38;
	[tilespmem:$0x1EA80] =	vst v63  }
0x7a: {  	_ =	swait.ge [sflag:s21], $0x3800  }
0x7b: {  	s0 =	sld [smem:$0x7F7]  }
0x7c: {  	[sflag:s21] =	ssyncset.done $0x0  }
0x7d: {  	[sflag:s21] =	ssyncadd.s32 $0xFFFFC800  }
0x7e: {  	[spmem:s0] =	stream.linear.scatter [tilespmem:s11], [sflag:$0xD], $0x3800, $0x38;
	[tilespmem:$0x1EA80] =	vst v63  }
0x7f: {  	_ =	swait.ge [sflag:s21], $0x3800  }
0x80: {  	s6 =	sld [smem:$0x7F8]  }
0x81: {  	[sflag:s21] =	ssyncset.done $0x0  }
0x82: {  	[sflag:s21] =	ssyncadd.s32 $0xFFFFC800  }
0x83: {  	[spmem:s6] =	stream.linear.scatter [tilespmem:s11], [sflag:$0xD], $0x3800, $0x38;
	[tilespmem:$0x1EA80] =	vst v63  }
0x84: {  	_ =	swait.ge [sflag:s21], $0x3800  }
0x85: {  	s7 =	sld [smem:$0x7F9]  }
0x86: {  	[sflag:s21] =	ssyncset.done $0x0  }
0x87: {  	[sflag:s21] =	ssyncadd.s32 $0xFFFFC800  }
0x88: {  	[spmem:s7] =	stream.linear.scatter [tilespmem:s11], [sflag:$0xD], $0x3800, $0x38;
	[tilespmem:$0x1EA80] =	vst v63  }
0x89: {  	_ =	swait.ge [sflag:s21], $0x3800  }
0x8a: {  	s6 =	sld [smem:$0x7FC]  }
0x8b: {  	[sflag:s21] =	ssyncset.done $0x0  }
0x8c: {  	s3 =	simm.s32 @p1 $0x480;
	[sflag:s21] =	ssyncadd.s32 $0xFFFFC800  }
0x8d: {  	[spmem:s6] =	stream.linear.scatter @p1 [tilespmem:s3], [sflag:$0xD], $0x2C00, $0x38;
	[tilespmem:$0x1EA80] =	vst v63  }
0x8e: {  	s3 =	simm.s32 @p1 $0xD  }
0x8f: {  	_ =	swait.ge @p1 [sflag:s3], $0x2C00  }
0x90: {  	s6 =	sld [smem:$0x7FA]  }
0x91: {  	[sflag:s3] =	ssyncset.done @p1 $0x0  }
0x92: {  	[sflag:s3] =	ssyncadd.s32 @p1 $0xFFFFD400;
	s3 =	simm.s32 @!p1 $0x480  }
0x93: {  	[spmem:s6] =	stream.linear.scatter @!p1 [tilespmem:s3], [sflag:$0xD], $0x3800, $0x38;
	[tilespmem:$0x1EA80] =	vst v63  }
0x94: {  	s6 =	simm.s32 @!p1 $0xD  }
0x95: {  	_ =	swait.ge @!p1 [sflag:s6], $0x3800  }
0x96: {  	s7 =	sld [smem:$0x7FB]  }
0x97: {  	[sflag:s6] =	ssyncset.done @!p1 $0x0  }
0x98: {  	[sflag:s6] =	ssyncadd.s32 @!p1 $0xFFFFC800  }
0x99: {  	[spmem:s7] =	stream.linear.scatter @!p1 [tilespmem:s3], [sflag:$0xD], $0x2400, $0x38;
	[tilespmem:$0x1EA80] =	vst v63  }
0x9a: {  	_ =	swait.ge @!p1 [sflag:s6], $0x2400  }
0x9b: {  	[sflag:s6] =	ssyncset.done @!p1 $0x0  }
0x9c: {  	[sflag:s6] =	ssyncadd.s32 @!p1 $0xFFFFDC00  }
0x9d: {  	[bflag:$0x0] =	sbarrier.arrive $0xFFFF  }
0x9e: {  	s7 =	simm.s32 $0x0;
	s8 =	rddreg [dreg:$0xe]  }
0x9f: {  	[tilespmem:s7], [sflag:$0x1] =	stream.linear.gather [hbm4b:s8+s7], $0x70, $0x38;
	[tilespmem:$0x1EA80] =	vst v63  }
0xa0: {  	s13 =	simm.s32 $0x180;
	s12 =	rddreg [dreg:$0xf]  }
0xa1: {  	[tilespmem:s13], [sflag:$0x4] =	stream.linear.gather [hbm4b:s12+s7], $0x70, $0x38;
	[tilespmem:$0x1EA80] =	vst v63  }
0xa2: {  	s19 =	simm.s32 $0x300;
	s14 =	rddreg [dreg:$0x10]  }
0xa3: {  	[tilespmem:s19], [sflag:$0x7] =	stream.linear.gather [hbm4b:s14+s7], $0x70, $0x38;
	[tilespmem:$0x1EA80] =	vst v63  }
0xa4: {  	s6 =	simm.s32 $0x80;
	s20 =	rddreg [dreg:$0x11]  }
0xa5: {  	[tilespmem:s6], [sflag:$0x2] =	stream.linear.gather [hbm4b:s20+s7], $0x70, $0x38;
	[tilespmem:$0x1EA80] =	vst v63  }
0xa6: {  	s0 =	rddreg [dreg:$0x12];
	s8 =	simm.s32 $0x200  }
0xa7: {  	[tilespmem:s8], [sflag:$0x5] =	stream.linear.gather [hbm4b:s0+s7], $0x70, $0x38;
	[tilespmem:$0x1EA80] =	vst v63  }
0xa8: {  	s12 =	simm.s32 $0x380;
	s8 =	rddreg [dreg:$0x13]  }
0xa9: {  	[tilespmem:s12], [sflag:$0x8] =	stream.linear.gather [hbm4b:s8+s7], $0x70, $0x38;
	[tilespmem:$0x1EA80] =	vst v63  }
0xaa: {  	s13 =	rddreg [dreg:$0x16]  }
0xab: {  	[tilespmem:s9], [sflag:$0x3] =	stream.linear.gather [hbm4b:s13+s7], $0x70, $0x38;
	[tilespmem:$0x1EA80] =	vst v63  }
0xac: {  	s14 =	rddreg [dreg:$0x17]  }
0xad: {  	[tilespmem:s10], [sflag:$0x6] =	stream.linear.gather [hbm4b:s14+s7], $0x70, $0x38;
	[tilespmem:$0x1EA80] =	vst v63  }
0xae: {  	s19 =	rddreg [dreg:$0x18];
	s20 =	simm.s32 $0x400;
	s0 =	simm.s32 $0x1  }
0xaf: {  	[tilespmem:s20], [sflag:$0x9] =	stream.linear.gather [hbm4b:s19+s7], $0x70, $0x38;
	[tilespmem:$0x1EA80] =	vst v63  }
0xb0: {  	_ =	swait.ge [sflag:s0], $0x70  }
0xb1: {  	[sflag:s0] =	ssyncset.done $0x0  }
0xb2: {  	s8 =	simm.s32 $0x4;
	[sflag:s0] =	ssyncadd.s32 $0xFFFFFF90  }
0xb3: {  	_ =	swait.ge [sflag:s8], $0x70  }
0xb4: {  	[sflag:s8] =	ssyncset.done $0x0  }
0xb5: {  	s12 =	simm.s32 $0x7;
	[sflag:s8] =	ssyncadd.s32 $0xFFFFFF90  }
0xb6: {  	_ =	swait.ge [sflag:s12], $0x70  }
0xb7: {  	[sflag:s12] =	ssyncset.done $0x0  }
0xb8: {  	s13 =	simm.s32 $0x2;
	[sflag:s12] =	ssyncadd.s32 $0xFFFFFF90  }
0xb9: {  	[tilespmem:s11], [sflag:$0xA] =	stream.indirect.gather [hbm4b:s1+s5], $0x80, s7, s5, $0xb8;
	[tilespmem:$0x1EA80] =	vst v63  }
0xba: {  	_ =	swait.ge [sflag:s13], $0x70  }
0xbb: {  	[sflag:s13] =	ssyncset.done $0x0  }
0xbc: {  	s14 =	simm.s32 $0x5;
	[sflag:s13] =	ssyncadd.s32 $0xFFFFFF90  }
0xbd: {  	_ =	swait.ge [sflag:s14], $0x70  }
0xbe: {  	[sflag:s14] =	ssyncset.done $0x0  }
0xbf: {  	s19 =	simm.s32 $0x8;
	[sflag:s14] =	ssyncadd.s32 $0xFFFFFF90  }
0xc0: {  	_ =	swait.ge [sflag:s19], $0x70  }
0xc1: {  	s3 =	simm.s32 $0x0;
	[sflag:s19] =	ssyncset.done $0x0  }
0xc2: {  	s20 =	simm.s32 $0x3C80;
	s0 =	simm.s32 $0x480;
	[sflag:s19] =	ssyncadd.s32 $0xFFFFFF90  }
0xc3: {  	[tilespmem:s20], [sflag:$0xB] =	stream.indirect.gather [hbm4b:s1+s5], $0x80, s6, s5, $0xb8;
	[tilespmem:$0x1EA80] =	vst v63  }
.LBB2_9:
0xc4: {  	_ =	swait.ge [sflag:s15], $0x70  }
0xc5: {  	[sflag:s15] =	ssyncset.done $0x0  }
0xc6: {  	[sflag:s15] =	ssyncadd.s32 $0xFFFFFF90  }
0xc7: {  	_ =	swait.ge [sflag:s16], $0x70  }
0xc8: {  	[sflag:s16] =	ssyncset.done $0x0  }
0xc9: {  	[sflag:s16] =	ssyncadd.s32 $0xFFFFFF90  }
0xca: {  	_ =	swait.ge [sflag:s17], $0x70  }
0xcb: {  	[sflag:s17] =	ssyncset.done $0x0  }
0xcc: {  	[sflag:s17] =	ssyncadd.s32 $0xFFFFFF90  }
0xcd: {  	[tilespmem:s18], [sflag:$0xC] =	stream.indirect.gather [hbm4b:s1+s5], $0x80, s9, s5, $0xb8;
	[tilespmem:$0x1EA80] =	vst v63  }
0xce: {  	_ =	swait.ge [sflag:s4], $0x3800  }
0xcf: {  	[sflag:s4] =	ssyncset.done $0x0  }
0xd0: {  	s6 =	simm.s32 $0x180;
	[sflag:s4] =	ssyncadd.s32 $0xFFFFC800  }
0xd1: {  	[spmem:s28] =	stream.indirect.scatter.add.f32 [tilespmem:s0], [sflag:$0xD], $0x80, s6, s5, $0xb8;
	[tilespmem:$0x1EA80] =	vst v63  }
0xd2: {  	_ =	swait.ge [sflag:s21], $0x3800  }
0xd3: {  	[sflag:s21] =	ssyncset.done $0x0  }
0xd4: {  	[sflag:s21] =	ssyncadd.s32 $0xFFFFC800  }
0xd5: {  	v3 =	vld [tilespmem:$0x300];
	_ =	sdelay $0x4  }
0xd6: {  	(xrf0) =	vadd.scan.msk.s32 $0xffff, v3;
	_ =	sdelay $0x2  }
0xd7: {  	v4 =	vld [tilespmem:$0x0];
	_ =	sdelay $0x2  }
0xd8: {  	v5, _, _ =	vpop (xrf0)  }
0xd9: {  	vm0 =	vgt.s32 v3, $0x0;
	(v2sf) =	vpush v5, $0xF  }
0xda: {  	[tilespmem:s3+$0xAC80] =	vst.msk vm0, v4  }
0xdb: {  	v3 =	vld [tilespmem:$0x180];
	_ =	sdelay $0x4  }
0xdc: {  	[tilespmem:s3+$0xAE00] =	vst.msk vm0, v3  }
0xdd: {  	v3 =	vld [tilespmem:$0x310];
	_ =	sdelay $0x3  }
0xde: {  	v4 =	vld [tilespmem:$0x10]  }
0xdf: {  	(xrf0) =	vadd.scan.msk.s32 $0xffff, v3;
	_ =	sdelay $0x1  }
0xe0: {  	s20 =	spop (v2sf)  }
0xe1: {  	vm8 =	vgt.s32 v3, $0x0;
	s8 =	sadd.s32 s3, s20  }
0xe2: {  	[tilespmem:s8+$0xAC80] =	vst.msk vm8, v4  }
0xe3: {  	v3 =	vld [tilespmem:$0x190]  }
0xe4: {  	v4, _, _ =	vpop (xrf0)  }
0xe5: {  	(v2sf) =	vpush v4, $0xF;
	_ =	sdelay $0x2  }
0xe6: {  	[tilespmem:s8+$0xAE00] =	vst.msk vm8, v3  }
0xe7: {  	v3 =	vld [tilespmem:$0x320];
	_ =	sdelay $0x4  }
0xe8: {  	(xrf0) =	vadd.scan.msk.s32 $0xffff, v3;
	_ =	sdelay $0x2  }
0xe9: {  	v4 =	vld [tilespmem:$0x20];
	_ =	sdelay $0x2  }
0xea: {  	s11 =	spop (v2sf);
	v5, _, _ =	vpop (xrf0)  }
0xeb: {  	vm9 =	vgt.s32 v3, $0x0;
	s3 =	sadd.s32 s8, s11;
	(v2sf) =	vpush v5, $0xF  }
0xec: {  	[tilespmem:s3+$0xAC80] =	vst.msk vm9, v4  }
0xed: {  	v3 =	vld [tilespmem:$0x1A0];
	_ =	sdelay $0x4  }
0xee: {  	[tilespmem:s3+$0xAE00] =	vst.msk vm9, v3  }
0xef: {  	v3 =	vld [tilespmem:$0x330];
	_ =	sdelay $0x3  }
0xf0: {  	v4 =	vld [tilespmem:$0x30]  }
0xf1: {  	(xrf0) =	vadd.scan.msk.s32 $0xffff, v3;
	_ =	sdelay $0x1  }
0xf2: {  	s12 =	spop (v2sf)  }
0xf3: {  	vm10 =	vgt.s32 v3, $0x0;
	s3 =	sadd.s32 s3, s12  }
0xf4: {  	[tilespmem:s3+$0xAC80] =	vst.msk vm10, v4  }
0xf5: {  	v3 =	vld [tilespmem:$0x1B0]  }
0xf6: {  	v4, _, _ =	vpop (xrf0)  }
0xf7: {  	(v2sf) =	vpush v4, $0xF;
	_ =	sdelay $0x2  }
0xf8: {  	[tilespmem:s3+$0xAE00] =	vst.msk vm10, v3  }
0xf9: {  	v3 =	vld [tilespmem:$0x340];
	_ =	sdelay $0x4  }
0xfa: {  	(xrf0) =	vadd.scan.msk.s32 $0xffff, v3;
	_ =	sdelay $0x2  }
0xfb: {  	v4 =	vld [tilespmem:$0x40];
	_ =	sdelay $0x2  }
0xfc: {  	s13 =	spop (v2sf);
	v5, _, _ =	vpop (xrf0)  }
0xfd: {  	vm11 =	vgt.s32 v3, $0x0;
	s3 =	sadd.s32 s3, s13;
	(v2sf) =	vpush v5, $0xF  }
0xfe: {  	[tilespmem:s3+$0xAC80] =	vst.msk vm11, v4  }
0xff: {  	v3 =	vld [tilespmem:$0x1C0];
	_ =	sdelay $0x4  }
0x100: {  	[tilespmem:s3+$0xAE00] =	vst.msk vm11, v3  }
0x101: {  	v3 =	vld [tilespmem:$0x350];
	_ =	sdelay $0x3  }
0x102: {  	v4 =	vld [tilespmem:$0x50]  }
0x103: {  	(xrf0) =	vadd.scan.msk.s32 $0xffff, v3;
	_ =	sdelay $0x1  }
0x104: {  	s14 =	spop (v2sf)  }
0x105: {  	vm12 =	vgt.s32 v3, $0x0;
	s3 =	sadd.s32 s3, s14  }
0x106: {  	[tilespmem:s3+$0xAC80] =	vst.msk vm12, v4  }
0x107: {  	v3 =	vld [tilespmem:$0x1D0]  }
0x108: {  	v4, _, _ =	vpop (xrf0)  }
0x109: {  	(v2sf) =	vpush v4, $0xF;
	_ =	sdelay $0x2  }
0x10a: {  	[tilespmem:s3+$0xAE00] =	vst.msk vm12, v3  }
0x10b: {  	v3 =	vld [tilespmem:$0x360];
	_ =	sdelay $0x4  }
0x10c: {  	(xrf0) =	vadd.scan.msk.s32 $0xffff, v3;
	_ =	sdelay $0x2  }
0x10d: {  	v4 =	vld [tilespmem:$0x60];
	_ =	sdelay $0x2  }
0x10e: {  	s19 =	spop (v2sf);
	v5, _, _ =	vpop (xrf0)  }
0x10f: {  	vm13 =	vgt.s32 v3, $0x0;
	s6 =	sadd.s32 s3, s19;
	(v2sf) =	vpush v5, $0xF  }
0x110: {  	[tilespmem:s6+$0xAC80] =	vst.msk vm13, v4  }
0x111: {  	v3 =	vld [tilespmem:$0x1E0];
	_ =	sdelay $0x2  }
0x112: {  	p3 =	seq.s32 s7, $0x9AE  }
0x113: {  	s13 =	sadd.s32 @!p3 s7, s30  }
0x114: {  	s12 =	simm.s32 @!p3 $0x0;
	s3 =	sadd.s32 @!p3 $0x2A, s13;
	[tilespmem:s6+$0xAE00] =	vst.msk vm13, v3  }
0x115: {  	[tilespmem:s12], [sflag:$0x1] =	stream.linear.gather @!p3 [hbm4b:s3+s12], $0x70, $0x38;
	[tilespmem:$0x1EA80] =	vst v63  }
0x116: {  	s3 =	sadd.s32 @!p3 s7, s29  }
0x117: {  	s11 =	simm.s32 @!p3 $0x180;
	s8 =	sadd.s32 @!p3 $0x2A, s3  }
0x118: {  	[tilespmem:s11], [sflag:$0x4] =	stream.linear.gather @!p3 [hbm4b:s8+s12], $0x70, $0x38;
	[tilespmem:$0x1EA80] =	vst v63  }
0x119: {  	s11 =	sadd.s32 @!p3 s7, s26  }
0x11a: {  	s14 =	simm.s32 @!p3 $0x300;
	s8 =	sadd.s32 @!p3 $0x2A, s11  }
0x11b: {  	[tilespmem:s14], [sflag:$0x7] =	stream.linear.gather @!p3 [hbm4b:s8+s12], $0x70, $0x38;
	[tilespmem:$0x1EA80] =	vst v63  }
0x11c: {  	s14 =	simm.s32 @!p3 $0x1;
	s8 =	spop (v2sf)  }
0x11d: {  	_ =	swait.ge @!p3 [sflag:s14], $0x70  }
0x11e: {  	[sflag:s14] =	ssyncset.done @!p3 $0x0  }
0x11f: {  	[sflag:s14] =	ssyncadd.s32 @!p3 $0xFFFFFF90;
	s14 =	simm.s32 @!p3 $0x4  }
0x120: {  	_ =	swait.ge @!p3 [sflag:s14], $0x70  }
0x121: {  	[sflag:s14] =	ssyncset.done @!p3 $0x0  }
0x122: {  	[sflag:s14] =	ssyncadd.s32 @!p3 $0xFFFFFF90;
	s14 =	simm.s32 @!p3 $0x7  }
0x123: {  	_ =	swait.ge @!p3 [sflag:s14], $0x70  }
0x124: {  	[sflag:s14] =	ssyncset.done @!p3 $0x0  }
0x125: {  	s19 =	simm.s32 @!p3 $0x70;
	[sflag:s14] =	ssyncadd.s32 @!p3 $0xFFFFFF90;
	s14 =	simm.s32 @!p3 $0x480  }
0x126: {  	[tilespmem:s14], [sflag:$0xA] =	stream.indirect.gather @!p3 [hbm4b:s1+s19], $0x80, s12, s19, $0xb8;
	[tilespmem:$0x1EA80] =	vst v63  }
0x127: {  	_ =	swait.ge [sflag:s31], $0x3800  }
0x128: {  	[sflag:s31] =	ssyncset.done $0x0  }
0x129: {  	s20 =	simm.s32 $0x3C80;
	s14 =	simm.s32 $0x200;
	[sflag:s31] =	ssyncadd.s32 $0xFFFFC800  }
0x12a: {  	[spmem:s28] =	stream.indirect.scatter.add.f32 [tilespmem:s20], [sflag:$0xD], $0x80, s14, s5, $0xb8;
	[tilespmem:$0x1EA80] =	vst v63  }
0x12b: {  	_ =	swait.ge [sflag:s21], $0x3800  }
0x12c: {  	[sflag:s21] =	ssyncset.done $0x0  }
0x12d: {  	[sflag:s21] =	ssyncadd.s32 $0xFFFFC800  }
0x12e: {  	v3 =	vld [tilespmem:$0x380];
	_ =	sdelay $0x4  }
0x12f: {  	(xrf0) =	vadd.scan.msk.s32 $0xffff, v3;
	_ =	sdelay $0x4  }
0x130: {  	v4 =	vld [tilespmem:$0x80]  }
0x131: {  	v5, _, _ =	vpop (xrf0)  }
0x132: {  	(v2sf) =	vpush v5, $0xF;
	_ =	sdelay $0x1  }
0x133: {  	s6 =	sadd.s32 s6, s8;
	vm14 =	vgt.s32 v3, $0x0  }
0x134: {  	[tilespmem:s6+$0xAC80] =	vst.msk vm14, v4  }
0x135: {  	v3 =	vld [tilespmem:$0x200];
	_ =	sdelay $0x4  }
0x136: {  	[tilespmem:s6+$0xAE00] =	vst.msk vm14, v3  }
0x137: {  	v3 =	vld [tilespmem:$0x390];
	_ =	sdelay $0x1  }
0x138: {  	v4 =	vld [tilespmem:$0x90];
	_ =	sdelay $0x2  }
0x139: {  	(xrf0) =	vadd.scan.msk.s32 $0xffff, v3;
	s20 =	spop (v2sf)  }
0x13a: {  	vm15 =	vgt.s32 v3, $0x0;
	s6 =	sadd.s32 s6, s20  }
0x13b: {  	[tilespmem:s6+$0xAC80] =	vst.msk vm15, v4  }
0x13c: {  	v3 =	vld [tilespmem:$0x210];
	_ =	sdelay $0x2  }
0x13d: {  	v4, _, _ =	vpop (xrf0)  }
0x13e: {  	(v2sf) =	vpush v4, $0xF  }
0x13f: {  	[tilespmem:s6+$0xAE00] =	vst.msk vm15, v3  }
0x140: {  	v3 =	vld [tilespmem:$0x3A0];
	_ =	sdelay $0x4  }
0x141: {  	(xrf0) =	vadd.scan.msk.s32 $0xffff, v3;
	_ =	sdelay $0x4  }
0x142: {  	v4 =	vld [tilespmem:$0xA0]  }
0x143: {  	v5, _, _ =	vpop (xrf0)  }
0x144: {  	(v2sf) =	vpush v5, $0xF  }
0x145: {  	s14 =	spop (v2sf)  }
0x146: {  	vm4 =	vgt.s32 v3, $0x0;
	s6 =	sadd.s32 s6, s14  }
0x147: {  	[tilespmem:s6+$0xAC80] =	vst.msk vm4, v4  }
0x148: {  	v3 =	vld [tilespmem:$0x220];
	_ =	sdelay $0x4  }
0x149: {  	[tilespmem:s6+$0xAE00] =	vst.msk vm4, v3  }
0x14a: {  	v3 =	vld [tilespmem:$0x3B0];
	_ =	sdelay $0x1  }
0x14b: {  	v4 =	vld [tilespmem:$0xB0];
	_ =	sdelay $0x2  }
0x14c: {  	(xrf0) =	vadd.scan.msk.s32 $0xffff, v3;
	s20 =	spop (v2sf)  }
0x14d: {  	vm5 =	vgt.s32 v3, $0x0;
	s6 =	sadd.s32 s6, s20  }
0x14e: {  	[tilespmem:s6+$0xAC80] =	vst.msk vm5, v4  }
0x14f: {  	v3 =	vld [tilespmem:$0x230];
	_ =	sdelay $0x2  }
0x150: {  	v4, _, _ =	vpop (xrf0)  }
0x151: {  	(v2sf) =	vpush v4, $0xF  }
0x152: {  	[tilespmem:s6+$0xAE00] =	vst.msk vm5, v3  }
0x153: {  	v3 =	vld [tilespmem:$0x3C0];
	_ =	sdelay $0x4  }
0x154: {  	(xrf0) =	vadd.scan.msk.s32 $0xffff, v3;
	_ =	sdelay $0x4  }
0x155: {  	v4 =	vld [tilespmem:$0xC0]  }
0x156: {  	v5, _, _ =	vpop (xrf0)  }
0x157: {  	(v2sf) =	vpush v5, $0xF  }
0x158: {  	s14 =	spop (v2sf)  }
0x159: {  	vm6 =	vgt.s32 v3, $0x0;
	s6 =	sadd.s32 s6, s14  }
0x15a: {  	[tilespmem:s6+$0xAC80] =	vst.msk vm6, v4  }
0x15b: {  	v3 =	vld [tilespmem:$0x240];
	_ =	sdelay $0x4  }
0x15c: {  	[tilespmem:s6+$0xAE00] =	vst.msk vm6, v3  }
0x15d: {  	v3 =	vld [tilespmem:$0x3D0];
	_ =	sdelay $0x1  }
0x15e: {  	v4 =	vld [tilespmem:$0xD0];
	_ =	sdelay $0x2  }
0x15f: {  	(xrf0) =	vadd.scan.msk.s32 $0xffff, v3;
	s20 =	spop (v2sf)  }
0x160: {  	vm7 =	vgt.s32 v3, $0x0;
	s6 =	sadd.s32 s6, s20  }
0x161: {  	[tilespmem:s6+$0xAC80] =	vst.msk vm7, v4  }
0x162: {  	v3 =	vld [tilespmem:$0x250];
	_ =	sdelay $0x2  }
0x163: {  	v4, _, _ =	vpop (xrf0)  }
0x164: {  	(v2sf) =	vpush v4, $0xF  }
0x165: {  	[tilespmem:s6+$0xAE00] =	vst.msk vm7, v3  }
0x166: {  	v3 =	vld [tilespmem:$0x3E0];
	_ =	sdelay $0x4  }
0x167: {  	(xrf0) =	vadd.scan.msk.s32 $0xffff, v3;
	_ =	sdelay $0x4  }
0x168: {  	v4 =	vld [tilespmem:$0xE0]  }
0x169: {  	v5, _, _ =	vpop (xrf0)  }
0x16a: {  	(v2sf) =	vpush v5, $0xF  }
0x16b: {  	s14 =	spop (v2sf)  }
0x16c: {  	vm8 =	vgt.s32 v3, $0x0;
	s6 =	sadd.s32 s6, s14  }
0x16d: {  	[tilespmem:s6+$0xAC80] =	vst.msk vm8, v4  }
0x16e: {  	v3 =	vld [tilespmem:$0x260];
	_ =	sdelay $0x4  }
0x16f: {  	s8 =	sadd.s32 @!p3 $0x38, s13;
	s13 =	simm.s32 @!p3 $0x80;
	[tilespmem:s6+$0xAE00] =	vst.msk vm8, v3  }
0x170: {  	[tilespmem:s13], [sflag:$0x2] =	stream.linear.gather @!p3 [hbm4b:s8+s12], $0x70, $0x38;
	[tilespmem:$0x1EA80] =	vst v63  }
0x171: {  	s3 =	sadd.s32 @!p3 $0x38, s3;
	s8 =	simm.s32 @!p3 $0x200  }
0x172: {  	[tilespmem:s8], [sflag:$0x5] =	stream.linear.gather @!p3 [hbm4b:s3+s12], $0x70, $0x38;
	[tilespmem:$0x1EA80] =	vst v63  }
0x173: {  	s3 =	sadd.s32 @!p3 $0x38, s11;
	s8 =	simm.s32 @!p3 $0x380  }
0x174: {  	[tilespmem:s8], [sflag:$0x8] =	stream.linear.gather @!p3 [hbm4b:s3+s12], $0x70, $0x38;
	[tilespmem:$0x1EA80] =	vst v63  }
0x175: {  	s8 =	simm.s32 @!p3 $0x2;
	s20 =	spop (v2sf)  }
0x176: {  	_ =	swait.ge @!p3 [sflag:s8], $0x70  }
0x177: {  	[sflag:s8] =	ssyncset.done @!p3 $0x0  }
0x178: {  	[sflag:s8] =	ssyncadd.s32 @!p3 $0xFFFFFF90;
	s8 =	simm.s32 @!p3 $0x5  }
0x179: {  	_ =	swait.ge @!p3 [sflag:s8], $0x70  }
0x17a: {  	[sflag:s8] =	ssyncset.done @!p3 $0x0  }
0x17b: {  	[sflag:s8] =	ssyncadd.s32 @!p3 $0xFFFFFF90;
	s8 =	simm.s32 @!p3 $0x8  }
0x17c: {  	_ =	swait.ge @!p3 [sflag:s8], $0x70  }
0x17d: {  	[sflag:s8] =	ssyncset.done @!p3 $0x0  }
0x17e: {  	[sflag:s8] =	ssyncadd.s32 @!p3 $0xFFFFFF90;
	s8 =	simm.s32 @!p3 $0x3C80  }
0x17f: {  	[tilespmem:s8], [sflag:$0xB] =	stream.indirect.gather @!p3 [hbm4b:s1+s19], $0x80, s13, s19, $0xb8;
	[tilespmem:$0x1EA80] =	vst v63  }
0x180: {  	_ =	swait.ge [sflag:s24], $0x3800  }
0x181: {  	[sflag:s24] =	ssyncset.done $0x0  }
0x182: {  	[sflag:s24] =	ssyncadd.s32 $0xFFFFC800  }
0x183: {  	[spmem:s28] =	stream.indirect.scatter.add.f32 [tilespmem:s18], [sflag:$0xD], $0x80, s10, s5, $0xb8;
	[tilespmem:$0x1EA80] =	vst v63  }
0x184: {  	_ =	swait.ge [sflag:s21], $0x3800  }
0x185: {  	[sflag:s21] =	ssyncset.done $0x0  }
0x186: {  	[sflag:s21] =	ssyncadd.s32 $0xFFFFC800  }
0x187: {  	v3 =	vld [tilespmem:$0x400]  }
0x188: {  	v4 =	vld [tilespmem:$0x100];
	_ =	sdelay $0x3  }
0x189: {  	s3 =	sadd.s32 s6, s20;
	vm9 =	vgt.s32 v3, $0x0;
	(xrf0) =	vadd.scan.msk.s32 $0xffff, v3  }
0x18a: {  	[tilespmem:s3+$0xAC80] =	vst.msk vm9, v4  }
0x18b: {  	v3 =	vld [tilespmem:$0x280];
	_ =	sdelay $0x3  }
0x18c: {  	v4, _, _ =	vpop (xrf0)  }
0x18d: {  	[tilespmem:s3+$0xAE00] =	vst.msk vm9, v3;
	(v2sf) =	vpush v4, $0xF  }
0x18e: {  	v3 =	vld [tilespmem:$0x410];
	_ =	sdelay $0x4  }
0x18f: {  	(xrf0) =	vadd.scan.msk.s32 $0xffff, v3;
	_ =	sdelay $0x5  }
0x190: {  	v4 =	vld [tilespmem:$0x110];
	v5, _, _ =	vpop (xrf0)  }
0x191: {  	(v2sf) =	vpush v5, $0xF;
	_ =	sdelay $0x1  }
0x192: {  	s11 =	spop (v2sf)  }
0x193: {  	vm10 =	vgt.s32 v3, $0x0;
	s3 =	sadd.s32 s3, s11  }
0x194: {  	[tilespmem:s3+$0xAC80] =	vst.msk vm10, v4  }
0x195: {  	v3 =	vld [tilespmem:$0x290];
	_ =	sdelay $0x4  }
0x196: {  	[tilespmem:s3+$0xAE00] =	vst.msk vm10, v3  }
0x197: {  	v3 =	vld [tilespmem:$0x420]  }
0x198: {  	v4 =	vld [tilespmem:$0x120];
	_ =	sdelay $0x2  }
0x199: {  	s12 =	spop (v2sf)  }
0x19a: {  	s3 =	sadd.s32 s3, s12;
	vm11 =	vgt.s32 v3, $0x0;
	(xrf0) =	vadd.scan.msk.s32 $0xffff, v3  }
0x19b: {  	[tilespmem:s3+$0xAC80] =	vst.msk vm11, v4  }
0x19c: {  	v3 =	vld [tilespmem:$0x2A0];
	_ =	sdelay $0x3  }
0x19d: {  	v4, _, _ =	vpop (xrf0)  }
0x19e: {  	[tilespmem:s3+$0xAE00] =	vst.msk vm11, v3;
	(v2sf) =	vpush v4, $0xF  }
0x19f: {  	v3 =	vld [tilespmem:$0x430];
	_ =	sdelay $0x4  }
0x1a0: {  	(xrf0) =	vadd.scan.msk.s32 $0xffff, v3;
	_ =	sdelay $0x5  }
0x1a1: {  	v4 =	vld [tilespmem:$0x130];
	v5, _, _ =	vpop (xrf0)  }
0x1a2: {  	(v2sf) =	vpush v5, $0xF;
	_ =	sdelay $0x1  }
0x1a3: {  	s13 =	spop (v2sf)  }
0x1a4: {  	vm12 =	vgt.s32 v3, $0x0;
	s3 =	sadd.s32 s3, s13  }
0x1a5: {  	[tilespmem:s3+$0xAC80] =	vst.msk vm12, v4  }
0x1a6: {  	v3 =	vld [tilespmem:$0x2B0];
	_ =	sdelay $0x4  }
0x1a7: {  	[tilespmem:s3+$0xAE00] =	vst.msk vm12, v3  }
0x1a8: {  	v3 =	vld [tilespmem:$0x440]  }
0x1a9: {  	v4 =	vld [tilespmem:$0x140];
	_ =	sdelay $0x2  }
0x1aa: {  	s14 =	spop (v2sf)  }
0x1ab: {  	s3 =	sadd.s32 s3, s14;
	vm13 =	vgt.s32 v3, $0x0;
	(xrf0) =	vadd.scan.msk.s32 $0xffff, v3  }
0x1ac: {  	[tilespmem:s3+$0xAC80] =	vst.msk vm13, v4  }
0x1ad: {  	v3 =	vld [tilespmem:$0x2C0];
	_ =	sdelay $0x3  }
0x1ae: {  	v4, _, _ =	vpop (xrf0)  }
0x1af: {  	[tilespmem:s3+$0xAE00] =	vst.msk vm13, v3;
	(v2sf) =	vpush v4, $0xF  }
0x1b0: {  	v3 =	vld [tilespmem:$0x450];
	_ =	sdelay $0x4  }
0x1b1: {  	(xrf0) =	vadd.scan.msk.s32 $0xffff, v3;
	_ =	sdelay $0x5  }
0x1b2: {  	v4 =	vld [tilespmem:$0x150];
	v5, _, _ =	vpop (xrf0)  }
0x1b3: {  	(v2sf) =	vpush v5, $0xF;
	_ =	sdelay $0x1  }
0x1b4: {  	s19 =	spop (v2sf)  }
0x1b5: {  	vm14 =	vgt.s32 v3, $0x0;
	s3 =	sadd.s32 s3, s19  }
0x1b6: {  	[tilespmem:s3+$0xAC80] =	vst.msk vm14, v4  }
0x1b7: {  	v3 =	vld [tilespmem:$0x2D0];
	_ =	sdelay $0x4  }
0x1b8: {  	[tilespmem:s3+$0xAE00] =	vst.msk vm14, v3  }
0x1b9: {  	v3 =	vld [tilespmem:$0x460]  }
0x1ba: {  	v4 =	vld [tilespmem:$0x160];
	_ =	sdelay $0x2  }
0x1bb: {  	s20 =	spop (v2sf)  }
0x1bc: {  	s3 =	sadd.s32 s3, s20;
	vm15 =	vgt.s32 v3, $0x0  }
0x1bd: {  	[tilespmem:s3+$0xAC80] =	vst.msk vm15, v4  }
0x1be: {  	v4 =	vld [tilespmem:$0x2E0]  }
.Ltmp4:
0x1bf: {  	_ = 	snop;
	(pc) =	sbr.rel @p3 .LBB2_11-.Ltmp4, $2  }
0x1c0: {  	_ =	sdelay $0x2  }
0x1c1: {  	[tilespmem:s3+$0xAE00] =	vst.msk vm15, v4  }
0x1c2: {  	(xrf0) =	vadd.scan.msk.s32 $0xffff, v3;
	_ =	sdelay $0x5  }
0x1c3: {  	v3, _, _ =	vpop (xrf0)  }
0x1c4: {  	(v2sf) =	vpush v3, $0xF;
	_ =	sdelay $0x6  }
0x1c5: {  	s6 =	sadd.s32 s7, s30  }
0x1c6: {  	s14 =	sadd.s32 s7, s29;
	s6 =	sadd.s32 $0x46, s6  }
0x1c7: {  	[tilespmem:s9], [sflag:$0x3] =	stream.linear.gather [hbm4b:s6+s2], $0x70, $0x38;
	[tilespmem:$0x1EA80] =	vst v63  }
0x1c8: {  	s6 =	sadd.s32 $0x46, s14  }
0x1c9: {  	[tilespmem:s10], [sflag:$0x6] =	stream.linear.gather [hbm4b:s6+s2], $0x70, $0x38;
	[tilespmem:$0x1EA80] =	vst v63  }
.Ltmp5:
0x1ca: {  	s19 =	sadd.s32 s7, s26;
	(pc) =	sbr.rel .LBB2_9-.Ltmp5, $4  }
0x1cb: {  	s8 =	simm.s32 $0x400;
	s6 =	sadd.s32 $0x46, s19  }
0x1cc: {  	[tilespmem:s8], [sflag:$0x9] =	stream.linear.gather [hbm4b:s6+s2], $0x70, $0x38;
	[tilespmem:$0x1EA80] =	vst v63  }
0x1cd: {  	s20 =	spop (v2sf)  }
0x1ce: {  	s7 =	sadd.s32 $0x2A, s7;
	s3 =	sadd.s32 s3, s20  }
.LBB2_2:
0x1cf: {  	p3 =	sne.s32 s7, $0xDE00;
	[tilespmem:s3+$0x4F0] =	vst v0  }
0x1d0: {  	[tilespmem:s3+$0x480] =	vst v0  }
0x1d1: {  	[tilespmem:s3+$0x490] =	vst v0  }
.Ltmp6:
0x1d2: {  	[tilespmem:s3+$0x4A0] =	vst v0;
	(pc) =	sbr.rel @p3 .LBB2_2-.Ltmp6, $4  }
0x1d3: {  	[tilespmem:s3+$0x4B0] =	vst v0  }
0x1d4: {  	[tilespmem:s3+$0x4C0] =	vst v0  }
0x1d5: {  	[tilespmem:s3+$0x4D0] =	vst v0  }
0x1d6: {  	[tilespmem:s3+$0x4E0] =	vst v0;
	s3 =	sshra.s32 s7, $0x2;
	s7 =	sadd.s32 $0x200, s7  }
0x1d7: {  	[tilespmem:s3+$0x4F0] =	vst v0  }
0x1d8: {  	[tilespmem:s3+$0x480] =	vst v0  }
0x1d9: {  	[tilespmem:s3+$0x490] =	vst v0  }
0x1da: {  	[tilespmem:s3+$0x4A0] =	vst v0  }
0x1db: {  	[tilespmem:s3+$0x4B0] =	vst v0  }
0x1dc: {  	[tilespmem:s3+$0x4C0] =	vst v0  }
0x1dd: {  	[tilespmem:s3+$0x4D0] =	vst v0  }
0x1de: {  	[tilespmem:s3+$0x4E0] =	vst v0  }
0x1df: {  	[tilespmem:$0xAC80] =	vst v1  }
0x1e0: {  	[tilespmem:$0xAE00] =	vst v2  }
0x1e1: {  	[tilespmem:$0xAC90] =	vst v1  }
0x1e2: {  	[tilespmem:$0xAE10] =	vst v2  }
0x1e3: {  	[tilespmem:$0xACA0] =	vst v1  }
0x1e4: {  	[tilespmem:$0xAE20] =	vst v2  }
0x1e5: {  	[tilespmem:$0xACB0] =	vst v1  }
0x1e6: {  	[tilespmem:$0xAE30] =	vst v2  }
0x1e7: {  	[tilespmem:$0xACC0] =	vst v1  }
0x1e8: {  	[tilespmem:$0xAE40] =	vst v2  }
0x1e9: {  	[tilespmem:$0xACD0] =	vst v1  }
0x1ea: {  	[tilespmem:$0xAE50] =	vst v2  }
0x1eb: {  	[tilespmem:$0xACE0] =	vst v1  }
0x1ec: {  	[tilespmem:$0xAE60] =	vst v2  }
0x1ed: {  	[tilespmem:$0xACF0] =	vst v1  }
0x1ee: {  	[tilespmem:$0xAE70] =	vst v2  }
0x1ef: {  	[tilespmem:$0xAD00] =	vst v1  }
0x1f0: {  	[tilespmem:$0xAE80] =	vst v2  }
0x1f1: {  	[tilespmem:$0xAD10] =	vst v1  }
0x1f2: {  	[tilespmem:$0xAE90] =	vst v2  }
0x1f3: {  	[tilespmem:$0xAD20] =	vst v1  }
0x1f4: {  	[tilespmem:$0xAEA0] =	vst v2  }
0x1f5: {  	[tilespmem:$0xAD30] =	vst v1  }
0x1f6: {  	[tilespmem:$0xAEB0] =	vst v2  }
0x1f7: {  	[tilespmem:$0xAD40] =	vst v1  }
0x1f8: {  	[tilespmem:$0xAEC0] =	vst v2  }
0x1f9: {  	[tilespmem:$0xAD50] =	vst v1  }
0x1fa: {  	[tilespmem:$0xAED0] =	vst v2  }
0x1fb: {  	[tilespmem:$0xAD60] =	vst v1  }
0x1fc: {  	[tilespmem:$0xAEE0] =	vst v2  }
0x1fd: {  	[tilespmem:$0xAD70] =	vst v1  }
0x1fe: {  	[tilespmem:$0xAEF0] =	vst v2  }
0x1ff: {  	[tilespmem:$0xAD80] =	vst v1  }
0x200: {  	[tilespmem:$0xAF00] =	vst v2  }
0x201: {  	[tilespmem:$0xAD90] =	vst v1  }
0x202: {  	[tilespmem:$0xAF10] =	vst v2  }
0x203: {  	[tilespmem:$0xADA0] =	vst v1  }
0x204: {  	[tilespmem:$0xAF20] =	vst v2  }
0x205: {  	[tilespmem:$0xADB0] =	vst v1  }
0x206: {  	[tilespmem:$0xAF30] =	vst v2  }
0x207: {  	[tilespmem:$0xADC0] =	vst v1  }
0x208: {  	[tilespmem:$0xAF40] =	vst v2  }
0x209: {  	[tilespmem:$0xADD0] =	vst v1  }
0x20a: {  	s1 =	rddreg [dreg:$0x1b];
	s11 =	simm.s32 $0x480;
	[tilespmem:$0xAF50] =	vst v2  }
0x20b: {  	[spmem:s1] =	stream.linear.scatter [tilespmem:s11], [sflag:$0xD], $0x3800, $0x38;
	[tilespmem:$0x1EA80] =	vst v63  }
0x20c: {  	_ =	swait.ge [sflag:s21], $0x3800  }
0x20d: {  	s6 =	sld [smem:$0x7F7]  }
0x20e: {  	[sflag:s21] =	ssyncset.done $0x0  }
0x20f: {  	[sflag:s21] =	ssyncadd.s32 $0xFFFFC800  }
0x210: {  	[spmem:s6] =	stream.linear.scatter [tilespmem:s11], [sflag:$0xD], $0x3800, $0x38;
	[tilespmem:$0x1EA80] =	vst v63  }
0x211: {  	_ =	swait.ge [sflag:s21], $0x3800  }
0x212: {  	s7 =	sld [smem:$0x7F8]  }
0x213: {  	[sflag:s21] =	ssyncset.done $0x0  }
0x214: {  	[sflag:s21] =	ssyncadd.s32 $0xFFFFC800  }
0x215: {  	[spmem:s7] =	stream.linear.scatter [tilespmem:s11], [sflag:$0xD], $0x3800, $0x38;
	[tilespmem:$0x1EA80] =	vst v63  }
0x216: {  	_ =	swait.ge [sflag:s21], $0x3800  }
0x217: {  	s8 =	sld [smem:$0x7F9]  }
0x218: {  	[sflag:s21] =	ssyncset.done $0x0  }
0x219: {  	[sflag:s21] =	ssyncadd.s32 $0xFFFFC800  }
0x21a: {  	[spmem:s8] =	stream.linear.scatter [tilespmem:s11], [sflag:$0xD], $0x3800, $0x38;
	[tilespmem:$0x1EA80] =	vst v63  }
0x21b: {  	_ =	swait.ge [sflag:s21], $0x3800  }
0x21c: {  	s6 =	sld [smem:$0x7FC]  }
0x21d: {  	[sflag:s21] =	ssyncset.done $0x0  }
0x21e: {  	s3 =	simm.s32 @p1 $0x480;
	[sflag:s21] =	ssyncadd.s32 $0xFFFFC800  }
0x21f: {  	[spmem:s6] =	stream.linear.scatter @p1 [tilespmem:s3], [sflag:$0xD], $0x2C00, $0x38;
	[tilespmem:$0x1EA80] =	vst v63  }
0x220: {  	s3 =	simm.s32 @p1 $0xD  }
0x221: {  	_ =	swait.ge @p1 [sflag:s3], $0x2C00  }
0x222: {  	s6 =	sld [smem:$0x7FA]  }
0x223: {  	[sflag:s3] =	ssyncset.done @p1 $0x0  }
0x224: {  	s7 =	simm.s32 @!p1 $0xD;
	[sflag:s3] =	ssyncadd.s32 @p1 $0xFFFFD400;
	s3 =	simm.s32 @!p1 $0x480  }
0x225: {  	[spmem:s6] =	stream.linear.scatter @!p1 [tilespmem:s3], [sflag:$0xD], $0x3800, $0x38;
	[tilespmem:$0x1EA80] =	vst v63  }
0x226: {  	_ =	swait.ge @!p1 [sflag:s7], $0x3800  }
0x227: {  	s6 =	sld [smem:$0x7FB]  }
0x228: {  	[sflag:s7] =	ssyncset.done @!p1 $0x0  }
0x229: {  	[sflag:s7] =	ssyncadd.s32 @!p1 $0xFFFFC800  }
0x22a: {  	[spmem:s6] =	stream.linear.scatter @!p1 [tilespmem:s3], [sflag:$0xD], $0x2400, $0x38;
	[tilespmem:$0x1EA80] =	vst v63  }
0x22b: {  	_ =	swait.ge @!p1 [sflag:s7], $0x2400  }
0x22c: {  	[sflag:s7] =	ssyncset.done @!p1 $0x0  }
0x22d: {  	[sflag:s7] =	ssyncadd.s32 @!p1 $0xFFFFDC00  }
0x22e: {  	[bflag:$0x0] =	sbarrier.arrive $0xFFFF  }
0x22f: {  	s7 =	simm.s32 $0x0;
	s12 =	rddreg [dreg:$0x7]  }
0x230: {  	[tilespmem:s7], [sflag:$0x1] =	stream.linear.gather [hbm4b:s12+s7], $0x70, $0x38;
	[tilespmem:$0x1EA80] =	vst v63  }
0x231: {  	s14 =	simm.s32 $0x180;
	s13 =	rddreg [dreg:$0x8]  }
0x232: {  	[tilespmem:s14], [sflag:$0x4] =	stream.linear.gather [hbm4b:s13+s7], $0x70, $0x38;
	[tilespmem:$0x1EA80] =	vst v63  }
0x233: {  	s20 =	simm.s32 $0x300;
	s19 =	rddreg [dreg:$0x9]  }
0x234: {  	[tilespmem:s20], [sflag:$0x7] =	stream.linear.gather [hbm4b:s19+s7], $0x70, $0x38;
	[tilespmem:$0x1EA80] =	vst v63  }
0x235: {  	s6 =	simm.s32 $0x80;
	s0 =	rddreg [dreg:$0xa]  }
0x236: {  	[tilespmem:s6], [sflag:$0x2] =	stream.linear.gather [hbm4b:s0+s7], $0x70, $0x38;
	[tilespmem:$0x1EA80] =	vst v63  }
0x237: {  	s8 =	simm.s32 $0x200;
	s1 =	rddreg [dreg:$0xb]  }
0x238: {  	[tilespmem:s8], [sflag:$0x5] =	stream.linear.gather [hbm4b:s1+s7], $0x70, $0x38;
	[tilespmem:$0x1EA80] =	vst v63  }
0x239: {  	s12 =	rddreg [dreg:$0xc];
	s13 =	simm.s32 $0x380  }
0x23a: {  	[tilespmem:s13], [sflag:$0x8] =	stream.linear.gather [hbm4b:s12+s7], $0x70, $0x38;
	[tilespmem:$0x1EA80] =	vst v63  }
0x23b: {  	s14 =	rddreg [dreg:$0xd]  }
0x23c: {  	[tilespmem:s9], [sflag:$0x3] =	stream.linear.gather [hbm4b:s14+s7], $0x70, $0x38;
	[tilespmem:$0x1EA80] =	vst v63  }
0x23d: {  	s19 =	rddreg [dreg:$0x14]  }
0x23e: {  	[tilespmem:s10], [sflag:$0x6] =	stream.linear.gather [hbm4b:s19+s7], $0x70, $0x38;
	[tilespmem:$0x1EA80] =	vst v63  }
0x23f: {  	s20 =	rddreg [dreg:$0x15];
	s0 =	simm.s32 $0x400;
	s1 =	simm.s32 $0x1  }
0x240: {  	[tilespmem:s0], [sflag:$0x9] =	stream.linear.gather [hbm4b:s20+s7], $0x70, $0x38;
	[tilespmem:$0x1EA80] =	vst v63  }
0x241: {  	_ =	swait.ge [sflag:s1], $0x70  }
0x242: {  	[sflag:s1] =	ssyncset.done $0x0  }
0x243: {  	s8 =	simm.s32 $0x4;
	[sflag:s1] =	ssyncadd.s32 $0xFFFFFF90  }
0x244: {  	_ =	swait.ge [sflag:s8], $0x70  }
0x245: {  	[sflag:s8] =	ssyncset.done $0x0  }
0x246: {  	s12 =	simm.s32 $0x7;
	[sflag:s8] =	ssyncadd.s32 $0xFFFFFF90  }
0x247: {  	_ =	swait.ge [sflag:s12], $0x70  }
0x248: {  	[sflag:s12] =	ssyncset.done $0x0  }
0x249: {  	[sflag:s12] =	ssyncadd.s32 $0xFFFFFF90  }
0x24a: {  	s13 =	simm.s32 $0x2;
	s1 =	rddreg [dreg:$0x0]  }
0x24b: {  	[tilespmem:s11], [sflag:$0xA] =	stream.indirect.gather [hbm4b:s1+s5], $0x80, s7, s5, $0xb8;
	[tilespmem:$0x1EA80] =	vst v63  }
0x24c: {  	_ =	swait.ge [sflag:s13], $0x70  }
0x24d: {  	[sflag:s13] =	ssyncset.done $0x0  }
0x24e: {  	s14 =	simm.s32 $0x5;
	[sflag:s13] =	ssyncadd.s32 $0xFFFFFF90  }
0x24f: {  	_ =	swait.ge [sflag:s14], $0x70  }
0x250: {  	[sflag:s14] =	ssyncset.done $0x0  }
0x251: {  	s19 =	simm.s32 $0x8;
	[sflag:s14] =	ssyncadd.s32 $0xFFFFFF90  }
0x252: {  	_ =	swait.ge [sflag:s19], $0x70  }
0x253: {  	s3 =	simm.s32 $0x0;
	[sflag:s19] =	ssyncset.done $0x0  }
0x254: {  	s0 =	simm.s32 $0x480;
	s20 =	simm.s32 $0x3C80;
	[sflag:s19] =	ssyncadd.s32 $0xFFFFFF90  }
0x255: {  	[tilespmem:s20], [sflag:$0xB] =	stream.indirect.gather [hbm4b:s1+s5], $0x80, s6, s5, $0xb8;
	[tilespmem:$0x1EA80] =	vst v63  }
.LBB2_4:
0x256: {  	_ =	swait.ge [sflag:s15], $0x70  }
0x257: {  	[sflag:s15] =	ssyncset.done $0x0  }
0x258: {  	[sflag:s15] =	ssyncadd.s32 $0xFFFFFF90  }
0x259: {  	_ =	swait.ge [sflag:s16], $0x70  }
0x25a: {  	[sflag:s16] =	ssyncset.done $0x0  }
0x25b: {  	[sflag:s16] =	ssyncadd.s32 $0xFFFFFF90  }
0x25c: {  	_ =	swait.ge [sflag:s17], $0x70  }
0x25d: {  	[sflag:s17] =	ssyncset.done $0x0  }
0x25e: {  	[sflag:s17] =	ssyncadd.s32 $0xFFFFFF90  }
0x25f: {  	s1 =	rddreg [dreg:$0x0]  }
0x260: {  	[tilespmem:s18], [sflag:$0xC] =	stream.indirect.gather [hbm4b:s1+s5], $0x80, s9, s5, $0xb8;
	[tilespmem:$0x1EA80] =	vst v63  }
0x261: {  	_ =	swait.ge [sflag:s4], $0x3800  }
0x262: {  	[sflag:s4] =	ssyncset.done $0x0  }
0x263: {  	s6 =	simm.s32 $0x180;
	[sflag:s4] =	ssyncadd.s32 $0xFFFFC800  }
0x264: {  	[spmem:s28] =	stream.indirect.scatter.add.f32 [tilespmem:s0], [sflag:$0xD], $0x80, s6, s5, $0xb8;
	[tilespmem:$0x1EA80] =	vst v63  }
0x265: {  	_ =	swait.ge [sflag:s21], $0x3800  }
0x266: {  	[sflag:s21] =	ssyncset.done $0x0  }
0x267: {  	[sflag:s21] =	ssyncadd.s32 $0xFFFFC800  }
0x268: {  	v3 =	vld [tilespmem:$0x300];
	_ =	sdelay $0x4  }
0x269: {  	(xrf0) =	vadd.scan.msk.s32 $0xffff, v3;
	_ =	sdelay $0x2  }
0x26a: {  	v4 =	vld [tilespmem:$0x0];
	_ =	sdelay $0x2  }
0x26b: {  	v5, _, _ =	vpop (xrf0)  }
0x26c: {  	vm0 =	vgt.s32 v3, $0x0;
	(v2sf) =	vpush v5, $0xF  }
0x26d: {  	[tilespmem:s3+$0xAC80] =	vst.msk vm0, v4  }
0x26e: {  	v3 =	vld [tilespmem:$0x180];
	_ =	sdelay $0x4  }
0x26f: {  	[tilespmem:s3+$0xAE00] =	vst.msk vm0, v3  }
0x270: {  	v3 =	vld [tilespmem:$0x310];
	_ =	sdelay $0x3  }
0x271: {  	v4 =	vld [tilespmem:$0x10]  }
0x272: {  	(xrf0) =	vadd.scan.msk.s32 $0xffff, v3;
	_ =	sdelay $0x1  }
0x273: {  	s11 =	spop (v2sf)  }
0x274: {  	vm8 =	vgt.s32 v3, $0x0;
	s6 =	sadd.s32 s3, s11  }
0x275: {  	[tilespmem:s6+$0xAC80] =	vst.msk vm8, v4  }
0x276: {  	v3 =	vld [tilespmem:$0x190]  }
0x277: {  	v4, _, _ =	vpop (xrf0)  }
0x278: {  	(v2sf) =	vpush v4, $0xF;
	_ =	sdelay $0x2  }
0x279: {  	[tilespmem:s6+$0xAE00] =	vst.msk vm8, v3  }
0x27a: {  	v3 =	vld [tilespmem:$0x320];
	_ =	sdelay $0x4  }
0x27b: {  	(xrf0) =	vadd.scan.msk.s32 $0xffff, v3;
	_ =	sdelay $0x2  }
0x27c: {  	v4 =	vld [tilespmem:$0x20];
	_ =	sdelay $0x2  }
0x27d: {  	s8 =	spop (v2sf);
	v5, _, _ =	vpop (xrf0)  }
0x27e: {  	vm9 =	vgt.s32 v3, $0x0;
	s3 =	sadd.s32 s6, s8;
	(v2sf) =	vpush v5, $0xF  }
0x27f: {  	[tilespmem:s3+$0xAC80] =	vst.msk vm9, v4  }
0x280: {  	v3 =	vld [tilespmem:$0x1A0];
	_ =	sdelay $0x4  }
0x281: {  	[tilespmem:s3+$0xAE00] =	vst.msk vm9, v3  }
0x282: {  	v3 =	vld [tilespmem:$0x330];
	_ =	sdelay $0x3  }
0x283: {  	v4 =	vld [tilespmem:$0x30]  }
0x284: {  	(xrf0) =	vadd.scan.msk.s32 $0xffff, v3;
	_ =	sdelay $0x1  }
0x285: {  	s12 =	spop (v2sf)  }
0x286: {  	vm10 =	vgt.s32 v3, $0x0;
	s3 =	sadd.s32 s3, s12  }
0x287: {  	[tilespmem:s3+$0xAC80] =	vst.msk vm10, v4  }
0x288: {  	v3 =	vld [tilespmem:$0x1B0]  }
0x289: {  	v4, _, _ =	vpop (xrf0)  }
0x28a: {  	(v2sf) =	vpush v4, $0xF;
	_ =	sdelay $0x2  }
0x28b: {  	[tilespmem:s3+$0xAE00] =	vst.msk vm10, v3  }
0x28c: {  	v3 =	vld [tilespmem:$0x340];
	_ =	sdelay $0x4  }
0x28d: {  	(xrf0) =	vadd.scan.msk.s32 $0xffff, v3;
	_ =	sdelay $0x2  }
0x28e: {  	v4 =	vld [tilespmem:$0x40];
	_ =	sdelay $0x2  }
0x28f: {  	s13 =	spop (v2sf);
	v5, _, _ =	vpop (xrf0)  }
0x290: {  	vm11 =	vgt.s32 v3, $0x0;
	s3 =	sadd.s32 s3, s13;
	(v2sf) =	vpush v5, $0xF  }
0x291: {  	[tilespmem:s3+$0xAC80] =	vst.msk vm11, v4  }
0x292: {  	v3 =	vld [tilespmem:$0x1C0];
	_ =	sdelay $0x4  }
0x293: {  	[tilespmem:s3+$0xAE00] =	vst.msk vm11, v3  }
0x294: {  	v3 =	vld [tilespmem:$0x350];
	_ =	sdelay $0x3  }
0x295: {  	v4 =	vld [tilespmem:$0x50]  }
0x296: {  	(xrf0) =	vadd.scan.msk.s32 $0xffff, v3;
	_ =	sdelay $0x1  }
0x297: {  	s14 =	spop (v2sf)  }
0x298: {  	vm12 =	vgt.s32 v3, $0x0;
	s3 =	sadd.s32 s3, s14  }
0x299: {  	[tilespmem:s3+$0xAC80] =	vst.msk vm12, v4  }
0x29a: {  	v3 =	vld [tilespmem:$0x1D0]  }
0x29b: {  	v4, _, _ =	vpop (xrf0)  }
0x29c: {  	(v2sf) =	vpush v4, $0xF;
	_ =	sdelay $0x2  }
0x29d: {  	[tilespmem:s3+$0xAE00] =	vst.msk vm12, v3  }
0x29e: {  	v3 =	vld [tilespmem:$0x360];
	_ =	sdelay $0x4  }
0x29f: {  	(xrf0) =	vadd.scan.msk.s32 $0xffff, v3;
	_ =	sdelay $0x2  }
0x2a0: {  	v4 =	vld [tilespmem:$0x60];
	_ =	sdelay $0x2  }
0x2a1: {  	s19 =	spop (v2sf);
	v5, _, _ =	vpop (xrf0)  }
0x2a2: {  	vm13 =	vgt.s32 v3, $0x0;
	s6 =	sadd.s32 s3, s19;
	(v2sf) =	vpush v5, $0xF  }
0x2a3: {  	[tilespmem:s6+$0xAC80] =	vst.msk vm13, v4  }
0x2a4: {  	v3 =	vld [tilespmem:$0x1E0];
	_ =	sdelay $0x2  }
0x2a5: {  	p3 =	seq.s32 s7, $0x9AE  }
0x2a6: {  	s13 =	sadd.s32 @!p3 s7, s25  }
0x2a7: {  	s12 =	simm.s32 @!p3 $0x0;
	s3 =	sadd.s32 @!p3 $0x2A, s13;
	[tilespmem:s6+$0xAE00] =	vst.msk vm13, v3  }
0x2a8: {  	[tilespmem:s12], [sflag:$0x1] =	stream.linear.gather @!p3 [hbm4b:s3+s12], $0x70, $0x38;
	[tilespmem:$0x1EA80] =	vst v63  }
0x2a9: {  	s3 =	sadd.s32 @!p3 s7, s23  }
0x2aa: {  	s19 =	simm.s32 @!p3 $0x180;
	s11 =	sadd.s32 @!p3 $0x2A, s3  }
0x2ab: {  	[tilespmem:s19], [sflag:$0x4] =	stream.linear.gather @!p3 [hbm4b:s11+s12], $0x70, $0x38;
	[tilespmem:$0x1EA80] =	vst v63  }
0x2ac: {  	s19 =	sadd.s32 @!p3 s7, s22  }
0x2ad: {  	s8 =	simm.s32 @!p3 $0x300;
	s11 =	sadd.s32 @!p3 $0x2A, s19  }
0x2ae: {  	[tilespmem:s8], [sflag:$0x7] =	stream.linear.gather @!p3 [hbm4b:s11+s12], $0x70, $0x38;
	[tilespmem:$0x1EA80] =	vst v63  }
0x2af: {  	s11 =	simm.s32 @!p3 $0x1;
	s8 =	spop (v2sf)  }
0x2b0: {  	_ =	swait.ge @!p3 [sflag:s11], $0x70  }
0x2b1: {  	[sflag:s11] =	ssyncset.done @!p3 $0x0  }
0x2b2: {  	[sflag:s11] =	ssyncadd.s32 @!p3 $0xFFFFFF90;
	s11 =	simm.s32 @!p3 $0x4  }
0x2b3: {  	_ =	swait.ge @!p3 [sflag:s11], $0x70  }
0x2b4: {  	[sflag:s11] =	ssyncset.done @!p3 $0x0  }
0x2b5: {  	[sflag:s11] =	ssyncadd.s32 @!p3 $0xFFFFFF90;
	s11 =	simm.s32 @!p3 $0x7  }
0x2b6: {  	_ =	swait.ge @!p3 [sflag:s11], $0x70  }
0x2b7: {  	[sflag:s11] =	ssyncset.done @!p3 $0x0  }
0x2b8: {  	s14 =	simm.s32 @!p3 $0x480;
	[sflag:s11] =	ssyncadd.s32 @!p3 $0xFFFFFF90;
	s11 =	simm.s32 @!p3 $0x70  }
0x2b9: {  	[tilespmem:s14], [sflag:$0xA] =	stream.indirect.gather @!p3 [hbm4b:s1+s11], $0x80, s12, s11, $0xb8;
	[tilespmem:$0x1EA80] =	vst v63  }
0x2ba: {  	_ =	swait.ge [sflag:s31], $0x3800  }
0x2bb: {  	[sflag:s31] =	ssyncset.done $0x0  }
0x2bc: {  	s20 =	simm.s32 $0x3C80;
	s14 =	simm.s32 $0x200;
	[sflag:s31] =	ssyncadd.s32 $0xFFFFC800  }
0x2bd: {  	[spmem:s28] =	stream.indirect.scatter.add.f32 [tilespmem:s20], [sflag:$0xD], $0x80, s14, s5, $0xb8;
	[tilespmem:$0x1EA80] =	vst v63  }
0x2be: {  	_ =	swait.ge [sflag:s21], $0x3800  }
0x2bf: {  	[sflag:s21] =	ssyncset.done $0x0  }
0x2c0: {  	[sflag:s21] =	ssyncadd.s32 $0xFFFFC800  }
0x2c1: {  	v3 =	vld [tilespmem:$0x380];
	_ =	sdelay $0x4  }
0x2c2: {  	(xrf0) =	vadd.scan.msk.s32 $0xffff, v3;
	_ =	sdelay $0x4  }
0x2c3: {  	v4 =	vld [tilespmem:$0x80]  }
0x2c4: {  	v5, _, _ =	vpop (xrf0)  }
0x2c5: {  	(v2sf) =	vpush v5, $0xF;
	_ =	sdelay $0x1  }
0x2c6: {  	s6 =	sadd.s32 s6, s8;
	vm14 =	vgt.s32 v3, $0x0  }
0x2c7: {  	[tilespmem:s6+$0xAC80] =	vst.msk vm14, v4  }
0x2c8: {  	v3 =	vld [tilespmem:$0x200];
	_ =	sdelay $0x4  }
0x2c9: {  	[tilespmem:s6+$0xAE00] =	vst.msk vm14, v3  }
0x2ca: {  	v3 =	vld [tilespmem:$0x390];
	_ =	sdelay $0x1  }
0x2cb: {  	v4 =	vld [tilespmem:$0x90];
	_ =	sdelay $0x2  }
0x2cc: {  	(xrf0) =	vadd.scan.msk.s32 $0xffff, v3;
	s20 =	spop (v2sf)  }
0x2cd: {  	vm15 =	vgt.s32 v3, $0x0;
	s6 =	sadd.s32 s6, s20  }
0x2ce: {  	[tilespmem:s6+$0xAC80] =	vst.msk vm15, v4  }
0x2cf: {  	v3 =	vld [tilespmem:$0x210];
	_ =	sdelay $0x2  }
0x2d0: {  	v4, _, _ =	vpop (xrf0)  }
0x2d1: {  	(v2sf) =	vpush v4, $0xF  }
0x2d2: {  	[tilespmem:s6+$0xAE00] =	vst.msk vm15, v3  }
0x2d3: {  	v3 =	vld [tilespmem:$0x3A0];
	_ =	sdelay $0x4  }
0x2d4: {  	(xrf0) =	vadd.scan.msk.s32 $0xffff, v3;
	_ =	sdelay $0x4  }
0x2d5: {  	v4 =	vld [tilespmem:$0xA0]  }
0x2d6: {  	v5, _, _ =	vpop (xrf0)  }
0x2d7: {  	(v2sf) =	vpush v5, $0xF  }
0x2d8: {  	s14 =	spop (v2sf)  }
0x2d9: {  	vm4 =	vgt.s32 v3, $0x0;
	s6 =	sadd.s32 s6, s14  }
0x2da: {  	[tilespmem:s6+$0xAC80] =	vst.msk vm4, v4  }
0x2db: {  	v3 =	vld [tilespmem:$0x220];
	_ =	sdelay $0x4  }
0x2dc: {  	[tilespmem:s6+$0xAE00] =	vst.msk vm4, v3  }
0x2dd: {  	v3 =	vld [tilespmem:$0x3B0];
	_ =	sdelay $0x1  }
0x2de: {  	v4 =	vld [tilespmem:$0xB0];
	_ =	sdelay $0x2  }
0x2df: {  	(xrf0) =	vadd.scan.msk.s32 $0xffff, v3;
	s20 =	spop (v2sf)  }
0x2e0: {  	vm5 =	vgt.s32 v3, $0x0;
	s6 =	sadd.s32 s6, s20  }
0x2e1: {  	[tilespmem:s6+$0xAC80] =	vst.msk vm5, v4  }
0x2e2: {  	v3 =	vld [tilespmem:$0x230];
	_ =	sdelay $0x2  }
0x2e3: {  	v4, _, _ =	vpop (xrf0)  }
0x2e4: {  	(v2sf) =	vpush v4, $0xF  }
0x2e5: {  	[tilespmem:s6+$0xAE00] =	vst.msk vm5, v3  }
0x2e6: {  	v3 =	vld [tilespmem:$0x3C0];
	_ =	sdelay $0x4  }
0x2e7: {  	(xrf0) =	vadd.scan.msk.s32 $0xffff, v3;
	_ =	sdelay $0x4  }
0x2e8: {  	v4 =	vld [tilespmem:$0xC0]  }
0x2e9: {  	v5, _, _ =	vpop (xrf0)  }
0x2ea: {  	(v2sf) =	vpush v5, $0xF  }
0x2eb: {  	s14 =	spop (v2sf)  }
0x2ec: {  	vm6 =	vgt.s32 v3, $0x0;
	s6 =	sadd.s32 s6, s14  }
0x2ed: {  	[tilespmem:s6+$0xAC80] =	vst.msk vm6, v4  }
0x2ee: {  	v3 =	vld [tilespmem:$0x240];
	_ =	sdelay $0x4  }
0x2ef: {  	[tilespmem:s6+$0xAE00] =	vst.msk vm6, v3  }
0x2f0: {  	v3 =	vld [tilespmem:$0x3D0];
	_ =	sdelay $0x1  }
0x2f1: {  	v4 =	vld [tilespmem:$0xD0];
	_ =	sdelay $0x2  }
0x2f2: {  	(xrf0) =	vadd.scan.msk.s32 $0xffff, v3;
	s20 =	spop (v2sf)  }
0x2f3: {  	vm7 =	vgt.s32 v3, $0x0;
	s6 =	sadd.s32 s6, s20  }
0x2f4: {  	[tilespmem:s6+$0xAC80] =	vst.msk vm7, v4  }
0x2f5: {  	v3 =	vld [tilespmem:$0x250];
	_ =	sdelay $0x2  }
0x2f6: {  	v4, _, _ =	vpop (xrf0)  }
0x2f7: {  	(v2sf) =	vpush v4, $0xF  }
0x2f8: {  	[tilespmem:s6+$0xAE00] =	vst.msk vm7, v3  }
0x2f9: {  	v3 =	vld [tilespmem:$0x3E0];
	_ =	sdelay $0x4  }
0x2fa: {  	(xrf0) =	vadd.scan.msk.s32 $0xffff, v3;
	_ =	sdelay $0x4  }
0x2fb: {  	v4 =	vld [tilespmem:$0xE0]  }
0x2fc: {  	v5, _, _ =	vpop (xrf0)  }
0x2fd: {  	(v2sf) =	vpush v5, $0xF  }
0x2fe: {  	s14 =	spop (v2sf)  }
0x2ff: {  	vm8 =	vgt.s32 v3, $0x0;
	s6 =	sadd.s32 s6, s14  }
0x300: {  	[tilespmem:s6+$0xAC80] =	vst.msk vm8, v4  }
0x301: {  	v3 =	vld [tilespmem:$0x260];
	_ =	sdelay $0x4  }
0x302: {  	s8 =	sadd.s32 @!p3 $0x38, s13;
	s13 =	simm.s32 @!p3 $0x80;
	[tilespmem:s6+$0xAE00] =	vst.msk vm8, v3  }
0x303: {  	[tilespmem:s13], [sflag:$0x2] =	stream.linear.gather @!p3 [hbm4b:s8+s12], $0x70, $0x38;
	[tilespmem:$0x1EA80] =	vst v63  }
0x304: {  	s3 =	sadd.s32 @!p3 $0x38, s3;
	s8 =	simm.s32 @!p3 $0x200  }
0x305: {  	[tilespmem:s8], [sflag:$0x5] =	stream.linear.gather @!p3 [hbm4b:s3+s12], $0x70, $0x38;
	[tilespmem:$0x1EA80] =	vst v63  }
0x306: {  	s3 =	sadd.s32 @!p3 $0x38, s19;
	s8 =	simm.s32 @!p3 $0x380  }
0x307: {  	[tilespmem:s8], [sflag:$0x8] =	stream.linear.gather @!p3 [hbm4b:s3+s12], $0x70, $0x38;
	[tilespmem:$0x1EA80] =	vst v63  }
0x308: {  	s8 =	simm.s32 @!p3 $0x2;
	s20 =	spop (v2sf)  }
0x309: {  	_ =	swait.ge @!p3 [sflag:s8], $0x70  }
0x30a: {  	[sflag:s8] =	ssyncset.done @!p3 $0x0  }
0x30b: {  	[sflag:s8] =	ssyncadd.s32 @!p3 $0xFFFFFF90;
	s8 =	simm.s32 @!p3 $0x5  }
0x30c: {  	_ =	swait.ge @!p3 [sflag:s8], $0x70  }
0x30d: {  	[sflag:s8] =	ssyncset.done @!p3 $0x0  }
0x30e: {  	[sflag:s8] =	ssyncadd.s32 @!p3 $0xFFFFFF90;
	s8 =	simm.s32 @!p3 $0x8  }
0x30f: {  	_ =	swait.ge @!p3 [sflag:s8], $0x70  }
0x310: {  	[sflag:s8] =	ssyncset.done @!p3 $0x0  }
0x311: {  	[sflag:s8] =	ssyncadd.s32 @!p3 $0xFFFFFF90;
	s8 =	simm.s32 @!p3 $0x3C80  }
0x312: {  	[tilespmem:s8], [sflag:$0xB] =	stream.indirect.gather @!p3 [hbm4b:s1+s11], $0x80, s13, s11, $0xb8;
	[tilespmem:$0x1EA80] =	vst v63  }
0x313: {  	_ =	swait.ge [sflag:s24], $0x3800  }
0x314: {  	[sflag:s24] =	ssyncset.done $0x0  }
0x315: {  	[sflag:s24] =	ssyncadd.s32 $0xFFFFC800  }
0x316: {  	[spmem:s28] =	stream.indirect.scatter.add.f32 [tilespmem:s18], [sflag:$0xD], $0x80, s10, s5, $0xb8;
	[tilespmem:$0x1EA80] =	vst v63  }
0x317: {  	_ =	swait.ge [sflag:s21], $0x3800  }
0x318: {  	[sflag:s21] =	ssyncset.done $0x0  }
0x319: {  	[sflag:s21] =	ssyncadd.s32 $0xFFFFC800  }
0x31a: {  	v3 =	vld [tilespmem:$0x400]  }
0x31b: {  	v4 =	vld [tilespmem:$0x100];
	_ =	sdelay $0x3  }
0x31c: {  	s3 =	sadd.s32 s6, s20;
	vm9 =	vgt.s32 v3, $0x0;
	(xrf0) =	vadd.scan.msk.s32 $0xffff, v3  }
0x31d: {  	[tilespmem:s3+$0xAC80] =	vst.msk vm9, v4  }
0x31e: {  	v3 =	vld [tilespmem:$0x280];
	_ =	sdelay $0x3  }
0x31f: {  	v4, _, _ =	vpop (xrf0)  }
0x320: {  	[tilespmem:s3+$0xAE00] =	vst.msk vm9, v3;
	(v2sf) =	vpush v4, $0xF  }
0x321: {  	v3 =	vld [tilespmem:$0x410];
	_ =	sdelay $0x4  }
0x322: {  	(xrf0) =	vadd.scan.msk.s32 $0xffff, v3;
	_ =	sdelay $0x5  }
0x323: {  	v4 =	vld [tilespmem:$0x110];
	v5, _, _ =	vpop (xrf0)  }
0x324: {  	(v2sf) =	vpush v5, $0xF;
	_ =	sdelay $0x1  }
0x325: {  	s11 =	spop (v2sf)  }
0x326: {  	vm10 =	vgt.s32 v3, $0x0;
	s3 =	sadd.s32 s3, s11  }
0x327: {  	[tilespmem:s3+$0xAC80] =	vst.msk vm10, v4  }
0x328: {  	v3 =	vld [tilespmem:$0x290];
	_ =	sdelay $0x4  }
0x329: {  	[tilespmem:s3+$0xAE00] =	vst.msk vm10, v3  }
0x32a: {  	v3 =	vld [tilespmem:$0x420]  }
0x32b: {  	v4 =	vld [tilespmem:$0x120];
	_ =	sdelay $0x2  }
0x32c: {  	s12 =	spop (v2sf)  }
0x32d: {  	s3 =	sadd.s32 s3, s12;
	vm11 =	vgt.s32 v3, $0x0;
	(xrf0) =	vadd.scan.msk.s32 $0xffff, v3  }
0x32e: {  	[tilespmem:s3+$0xAC80] =	vst.msk vm11, v4  }
0x32f: {  	v3 =	vld [tilespmem:$0x2A0];
	_ =	sdelay $0x3  }
0x330: {  	v4, _, _ =	vpop (xrf0)  }
0x331: {  	[tilespmem:s3+$0xAE00] =	vst.msk vm11, v3;
	(v2sf) =	vpush v4, $0xF  }
0x332: {  	v3 =	vld [tilespmem:$0x430];
	_ =	sdelay $0x4  }
0x333: {  	(xrf0) =	vadd.scan.msk.s32 $0xffff, v3;
	_ =	sdelay $0x5  }
0x334: {  	v4 =	vld [tilespmem:$0x130];
	v5, _, _ =	vpop (xrf0)  }
0x335: {  	(v2sf) =	vpush v5, $0xF;
	_ =	sdelay $0x1  }
0x336: {  	s13 =	spop (v2sf)  }
0x337: {  	vm12 =	vgt.s32 v3, $0x0;
	s3 =	sadd.s32 s3, s13  }
0x338: {  	[tilespmem:s3+$0xAC80] =	vst.msk vm12, v4  }
0x339: {  	v3 =	vld [tilespmem:$0x2B0];
	_ =	sdelay $0x4  }
0x33a: {  	[tilespmem:s3+$0xAE00] =	vst.msk vm12, v3  }
0x33b: {  	v3 =	vld [tilespmem:$0x440]  }
0x33c: {  	v4 =	vld [tilespmem:$0x140];
	_ =	sdelay $0x2  }
0x33d: {  	s14 =	spop (v2sf)  }
0x33e: {  	s3 =	sadd.s32 s3, s14;
	vm13 =	vgt.s32 v3, $0x0;
	(xrf0) =	vadd.scan.msk.s32 $0xffff, v3  }
0x33f: {  	[tilespmem:s3+$0xAC80] =	vst.msk vm13, v4  }
0x340: {  	v3 =	vld [tilespmem:$0x2C0];
	_ =	sdelay $0x3  }
0x341: {  	v4, _, _ =	vpop (xrf0)  }
0x342: {  	[tilespmem:s3+$0xAE00] =	vst.msk vm13, v3;
	(v2sf) =	vpush v4, $0xF  }
0x343: {  	v3 =	vld [tilespmem:$0x450];
	_ =	sdelay $0x4  }
0x344: {  	(xrf0) =	vadd.scan.msk.s32 $0xffff, v3;
	_ =	sdelay $0x5  }
0x345: {  	v4 =	vld [tilespmem:$0x150];
	v5, _, _ =	vpop (xrf0)  }
0x346: {  	(v2sf) =	vpush v5, $0xF;
	_ =	sdelay $0x1  }
0x347: {  	s19 =	spop (v2sf)  }
0x348: {  	vm14 =	vgt.s32 v3, $0x0;
	s3 =	sadd.s32 s3, s19  }
0x349: {  	[tilespmem:s3+$0xAC80] =	vst.msk vm14, v4  }
0x34a: {  	v3 =	vld [tilespmem:$0x2D0];
	_ =	sdelay $0x4  }
0x34b: {  	[tilespmem:s3+$0xAE00] =	vst.msk vm14, v3  }
0x34c: {  	v3 =	vld [tilespmem:$0x460]  }
0x34d: {  	v4 =	vld [tilespmem:$0x160];
	_ =	sdelay $0x2  }
0x34e: {  	s20 =	spop (v2sf)  }
0x34f: {  	s3 =	sadd.s32 s3, s20;
	vm15 =	vgt.s32 v3, $0x0  }
0x350: {  	[tilespmem:s3+$0xAC80] =	vst.msk vm15, v4  }
0x351: {  	v4 =	vld [tilespmem:$0x2E0]  }
.Ltmp7:
0x352: {  	_ = 	snop;
	(pc) =	sbr.rel @p3 .LBB2_6-.Ltmp7, $2  }
0x353: {  	_ =	sdelay $0x2  }
0x354: {  	[tilespmem:s3+$0xAE00] =	vst.msk vm15, v4  }
0x355: {  	(xrf0) =	vadd.scan.msk.s32 $0xffff, v3;
	_ =	sdelay $0x5  }
0x356: {  	v3, _, _ =	vpop (xrf0)  }
0x357: {  	(v2sf) =	vpush v3, $0xF;
	_ =	sdelay $0x6  }
0x358: {  	s6 =	sadd.s32 s7, s25  }
0x359: {  	s14 =	sadd.s32 s7, s23;
	s6 =	sadd.s32 $0x46, s6  }
0x35a: {  	[tilespmem:s9], [sflag:$0x3] =	stream.linear.gather [hbm4b:s6+s2], $0x70, $0x38;
	[tilespmem:$0x1EA80] =	vst v63  }
0x35b: {  	s6 =	sadd.s32 $0x46, s14  }
0x35c: {  	[tilespmem:s10], [sflag:$0x6] =	stream.linear.gather [hbm4b:s6+s2], $0x70, $0x38;
	[tilespmem:$0x1EA80] =	vst v63  }
.Ltmp8:
0x35d: {  	s19 =	sadd.s32 s7, s22;
	(pc) =	sbr.rel .LBB2_4-.Ltmp8, $4  }
0x35e: {  	s8 =	simm.s32 $0x400;
	s6 =	sadd.s32 $0x46, s19  }
0x35f: {  	[tilespmem:s8], [sflag:$0x9] =	stream.linear.gather [hbm4b:s6+s2], $0x70, $0x38;
	[tilespmem:$0x1EA80] =	vst v63  }
0x360: {  	s20 =	spop (v2sf)  }
0x361: {  	s7 =	sadd.s32 $0x2A, s7;
	s3 =	sadd.s32 s3, s20  }
.LBB2_11:
0x362: {  	s3 =	stileid.u32;
	[bflag:$0x0] =	sbarrier.arrive $0xFFFF  }
0x363: {  	s3 =	sshll.u32 s3, $0x6;
	s19 =	rddreg [dreg:$0x1c]  }
0x364: {  	s6 =	rddreg [dreg:$0x1f];
	s7 =	sor.u32 $0x1C0D, s3;
	s3 =	sshrl.u32 s19, $0x3  }
0x365: {  	[hbm:s6], [sflag:s7] =	dma.local [spmem:s3], $0x2700  }
0x366: {  	_ =	swait.ge [sflag:s21], $0x2700  }
0x367: {  	s6 =	sld [smem:$0x7F3]  }
0x368: {  	s0 =	sld [smem:$0x7F1]  }
0x369: {  	[sflag:s21] =	ssyncset.done $0x0  }
0x36a: {  	[sflag:s21] =	ssyncadd.s32 $0xFFFFD900  }
0x36b: {  	[hbm:s6], [sflag:s7] =	dma.local @!p2 [spmem:s0], $0x100  }
0x36c: {  	s6 =	simm.s32 @!p2 $0xD  }
0x36d: {  	_ =	swait.ge @!p2 [sflag:s6], $0x100  }
0x36e: {  	[sflag:s6] =	ssyncset.done @!p2 $0x0  }
0x36f: {  	[sflag:s6] =	ssyncadd.s32 @!p2 $0xFFFFFF00  }
0x370: {  	[bflag:$0x0] =	sbarrier.arrive $0xFFFF  }
0x371: {  	v3 =	vld [tilespmem:$0xAE00]  }
0x372: {  	v4 =	vld [tilespmem:$0xAE70]  }
0x373: {  	v5 =	vld [tilespmem:$0xAEE0]  }
0x374: {  	v6 =	vld [tilespmem:$0xAE10]  }
0x375: {  	v7 =	vld [tilespmem:$0xAE80]  }
0x376: {  	[tilespmem:$0xAF80] =	vst v3;
	v3 =	vld [tilespmem:$0xAEF0]  }
0x377: {  	v52 =	vld [tilespmem:$0xAE20];
	[tilespmem:$0xB000] =	vst v4  }
0x378: {  	v53 =	vld [tilespmem:$0xAE90];
	[tilespmem:$0xB080] =	vst v5  }
0x379: {  	v54 =	vld [tilespmem:$0xAF00];
	[tilespmem:$0xAF90] =	vst v6  }
0x37a: {  	v55 =	vld [tilespmem:$0xAE30];
	[tilespmem:$0xB010] =	vst v7  }
0x37b: {  	[tilespmem:$0xB090] =	vst v3;
	v3 =	vld [tilespmem:$0xAEA0]  }
0x37c: {  	v56 =	vld [tilespmem:$0xAF10];
	[tilespmem:$0xAFA0] =	vst v52  }
0x37d: {  	v57 =	vld [tilespmem:$0xAE40];
	[tilespmem:$0xB020] =	vst v53  }
0x37e: {  	v58 =	vld [tilespmem:$0xAEB0];
	[tilespmem:$0xB0A0] =	vst v54  }
0x37f: {  	v59 =	vld [tilespmem:$0xAF20];
	[tilespmem:$0xAFB0] =	vst v55  }
0x380: {  	[tilespmem:$0xB030] =	vst v3;
	v3 =	vld [tilespmem:$0xAE50]  }
0x381: {  	v60 =	vld [tilespmem:$0xAEC0];
	[tilespmem:$0xB0B0] =	vst v56  }
0x382: {  	v61 =	vld [tilespmem:$0xAF30];
	[tilespmem:$0xAFC0] =	vst v57  }
0x383: {  	v62 =	vld [tilespmem:$0xAE60];
	[tilespmem:$0xB040] =	vst v58  }
0x384: {  	v63 =	vld [tilespmem:$0xAED0];
	[tilespmem:$0xB0C0] =	vst v59  }
0x385: {  	[tilespmem:$0xAFD0] =	vst v3;
	v3 =	vld [tilespmem:$0xAF40]  }
0x386: {  	[tilespmem:$0xB050] =	vst v60  }
0x387: {  	[tilespmem:$0xB0D0] =	vst v61  }
0x388: {  	[tilespmem:$0xAFE0] =	vst v62  }
0x389: {  	[tilespmem:$0xB060] =	vst v63  }
0x38a: {  	s20 =	simm.s32 $0x480;
	s8 =	simm.s32 $0xAC80;
	[tilespmem:$0xB0E0] =	vst v3  }
0x38b: {  	[tilespmem:s20], [sflag:$0xA] =	stream.indirect.gather [hbm4b:s1+s5], $0x80, s8, s5, $0xb8;
	[tilespmem:$0x1EA80] =	vst v63  }
0x38c: {  	_ =	swait.ge [sflag:s4], $0x3800  }
0x38d: {  	[sflag:s4] =	ssyncset.done $0x0  }
0x38e: {  	s11 =	simm.s32 $0xAF80;
	[sflag:s4] =	ssyncadd.s32 $0xFFFFC800  }
0x38f: {  	[spmem:s28] =	stream.indirect.scatter.add.f32 [tilespmem:s20], [sflag:$0xD], $0x80, s11, s5, $0xb8;
	[tilespmem:$0x1EA80] =	vst v63  }
0x390: {  	_ =	swait.ge [sflag:s21], $0x3800  }
0x391: {  	[sflag:s21] =	ssyncset.done $0x0  }
0x392: {  	s12 =	simm.s32 $0xACF0;
	[sflag:s21] =	ssyncadd.s32 $0xFFFFC800  }
0x393: {  	[tilespmem:s20], [sflag:$0xA] =	stream.indirect.gather [hbm4b:s1+s5], $0x80, s12, s5, $0xb8;
	[tilespmem:$0x1EA80] =	vst v63  }
0x394: {  	_ =	swait.ge [sflag:s4], $0x3800  }
0x395: {  	[sflag:s4] =	ssyncset.done $0x0  }
0x396: {  	s13 =	simm.s32 $0xB000;
	[sflag:s4] =	ssyncadd.s32 $0xFFFFC800  }
0x397: {  	[spmem:s28] =	stream.indirect.scatter.add.f32 [tilespmem:s20], [sflag:$0xD], $0x80, s13, s5, $0xb8;
	[tilespmem:$0x1EA80] =	vst v63  }
0x398: {  	_ =	swait.ge [sflag:s21], $0x3800  }
0x399: {  	[sflag:s21] =	ssyncset.done $0x0  }
0x39a: {  	s14 =	simm.s32 $0xAD60;
	[sflag:s21] =	ssyncadd.s32 $0xFFFFC800  }
0x39b: {  	[tilespmem:s20], [sflag:$0xA] =	stream.indirect.gather [hbm4b:s1+s5], $0x80, s14, s5, $0xb8;
	[tilespmem:$0x1EA80] =	vst v63  }
0x39c: {  	_ =	swait.ge [sflag:s4], $0x3800  }
0x39d: {  	[sflag:s4] =	ssyncset.done $0x0  }
0x39e: {  	s19 =	simm.s32 $0xB080;
	[sflag:s4] =	ssyncadd.s32 $0xFFFFC800  }
0x39f: {  	[spmem:s28] =	stream.indirect.scatter.add.f32 [tilespmem:s20], [sflag:$0xD], $0x80, s19, s5, $0xb8;
	[tilespmem:$0x1EA80] =	vst v63  }
0x3a0: {  	_ =	swait.ge [sflag:s21], $0x3800  }
0x3a1: {  	[sflag:s21] =	ssyncset.done $0x0  }
0x3a2: {  	[sflag:s21] =	ssyncadd.s32 $0xFFFFC800  }
0x3a3: {  	[bflag:$0x0] =	sbarrier.arrive $0xFFFF  }
0x3a4: {  	s20 =	sld [smem:$0x7F5];
	_ =	sdelay $0x2  }
0x3a5: {  	[hbm:s20], [sflag:s7] =	dma.local [spmem:s3], $0x2700  }
.Ltmp9:
0x3a6: {  	_ = 	snop;
	(pc) =	sbr.rel @p2 .LBB2_13-.Ltmp9, $4  }
.Ltmp10:
0x3a7: {  	_ = 	snop;
	(pc) =	sbr.rel @!p2 .LBB2_12-.Ltmp10, $4  }
0x3a8: {  	_ =	swait.ge [sflag:s21], $0x2700  }
0x3a9: {  	[sflag:s21] =	ssyncset.done $0x0;
	s3 =	rddreg [dreg:$0x1a]  }
0x3aa: {  	s0 =	sld [smem:$0x7F2];
	[sflag:s21] =	ssyncadd.s32 $0xFFFFD900  }
0x3ab: {  	_ = 	snop  }
.LBB2_6:
0x3ac: {  	s3 =	stileid.u32;
	[bflag:$0x0] =	sbarrier.arrive $0xFFFF  }
0x3ad: {  	s3 =	sshll.u32 s3, $0x6;
	s19 =	rddreg [dreg:$0x1c]  }
0x3ae: {  	s6 =	rddreg [dreg:$0x1d];
	s7 =	sor.u32 $0x1C0D, s3;
	s3 =	sshrl.u32 s19, $0x3  }
0x3af: {  	[hbm:s6], [sflag:s7] =	dma.local [spmem:s3], $0x2700  }
0x3b0: {  	_ =	swait.ge [sflag:s21], $0x2700  }
0x3b1: {  	s0 =	sld [smem:$0x7F1]  }
0x3b2: {  	[sflag:s21] =	ssyncset.done $0x0  }
0x3b3: {  	s6 =	rddreg [dreg:$0x1e];
	[sflag:s21] =	ssyncadd.s32 $0xFFFFD900  }
0x3b4: {  	[hbm:s6], [sflag:s7] =	dma.local @!p2 [spmem:s0], $0x100  }
0x3b5: {  	s6 =	simm.s32 @!p2 $0xD  }
0x3b6: {  	_ =	swait.ge @!p2 [sflag:s6], $0x100  }
0x3b7: {  	[sflag:s6] =	ssyncset.done @!p2 $0x0  }
0x3b8: {  	[sflag:s6] =	ssyncadd.s32 @!p2 $0xFFFFFF00  }
0x3b9: {  	[bflag:$0x0] =	sbarrier.arrive $0xFFFF  }
0x3ba: {  	v3 =	vld [tilespmem:$0xAE00]  }
0x3bb: {  	v4 =	vld [tilespmem:$0xAE70]  }
0x3bc: {  	v5 =	vld [tilespmem:$0xAEE0]  }
0x3bd: {  	v6 =	vld [tilespmem:$0xAE10]  }
0x3be: {  	v7 =	vld [tilespmem:$0xAE80]  }
0x3bf: {  	[tilespmem:$0xAF80] =	vst v3;
	v3 =	vld [tilespmem:$0xAEF0]  }
0x3c0: {  	v52 =	vld [tilespmem:$0xAE20];
	[tilespmem:$0xB000] =	vst v4  }
0x3c1: {  	v53 =	vld [tilespmem:$0xAE90];
	[tilespmem:$0xB080] =	vst v5  }
0x3c2: {  	v54 =	vld [tilespmem:$0xAF00];
	[tilespmem:$0xAF90] =	vst v6  }
0x3c3: {  	v55 =	vld [tilespmem:$0xAE30];
	[tilespmem:$0xB010] =	vst v7  }
0x3c4: {  	[tilespmem:$0xB090] =	vst v3;
	v3 =	vld [tilespmem:$0xAEA0]  }
0x3c5: {  	v56 =	vld [tilespmem:$0xAF10];
	[tilespmem:$0xAFA0] =	vst v52  }
0x3c6: {  	v57 =	vld [tilespmem:$0xAE40];
	[tilespmem:$0xB020] =	vst v53  }
0x3c7: {  	v58 =	vld [tilespmem:$0xAEB0];
	[tilespmem:$0xB0A0] =	vst v54  }
0x3c8: {  	v59 =	vld [tilespmem:$0xAF20];
	[tilespmem:$0xAFB0] =	vst v55  }
0x3c9: {  	[tilespmem:$0xB030] =	vst v3;
	v3 =	vld [tilespmem:$0xAE50]  }
0x3ca: {  	v60 =	vld [tilespmem:$0xAEC0];
	[tilespmem:$0xB0B0] =	vst v56  }
0x3cb: {  	v61 =	vld [tilespmem:$0xAF30];
	[tilespmem:$0xAFC0] =	vst v57  }
0x3cc: {  	v62 =	vld [tilespmem:$0xAE60];
	[tilespmem:$0xB040] =	vst v58  }
0x3cd: {  	v63 =	vld [tilespmem:$0xAED0];
	[tilespmem:$0xB0C0] =	vst v59  }
0x3ce: {  	[tilespmem:$0xAFD0] =	vst v3;
	v3 =	vld [tilespmem:$0xAF40]  }
0x3cf: {  	[tilespmem:$0xB050] =	vst v60  }
0x3d0: {  	[tilespmem:$0xB0D0] =	vst v61  }
0x3d1: {  	[tilespmem:$0xAFE0] =	vst v62  }
0x3d2: {  	[tilespmem:$0xB060] =	vst v63  }
0x3d3: {  	s20 =	simm.s32 $0x480;
	s8 =	simm.s32 $0xAC80;
	s1 =	rddreg [dreg:$0x0];
	[tilespmem:$0xB0E0] =	vst v3  }
0x3d4: {  	[tilespmem:s20], [sflag:$0xA] =	stream.indirect.gather [hbm4b:s1+s5], $0x80, s8, s5, $0xb8;
	[tilespmem:$0x1EA80] =	vst v63  }
0x3d5: {  	_ =	swait.ge [sflag:s4], $0x3800  }
0x3d6: {  	[sflag:s4] =	ssyncset.done $0x0  }
0x3d7: {  	s11 =	simm.s32 $0xAF80;
	[sflag:s4] =	ssyncadd.s32 $0xFFFFC800  }
0x3d8: {  	[spmem:s28] =	stream.indirect.scatter.add.f32 [tilespmem:s20], [sflag:$0xD], $0x80, s11, s5, $0xb8;
	[tilespmem:$0x1EA80] =	vst v63  }
0x3d9: {  	_ =	swait.ge [sflag:s21], $0x3800  }
0x3da: {  	[sflag:s21] =	ssyncset.done $0x0  }
0x3db: {  	s12 =	simm.s32 $0xACF0;
	[sflag:s21] =	ssyncadd.s32 $0xFFFFC800  }
0x3dc: {  	[tilespmem:s20], [sflag:$0xA] =	stream.indirect.gather [hbm4b:s1+s5], $0x80, s12, s5, $0xb8;
	[tilespmem:$0x1EA80] =	vst v63  }
0x3dd: {  	_ =	swait.ge [sflag:s4], $0x3800  }
0x3de: {  	[sflag:s4] =	ssyncset.done $0x0  }
0x3df: {  	s13 =	simm.s32 $0xB000;
	[sflag:s4] =	ssyncadd.s32 $0xFFFFC800  }
0x3e0: {  	[spmem:s28] =	stream.indirect.scatter.add.f32 [tilespmem:s20], [sflag:$0xD], $0x80, s13, s5, $0xb8;
	[tilespmem:$0x1EA80] =	vst v63  }
0x3e1: {  	_ =	swait.ge [sflag:s21], $0x3800  }
0x3e2: {  	[sflag:s21] =	ssyncset.done $0x0  }
0x3e3: {  	s14 =	simm.s32 $0xAD60;
	[sflag:s21] =	ssyncadd.s32 $0xFFFFC800  }
0x3e4: {  	[tilespmem:s20], [sflag:$0xA] =	stream.indirect.gather [hbm4b:s1+s5], $0x80, s14, s5, $0xb8;
	[tilespmem:$0x1EA80] =	vst v63  }
0x3e5: {  	_ =	swait.ge [sflag:s4], $0x3800  }
0x3e6: {  	[sflag:s4] =	ssyncset.done $0x0  }
0x3e7: {  	s19 =	simm.s32 $0xB080;
	[sflag:s4] =	ssyncadd.s32 $0xFFFFC800  }
0x3e8: {  	[spmem:s28] =	stream.indirect.scatter.add.f32 [tilespmem:s20], [sflag:$0xD], $0x80, s19, s5, $0xb8;
	[tilespmem:$0x1EA80] =	vst v63  }
0x3e9: {  	_ =	swait.ge [sflag:s21], $0x3800  }
0x3ea: {  	[sflag:s21] =	ssyncset.done $0x0  }
0x3eb: {  	[sflag:s21] =	ssyncadd.s32 $0xFFFFC800  }
0x3ec: {  	[bflag:$0x0] =	sbarrier.arrive $0xFFFF  }
0x3ed: {  	s20 =	sld [smem:$0x7F4];
	_ =	sdelay $0x2  }
0x3ee: {  	[hbm:s20], [sflag:s7] =	dma.local [spmem:s3], $0x2700  }
.Ltmp11:
0x3ef: {  	_ = 	snop;
	(pc) =	sbr.rel @p1 .LBB2_12-.Ltmp11, $4  }
.Ltmp12:
0x3f0: {  	_ =	swait.ge [sflag:s21], $0x2700;
	(pc) =	sbr.rel @!p1 .LBB2_13-.Ltmp12, $4  }
0x3f1: {  	[sflag:s21] =	ssyncset.done $0x0;
	s3 =	rddreg [dreg:$0x19]  }
0x3f2: {  	s0 =	sld [smem:$0x7F2];
	[sflag:s21] =	ssyncadd.s32 $0xFFFFD900  }
0x3f3: {  	s1 =	rddreg [dreg:$0x1]  }
0x3f4: {  	_ = 	snop  }
.LBB2_14:
0x3f5: {  	_ =	sfence.sel $0x180000  }
0x3f6: {  	[bflag:$0x0] =	sbarrier.arrive $0xFFFF  }
0x3f7: {  	_ =	strace $0x90000047  }
0x3f8: {  	s0 =	stileid.u32;
	[bflag:$0x2] =	sbarrier.arrive $0xFFFF  }
0x3f9: {  	p0 =	sne.s32 s0, $0x0;
	s0 =	rddreg [dreg:$0x6]  }
0x3fa: {  	s0 =	sadd.s32 @!p0 $0x100000, s0  }
0x3fb: {  	[sflag:s0] =	ssyncadd.tile.s32 @!p0 $0x1;
	_ =	shalt  }
.Lfunc_end2:
_tile_overlayer_lowered:
.L_overlay_start_2:
0x3fc: {  	(tag) =	ssettag $0x2  }
0x3fd: {  	s0 =	rddreg [dreg:$0x0];
	s2 =	stileid.u32  }
0x3fe: {  	s1 =	rddreg [dreg:$0x1];
	p0 =	sne.s32 s2, $0x0  }
0x3ff: {  	s3 =	rddreg [dreg:$0x2];
	[bflag:$0x3] =	sbarrier.arrive $0xFFFF;
	s2 =	simm.s32 @!p0 $0x1C0D  }
0x400: {  	[timem:s3], [sflag:s2] =	dma.local @!p0 [hbm:s0], s1  }
0x401: {  	s0 =	simm.s32 @!p0 $0xD  }
0x402: {  	_ =	swait.ge @!p0 [sflag:s0], s1  }
0x403: {  	s1 =	ssub.s32 @!p0 $0x0, s1;
	[sflag:s0] =	ssyncset.done @!p0 $0x0  }
0x404: {  	[sflag:s0] =	ssyncadd.s32 @!p0 s1  }
0x405: {  	[bflag:$0x3] =	sbarrier.arrive $0xFFFF  }
0x406: {  	_ =	shalt  }

</sc_bundles>
